<compile_context>
chip_gen: v7x
topology: tpu7x:2x2x1
jax: 0.10.2.dev20260603
libtpu: 0.0.44.dev20260713+nightly
codegen_flags: <defaults>
</compile_context>

<pallas_src>
import functools

import jax
import jax.numpy as jnp
from jax import lax
from jax.experimental import pallas as pl
from jax.experimental.pallas import tpu as pltpu
from jax.experimental.pallas import tpu_sc as plsc

N = 10000
E = 160000
D = 256
H = 128
NC = 2
NS = 16
CHUNK = 64
NST = 4
SC_CH = 40
CH = NST * SC_CH
EP = NS * CH * CHUNK
NP_ = 10240
RPT = NP_ // NS
ACC_ROWS = 10112
RPA = ACC_ROWS // NS
BM = 640
NBLK = NP_ // BM


def _deg_body(dst_hbm, zero_hbm, out_hbm, dst_v, ones_v, acc_sh):
    cid = lax.axis_index("c")
    sid = lax.axis_index("s")

    def fill_ones(t, carry):
        ones_v[t, :] = jnp.full((16,), 1.0, jnp.float32)
        return carry

    lax.fori_loop(0, 128, fill_ones, 0)

    pltpu.sync_copy(zero_hbm.at[pl.ds(sid * RPT, RPT)],
                    acc_sh.at[pl.ds(sid * RPT, RPT)])
    plsc.subcore_barrier()

    def chunk(j, carry):
        pltpu.sync_copy(ones_v, acc_sh.at[dst_v.at[j]], add=True)
        return carry

    pltpu.sync_copy(dst_hbm.at[sid], dst_v)
    lax.fori_loop(0, (CH * CHUNK) // 128, chunk, 0)
    plsc.subcore_barrier()
    pltpu.sync_copy(acc_sh.at[pl.ds(sid * RPT, RPT)],
                    out_hbm.at[cid, pl.ds(sid * RPT, RPT)])


def _scatter_body(tab_hbm, src_hbm, dst_hbm, out_hbm,
                  src_v, dst_v, r0, r1, r2, r3, acc_sh,
                  g0, g1, g2, g3):
    cid = lax.axis_index("c")
    sid = lax.axis_index("s")
    bufs = (r0, r1, r2, r3)
    gsem = (g0, g1, g2, g3)

    pltpu.sync_copy(tab_hbm.at[pl.ds(cid * NP_ + sid * RPA, RPA)],
                    acc_sh.at[pl.ds(sid * RPA, RPA)])
    plsc.subcore_barrier()

    def gather(c, b):
        pltpu.async_copy(tab_hbm.at[src_v.at[c]], bufs[b], gsem[b])

    def wait_gather(c, b):
        pltpu.make_async_copy(tab_hbm.at[src_v.at[c]], bufs[b], gsem[b]).wait()

    def scatter(c, b):
        pltpu.sync_copy(bufs[b], acc_sh.at[dst_v.at[c]], add=True)

    for stage in range(NST):
        pltpu.sync_copy(src_hbm.at[cid, sid, stage], src_v)
        pltpu.sync_copy(dst_hbm.at[sid, stage], dst_v)
        for b in range(4):
            gather(b, b)

        def group(j, carry):
            for b in range(4):
                c = j * 4 + b
                wait_gather(c, b)
                scatter(c, b)
                gather(c + 4, b)
            return carry

        lax.fori_loop(0, SC_CH // 4 - 1, group, 0)
        for b in range(4):
            c = SC_CH - 4 + b
            wait_gather(c, b)
            scatter(c, b)

    plsc.subcore_barrier()
    pltpu.sync_copy(acc_sh.at[pl.ds(sid * RPA, RPA)],
                    out_hbm.at[pl.ds(cid * NP_ + sid * RPA, RPA)])


@functools.cache
def _sc_kernels():
    mesh = plsc.VectorSubcoreMesh(core_axis_name="c", subcore_axis_name="s",
                                  num_cores=NC, num_subcores=NS)
    deg = pl.kernel(
        _deg_body,
        out_type=jax.ShapeDtypeStruct((NC, NP_, 16), jnp.float32),
        mesh=mesh,
        scratch_types=[
            pltpu.VMEM(((CH * CHUNK) // 128, 128), jnp.int32),
            pltpu.VMEM((128, 16), jnp.float32),
            pltpu.VMEM_SHARED((NP_, 16), jnp.float32),
        ],
    )
    scat = pl.kernel(
        _scatter_body,
        out_type=jax.ShapeDtypeStruct((NC * NP_, H), jnp.float32),
        mesh=mesh,
        scratch_types=[
            pltpu.VMEM((SC_CH, CHUNK), jnp.int32),
            pltpu.VMEM((SC_CH, CHUNK), jnp.int32),
            pltpu.VMEM((CHUNK, H), jnp.float32),
            pltpu.VMEM((CHUNK, H), jnp.float32),
            pltpu.VMEM((CHUNK, H), jnp.float32),
            pltpu.VMEM((CHUNK, H), jnp.float32),
            pltpu.VMEM_SHARED((ACC_ROWS, H), jnp.float32),
            pltpu.SemaphoreType.DMA,
            pltpu.SemaphoreType.DMA,
            pltpu.SemaphoreType.DMA,
            pltpu.SemaphoreType.DMA,
        ],
    )
    return deg, scat


def _tck1_body(p_ref, x_ref, w_ref, o_ref):
    dis = lax.rsqrt(1.0 + p_ref[:, 0:1])
    h = jnp.dot(x_ref[...], w_ref[...],
                preferred_element_type=jnp.float32) * dis
    o_ref[0] = h[:, :H]
    o_ref[1] = h[:, H:]


_tck1 = pl.pallas_call(
    _tck1_body,
    grid=(NBLK,),
    in_specs=[
        pl.BlockSpec((BM, 16), lambda i: (i, 0)),
        pl.BlockSpec((BM, D), lambda i: (i, 0)),
        pl.BlockSpec((D, D), lambda i: (0, 0)),
    ],
    out_specs=pl.BlockSpec((NC, BM, H), lambda i: (0, i, 0)),
    out_shape=jax.ShapeDtypeStruct((NC, NP_, H), jnp.float32),
)


def _tck2_body(p_ref, a_ref, b_ref, w_ref, o_ref):
    dis = lax.rsqrt(1.0 + p_ref[:, 0:1])
    agg = jnp.concatenate([a_ref[0], a_ref[1]], axis=1)
    hcur = jnp.maximum(agg * dis + b_ref[...], 0.0)
    h = jnp.dot(hcur, w_ref[...],
                preferred_element_type=jnp.float32) * dis
    o_ref[0] = h[:, :H]
    o_ref[1] = h[:, H:]


_tck2 = pl.pallas_call(
    _tck2_body,
    grid=(NBLK,),
    in_specs=[
        pl.BlockSpec((BM, 16), lambda i: (i, 0)),
        pl.BlockSpec((NC, BM, H), lambda i: (0, i, 0)),
        pl.BlockSpec((1, D), lambda i: (0, 0)),
        pl.BlockSpec((D, D), lambda i: (0, 0)),
    ],
    out_specs=pl.BlockSpec((NC, BM, H), lambda i: (0, i, 0)),
    out_shape=jax.ShapeDtypeStruct((NC, NP_, H), jnp.float32),
)


def _tck3_body(p_ref, a_ref, b_ref, wl_ref, bl_ref, o_ref, acc_ref):
    i = pl.program_id(0)

    @pl.when(i == 0)
    def _():
        acc_ref[...] = jnp.zeros_like(acc_ref)

    dis = lax.rsqrt(1.0 + p_ref[:, 0:1])
    agg = jnp.concatenate([a_ref[0], a_ref[1]], axis=1)
    h2 = jnp.maximum(agg * dis + b_ref[...], 0.0)
    rows = i * BM + lax.broadcasted_iota(jnp.int32, (BM, 1), 0)
    h2 = jnp.where(rows < N, h2, 0.0)
    acc_ref[...] += jnp.sum(h2, axis=0, keepdims=True)

    @pl.when(i == NBLK - 1)
    def _():
        g = acc_ref[...] * (1.0 / N)
        o_ref[...] = jnp.dot(g, wl_ref[...],
                             preferred_element_type=jnp.float32) + bl_ref[...]


_tck3 = pl.pallas_call(
    _tck3_body,
    grid=(NBLK,),
    in_specs=[
        pl.BlockSpec((BM, 16), lambda i: (i, 0)),
        pl.BlockSpec((NC, BM, H), lambda i: (0, i, 0)),
        pl.BlockSpec((1, D), lambda i: (0, 0)),
        pl.BlockSpec((D, D), lambda i: (0, 0)),
        pl.BlockSpec((1, D), lambda i: (0, 0)),
    ],
    out_specs=pl.BlockSpec((1, D), lambda i: (0, 0)),
    out_shape=jax.ShapeDtypeStruct((1, D), jnp.float32),
    scratch_shapes=[pltpu.VMEM((1, D), jnp.float32)],
)


def kernel(x, edge_index, W1, b1, W2, b2, Wlin, blin):
    pad = EP - E
    pad_src = jnp.arange(pad, dtype=jnp.int32) % N
    pad_dst = N + jnp.arange(pad, dtype=jnp.int32) % 16
    srcf = jnp.concatenate([edge_index[0], pad_src])
    dstf = jnp.concatenate([edge_index[1], pad_dst])
    srcp = srcf.reshape(NS, NST, SC_CH, CHUNK)
    dstp = dstf.reshape(NS, NST, SC_CH, CHUNK)
    dstp128 = dstf.reshape(NS, (CH * CHUNK) // 128, 128)
    src2 = jnp.stack([srcp, srcp + NP_])
    xp = jnp.pad(x, ((0, NP_ - N), (0, 0)))

    deg_kernel, scatter_kernel = _sc_kernels()
    degp = deg_kernel(dstp128, jnp.zeros((NP_, 16), jnp.float32))
    p0 = degp[0]
    h1t = _tck1(p0, xp, W1)
    agg1 = scatter_kernel(h1t.reshape(NC * NP_, H), src2, dstp)
    h2t = _tck2(p0, agg1.reshape(NC, NP_, H), b1.reshape(1, D), W2)
    agg2 = scatter_kernel(h2t.reshape(NC * NP_, H), src2, dstp)
    return _tck3(p0, agg2.reshape(NC, NP_, H), b2.reshape(1, D), Wlin,
                 blin.reshape(1, D))

# --- scband reference (transcript-rebuilt; emitter-appended) ---
"""Pipeline reference for scband-gcnencoder-197568496256 (READ-ONLY COPY).

The authoritative reference and input builder live on the scoring server;
editing this copy changes nothing except your own understanding.
"""

import jax, jax.numpy as jnp
import numpy as np

N = 10000
E = 160000
D_IN = 256
HID = 256
D_OUT = 256


def setup_inputs(seed: int = 0) -> dict:
    key = jax.random.key(seed)
    ks = jax.random.split(key, 8)
    x = jax.random.normal(ks[0], (N, D_IN), dtype=jnp.float32)
    edge_index = jax.random.randint(ks[1], (2, E), 0, N, dtype=jnp.int32)
    W1 = jax.random.normal(ks[2], (D_IN, HID), dtype=jnp.float32) * (1.0 / np.sqrt(D_IN))
    b1 = jnp.zeros((HID,), dtype=jnp.float32)
    W2 = jax.random.normal(ks[3], (HID, HID), dtype=jnp.float32) * (1.0 / np.sqrt(HID))
    b2 = jnp.zeros((HID,), dtype=jnp.float32)
    Wlin = jax.random.normal(ks[4], (HID, D_OUT), dtype=jnp.float32) * (1.0 / np.sqrt(HID))
    blin = jnp.zeros((D_OUT,), dtype=jnp.float32)
    return {"x": x, "edge_index": edge_index, "W1": W1, "b1": b1, "W2": W2, "b2": b2, "Wlin": Wlin, "blin": blin}


def _gcn_conv(x, W, b, src, dst, norm, n):
    # PyG GCNConv: h = X W; aggregate norm * h[src] into dst; add bias
    h = x @ W
    msg = h[src] * norm[:, None]
    out = jax.ops.segment_sum(msg, dst, num_segments=n)
    return out + b


def reference(x, edge_index, W1, b1, W2, b2, Wlin, blin):
    # add self-loops (GCNConv default add_self_loops=True)
    loop = jnp.arange(N, dtype=edge_index.dtype)
    src = jnp.concatenate([edge_index[0], loop])
    dst = jnp.concatenate([edge_index[1], loop])
    # symmetric normalization D^-1/2 A_hat D^-1/2 (degree computed on dst)
    deg = jnp.zeros((N,), dtype=x.dtype).at[dst].add(1.0)
    dis = jnp.where(deg > 0, jax.lax.rsqrt(jnp.maximum(deg, 1e-12)), 0.0)
    norm = dis[src] * dis[dst]
    h = jax.nn.relu(_gcn_conv(x, W1, b1, src, dst, norm, N))
    h = jax.nn.relu(_gcn_conv(h, W2, b2, src, dst, norm, N))
    # global_mean_pool with single graph (batch all zeros) -> mean over nodes
    g = jnp.mean(h, axis=0, keepdims=True)
    return g @ Wlin + blin

if __name__ == "__main__":
    import jax
    _d = setup_inputs()
    print(jax.jit(kernel)(*tuple(_d.values())))

</pallas_src>

<mosaic_0001>
#map = affine_map<(d0, d1) -> (0, 0)>
#map1 = affine_map<(d0, d1) -> (0, 0, 0, 0, 0)>
#map2 = affine_map<(d0, d1) -> (0, 0, 0, 0)>
module attributes {stable_mosaic.version = 14 : i64} {
  func.func @_scatter_body(%arg0: i32, %arg1: i32, %arg2: memref<20480x128xf32, #tpu.memory_space<hbm>>, %arg3: memref<2x16x4x40x64xi32, #tpu.memory_space<hbm>>, %arg4: memref<16x4x40x64xi32, #tpu.memory_space<hbm>>, %arg5: memref<20480x128xf32, #tpu.memory_space<hbm>>, %arg6: memref<40x64xi32, #tpu.memory_space<vmem>>, %arg7: memref<40x64xi32, #tpu.memory_space<vmem>>, %arg8: memref<64x128xf32, #tpu.memory_space<vmem>>, %arg9: memref<64x128xf32, #tpu.memory_space<vmem>>, %arg10: memref<64x128xf32, #tpu.memory_space<vmem>>, %arg11: memref<64x128xf32, #tpu.memory_space<vmem>>, %arg12: memref<10112x128xf32, #tpu.memory_space<vmem_shared>>, %arg13: memref<!tpu.dma_semaphore, #tpu.memory_space<semaphore_mem>>, %arg14: memref<!tpu.dma_semaphore, #tpu.memory_space<semaphore_mem>>, %arg15: memref<!tpu.dma_semaphore, #tpu.memory_space<semaphore_mem>>, %arg16: memref<!tpu.dma_semaphore, #tpu.memory_space<semaphore_mem>>) attributes {dimension_semantics = [#tpu.dimension_semantics<core_parallel>, #tpu.dimension_semantics<subcore_parallel>], iteration_bounds = array<i64: 2, 16>, scalar_prefetch = 0 : i64, scratch_operands = 11 : i64, tpu.core_type = #tpu.core_type<sc_vector_subcore>, window_params = [{transform_indices = #map}, {transform_indices = #map1}, {transform_indices = #map2}, {transform_indices = #map}]} {
    %mul3A = arith.constant 10240 : i32
    %mul3A_0 = arith.muli %arg0, %mul3A : i32
    %mul3A_1 = arith.constant 632 : i32
    %mul3A_2 = arith.muli %arg1, %mul3A_1 : i32
    %add3A = arith.addi %mul3A_0, %mul3A_2 : i32
    %mul3A_3 = arith.constant 632 : i32
    %mul3A_4 = arith.muli %arg1, %mul3A_3 : i32
    "tpu.region"() ({
      %run_scoped3A_281 = tpu.sem_alloc : memref<!tpu.dma_semaphore, #tpu.memory_space<semaphore_mem>>
      %dma_start3A_282 = arith.constant 0 : i32
      %dma_start3A_283 = tpu.memref_slice %arg12[%mul3A_4, %dma_start3A_282] : memref<10112x128xf32, #tpu.memory_space<vmem_shared>> -> memref<632x128xf32, #tpu.memory_space<vmem_shared>>
      %dma_start3A_284 = arith.constant 0 : i32
      %dma_start3A_285 = tpu.memref_slice %arg2[%add3A, %dma_start3A_284] : memref<20480x128xf32, #tpu.memory_space<hbm>> -> memref<632x128xf32, #tpu.memory_space<hbm>>
      tpu.enqueue_dma source(%dma_start3A_285 : memref<632x128xf32, #tpu.memory_space<hbm>>) target(%dma_start3A_283 : memref<632x128xf32, #tpu.memory_space<vmem_shared>>) target_semaphore(%run_scoped3A_281 : memref<!tpu.dma_semaphore, #tpu.memory_space<semaphore_mem>>)
      %dma_wait3A_286 = arith.constant 0 : i32
      %dma_wait3A_287 = tpu.memref_slice %arg12[%mul3A_4, %dma_wait3A_286] : memref<10112x128xf32, #tpu.memory_space<vmem_shared>> -> memref<632x128xf32, #tpu.memory_space<vmem_shared>>
      %dma_wait3A_288 = arith.constant 0 : i32
      %dma_wait3A_289 = tpu.memref_slice %arg2[%add3A, %dma_wait3A_288] : memref<20480x128xf32, #tpu.memory_space<hbm>> -> memref<632x128xf32, #tpu.memory_space<hbm>>
      tpu.wait_dma2 semaphore(%run_scoped3A_281 : memref<!tpu.dma_semaphore, #tpu.memory_space<semaphore_mem>>) src(%dma_wait3A_289 : memref<632x128xf32, #tpu.memory_space<hbm>>) dst(%dma_wait3A_287 : memref<632x128xf32, #tpu.memory_space<vmem_shared>>)
      tpu.yield
    }) : () -> ()
    %barrier3A = arith.constant 0 : index
    tpu.barrier barrier_id(%barrier3A)
    %run_scoped3A = arith.constant 0 : i32
    "tpu.region"() ({
      %run_scoped3A_281 = tpu.sem_alloc : memref<!tpu.dma_semaphore, #tpu.memory_space<semaphore_mem>>
      %dma_start3A_282 = arith.constant 0 : i32
      %dma_start3A_283 = arith.constant 0 : i32
      %dma_start3A_284 = tpu.memref_slice %arg3[%arg0, %arg1, %run_scoped3A, %dma_start3A_282, %dma_start3A_283] : memref<2x16x4x40x64xi32, #tpu.memory_space<hbm>> -> memref<1x1x1x40x64xi32, #tpu.memory_space<hbm>>
      %dma_start3A_285 = tpu.memref_squeeze %dma_start3A_284 : memref<1x1x1x40x64xi32, #tpu.memory_space<hbm>> -> memref<40x64xi32, #tpu.memory_space<hbm>>
      %dma_start3A_286 = arith.constant 0 : i32
      %dma_start3A_287 = arith.constant 0 : i32
      %dma_start3A_288 = tpu.memref_slice %arg3[%arg0, %arg1, %run_scoped3A, %dma_start3A_286, %dma_start3A_287] : memref<2x16x4x40x64xi32, #tpu.memory_space<hbm>> -> memref<1x1x1x40x64xi32, #tpu.memory_space<hbm>>
      %dma_start3A_289 = tpu.memref_squeeze %dma_start3A_288 : memref<1x1x1x40x64xi32, #tpu.memory_space<hbm>> -> memref<40x64xi32, #tpu.memory_space<hbm>>
      tpu.enqueue_dma source(%dma_start3A_289 : memref<40x64xi32, #tpu.memory_space<hbm>>) target(%arg6 : memref<40x64xi32, #tpu.memory_space<vmem>>) target_semaphore(%run_scoped3A_281 : memref<!tpu.dma_semaphore, #tpu.memory_space<semaphore_mem>>)
      %dma_wait3A_290 = arith.constant 0 : i32
      %dma_wait3A_291 = arith.constant 0 : i32
      %dma_wait3A_292 = tpu.memref_slice %arg3[%arg0, %arg1, %run_scoped3A, %dma_wait3A_290, %dma_wait3A_291] : memref<2x16x4x40x64xi32, #tpu.memory_space<hbm>> -> memref<1x1x1x40x64xi32, #tpu.memory_space<hbm>>
      %dma_wait3A_293 = tpu.memref_squeeze %dma_wait3A_292 : memref<1x1x1x40x64xi32, #tpu.memory_space<hbm>> -> memref<40x64xi32, #tpu.memory_space<hbm>>
      %dma_wait3A_294 = arith.constant 0 : i32
      %dma_wait3A_295 = arith.constant 0 : i32
      %dma_wait3A_296 = tpu.memref_slice %arg3[%arg0, %arg1, %run_scoped3A, %dma_wait3A_294, %dma_wait3A_295] : memref<2x16x4x40x64xi32, #tpu.memory_space<hbm>> -> memref<1x1x1x40x64xi32, #tpu.memory_space<hbm>>
      %dma_wait3A_297 = tpu.memref_squeeze %dma_wait3A_296 : memref<1x1x1x40x64xi32, #tpu.memory_space<hbm>> -> memref<40x64xi32, #tpu.memory_space<hbm>>
      tpu.wait_dma2 semaphore(%run_scoped3A_281 : memref<!tpu.dma_semaphore, #tpu.memory_space<semaphore_mem>>) src(%dma_wait3A_297 : memref<40x64xi32, #tpu.memory_space<hbm>>) dst(%arg6 : memref<40x64xi32, #tpu.memory_space<vmem>>)
      tpu.yield
    }) : () -> ()
    %run_scoped3A_5 = arith.constant 0 : i32
    "tpu.region"() ({
      %run_scoped3A_281 = tpu.sem_alloc : memref<!tpu.dma_semaphore, #tpu.memory_space<semaphore_mem>>
      %dma_start3A_282 = arith.constant 0 : i32
      %dma_start3A_283 = arith.constant 0 : i32
      %dma_start3A_284 = tpu.memref_slice %arg4[%arg1, %run_scoped3A_5, %dma_start3A_282, %dma_start3A_283] : memref<16x4x40x64xi32, #tpu.memory_space<hbm>> -> memref<1x1x40x64xi32, #tpu.memory_space<hbm>>
      %dma_start3A_285 = tpu.memref_squeeze %dma_start3A_284 : memref<1x1x40x64xi32, #tpu.memory_space<hbm>> -> memref<40x64xi32, #tpu.memory_space<hbm>>
      %dma_start3A_286 = arith.constant 0 : i32
      %dma_start3A_287 = arith.constant 0 : i32
      %dma_start3A_288 = tpu.memref_slice %arg4[%arg1, %run_scoped3A_5, %dma_start3A_286, %dma_start3A_287] : memref<16x4x40x64xi32, #tpu.memory_space<hbm>> -> memref<1x1x40x64xi32, #tpu.memory_space<hbm>>
      %dma_start3A_289 = tpu.memref_squeeze %dma_start3A_288 : memref<1x1x40x64xi32, #tpu.memory_space<hbm>> -> memref<40x64xi32, #tpu.memory_space<hbm>>
      tpu.enqueue_dma source(%dma_start3A_289 : memref<40x64xi32, #tpu.memory_space<hbm>>) target(%arg7 : memref<40x64xi32, #tpu.memory_space<vmem>>) target_semaphore(%run_scoped3A_281 : memref<!tpu.dma_semaphore, #tpu.memory_space<semaphore_mem>>)
      %dma_wait3A_290 = arith.constant 0 : i32
      %dma_wait3A_291 = arith.constant 0 : i32
      %dma_wait3A_292 = tpu.memref_slice %arg4[%arg1, %run_scoped3A_5, %dma_wait3A_290, %dma_wait3A_291] : memref<16x4x40x64xi32, #tpu.memory_space<hbm>> -> memref<1x1x40x64xi32, #tpu.memory_space<hbm>>
      %dma_wait3A_293 = tpu.memref_squeeze %dma_wait3A_292 : memref<1x1x40x64xi32, #tpu.memory_space<hbm>> -> memref<40x64xi32, #tpu.memory_space<hbm>>
      %dma_wait3A_294 = arith.constant 0 : i32
      %dma_wait3A_295 = arith.constant 0 : i32
      %dma_wait3A_296 = tpu.memref_slice %arg4[%arg1, %run_scoped3A_5, %dma_wait3A_294, %dma_wait3A_295] : memref<16x4x40x64xi32, #tpu.memory_space<hbm>> -> memref<1x1x40x64xi32, #tpu.memory_space<hbm>>
      %dma_wait3A_297 = tpu.memref_squeeze %dma_wait3A_296 : memref<1x1x40x64xi32, #tpu.memory_space<hbm>> -> memref<40x64xi32, #tpu.memory_space<hbm>>
      tpu.wait_dma2 semaphore(%run_scoped3A_281 : memref<!tpu.dma_semaphore, #tpu.memory_space<semaphore_mem>>) src(%dma_wait3A_297 : memref<40x64xi32, #tpu.memory_space<hbm>>) dst(%arg7 : memref<40x64xi32, #tpu.memory_space<vmem>>)
      tpu.yield
    }) : () -> ()
    %dma_start3A = arith.constant 0 : i32
    %dma_start3A_6 = arith.constant 0 : i32
    %dma_start3A_7 = tpu.memref_slice %arg6[%dma_start3A, %dma_start3A_6] : memref<40x64xi32, #tpu.memory_space<vmem>> -> memref<1x64xi32, #tpu.memory_space<vmem>>
    %dma_start3A_8 = tpu.memref_squeeze %dma_start3A_7 : memref<1x64xi32, #tpu.memory_space<vmem>> -> memref<64xi32, #tpu.memory_space<vmem>>
    %dma_start3A_9 = arith.constant 0 : i32
    %dma_start3A_10 = arith.constant 0 : i32
    %dma_start3A_11 = tpu.memref_slice %arg2[%dma_start3A_9, %dma_start3A_10] : memref<20480x128xf32, #tpu.memory_space<hbm>> -> memref<20480x128xf32, #tpu.memory_space<hbm>>
    tpu.enqueue_indirect_dma source(%dma_start3A_11 : memref<20480x128xf32, #tpu.memory_space<hbm>>) target(%arg8 : memref<64x128xf32, #tpu.memory_space<vmem>>) offsets(%dma_start3A_8 : memref<64xi32, #tpu.memory_space<vmem>>) semaphore(%arg13 : memref<!tpu.dma_semaphore, #tpu.memory_space<semaphore_mem>>)
    %dma_start3A_12 = arith.constant 1 : i32
    %dma_start3A_13 = arith.constant 0 : i32
    %dma_start3A_14 = tpu.memref_slice %arg6[%dma_start3A_12, %dma_start3A_13] : memref<40x64xi32, #tpu.memory_space<vmem>> -> memref<1x64xi32, #tpu.memory_space<vmem>>
    %dma_start3A_15 = tpu.memref_squeeze %dma_start3A_14 : memref<1x64xi32, #tpu.memory_space<vmem>> -> memref<64xi32, #tpu.memory_space<vmem>>
    %dma_start3A_16 = arith.constant 0 : i32
    %dma_start3A_17 = arith.constant 0 : i32
    %dma_start3A_18 = tpu.memref_slice %arg2[%dma_start3A_16, %dma_start3A_17] : memref<20480x128xf32, #tpu.memory_space<hbm>> -> memref<20480x128xf32, #tpu.memory_space<hbm>>
    tpu.enqueue_indirect_dma source(%dma_start3A_18 : memref<20480x128xf32, #tpu.memory_space<hbm>>) target(%arg9 : memref<64x128xf32, #tpu.memory_space<vmem>>) offsets(%dma_start3A_15 : memref<64xi32, #tpu.memory_space<vmem>>) semaphore(%arg14 : memref<!tpu.dma_semaphore, #tpu.memory_space<semaphore_mem>>)
    %dma_start3A_19 = arith.constant 2 : i32
    %dma_start3A_20 = arith.constant 0 : i32
    %dma_start3A_21 = tpu.memref_slice %arg6[%dma_start3A_19, %dma_start3A_20] : memref<40x64xi32, #tpu.memory_space<vmem>> -> memref<1x64xi32, #tpu.memory_space<vmem>>
    %dma_start3A_22 = tpu.memref_squeeze %dma_start3A_21 : memref<1x64xi32, #tpu.memory_space<vmem>> -> memref<64xi32, #tpu.memory_space<vmem>>
    %dma_start3A_23 = arith.constant 0 : i32
    %dma_start3A_24 = arith.constant 0 : i32
    %dma_start3A_25 = tpu.memref_slice %arg2[%dma_start3A_23, %dma_start3A_24] : memref<20480x128xf32, #tpu.memory_space<hbm>> -> memref<20480x128xf32, #tpu.memory_space<hbm>>
    tpu.enqueue_indirect_dma source(%dma_start3A_25 : memref<20480x128xf32, #tpu.memory_space<hbm>>) target(%arg10 : memref<64x128xf32, #tpu.memory_space<vmem>>) offsets(%dma_start3A_22 : memref<64xi32, #tpu.memory_space<vmem>>) semaphore(%arg15 : memref<!tpu.dma_semaphore, #tpu.memory_space<semaphore_mem>>)
    %dma_start3A_26 = arith.constant 3 : i32
    %dma_start3A_27 = arith.constant 0 : i32
    %dma_start3A_28 = tpu.memref_slice %arg6[%dma_start3A_26, %dma_start3A_27] : memref<40x64xi32, #tpu.memory_space<vmem>> -> memref<1x64xi32, #tpu.memory_space<vmem>>
    %dma_start3A_29 = tpu.memref_squeeze %dma_start3A_28 : memref<1x64xi32, #tpu.memory_space<vmem>> -> memref<64xi32, #tpu.memory_space<vmem>>
    %dma_start3A_30 = arith.constant 0 : i32
    %dma_start3A_31 = arith.constant 0 : i32
    %dma_start3A_32 = tpu.memref_slice %arg2[%dma_start3A_30, %dma_start3A_31] : memref<20480x128xf32, #tpu.memory_space<hbm>> -> memref<20480x128xf32, #tpu.memory_space<hbm>>
    tpu.enqueue_indirect_dma source(%dma_start3A_32 : memref<20480x128xf32, #tpu.memory_space<hbm>>) target(%arg11 : memref<64x128xf32, #tpu.memory_space<vmem>>) offsets(%dma_start3A_29 : memref<64xi32, #tpu.memory_space<vmem>>) semaphore(%arg16 : memref<!tpu.dma_semaphore, #tpu.memory_space<semaphore_mem>>)
    %scan3A = arith.constant 0 : i32
    %scan3A_33 = arith.constant 0 : i32
    %scan3A_34 = arith.constant 9 : i32
    %scan3A_35 = arith.addi %scan3A_33, %scan3A_34 : i32
    %scan3A_36 = arith.constant 1 : i32
    scf.for %scan3A_281 = %scan3A_33 to %scan3A_35 step %scan3A_36  : i32 {
      %mul3A_282 = arith.constant 4 : i32
      %mul3A_283 = arith.muli %scan3A_281, %mul3A_282 : i32
      %add3A_284 = arith.constant 0 : i32
      %add3A_285 = arith.addi %mul3A_283, %add3A_284 : i32
      %dma_wait3A_286 = arith.constant 0 : i32
      %dma_wait3A_287 = tpu.memref_slice %arg6[%add3A_285, %dma_wait3A_286] : memref<40x64xi32, #tpu.memory_space<vmem>> -> memref<1x64xi32, #tpu.memory_space<vmem>>
      %dma_wait3A_288 = tpu.memref_squeeze %dma_wait3A_287 : memref<1x64xi32, #tpu.memory_space<vmem>> -> memref<64xi32, #tpu.memory_space<vmem>>
      %dma_wait3A_289 = arith.constant 0 : i32
      %dma_wait3A_290 = arith.constant 0 : i32
      %dma_wait3A_291 = tpu.memref_slice %arg2[%dma_wait3A_289, %dma_wait3A_290] : memref<20480x128xf32, #tpu.memory_space<hbm>> -> memref<20480x128xf32, #tpu.memory_space<hbm>>
      tpu.wait_indirect_dma semaphore(%arg13 : memref<!tpu.dma_semaphore, #tpu.memory_space<semaphore_mem>>) src(%dma_wait3A_291 : memref<20480x128xf32, #tpu.memory_space<hbm>>) dst(%arg8 : memref<64x128xf32, #tpu.memory_space<vmem>>)
      "tpu.region"() ({
        %run_scoped3A_354 = tpu.sem_alloc : memref<!tpu.dma_semaphore, #tpu.memory_space<semaphore_mem>>
        %dma_start3A_355 = arith.constant 0 : i32
        %dma_start3A_356 = tpu.memref_slice %arg7[%add3A_285, %dma_start3A_355] : memref<40x64xi32, #tpu.memory_space<vmem>> -> memref<1x64xi32, #tpu.memory_space<vmem>>
        %dma_start3A_357 = tpu.memref_squeeze %dma_start3A_356 : memref<1x64xi32, #tpu.memory_space<vmem>> -> memref<64xi32, #tpu.memory_space<vmem>>
        %dma_start3A_358 = arith.constant 0 : i32
        %dma_start3A_359 = arith.constant 0 : i32
        %dma_start3A_360 = tpu.memref_slice %arg12[%dma_start3A_358, %dma_start3A_359] : memref<10112x128xf32, #tpu.memory_space<vmem_shared>> -> memref<10112x128xf32, #tpu.memory_space<vmem_shared>>
        tpu.enqueue_indirect_dma source(%arg8 : memref<64x128xf32, #tpu.memory_space<vmem>>) target(%dma_start3A_360 : memref<10112x128xf32, #tpu.memory_space<vmem_shared>>) offsets(%dma_start3A_357 : memref<64xi32, #tpu.memory_space<vmem>>) semaphore(%run_scoped3A_354 : memref<!tpu.dma_semaphore, #tpu.memory_space<semaphore_mem>>) {add = true}
        %dma_wait3A_361 = arith.constant 0 : i32
        %dma_wait3A_362 = tpu.memref_slice %arg7[%add3A_285, %dma_wait3A_361] : memref<40x64xi32, #tpu.memory_space<vmem>> -> memref<1x64xi32, #tpu.memory_space<vmem>>
        %dma_wait3A_363 = tpu.memref_squeeze %dma_wait3A_362 : memref<1x64xi32, #tpu.memory_space<vmem>> -> memref<64xi32, #tpu.memory_space<vmem>>
        %dma_wait3A_364 = arith.constant 0 : i32
        %dma_wait3A_365 = arith.constant 0 : i32
        %dma_wait3A_366 = tpu.memref_slice %arg12[%dma_wait3A_364, %dma_wait3A_365] : memref<10112x128xf32, #tpu.memory_space<vmem_shared>> -> memref<10112x128xf32, #tpu.memory_space<vmem_shared>>
        tpu.wait_indirect_dma semaphore(%run_scoped3A_354 : memref<!tpu.dma_semaphore, #tpu.memory_space<semaphore_mem>>) src(%arg8 : memref<64x128xf32, #tpu.memory_space<vmem>>) dst(%dma_wait3A_366 : memref<10112x128xf32, #tpu.memory_space<vmem_shared>>)
        tpu.yield
      }) : () -> ()
      %add3A_292 = arith.constant 4 : i32
      %add3A_293 = arith.addi %add3A_285, %add3A_292 : i32
      %dma_start3A_294 = arith.constant 0 : i32
      %dma_start3A_295 = tpu.memref_slice %arg6[%add3A_293, %dma_start3A_294] : memref<40x64xi32, #tpu.memory_space<vmem>> -> memref<1x64xi32, #tpu.memory_space<vmem>>
      %dma_start3A_296 = tpu.memref_squeeze %dma_start3A_295 : memref<1x64xi32, #tpu.memory_space<vmem>> -> memref<64xi32, #tpu.memory_space<vmem>>
      %dma_start3A_297 = arith.constant 0 : i32
      %dma_start3A_298 = arith.constant 0 : i32
      %dma_start3A_299 = tpu.memref_slice %arg2[%dma_start3A_297, %dma_start3A_298] : memref<20480x128xf32, #tpu.memory_space<hbm>> -> memref<20480x128xf32, #tpu.memory_space<hbm>>
      tpu.enqueue_indirect_dma source(%dma_start3A_299 : memref<20480x128xf32, #tpu.memory_space<hbm>>) target(%arg8 : memref<64x128xf32, #tpu.memory_space<vmem>>) offsets(%dma_start3A_296 : memref<64xi32, #tpu.memory_space<vmem>>) semaphore(%arg13 : memref<!tpu.dma_semaphore, #tpu.memory_space<semaphore_mem>>)
      %mul3A_300 = arith.constant 4 : i32
      %mul3A_301 = arith.muli %scan3A_281, %mul3A_300 : i32
      %add3A_302 = arith.constant 1 : i32
      %add3A_303 = arith.addi %mul3A_301, %add3A_302 : i32
      %dma_wait3A_304 = arith.constant 0 : i32
      %dma_wait3A_305 = tpu.memref_slice %arg6[%add3A_303, %dma_wait3A_304] : memref<40x64xi32, #tpu.memory_space<vmem>> -> memref<1x64xi32, #tpu.memory_space<vmem>>
      %dma_wait3A_306 = tpu.memref_squeeze %dma_wait3A_305 : memref<1x64xi32, #tpu.memory_space<vmem>> -> memref<64xi32, #tpu.memory_space<vmem>>
      %dma_wait3A_307 = arith.constant 0 : i32
      %dma_wait3A_308 = arith.constant 0 : i32
      %dma_wait3A_309 = tpu.memref_slice %arg2[%dma_wait3A_307, %dma_wait3A_308] : memref<20480x128xf32, #tpu.memory_space<hbm>> -> memref<20480x128xf32, #tpu.memory_space<hbm>>
      tpu.wait_indirect_dma semaphore(%arg14 : memref<!tpu.dma_semaphore, #tpu.memory_space<semaphore_mem>>) src(%dma_wait3A_309 : memref<20480x128xf32, #tpu.memory_space<hbm>>) dst(%arg9 : memref<64x128xf32, #tpu.memory_space<vmem>>)
      "tpu.region"() ({
        %run_scoped3A_354 = tpu.sem_alloc : memref<!tpu.dma_semaphore, #tpu.memory_space<semaphore_mem>>
        %dma_start3A_355 = arith.constant 0 : i32
        %dma_start3A_356 = tpu.memref_slice %arg7[%add3A_303, %dma_start3A_355] : memref<40x64xi32, #tpu.memory_space<vmem>> -> memref<1x64xi32, #tpu.memory_space<vmem>>
        %dma_start3A_357 = tpu.memref_squeeze %dma_start3A_356 : memref<1x64xi32, #tpu.memory_space<vmem>> -> memref<64xi32, #tpu.memory_space<vmem>>
        %dma_start3A_358 = arith.constant 0 : i32
        %dma_start3A_359 = arith.constant 0 : i32
        %dma_start3A_360 = tpu.memref_slice %arg12[%dma_start3A_358, %dma_start3A_359] : memref<10112x128xf32, #tpu.memory_space<vmem_shared>> -> memref<10112x128xf32, #tpu.memory_space<vmem_shared>>
        tpu.enqueue_indirect_dma source(%arg9 : memref<64x128xf32, #tpu.memory_space<vmem>>) target(%dma_start3A_360 : memref<10112x128xf32, #tpu.memory_space<vmem_shared>>) offsets(%dma_start3A_357 : memref<64xi32, #tpu.memory_space<vmem>>) semaphore(%run_scoped3A_354 : memref<!tpu.dma_semaphore, #tpu.memory_space<semaphore_mem>>) {add = true}
        %dma_wait3A_361 = arith.constant 0 : i32
        %dma_wait3A_362 = tpu.memref_slice %arg7[%add3A_303, %dma_wait3A_361] : memref<40x64xi32, #tpu.memory_space<vmem>> -> memref<1x64xi32, #tpu.memory_space<vmem>>
        %dma_wait3A_363 = tpu.memref_squeeze %dma_wait3A_362 : memref<1x64xi32, #tpu.memory_space<vmem>> -> memref<64xi32, #tpu.memory_space<vmem>>
        %dma_wait3A_364 = arith.constant 0 : i32
        %dma_wait3A_365 = arith.constant 0 : i32
        %dma_wait3A_366 = tpu.memref_slice %arg12[%dma_wait3A_364, %dma_wait3A_365] : memref<10112x128xf32, #tpu.memory_space<vmem_shared>> -> memref<10112x128xf32, #tpu.memory_space<vmem_shared>>
        tpu.wait_indirect_dma semaphore(%run_scoped3A_354 : memref<!tpu.dma_semaphore, #tpu.memory_space<semaphore_mem>>) src(%arg9 : memref<64x128xf32, #tpu.memory_space<vmem>>) dst(%dma_wait3A_366 : memref<10112x128xf32, #tpu.memory_space<vmem_shared>>)
        tpu.yield
      }) : () -> ()
      %add3A_310 = arith.constant 4 : i32
      %add3A_311 = arith.addi %add3A_303, %add3A_310 : i32
      %dma_start3A_312 = arith.constant 0 : i32
      %dma_start3A_313 = tpu.memref_slice %arg6[%add3A_311, %dma_start3A_312] : memref<40x64xi32, #tpu.memory_space<vmem>> -> memref<1x64xi32, #tpu.memory_space<vmem>>
      %dma_start3A_314 = tpu.memref_squeeze %dma_start3A_313 : memref<1x64xi32, #tpu.memory_space<vmem>> -> memref<64xi32, #tpu.memory_space<vmem>>
      %dma_start3A_315 = arith.constant 0 : i32
      %dma_start3A_316 = arith.constant 0 : i32
      %dma_start3A_317 = tpu.memref_slice %arg2[%dma_start3A_315, %dma_start3A_316] : memref<20480x128xf32, #tpu.memory_space<hbm>> -> memref<20480x128xf32, #tpu.memory_space<hbm>>
      tpu.enqueue_indirect_dma source(%dma_start3A_317 : memref<20480x128xf32, #tpu.memory_space<hbm>>) target(%arg9 : memref<64x128xf32, #tpu.memory_space<vmem>>) offsets(%dma_start3A_314 : memref<64xi32, #tpu.memory_space<vmem>>) semaphore(%arg14 : memref<!tpu.dma_semaphore, #tpu.memory_space<semaphore_mem>>)
      %mul3A_318 = arith.constant 4 : i32
      %mul3A_319 = arith.muli %scan3A_281, %mul3A_318 : i32
      %add3A_320 = arith.constant 2 : i32
      %add3A_321 = arith.addi %mul3A_319, %add3A_320 : i32
      %dma_wait3A_322 = arith.constant 0 : i32
      %dma_wait3A_323 = tpu.memref_slice %arg6[%add3A_321, %dma_wait3A_322] : memref<40x64xi32, #tpu.memory_space<vmem>> -> memref<1x64xi32, #tpu.memory_space<vmem>>
      %dma_wait3A_324 = tpu.memref_squeeze %dma_wait3A_323 : memref<1x64xi32, #tpu.memory_space<vmem>> -> memref<64xi32, #tpu.memory_space<vmem>>
      %dma_wait3A_325 = arith.constant 0 : i32
      %dma_wait3A_326 = arith.constant 0 : i32
      %dma_wait3A_327 = tpu.memref_slice %arg2[%dma_wait3A_325, %dma_wait3A_326] : memref<20480x128xf32, #tpu.memory_space<hbm>> -> memref<20480x128xf32, #tpu.memory_space<hbm>>
      tpu.wait_indirect_dma semaphore(%arg15 : memref<!tpu.dma_semaphore, #tpu.memory_space<semaphore_mem>>) src(%dma_wait3A_327 : memref<20480x128xf32, #tpu.memory_space<hbm>>) dst(%arg10 : memref<64x128xf32, #tpu.memory_space<vmem>>)
      "tpu.region"() ({
        %run_scoped3A_354 = tpu.sem_alloc : memref<!tpu.dma_semaphore, #tpu.memory_space<semaphore_mem>>
        %dma_start3A_355 = arith.constant 0 : i32
        %dma_start3A_356 = tpu.memref_slice %arg7[%add3A_321, %dma_start3A_355] : memref<40x64xi32, #tpu.memory_space<vmem>> -> memref<1x64xi32, #tpu.memory_space<vmem>>
        %dma_start3A_357 = tpu.memref_squeeze %dma_start3A_356 : memref<1x64xi32, #tpu.memory_space<vmem>> -> memref<64xi32, #tpu.memory_space<vmem>>
        %dma_start3A_358 = arith.constant 0 : i32
        %dma_start3A_359 = arith.constant 0 : i32
        %dma_start3A_360 = tpu.memref_slice %arg12[%dma_start3A_358, %dma_start3A_359] : memref<10112x128xf32, #tpu.memory_space<vmem_shared>> -> memref<10112x128xf32, #tpu.memory_space<vmem_shared>>
        tpu.enqueue_indirect_dma source(%arg10 : memref<64x128xf32, #tpu.memory_space<vmem>>) target(%dma_start3A_360 : memref<10112x128xf32, #tpu.memory_space<vmem_shared>>) offsets(%dma_start3A_357 : memref<64xi32, #tpu.memory_space<vmem>>) semaphore(%run_scoped3A_354 : memref<!tpu.dma_semaphore, #tpu.memory_space<semaphore_mem>>) {add = true}
        %dma_wait3A_361 = arith.constant 0 : i32
        %dma_wait3A_362 = tpu.memref_slice %arg7[%add3A_321, %dma_wait3A_361] : memref<40x64xi32, #tpu.memory_space<vmem>> -> memref<1x64xi32, #tpu.memory_space<vmem>>
        %dma_wait3A_363 = tpu.memref_squeeze %dma_wait3A_362 : memref<1x64xi32, #tpu.memory_space<vmem>> -> memref<64xi32, #tpu.memory_space<vmem>>
        %dma_wait3A_364 = arith.constant 0 : i32
        %dma_wait3A_365 = arith.constant 0 : i32
        %dma_wait3A_366 = tpu.memref_slice %arg12[%dma_wait3A_364, %dma_wait3A_365] : memref<10112x128xf32, #tpu.memory_space<vmem_shared>> -> memref<10112x128xf32, #tpu.memory_space<vmem_shared>>
        tpu.wait_indirect_dma semaphore(%run_scoped3A_354 : memref<!tpu.dma_semaphore, #tpu.memory_space<semaphore_mem>>) src(%arg10 : memref<64x128xf32, #tpu.memory_space<vmem>>) dst(%dma_wait3A_366 : memref<10112x128xf32, #tpu.memory_space<vmem_shared>>)
        tpu.yield
      }) : () -> ()
      %add3A_328 = arith.constant 4 : i32
      %add3A_329 = arith.addi %add3A_321, %add3A_328 : i32
      %dma_start3A_330 = arith.constant 0 : i32
      %dma_start3A_331 = tpu.memref_slice %arg6[%add3A_329, %dma_start3A_330] : memref<40x64xi32, #tpu.memory_space<vmem>> -> memref<1x64xi32, #tpu.memory_space<vmem>>
      %dma_start3A_332 = tpu.memref_squeeze %dma_start3A_331 : memref<1x64xi32, #tpu.memory_space<vmem>> -> memref<64xi32, #tpu.memory_space<vmem>>
      %dma_start3A_333 = arith.constant 0 : i32
      %dma_start3A_334 = arith.constant 0 : i32
      %dma_start3A_335 = tpu.memref_slice %arg2[%dma_start3A_333, %dma_start3A_334] : memref<20480x128xf32, #tpu.memory_space<hbm>> -> memref<20480x128xf32, #tpu.memory_space<hbm>>
      tpu.enqueue_indirect_dma source(%dma_start3A_335 : memref<20480x128xf32, #tpu.memory_space<hbm>>) target(%arg10 : memref<64x128xf32, #tpu.memory_space<vmem>>) offsets(%dma_start3A_332 : memref<64xi32, #tpu.memory_space<vmem>>) semaphore(%arg15 : memref<!tpu.dma_semaphore, #tpu.memory_space<semaphore_mem>>)
      %mul3A_336 = arith.constant 4 : i32
      %mul3A_337 = arith.muli %scan3A_281, %mul3A_336 : i32
      %add3A_338 = arith.constant 3 : i32
      %add3A_339 = arith.addi %mul3A_337, %add3A_338 : i32
      %dma_wait3A_340 = arith.constant 0 : i32
      %dma_wait3A_341 = tpu.memref_slice %arg6[%add3A_339, %dma_wait3A_340] : memref<40x64xi32, #tpu.memory_space<vmem>> -> memref<1x64xi32, #tpu.memory_space<vmem>>
      %dma_wait3A_342 = tpu.memref_squeeze %dma_wait3A_341 : memref<1x64xi32, #tpu.memory_space<vmem>> -> memref<64xi32, #tpu.memory_space<vmem>>
      %dma_wait3A_343 = arith.constant 0 : i32
      %dma_wait3A_344 = arith.constant 0 : i32
      %dma_wait3A_345 = tpu.memref_slice %arg2[%dma_wait3A_343, %dma_wait3A_344] : memref<20480x128xf32, #tpu.memory_space<hbm>> -> memref<20480x128xf32, #tpu.memory_space<hbm>>
      tpu.wait_indirect_dma semaphore(%arg16 : memref<!tpu.dma_semaphore, #tpu.memory_space<semaphore_mem>>) src(%dma_wait3A_345 : memref<20480x128xf32, #tpu.memory_space<hbm>>) dst(%arg11 : memref<64x128xf32, #tpu.memory_space<vmem>>)
      "tpu.region"() ({
        %run_scoped3A_354 = tpu.sem_alloc : memref<!tpu.dma_semaphore, #tpu.memory_space<semaphore_mem>>
        %dma_start3A_355 = arith.constant 0 : i32
        %dma_start3A_356 = tpu.memref_slice %arg7[%add3A_339, %dma_start3A_355] : memref<40x64xi32, #tpu.memory_space<vmem>> -> memref<1x64xi32, #tpu.memory_space<vmem>>
        %dma_start3A_357 = tpu.memref_squeeze %dma_start3A_356 : memref<1x64xi32, #tpu.memory_space<vmem>> -> memref<64xi32, #tpu.memory_space<vmem>>
        %dma_start3A_358 = arith.constant 0 : i32
        %dma_start3A_359 = arith.constant 0 : i32
        %dma_start3A_360 = tpu.memref_slice %arg12[%dma_start3A_358, %dma_start3A_359] : memref<10112x128xf32, #tpu.memory_space<vmem_shared>> -> memref<10112x128xf32, #tpu.memory_space<vmem_shared>>
        tpu.enqueue_indirect_dma source(%arg11 : memref<64x128xf32, #tpu.memory_space<vmem>>) target(%dma_start3A_360 : memref<10112x128xf32, #tpu.memory_space<vmem_shared>>) offsets(%dma_start3A_357 : memref<64xi32, #tpu.memory_space<vmem>>) semaphore(%run_scoped3A_354 : memref<!tpu.dma_semaphore, #tpu.memory_space<semaphore_mem>>) {add = true}
        %dma_wait3A_361 = arith.constant 0 : i32
        %dma_wait3A_362 = tpu.memref_slice %arg7[%add3A_339, %dma_wait3A_361] : memref<40x64xi32, #tpu.memory_space<vmem>> -> memref<1x64xi32, #tpu.memory_space<vmem>>
        %dma_wait3A_363 = tpu.memref_squeeze %dma_wait3A_362 : memref<1x64xi32, #tpu.memory_space<vmem>> -> memref<64xi32, #tpu.memory_space<vmem>>
        %dma_wait3A_364 = arith.constant 0 : i32
        %dma_wait3A_365 = arith.constant 0 : i32
        %dma_wait3A_366 = tpu.memref_slice %arg12[%dma_wait3A_364, %dma_wait3A_365] : memref<10112x128xf32, #tpu.memory_space<vmem_shared>> -> memref<10112x128xf32, #tpu.memory_space<vmem_shared>>
        tpu.wait_indirect_dma semaphore(%run_scoped3A_354 : memref<!tpu.dma_semaphore, #tpu.memory_space<semaphore_mem>>) src(%arg11 : memref<64x128xf32, #tpu.memory_space<vmem>>) dst(%dma_wait3A_366 : memref<10112x128xf32, #tpu.memory_space<vmem_shared>>)
        tpu.yield
      }) : () -> ()
      %add3A_346 = arith.constant 4 : i32
      %add3A_347 = arith.addi %add3A_339, %add3A_346 : i32
      %dma_start3A_348 = arith.constant 0 : i32
      %dma_start3A_349 = tpu.memref_slice %arg6[%add3A_347, %dma_start3A_348] : memref<40x64xi32, #tpu.memory_space<vmem>> -> memref<1x64xi32, #tpu.memory_space<vmem>>
      %dma_start3A_350 = tpu.memref_squeeze %dma_start3A_349 : memref<1x64xi32, #tpu.memory_space<vmem>> -> memref<64xi32, #tpu.memory_space<vmem>>
      %dma_start3A_351 = arith.constant 0 : i32
      %dma_start3A_352 = arith.constant 0 : i32
      %dma_start3A_353 = tpu.memref_slice %arg2[%dma_start3A_351, %dma_start3A_352] : memref<20480x128xf32, #tpu.memory_space<hbm>> -> memref<20480x128xf32, #tpu.memory_space<hbm>>
      tpu.enqueue_indirect_dma source(%dma_start3A_353 : memref<20480x128xf32, #tpu.memory_space<hbm>>) target(%arg11 : memref<64x128xf32, #tpu.memory_space<vmem>>) offsets(%dma_start3A_350 : memref<64xi32, #tpu.memory_space<vmem>>) semaphore(%arg16 : memref<!tpu.dma_semaphore, #tpu.memory_space<semaphore_mem>>)
    }
    %scan3A_37 = arith.constant 9 : i32
    %dma_wait3A = arith.constant 36 : i32
    %dma_wait3A_38 = arith.constant 0 : i32
    %dma_wait3A_39 = tpu.memref_slice %arg6[%dma_wait3A, %dma_wait3A_38] : memref<40x64xi32, #tpu.memory_space<vmem>> -> memref<1x64xi32, #tpu.memory_space<vmem>>
    %dma_wait3A_40 = tpu.memref_squeeze %dma_wait3A_39 : memref<1x64xi32, #tpu.memory_space<vmem>> -> memref<64xi32, #tpu.memory_space<vmem>>
    %dma_wait3A_41 = arith.constant 0 : i32
    %dma_wait3A_42 = arith.constant 0 : i32
    %dma_wait3A_43 = tpu.memref_slice %arg2[%dma_wait3A_41, %dma_wait3A_42] : memref<20480x128xf32, #tpu.memory_space<hbm>> -> memref<20480x128xf32, #tpu.memory_space<hbm>>
    tpu.wait_indirect_dma semaphore(%arg13 : memref<!tpu.dma_semaphore, #tpu.memory_space<semaphore_mem>>) src(%dma_wait3A_43 : memref<20480x128xf32, #tpu.memory_space<hbm>>) dst(%arg8 : memref<64x128xf32, #tpu.memory_space<vmem>>)
    %run_scoped3A_44 = arith.constant 36 : i32
    "tpu.region"() ({
      %run_scoped3A_281 = tpu.sem_alloc : memref<!tpu.dma_semaphore, #tpu.memory_space<semaphore_mem>>
      %dma_start3A_282 = arith.constant 0 : i32
      %dma_start3A_283 = tpu.memref_slice %arg7[%run_scoped3A_44, %dma_start3A_282] : memref<40x64xi32, #tpu.memory_space<vmem>> -> memref<1x64xi32, #tpu.memory_space<vmem>>
      %dma_start3A_284 = tpu.memref_squeeze %dma_start3A_283 : memref<1x64xi32, #tpu.memory_space<vmem>> -> memref<64xi32, #tpu.memory_space<vmem>>
      %dma_start3A_285 = arith.constant 0 : i32
      %dma_start3A_286 = arith.constant 0 : i32
      %dma_start3A_287 = tpu.memref_slice %arg12[%dma_start3A_285, %dma_start3A_286] : memref<10112x128xf32, #tpu.memory_space<vmem_shared>> -> memref<10112x128xf32, #tpu.memory_space<vmem_shared>>
      tpu.enqueue_indirect_dma source(%arg8 : memref<64x128xf32, #tpu.memory_space<vmem>>) target(%dma_start3A_287 : memref<10112x128xf32, #tpu.memory_space<vmem_shared>>) offsets(%dma_start3A_284 : memref<64xi32, #tpu.memory_space<vmem>>) semaphore(%run_scoped3A_281 : memref<!tpu.dma_semaphore, #tpu.memory_space<semaphore_mem>>) {add = true}
      %dma_wait3A_288 = arith.constant 0 : i32
      %dma_wait3A_289 = tpu.memref_slice %arg7[%run_scoped3A_44, %dma_wait3A_288] : memref<40x64xi32, #tpu.memory_space<vmem>> -> memref<1x64xi32, #tpu.memory_space<vmem>>
      %dma_wait3A_290 = tpu.memref_squeeze %dma_wait3A_289 : memref<1x64xi32, #tpu.memory_space<vmem>> -> memref<64xi32, #tpu.memory_space<vmem>>
      %dma_wait3A_291 = arith.constant 0 : i32
      %dma_wait3A_292 = arith.constant 0 : i32
      %dma_wait3A_293 = tpu.memref_slice %arg12[%dma_wait3A_291, %dma_wait3A_292] : memref<10112x128xf32, #tpu.memory_space<vmem_shared>> -> memref<10112x128xf32, #tpu.memory_space<vmem_shared>>
      tpu.wait_indirect_dma semaphore(%run_scoped3A_281 : memref<!tpu.dma_semaphore, #tpu.memory_space<semaphore_mem>>) src(%arg8 : memref<64x128xf32, #tpu.memory_space<vmem>>) dst(%dma_wait3A_293 : memref<10112x128xf32, #tpu.memory_space<vmem_shared>>)
      tpu.yield
    }) : () -> ()
    %dma_wait3A_45 = arith.constant 37 : i32
    %dma_wait3A_46 = arith.constant 0 : i32
    %dma_wait3A_47 = tpu.memref_slice %arg6[%dma_wait3A_45, %dma_wait3A_46] : memref<40x64xi32, #tpu.memory_space<vmem>> -> memref<1x64xi32, #tpu.memory_space<vmem>>
    %dma_wait3A_48 = tpu.memref_squeeze %dma_wait3A_47 : memref<1x64xi32, #tpu.memory_space<vmem>> -> memref<64xi32, #tpu.memory_space<vmem>>
    %dma_wait3A_49 = arith.constant 0 : i32
    %dma_wait3A_50 = arith.constant 0 : i32
    %dma_wait3A_51 = tpu.memref_slice %arg2[%dma_wait3A_49, %dma_wait3A_50] : memref<20480x128xf32, #tpu.memory_space<hbm>> -> memref<20480x128xf32, #tpu.memory_space<hbm>>
    tpu.wait_indirect_dma semaphore(%arg14 : memref<!tpu.dma_semaphore, #tpu.memory_space<semaphore_mem>>) src(%dma_wait3A_51 : memref<20480x128xf32, #tpu.memory_space<hbm>>) dst(%arg9 : memref<64x128xf32, #tpu.memory_space<vmem>>)
    %run_scoped3A_52 = arith.constant 37 : i32
    "tpu.region"() ({
      %run_scoped3A_281 = tpu.sem_alloc : memref<!tpu.dma_semaphore, #tpu.memory_space<semaphore_mem>>
      %dma_start3A_282 = arith.constant 0 : i32
      %dma_start3A_283 = tpu.memref_slice %arg7[%run_scoped3A_52, %dma_start3A_282] : memref<40x64xi32, #tpu.memory_space<vmem>> -> memref<1x64xi32, #tpu.memory_space<vmem>>
      %dma_start3A_284 = tpu.memref_squeeze %dma_start3A_283 : memref<1x64xi32, #tpu.memory_space<vmem>> -> memref<64xi32, #tpu.memory_space<vmem>>
      %dma_start3A_285 = arith.constant 0 : i32
      %dma_start3A_286 = arith.constant 0 : i32
      %dma_start3A_287 = tpu.memref_slice %arg12[%dma_start3A_285, %dma_start3A_286] : memref<10112x128xf32, #tpu.memory_space<vmem_shared>> -> memref<10112x128xf32, #tpu.memory_space<vmem_shared>>
      tpu.enqueue_indirect_dma source(%arg9 : memref<64x128xf32, #tpu.memory_space<vmem>>) target(%dma_start3A_287 : memref<10112x128xf32, #tpu.memory_space<vmem_shared>>) offsets(%dma_start3A_284 : memref<64xi32, #tpu.memory_space<vmem>>) semaphore(%run_scoped3A_281 : memref<!tpu.dma_semaphore, #tpu.memory_space<semaphore_mem>>) {add = true}
      %dma_wait3A_288 = arith.constant 0 : i32
      %dma_wait3A_289 = tpu.memref_slice %arg7[%run_scoped3A_52, %dma_wait3A_288] : memref<40x64xi32, #tpu.memory_space<vmem>> -> memref<1x64xi32, #tpu.memory_space<vmem>>
      %dma_wait3A_290 = tpu.memref_squeeze %dma_wait3A_289 : memref<1x64xi32, #tpu.memory_space<vmem>> -> memref<64xi32, #tpu.memory_space<vmem>>
      %dma_wait3A_291 = arith.constant 0 : i32
      %dma_wait3A_292 = arith.constant 0 : i32
      %dma_wait3A_293 = tpu.memref_slice %arg12[%dma_wait3A_291, %dma_wait3A_292] : memref<10112x128xf32, #tpu.memory_space<vmem_shared>> -> memref<10112x128xf32, #tpu.memory_space<vmem_shared>>
      tpu.wait_indirect_dma semaphore(%run_scoped3A_281 : memref<!tpu.dma_semaphore, #tpu.memory_space<semaphore_mem>>) src(%arg9 : memref<64x128xf32, #tpu.memory_space<vmem>>) dst(%dma_wait3A_293 : memref<10112x128xf32, #tpu.memory_space<vmem_shared>>)
      tpu.yield
    }) : () -> ()
    %dma_wait3A_53 = arith.constant 38 : i32
    %dma_wait3A_54 = arith.constant 0 : i32
    %dma_wait3A_55 = tpu.memref_slice %arg6[%dma_wait3A_53, %dma_wait3A_54] : memref<40x64xi32, #tpu.memory_space<vmem>> -> memref<1x64xi32, #tpu.memory_space<vmem>>
    %dma_wait3A_56 = tpu.memref_squeeze %dma_wait3A_55 : memref<1x64xi32, #tpu.memory_space<vmem>> -> memref<64xi32, #tpu.memory_space<vmem>>
    %dma_wait3A_57 = arith.constant 0 : i32
    %dma_wait3A_58 = arith.constant 0 : i32
    %dma_wait3A_59 = tpu.memref_slice %arg2[%dma_wait3A_57, %dma_wait3A_58] : memref<20480x128xf32, #tpu.memory_space<hbm>> -> memref<20480x128xf32, #tpu.memory_space<hbm>>
    tpu.wait_indirect_dma semaphore(%arg15 : memref<!tpu.dma_semaphore, #tpu.memory_space<semaphore_mem>>) src(%dma_wait3A_59 : memref<20480x128xf32, #tpu.memory_space<hbm>>) dst(%arg10 : memref<64x128xf32, #tpu.memory_space<vmem>>)
    %run_scoped3A_60 = arith.constant 38 : i32
    "tpu.region"() ({
      %run_scoped3A_281 = tpu.sem_alloc : memref<!tpu.dma_semaphore, #tpu.memory_space<semaphore_mem>>
      %dma_start3A_282 = arith.constant 0 : i32
      %dma_start3A_283 = tpu.memref_slice %arg7[%run_scoped3A_60, %dma_start3A_282] : memref<40x64xi32, #tpu.memory_space<vmem>> -> memref<1x64xi32, #tpu.memory_space<vmem>>
      %dma_start3A_284 = tpu.memref_squeeze %dma_start3A_283 : memref<1x64xi32, #tpu.memory_space<vmem>> -> memref<64xi32, #tpu.memory_space<vmem>>
      %dma_start3A_285 = arith.constant 0 : i32
      %dma_start3A_286 = arith.constant 0 : i32
      %dma_start3A_287 = tpu.memref_slice %arg12[%dma_start3A_285, %dma_start3A_286] : memref<10112x128xf32, #tpu.memory_space<vmem_shared>> -> memref<10112x128xf32, #tpu.memory_space<vmem_shared>>
      tpu.enqueue_indirect_dma source(%arg10 : memref<64x128xf32, #tpu.memory_space<vmem>>) target(%dma_start3A_287 : memref<10112x128xf32, #tpu.memory_space<vmem_shared>>) offsets(%dma_start3A_284 : memref<64xi32, #tpu.memory_space<vmem>>) semaphore(%run_scoped3A_281 : memref<!tpu.dma_semaphore, #tpu.memory_space<semaphore_mem>>) {add = true}
      %dma_wait3A_288 = arith.constant 0 : i32
      %dma_wait3A_289 = tpu.memref_slice %arg7[%run_scoped3A_60, %dma_wait3A_288] : memref<40x64xi32, #tpu.memory_space<vmem>> -> memref<1x64xi32, #tpu.memory_space<vmem>>
      %dma_wait3A_290 = tpu.memref_squeeze %dma_wait3A_289 : memref<1x64xi32, #tpu.memory_space<vmem>> -> memref<64xi32, #tpu.memory_space<vmem>>
      %dma_wait3A_291 = arith.constant 0 : i32
      %dma_wait3A_292 = arith.constant 0 : i32
      %dma_wait3A_293 = tpu.memref_slice %arg12[%dma_wait3A_291, %dma_wait3A_292] : memref<10112x128xf32, #tpu.memory_space<vmem_shared>> -> memref<10112x128xf32, #tpu.memory_space<vmem_shared>>
      tpu.wait_indirect_dma semaphore(%run_scoped3A_281 : memref<!tpu.dma_semaphore, #tpu.memory_space<semaphore_mem>>) src(%arg10 : memref<64x128xf32, #tpu.memory_space<vmem>>) dst(%dma_wait3A_293 : memref<10112x128xf32, #tpu.memory_space<vmem_shared>>)
      tpu.yield
    }) : () -> ()
    %dma_wait3A_61 = arith.constant 39 : i32
    %dma_wait3A_62 = arith.constant 0 : i32
    %dma_wait3A_63 = tpu.memref_slice %arg6[%dma_wait3A_61, %dma_wait3A_62] : memref<40x64xi32, #tpu.memory_space<vmem>> -> memref<1x64xi32, #tpu.memory_space<vmem>>
    %dma_wait3A_64 = tpu.memref_squeeze %dma_wait3A_63 : memref<1x64xi32, #tpu.memory_space<vmem>> -> memref<64xi32, #tpu.memory_space<vmem>>
    %dma_wait3A_65 = arith.constant 0 : i32
    %dma_wait3A_66 = arith.constant 0 : i32
    %dma_wait3A_67 = tpu.memref_slice %arg2[%dma_wait3A_65, %dma_wait3A_66] : memref<20480x128xf32, #tpu.memory_space<hbm>> -> memref<20480x128xf32, #tpu.memory_space<hbm>>
    tpu.wait_indirect_dma semaphore(%arg16 : memref<!tpu.dma_semaphore, #tpu.memory_space<semaphore_mem>>) src(%dma_wait3A_67 : memref<20480x128xf32, #tpu.memory_space<hbm>>) dst(%arg11 : memref<64x128xf32, #tpu.memory_space<vmem>>)
    %run_scoped3A_68 = arith.constant 39 : i32
    "tpu.region"() ({
      %run_scoped3A_281 = tpu.sem_alloc : memref<!tpu.dma_semaphore, #tpu.memory_space<semaphore_mem>>
      %dma_start3A_282 = arith.constant 0 : i32
      %dma_start3A_283 = tpu.memref_slice %arg7[%run_scoped3A_68, %dma_start3A_282] : memref<40x64xi32, #tpu.memory_space<vmem>> -> memref<1x64xi32, #tpu.memory_space<vmem>>
      %dma_start3A_284 = tpu.memref_squeeze %dma_start3A_283 : memref<1x64xi32, #tpu.memory_space<vmem>> -> memref<64xi32, #tpu.memory_space<vmem>>
      %dma_start3A_285 = arith.constant 0 : i32
      %dma_start3A_286 = arith.constant 0 : i32
      %dma_start3A_287 = tpu.memref_slice %arg12[%dma_start3A_285, %dma_start3A_286] : memref<10112x128xf32, #tpu.memory_space<vmem_shared>> -> memref<10112x128xf32, #tpu.memory_space<vmem_shared>>
      tpu.enqueue_indirect_dma source(%arg11 : memref<64x128xf32, #tpu.memory_space<vmem>>) target(%dma_start3A_287 : memref<10112x128xf32, #tpu.memory_space<vmem_shared>>) offsets(%dma_start3A_284 : memref<64xi32, #tpu.memory_space<vmem>>) semaphore(%run_scoped3A_281 : memref<!tpu.dma_semaphore, #tpu.memory_space<semaphore_mem>>) {add = true}
      %dma_wait3A_288 = arith.constant 0 : i32
      %dma_wait3A_289 = tpu.memref_slice %arg7[%run_scoped3A_68, %dma_wait3A_288] : memref<40x64xi32, #tpu.memory_space<vmem>> -> memref<1x64xi32, #tpu.memory_space<vmem>>
      %dma_wait3A_290 = tpu.memref_squeeze %dma_wait3A_289 : memref<1x64xi32, #tpu.memory_space<vmem>> -> memref<64xi32, #tpu.memory_space<vmem>>
      %dma_wait3A_291 = arith.constant 0 : i32
      %dma_wait3A_292 = arith.constant 0 : i32
      %dma_wait3A_293 = tpu.memref_slice %arg12[%dma_wait3A_291, %dma_wait3A_292] : memref<10112x128xf32, #tpu.memory_space<vmem_shared>> -> memref<10112x128xf32, #tpu.memory_space<vmem_shared>>
      tpu.wait_indirect_dma semaphore(%run_scoped3A_281 : memref<!tpu.dma_semaphore, #tpu.memory_space<semaphore_mem>>) src(%arg11 : memref<64x128xf32, #tpu.memory_space<vmem>>) dst(%dma_wait3A_293 : memref<10112x128xf32, #tpu.memory_space<vmem_shared>>)
      tpu.yield
    }) : () -> ()
    %run_scoped3A_69 = arith.constant 1 : i32
    "tpu.region"() ({
      %run_scoped3A_281 = tpu.sem_alloc : memref<!tpu.dma_semaphore, #tpu.memory_space<semaphore_mem>>
      %dma_start3A_282 = arith.constant 0 : i32
      %dma_start3A_283 = arith.constant 0 : i32
      %dma_start3A_284 = tpu.memref_slice %arg3[%arg0, %arg1, %run_scoped3A_69, %dma_start3A_282, %dma_start3A_283] : memref<2x16x4x40x64xi32, #tpu.memory_space<hbm>> -> memref<1x1x1x40x64xi32, #tpu.memory_space<hbm>>
      %dma_start3A_285 = tpu.memref_squeeze %dma_start3A_284 : memref<1x1x1x40x64xi32, #tpu.memory_space<hbm>> -> memref<40x64xi32, #tpu.memory_space<hbm>>
      %dma_start3A_286 = arith.constant 0 : i32
      %dma_start3A_287 = arith.constant 0 : i32
      %dma_start3A_288 = tpu.memref_slice %arg3[%arg0, %arg1, %run_scoped3A_69, %dma_start3A_286, %dma_start3A_287] : memref<2x16x4x40x64xi32, #tpu.memory_space<hbm>> -> memref<1x1x1x40x64xi32, #tpu.memory_space<hbm>>
      %dma_start3A_289 = tpu.memref_squeeze %dma_start3A_288 : memref<1x1x1x40x64xi32, #tpu.memory_space<hbm>> -> memref<40x64xi32, #tpu.memory_space<hbm>>
      tpu.enqueue_dma source(%dma_start3A_289 : memref<40x64xi32, #tpu.memory_space<hbm>>) target(%arg6 : memref<40x64xi32, #tpu.memory_space<vmem>>) target_semaphore(%run_scoped3A_281 : memref<!tpu.dma_semaphore, #tpu.memory_space<semaphore_mem>>)
      %dma_wait3A_290 = arith.constant 0 : i32
      %dma_wait3A_291 = arith.constant 0 : i32
      %dma_wait3A_292 = tpu.memref_slice %arg3[%arg0, %arg1, %run_scoped3A_69, %dma_wait3A_290, %dma_wait3A_291] : memref<2x16x4x40x64xi32, #tpu.memory_space<hbm>> -> memref<1x1x1x40x64xi32, #tpu.memory_space<hbm>>
      %dma_wait3A_293 = tpu.memref_squeeze %dma_wait3A_292 : memref<1x1x1x40x64xi32, #tpu.memory_space<hbm>> -> memref<40x64xi32, #tpu.memory_space<hbm>>
      %dma_wait3A_294 = arith.constant 0 : i32
      %dma_wait3A_295 = arith.constant 0 : i32
      %dma_wait3A_296 = tpu.memref_slice %arg3[%arg0, %arg1, %run_scoped3A_69, %dma_wait3A_294, %dma_wait3A_295] : memref<2x16x4x40x64xi32, #tpu.memory_space<hbm>> -> memref<1x1x1x40x64xi32, #tpu.memory_space<hbm>>
      %dma_wait3A_297 = tpu.memref_squeeze %dma_wait3A_296 : memref<1x1x1x40x64xi32, #tpu.memory_space<hbm>> -> memref<40x64xi32, #tpu.memory_space<hbm>>
      tpu.wait_dma2 semaphore(%run_scoped3A_281 : memref<!tpu.dma_semaphore, #tpu.memory_space<semaphore_mem>>) src(%dma_wait3A_297 : memref<40x64xi32, #tpu.memory_space<hbm>>) dst(%arg6 : memref<40x64xi32, #tpu.memory_space<vmem>>)
      tpu.yield
    }) : () -> ()
    %run_scoped3A_70 = arith.constant 1 : i32
    "tpu.region"() ({
      %run_scoped3A_281 = tpu.sem_alloc : memref<!tpu.dma_semaphore, #tpu.memory_space<semaphore_mem>>
      %dma_start3A_282 = arith.constant 0 : i32
      %dma_start3A_283 = arith.constant 0 : i32
      %dma_start3A_284 = tpu.memref_slice %arg4[%arg1, %run_scoped3A_70, %dma_start3A_282, %dma_start3A_283] : memref<16x4x40x64xi32, #tpu.memory_space<hbm>> -> memref<1x1x40x64xi32, #tpu.memory_space<hbm>>
      %dma_start3A_285 = tpu.memref_squeeze %dma_start3A_284 : memref<1x1x40x64xi32, #tpu.memory_space<hbm>> -> memref<40x64xi32, #tpu.memory_space<hbm>>
      %dma_start3A_286 = arith.constant 0 : i32
      %dma_start3A_287 = arith.constant 0 : i32
      %dma_start3A_288 = tpu.memref_slice %arg4[%arg1, %run_scoped3A_70, %dma_start3A_286, %dma_start3A_287] : memref<16x4x40x64xi32, #tpu.memory_space<hbm>> -> memref<1x1x40x64xi32, #tpu.memory_space<hbm>>
      %dma_start3A_289 = tpu.memref_squeeze %dma_start3A_288 : memref<1x1x40x64xi32, #tpu.memory_space<hbm>> -> memref<40x64xi32, #tpu.memory_space<hbm>>
      tpu.enqueue_dma source(%dma_start3A_289 : memref<40x64xi32, #tpu.memory_space<hbm>>) target(%arg7 : memref<40x64xi32, #tpu.memory_space<vmem>>) target_semaphore(%run_scoped3A_281 : memref<!tpu.dma_semaphore, #tpu.memory_space<semaphore_mem>>)
      %dma_wait3A_290 = arith.constant 0 : i32
      %dma_wait3A_291 = arith.constant 0 : i32
      %dma_wait3A_292 = tpu.memref_slice %arg4[%arg1, %run_scoped3A_70, %dma_wait3A_290, %dma_wait3A_291] : memref<16x4x40x64xi32, #tpu.memory_space<hbm>> -> memref<1x1x40x64xi32, #tpu.memory_space<hbm>>
      %dma_wait3A_293 = tpu.memref_squeeze %dma_wait3A_292 : memref<1x1x40x64xi32, #tpu.memory_space<hbm>> -> memref<40x64xi32, #tpu.memory_space<hbm>>
      %dma_wait3A_294 = arith.constant 0 : i32
      %dma_wait3A_295 = arith.constant 0 : i32
      %dma_wait3A_296 = tpu.memref_slice %arg4[%arg1, %run_scoped3A_70, %dma_wait3A_294, %dma_wait3A_295] : memref<16x4x40x64xi32, #tpu.memory_space<hbm>> -> memref<1x1x40x64xi32, #tpu.memory_space<hbm>>
      %dma_wait3A_297 = tpu.memref_squeeze %dma_wait3A_296 : memref<1x1x40x64xi32, #tpu.memory_space<hbm>> -> memref<40x64xi32, #tpu.memory_space<hbm>>
      tpu.wait_dma2 semaphore(%run_scoped3A_281 : memref<!tpu.dma_semaphore, #tpu.memory_space<semaphore_mem>>) src(%dma_wait3A_297 : memref<40x64xi32, #tpu.memory_space<hbm>>) dst(%arg7 : memref<40x64xi32, #tpu.memory_space<vmem>>)
      tpu.yield
    }) : () -> ()
    %dma_start3A_71 = arith.constant 0 : i32
    %dma_start3A_72 = arith.constant 0 : i32
    %dma_start3A_73 = tpu.memref_slice %arg6[%dma_start3A_71, %dma_start3A_72] : memref<40x64xi32, #tpu.memory_space<vmem>> -> memref<1x64xi32, #tpu.memory_space<vmem>>
    %dma_start3A_74 = tpu.memref_squeeze %dma_start3A_73 : memref<1x64xi32, #tpu.memory_space<vmem>> -> memref<64xi32, #tpu.memory_space<vmem>>
    %dma_start3A_75 = arith.constant 0 : i32
    %dma_start3A_76 = arith.constant 0 : i32
    %dma_start3A_77 = tpu.memref_slice %arg2[%dma_start3A_75, %dma_start3A_76] : memref<20480x128xf32, #tpu.memory_space<hbm>> -> memref<20480x128xf32, #tpu.memory_space<hbm>>
    tpu.enqueue_indirect_dma source(%dma_start3A_77 : memref<20480x128xf32, #tpu.memory_space<hbm>>) target(%arg8 : memref<64x128xf32, #tpu.memory_space<vmem>>) offsets(%dma_start3A_74 : memref<64xi32, #tpu.memory_space<vmem>>) semaphore(%arg13 : memref<!tpu.dma_semaphore, #tpu.memory_space<semaphore_mem>>)
    %dma_start3A_78 = arith.constant 1 : i32
    %dma_start3A_79 = arith.constant 0 : i32
    %dma_start3A_80 = tpu.memref_slice %arg6[%dma_start3A_78, %dma_start3A_79] : memref<40x64xi32, #tpu.memory_space<vmem>> -> memref<1x64xi32, #tpu.memory_space<vmem>>
    %dma_start3A_81 = tpu.memref_squeeze %dma_start3A_80 : memref<1x64xi32, #tpu.memory_space<vmem>> -> memref<64xi32, #tpu.memory_space<vmem>>
    %dma_start3A_82 = arith.constant 0 : i32
    %dma_start3A_83 = arith.constant 0 : i32
    %dma_start3A_84 = tpu.memref_slice %arg2[%dma_start3A_82, %dma_start3A_83] : memref<20480x128xf32, #tpu.memory_space<hbm>> -> memref<20480x128xf32, #tpu.memory_space<hbm>>
    tpu.enqueue_indirect_dma source(%dma_start3A_84 : memref<20480x128xf32, #tpu.memory_space<hbm>>) target(%arg9 : memref<64x128xf32, #tpu.memory_space<vmem>>) offsets(%dma_start3A_81 : memref<64xi32, #tpu.memory_space<vmem>>) semaphore(%arg14 : memref<!tpu.dma_semaphore, #tpu.memory_space<semaphore_mem>>)
    %dma_start3A_85 = arith.constant 2 : i32
    %dma_start3A_86 = arith.constant 0 : i32
    %dma_start3A_87 = tpu.memref_slice %arg6[%dma_start3A_85, %dma_start3A_86] : memref<40x64xi32, #tpu.memory_space<vmem>> -> memref<1x64xi32, #tpu.memory_space<vmem>>
    %dma_start3A_88 = tpu.memref_squeeze %dma_start3A_87 : memref<1x64xi32, #tpu.memory_space<vmem>> -> memref<64xi32, #tpu.memory_space<vmem>>
    %dma_start3A_89 = arith.constant 0 : i32
    %dma_start3A_90 = arith.constant 0 : i32
    %dma_start3A_91 = tpu.memref_slice %arg2[%dma_start3A_89, %dma_start3A_90] : memref<20480x128xf32, #tpu.memory_space<hbm>> -> memref<20480x128xf32, #tpu.memory_space<hbm>>
    tpu.enqueue_indirect_dma source(%dma_start3A_91 : memref<20480x128xf32, #tpu.memory_space<hbm>>) target(%arg10 : memref<64x128xf32, #tpu.memory_space<vmem>>) offsets(%dma_start3A_88 : memref<64xi32, #tpu.memory_space<vmem>>) semaphore(%arg15 : memref<!tpu.dma_semaphore, #tpu.memory_space<semaphore_mem>>)
    %dma_start3A_92 = arith.constant 3 : i32
    %dma_start3A_93 = arith.constant 0 : i32
    %dma_start3A_94 = tpu.memref_slice %arg6[%dma_start3A_92, %dma_start3A_93] : memref<40x64xi32, #tpu.memory_space<vmem>> -> memref<1x64xi32, #tpu.memory_space<vmem>>
    %dma_start3A_95 = tpu.memref_squeeze %dma_start3A_94 : memref<1x64xi32, #tpu.memory_space<vmem>> -> memref<64xi32, #tpu.memory_space<vmem>>
    %dma_start3A_96 = arith.constant 0 : i32
    %dma_start3A_97 = arith.constant 0 : i32
    %dma_start3A_98 = tpu.memref_slice %arg2[%dma_start3A_96, %dma_start3A_97] : memref<20480x128xf32, #tpu.memory_space<hbm>> -> memref<20480x128xf32, #tpu.memory_space<hbm>>
    tpu.enqueue_indirect_dma source(%dma_start3A_98 : memref<20480x128xf32, #tpu.memory_space<hbm>>) target(%arg11 : memref<64x128xf32, #tpu.memory_space<vmem>>) offsets(%dma_start3A_95 : memref<64xi32, #tpu.memory_space<vmem>>) semaphore(%arg16 : memref<!tpu.dma_semaphore, #tpu.memory_space<semaphore_mem>>)
    %scan3A_99 = arith.constant 0 : i32
    %scan3A_100 = arith.constant 0 : i32
    %scan3A_101 = arith.constant 9 : i32
    %scan3A_102 = arith.addi %scan3A_100, %scan3A_101 : i32
    %scan3A_103 = arith.constant 1 : i32
    scf.for %scan3A_281 = %scan3A_100 to %scan3A_102 step %scan3A_103  : i32 {
      %mul3A_282 = arith.constant 4 : i32
      %mul3A_283 = arith.muli %scan3A_281, %mul3A_282 : i32
      %add3A_284 = arith.constant 0 : i32
      %add3A_285 = arith.addi %mul3A_283, %add3A_284 : i32
      %dma_wait3A_286 = arith.constant 0 : i32
      %dma_wait3A_287 = tpu.memref_slice %arg6[%add3A_285, %dma_wait3A_286] : memref<40x64xi32, #tpu.memory_space<vmem>> -> memref<1x64xi32, #tpu.memory_space<vmem>>
      %dma_wait3A_288 = tpu.memref_squeeze %dma_wait3A_287 : memref<1x64xi32, #tpu.memory_space<vmem>> -> memref<64xi32, #tpu.memory_space<vmem>>
      %dma_wait3A_289 = arith.constant 0 : i32
      %dma_wait3A_290 = arith.constant 0 : i32
      %dma_wait3A_291 = tpu.memref_slice %arg2[%dma_wait3A_289, %dma_wait3A_290] : memref<20480x128xf32, #tpu.memory_space<hbm>> -> memref<20480x128xf32, #tpu.memory_space<hbm>>
      tpu.wait_indirect_dma semaphore(%arg13 : memref<!tpu.dma_semaphore, #tpu.memory_space<semaphore_mem>>) src(%dma_wait3A_291 : memref<20480x128xf32, #tpu.memory_space<hbm>>) dst(%arg8 : memref<64x128xf32, #tpu.memory_space<vmem>>)
      "tpu.region"() ({
        %run_scoped3A_354 = tpu.sem_alloc : memref<!tpu.dma_semaphore, #tpu.memory_space<semaphore_mem>>
        %dma_start3A_355 = arith.constant 0 : i32
        %dma_start3A_356 = tpu.memref_slice %arg7[%add3A_285, %dma_start3A_355] : memref<40x64xi32, #tpu.memory_space<vmem>> -> memref<1x64xi32, #tpu.memory_space<vmem>>
        %dma_start3A_357 = tpu.memref_squeeze %dma_start3A_356 : memref<1x64xi32, #tpu.memory_space<vmem>> -> memref<64xi32, #tpu.memory_space<vmem>>
        %dma_start3A_358 = arith.constant 0 : i32
        %dma_start3A_359 = arith.constant 0 : i32
        %dma_start3A_360 = tpu.memref_slice %arg12[%dma_start3A_358, %dma_start3A_359] : memref<10112x128xf32, #tpu.memory_space<vmem_shared>> -> memref<10112x128xf32, #tpu.memory_space<vmem_shared>>
        tpu.enqueue_indirect_dma source(%arg8 : memref<64x128xf32, #tpu.memory_space<vmem>>) target(%dma_start3A_360 : memref<10112x128xf32, #tpu.memory_space<vmem_shared>>) offsets(%dma_start3A_357 : memref<64xi32, #tpu.memory_space<vmem>>) semaphore(%run_scoped3A_354 : memref<!tpu.dma_semaphore, #tpu.memory_space<semaphore_mem>>) {add = true}
        %dma_wait3A_361 = arith.constant 0 : i32
        %dma_wait3A_362 = tpu.memref_slice %arg7[%add3A_285, %dma_wait3A_361] : memref<40x64xi32, #tpu.memory_space<vmem>> -> memref<1x64xi32, #tpu.memory_space<vmem>>
        %dma_wait3A_363 = tpu.memref_squeeze %dma_wait3A_362 : memref<1x64xi32, #tpu.memory_space<vmem>> -> memref<64xi32, #tpu.memory_space<vmem>>
        %dma_wait3A_364 = arith.constant 0 : i32
        %dma_wait3A_365 = arith.constant 0 : i32
        %dma_wait3A_366 = tpu.memref_slice %arg12[%dma_wait3A_364, %dma_wait3A_365] : memref<10112x128xf32, #tpu.memory_space<vmem_shared>> -> memref<10112x128xf32, #tpu.memory_space<vmem_shared>>
        tpu.wait_indirect_dma semaphore(%run_scoped3A_354 : memref<!tpu.dma_semaphore, #tpu.memory_space<semaphore_mem>>) src(%arg8 : memref<64x128xf32, #tpu.memory_space<vmem>>) dst(%dma_wait3A_366 : memref<10112x128xf32, #tpu.memory_space<vmem_shared>>)
        tpu.yield
      }) : () -> ()
      %add3A_292 = arith.constant 4 : i32
      %add3A_293 = arith.addi %add3A_285, %add3A_292 : i32
      %dma_start3A_294 = arith.constant 0 : i32
      %dma_start3A_295 = tpu.memref_slice %arg6[%add3A_293, %dma_start3A_294] : memref<40x64xi32, #tpu.memory_space<vmem>> -> memref<1x64xi32, #tpu.memory_space<vmem>>
      %dma_start3A_296 = tpu.memref_squeeze %dma_start3A_295 : memref<1x64xi32, #tpu.memory_space<vmem>> -> memref<64xi32, #tpu.memory_space<vmem>>
      %dma_start3A_297 = arith.constant 0 : i32
      %dma_start3A_298 = arith.constant 0 : i32
      %dma_start3A_299 = tpu.memref_slice %arg2[%dma_start3A_297, %dma_start3A_298] : memref<20480x128xf32, #tpu.memory_space<hbm>> -> memref<20480x128xf32, #tpu.memory_space<hbm>>
      tpu.enqueue_indirect_dma source(%dma_start3A_299 : memref<20480x128xf32, #tpu.memory_space<hbm>>) target(%arg8 : memref<64x128xf32, #tpu.memory_space<vmem>>) offsets(%dma_start3A_296 : memref<64xi32, #tpu.memory_space<vmem>>) semaphore(%arg13 : memref<!tpu.dma_semaphore, #tpu.memory_space<semaphore_mem>>)
      %mul3A_300 = arith.constant 4 : i32
      %mul3A_301 = arith.muli %scan3A_281, %mul3A_300 : i32
      %add3A_302 = arith.constant 1 : i32
      %add3A_303 = arith.addi %mul3A_301, %add3A_302 : i32
      %dma_wait3A_304 = arith.constant 0 : i32
      %dma_wait3A_305 = tpu.memref_slice %arg6[%add3A_303, %dma_wait3A_304] : memref<40x64xi32, #tpu.memory_space<vmem>> -> memref<1x64xi32, #tpu.memory_space<vmem>>
      %dma_wait3A_306 = tpu.memref_squeeze %dma_wait3A_305 : memref<1x64xi32, #tpu.memory_space<vmem>> -> memref<64xi32, #tpu.memory_space<vmem>>
      %dma_wait3A_307 = arith.constant 0 : i32
      %dma_wait3A_308 = arith.constant 0 : i32
      %dma_wait3A_309 = tpu.memref_slice %arg2[%dma_wait3A_307, %dma_wait3A_308] : memref<20480x128xf32, #tpu.memory_space<hbm>> -> memref<20480x128xf32, #tpu.memory_space<hbm>>
      tpu.wait_indirect_dma semaphore(%arg14 : memref<!tpu.dma_semaphore, #tpu.memory_space<semaphore_mem>>) src(%dma_wait3A_309 : memref<20480x128xf32, #tpu.memory_space<hbm>>) dst(%arg9 : memref<64x128xf32, #tpu.memory_space<vmem>>)
      "tpu.region"() ({
        %run_scoped3A_354 = tpu.sem_alloc : memref<!tpu.dma_semaphore, #tpu.memory_space<semaphore_mem>>
        %dma_start3A_355 = arith.constant 0 : i32
        %dma_start3A_356 = tpu.memref_slice %arg7[%add3A_303, %dma_start3A_355] : memref<40x64xi32, #tpu.memory_space<vmem>> -> memref<1x64xi32, #tpu.memory_space<vmem>>
        %dma_start3A_357 = tpu.memref_squeeze %dma_start3A_356 : memref<1x64xi32, #tpu.memory_space<vmem>> -> memref<64xi32, #tpu.memory_space<vmem>>
        %dma_start3A_358 = arith.constant 0 : i32
        %dma_start3A_359 = arith.constant 0 : i32
        %dma_start3A_360 = tpu.memref_slice %arg12[%dma_start3A_358, %dma_start3A_359] : memref<10112x128xf32, #tpu.memory_space<vmem_shared>> -> memref<10112x128xf32, #tpu.memory_space<vmem_shared>>
        tpu.enqueue_indirect_dma source(%arg9 : memref<64x128xf32, #tpu.memory_space<vmem>>) target(%dma_start3A_360 : memref<10112x128xf32, #tpu.memory_space<vmem_shared>>) offsets(%dma_start3A_357 : memref<64xi32, #tpu.memory_space<vmem>>) semaphore(%run_scoped3A_354 : memref<!tpu.dma_semaphore, #tpu.memory_space<semaphore_mem>>) {add = true}
        %dma_wait3A_361 = arith.constant 0 : i32
        %dma_wait3A_362 = tpu.memref_slice %arg7[%add3A_303, %dma_wait3A_361] : memref<40x64xi32, #tpu.memory_space<vmem>> -> memref<1x64xi32, #tpu.memory_space<vmem>>
        %dma_wait3A_363 = tpu.memref_squeeze %dma_wait3A_362 : memref<1x64xi32, #tpu.memory_space<vmem>> -> memref<64xi32, #tpu.memory_space<vmem>>
        %dma_wait3A_364 = arith.constant 0 : i32
        %dma_wait3A_365 = arith.constant 0 : i32
        %dma_wait3A_366 = tpu.memref_slice %arg12[%dma_wait3A_364, %dma_wait3A_365] : memref<10112x128xf32, #tpu.memory_space<vmem_shared>> -> memref<10112x128xf32, #tpu.memory_space<vmem_shared>>
        tpu.wait_indirect_dma semaphore(%run_scoped3A_354 : memref<!tpu.dma_semaphore, #tpu.memory_space<semaphore_mem>>) src(%arg9 : memref<64x128xf32, #tpu.memory_space<vmem>>) dst(%dma_wait3A_366 : memref<10112x128xf32, #tpu.memory_space<vmem_shared>>)
        tpu.yield
      }) : () -> ()
      %add3A_310 = arith.constant 4 : i32
      %add3A_311 = arith.addi %add3A_303, %add3A_310 : i32
      %dma_start3A_312 = arith.constant 0 : i32
      %dma_start3A_313 = tpu.memref_slice %arg6[%add3A_311, %dma_start3A_312] : memref<40x64xi32, #tpu.memory_space<vmem>> -> memref<1x64xi32, #tpu.memory_space<vmem>>
      %dma_start3A_314 = tpu.memref_squeeze %dma_start3A_313 : memref<1x64xi32, #tpu.memory_space<vmem>> -> memref<64xi32, #tpu.memory_space<vmem>>
      %dma_start3A_315 = arith.constant 0 : i32
      %dma_start3A_316 = arith.constant 0 : i32
      %dma_start3A_317 = tpu.memref_slice %arg2[%dma_start3A_315, %dma_start3A_316] : memref<20480x128xf32, #tpu.memory_space<hbm>> -> memref<20480x128xf32, #tpu.memory_space<hbm>>
      tpu.enqueue_indirect_dma source(%dma_start3A_317 : memref<20480x128xf32, #tpu.memory_space<hbm>>) target(%arg9 : memref<64x128xf32, #tpu.memory_space<vmem>>) offsets(%dma_start3A_314 : memref<64xi32, #tpu.memory_space<vmem>>) semaphore(%arg14 : memref<!tpu.dma_semaphore, #tpu.memory_space<semaphore_mem>>)
      %mul3A_318 = arith.constant 4 : i32
      %mul3A_319 = arith.muli %scan3A_281, %mul3A_318 : i32
      %add3A_320 = arith.constant 2 : i32
      %add3A_321 = arith.addi %mul3A_319, %add3A_320 : i32
      %dma_wait3A_322 = arith.constant 0 : i32
      %dma_wait3A_323 = tpu.memref_slice %arg6[%add3A_321, %dma_wait3A_322] : memref<40x64xi32, #tpu.memory_space<vmem>> -> memref<1x64xi32, #tpu.memory_space<vmem>>
      %dma_wait3A_324 = tpu.memref_squeeze %dma_wait3A_323 : memref<1x64xi32, #tpu.memory_space<vmem>> -> memref<64xi32, #tpu.memory_space<vmem>>
      %dma_wait3A_325 = arith.constant 0 : i32
      %dma_wait3A_326 = arith.constant 0 : i32
      %dma_wait3A_327 = tpu.memref_slice %arg2[%dma_wait3A_325, %dma_wait3A_326] : memref<20480x128xf32, #tpu.memory_space<hbm>> -> memref<20480x128xf32, #tpu.memory_space<hbm>>
      tpu.wait_indirect_dma semaphore(%arg15 : memref<!tpu.dma_semaphore, #tpu.memory_space<semaphore_mem>>) src(%dma_wait3A_327 : memref<20480x128xf32, #tpu.memory_space<hbm>>) dst(%arg10 : memref<64x128xf32, #tpu.memory_space<vmem>>)
      "tpu.region"() ({
        %run_scoped3A_354 = tpu.sem_alloc : memref<!tpu.dma_semaphore, #tpu.memory_space<semaphore_mem>>
        %dma_start3A_355 = arith.constant 0 : i32
        %dma_start3A_356 = tpu.memref_slice %arg7[%add3A_321, %dma_start3A_355] : memref<40x64xi32, #tpu.memory_space<vmem>> -> memref<1x64xi32, #tpu.memory_space<vmem>>
        %dma_start3A_357 = tpu.memref_squeeze %dma_start3A_356 : memref<1x64xi32, #tpu.memory_space<vmem>> -> memref<64xi32, #tpu.memory_space<vmem>>
        %dma_start3A_358 = arith.constant 0 : i32
        %dma_start3A_359 = arith.constant 0 : i32
        %dma_start3A_360 = tpu.memref_slice %arg12[%dma_start3A_358, %dma_start3A_359] : memref<10112x128xf32, #tpu.memory_space<vmem_shared>> -> memref<10112x128xf32, #tpu.memory_space<vmem_shared>>
        tpu.enqueue_indirect_dma source(%arg10 : memref<64x128xf32, #tpu.memory_space<vmem>>) target(%dma_start3A_360 : memref<10112x128xf32, #tpu.memory_space<vmem_shared>>) offsets(%dma_start3A_357 : memref<64xi32, #tpu.memory_space<vmem>>) semaphore(%run_scoped3A_354 : memref<!tpu.dma_semaphore, #tpu.memory_space<semaphore_mem>>) {add = true}
        %dma_wait3A_361 = arith.constant 0 : i32
        %dma_wait3A_362 = tpu.memref_slice %arg7[%add3A_321, %dma_wait3A_361] : memref<40x64xi32, #tpu.memory_space<vmem>> -> memref<1x64xi32, #tpu.memory_space<vmem>>
        %dma_wait3A_363 = tpu.memref_squeeze %dma_wait3A_362 : memref<1x64xi32, #tpu.memory_space<vmem>> -> memref<64xi32, #tpu.memory_space<vmem>>
        %dma_wait3A_364 = arith.constant 0 : i32
        %dma_wait3A_365 = arith.constant 0 : i32
        %dma_wait3A_366 = tpu.memref_slice %arg12[%dma_wait3A_364, %dma_wait3A_365] : memref<10112x128xf32, #tpu.memory_space<vmem_shared>> -> memref<10112x128xf32, #tpu.memory_space<vmem_shared>>
        tpu.wait_indirect_dma semaphore(%run_scoped3A_354 : memref<!tpu.dma_semaphore, #tpu.memory_space<semaphore_mem>>) src(%arg10 : memref<64x128xf32, #tpu.memory_space<vmem>>) dst(%dma_wait3A_366 : memref<10112x128xf32, #tpu.memory_space<vmem_shared>>)
        tpu.yield
      }) : () -> ()
      %add3A_328 = arith.constant 4 : i32
      %add3A_329 = arith.addi %add3A_321, %add3A_328 : i32
      %dma_start3A_330 = arith.constant 0 : i32
      %dma_start3A_331 = tpu.memref_slice %arg6[%add3A_329, %dma_start3A_330] : memref<40x64xi32, #tpu.memory_space<vmem>> -> memref<1x64xi32, #tpu.memory_space<vmem>>
      %dma_start3A_332 = tpu.memref_squeeze %dma_start3A_331 : memref<1x64xi32, #tpu.memory_space<vmem>> -> memref<64xi32, #tpu.memory_space<vmem>>
      %dma_start3A_333 = arith.constant 0 : i32
      %dma_start3A_334 = arith.constant 0 : i32
      %dma_start3A_335 = tpu.memref_slice %arg2[%dma_start3A_333, %dma_start3A_334] : memref<20480x128xf32, #tpu.memory_space<hbm>> -> memref<20480x128xf32, #tpu.memory_space<hbm>>
      tpu.enqueue_indirect_dma source(%dma_start3A_335 : memref<20480x128xf32, #tpu.memory_space<hbm>>) target(%arg10 : memref<64x128xf32, #tpu.memory_space<vmem>>) offsets(%dma_start3A_332 : memref<64xi32, #tpu.memory_space<vmem>>) semaphore(%arg15 : memref<!tpu.dma_semaphore, #tpu.memory_space<semaphore_mem>>)
      %mul3A_336 = arith.constant 4 : i32
      %mul3A_337 = arith.muli %scan3A_281, %mul3A_336 : i32
      %add3A_338 = arith.constant 3 : i32
      %add3A_339 = arith.addi %mul3A_337, %add3A_338 : i32
      %dma_wait3A_340 = arith.constant 0 : i32
      %dma_wait3A_341 = tpu.memref_slice %arg6[%add3A_339, %dma_wait3A_340] : memref<40x64xi32, #tpu.memory_space<vmem>> -> memref<1x64xi32, #tpu.memory_space<vmem>>
      %dma_wait3A_342 = tpu.memref_squeeze %dma_wait3A_341 : memref<1x64xi32, #tpu.memory_space<vmem>> -> memref<64xi32, #tpu.memory_space<vmem>>
      %dma_wait3A_343 = arith.constant 0 : i32
      %dma_wait3A_344 = arith.constant 0 : i32
      %dma_wait3A_345 = tpu.memref_slice %arg2[%dma_wait3A_343, %dma_wait3A_344] : memref<20480x128xf32, #tpu.memory_space<hbm>> -> memref<20480x128xf32, #tpu.memory_space<hbm>>
      tpu.wait_indirect_dma semaphore(%arg16 : memref<!tpu.dma_semaphore, #tpu.memory_space<semaphore_mem>>) src(%dma_wait3A_345 : memref<20480x128xf32, #tpu.memory_space<hbm>>) dst(%arg11 : memref<64x128xf32, #tpu.memory_space<vmem>>)
      "tpu.region"() ({
        %run_scoped3A_354 = tpu.sem_alloc : memref<!tpu.dma_semaphore, #tpu.memory_space<semaphore_mem>>
        %dma_start3A_355 = arith.constant 0 : i32
        %dma_start3A_356 = tpu.memref_slice %arg7[%add3A_339, %dma_start3A_355] : memref<40x64xi32, #tpu.memory_space<vmem>> -> memref<1x64xi32, #tpu.memory_space<vmem>>
        %dma_start3A_357 = tpu.memref_squeeze %dma_start3A_356 : memref<1x64xi32, #tpu.memory_space<vmem>> -> memref<64xi32, #tpu.memory_space<vmem>>
        %dma_start3A_358 = arith.constant 0 : i32
        %dma_start3A_359 = arith.constant 0 : i32
        %dma_start3A_360 = tpu.memref_slice %arg12[%dma_start3A_358, %dma_start3A_359] : memref<10112x128xf32, #tpu.memory_space<vmem_shared>> -> memref<10112x128xf32, #tpu.memory_space<vmem_shared>>
        tpu.enqueue_indirect_dma source(%arg11 : memref<64x128xf32, #tpu.memory_space<vmem>>) target(%dma_start3A_360 : memref<10112x128xf32, #tpu.memory_space<vmem_shared>>) offsets(%dma_start3A_357 : memref<64xi32, #tpu.memory_space<vmem>>) semaphore(%run_scoped3A_354 : memref<!tpu.dma_semaphore, #tpu.memory_space<semaphore_mem>>) {add = true}
        %dma_wait3A_361 = arith.constant 0 : i32
        %dma_wait3A_362 = tpu.memref_slice %arg7[%add3A_339, %dma_wait3A_361] : memref<40x64xi32, #tpu.memory_space<vmem>> -> memref<1x64xi32, #tpu.memory_space<vmem>>
        %dma_wait3A_363 = tpu.memref_squeeze %dma_wait3A_362 : memref<1x64xi32, #tpu.memory_space<vmem>> -> memref<64xi32, #tpu.memory_space<vmem>>
        %dma_wait3A_364 = arith.constant 0 : i32
        %dma_wait3A_365 = arith.constant 0 : i32
        %dma_wait3A_366 = tpu.memref_slice %arg12[%dma_wait3A_364, %dma_wait3A_365] : memref<10112x128xf32, #tpu.memory_space<vmem_shared>> -> memref<10112x128xf32, #tpu.memory_space<vmem_shared>>
        tpu.wait_indirect_dma semaphore(%run_scoped3A_354 : memref<!tpu.dma_semaphore, #tpu.memory_space<semaphore_mem>>) src(%arg11 : memref<64x128xf32, #tpu.memory_space<vmem>>) dst(%dma_wait3A_366 : memref<10112x128xf32, #tpu.memory_space<vmem_shared>>)
        tpu.yield
      }) : () -> ()
      %add3A_346 = arith.constant 4 : i32
      %add3A_347 = arith.addi %add3A_339, %add3A_346 : i32
      %dma_start3A_348 = arith.constant 0 : i32
      %dma_start3A_349 = tpu.memref_slice %arg6[%add3A_347, %dma_start3A_348] : memref<40x64xi32, #tpu.memory_space<vmem>> -> memref<1x64xi32, #tpu.memory_space<vmem>>
      %dma_start3A_350 = tpu.memref_squeeze %dma_start3A_349 : memref<1x64xi32, #tpu.memory_space<vmem>> -> memref<64xi32, #tpu.memory_space<vmem>>
      %dma_start3A_351 = arith.constant 0 : i32
      %dma_start3A_352 = arith.constant 0 : i32
      %dma_start3A_353 = tpu.memref_slice %arg2[%dma_start3A_351, %dma_start3A_352] : memref<20480x128xf32, #tpu.memory_space<hbm>> -> memref<20480x128xf32, #tpu.memory_space<hbm>>
      tpu.enqueue_indirect_dma source(%dma_start3A_353 : memref<20480x128xf32, #tpu.memory_space<hbm>>) target(%arg11 : memref<64x128xf32, #tpu.memory_space<vmem>>) offsets(%dma_start3A_350 : memref<64xi32, #tpu.memory_space<vmem>>) semaphore(%arg16 : memref<!tpu.dma_semaphore, #tpu.memory_space<semaphore_mem>>)
    }
    %scan3A_104 = arith.constant 9 : i32
    %dma_wait3A_105 = arith.constant 36 : i32
    %dma_wait3A_106 = arith.constant 0 : i32
    %dma_wait3A_107 = tpu.memref_slice %arg6[%dma_wait3A_105, %dma_wait3A_106] : memref<40x64xi32, #tpu.memory_space<vmem>> -> memref<1x64xi32, #tpu.memory_space<vmem>>
    %dma_wait3A_108 = tpu.memref_squeeze %dma_wait3A_107 : memref<1x64xi32, #tpu.memory_space<vmem>> -> memref<64xi32, #tpu.memory_space<vmem>>
    %dma_wait3A_109 = arith.constant 0 : i32
    %dma_wait3A_110 = arith.constant 0 : i32
    %dma_wait3A_111 = tpu.memref_slice %arg2[%dma_wait3A_109, %dma_wait3A_110] : memref<20480x128xf32, #tpu.memory_space<hbm>> -> memref<20480x128xf32, #tpu.memory_space<hbm>>
    tpu.wait_indirect_dma semaphore(%arg13 : memref<!tpu.dma_semaphore, #tpu.memory_space<semaphore_mem>>) src(%dma_wait3A_111 : memref<20480x128xf32, #tpu.memory_space<hbm>>) dst(%arg8 : memref<64x128xf32, #tpu.memory_space<vmem>>)
    %run_scoped3A_112 = arith.constant 36 : i32
    "tpu.region"() ({
      %run_scoped3A_281 = tpu.sem_alloc : memref<!tpu.dma_semaphore, #tpu.memory_space<semaphore_mem>>
      %dma_start3A_282 = arith.constant 0 : i32
      %dma_start3A_283 = tpu.memref_slice %arg7[%run_scoped3A_112, %dma_start3A_282] : memref<40x64xi32, #tpu.memory_space<vmem>> -> memref<1x64xi32, #tpu.memory_space<vmem>>
      %dma_start3A_284 = tpu.memref_squeeze %dma_start3A_283 : memref<1x64xi32, #tpu.memory_space<vmem>> -> memref<64xi32, #tpu.memory_space<vmem>>
      %dma_start3A_285 = arith.constant 0 : i32
      %dma_start3A_286 = arith.constant 0 : i32
      %dma_start3A_287 = tpu.memref_slice %arg12[%dma_start3A_285, %dma_start3A_286] : memref<10112x128xf32, #tpu.memory_space<vmem_shared>> -> memref<10112x128xf32, #tpu.memory_space<vmem_shared>>
      tpu.enqueue_indirect_dma source(%arg8 : memref<64x128xf32, #tpu.memory_space<vmem>>) target(%dma_start3A_287 : memref<10112x128xf32, #tpu.memory_space<vmem_shared>>) offsets(%dma_start3A_284 : memref<64xi32, #tpu.memory_space<vmem>>) semaphore(%run_scoped3A_281 : memref<!tpu.dma_semaphore, #tpu.memory_space<semaphore_mem>>) {add = true}
      %dma_wait3A_288 = arith.constant 0 : i32
      %dma_wait3A_289 = tpu.memref_slice %arg7[%run_scoped3A_112, %dma_wait3A_288] : memref<40x64xi32, #tpu.memory_space<vmem>> -> memref<1x64xi32, #tpu.memory_space<vmem>>
      %dma_wait3A_290 = tpu.memref_squeeze %dma_wait3A_289 : memref<1x64xi32, #tpu.memory_space<vmem>> -> memref<64xi32, #tpu.memory_space<vmem>>
      %dma_wait3A_291 = arith.constant 0 : i32
      %dma_wait3A_292 = arith.constant 0 : i32
      %dma_wait3A_293 = tpu.memref_slice %arg12[%dma_wait3A_291, %dma_wait3A_292] : memref<10112x128xf32, #tpu.memory_space<vmem_shared>> -> memref<10112x128xf32, #tpu.memory_space<vmem_shared>>
      tpu.wait_indirect_dma semaphore(%run_scoped3A_281 : memref<!tpu.dma_semaphore, #tpu.memory_space<semaphore_mem>>) src(%arg8 : memref<64x128xf32, #tpu.memory_space<vmem>>) dst(%dma_wait3A_293 : memref<10112x128xf32, #tpu.memory_space<vmem_shared>>)
      tpu.yield
    }) : () -> ()
    %dma_wait3A_113 = arith.constant 37 : i32
    %dma_wait3A_114 = arith.constant 0 : i32
    %dma_wait3A_115 = tpu.memref_slice %arg6[%dma_wait3A_113, %dma_wait3A_114] : memref<40x64xi32, #tpu.memory_space<vmem>> -> memref<1x64xi32, #tpu.memory_space<vmem>>
    %dma_wait3A_116 = tpu.memref_squeeze %dma_wait3A_115 : memref<1x64xi32, #tpu.memory_space<vmem>> -> memref<64xi32, #tpu.memory_space<vmem>>
    %dma_wait3A_117 = arith.constant 0 : i32
    %dma_wait3A_118 = arith.constant 0 : i32
    %dma_wait3A_119 = tpu.memref_slice %arg2[%dma_wait3A_117, %dma_wait3A_118] : memref<20480x128xf32, #tpu.memory_space<hbm>> -> memref<20480x128xf32, #tpu.memory_space<hbm>>
    tpu.wait_indirect_dma semaphore(%arg14 : memref<!tpu.dma_semaphore, #tpu.memory_space<semaphore_mem>>) src(%dma_wait3A_119 : memref<20480x128xf32, #tpu.memory_space<hbm>>) dst(%arg9 : memref<64x128xf32, #tpu.memory_space<vmem>>)
    %run_scoped3A_120 = arith.constant 37 : i32
    "tpu.region"() ({
      %run_scoped3A_281 = tpu.sem_alloc : memref<!tpu.dma_semaphore, #tpu.memory_space<semaphore_mem>>
      %dma_start3A_282 = arith.constant 0 : i32
      %dma_start3A_283 = tpu.memref_slice %arg7[%run_scoped3A_120, %dma_start3A_282] : memref<40x64xi32, #tpu.memory_space<vmem>> -> memref<1x64xi32, #tpu.memory_space<vmem>>
      %dma_start3A_284 = tpu.memref_squeeze %dma_start3A_283 : memref<1x64xi32, #tpu.memory_space<vmem>> -> memref<64xi32, #tpu.memory_space<vmem>>
      %dma_start3A_285 = arith.constant 0 : i32
      %dma_start3A_286 = arith.constant 0 : i32
      %dma_start3A_287 = tpu.memref_slice %arg12[%dma_start3A_285, %dma_start3A_286] : memref<10112x128xf32, #tpu.memory_space<vmem_shared>> -> memref<10112x128xf32, #tpu.memory_space<vmem_shared>>
      tpu.enqueue_indirect_dma source(%arg9 : memref<64x128xf32, #tpu.memory_space<vmem>>) target(%dma_start3A_287 : memref<10112x128xf32, #tpu.memory_space<vmem_shared>>) offsets(%dma_start3A_284 : memref<64xi32, #tpu.memory_space<vmem>>) semaphore(%run_scoped3A_281 : memref<!tpu.dma_semaphore, #tpu.memory_space<semaphore_mem>>) {add = true}
      %dma_wait3A_288 = arith.constant 0 : i32
      %dma_wait3A_289 = tpu.memref_slice %arg7[%run_scoped3A_120, %dma_wait3A_288] : memref<40x64xi32, #tpu.memory_space<vmem>> -> memref<1x64xi32, #tpu.memory_space<vmem>>
      %dma_wait3A_290 = tpu.memref_squeeze %dma_wait3A_289 : memref<1x64xi32, #tpu.memory_space<vmem>> -> memref<64xi32, #tpu.memory_space<vmem>>
      %dma_wait3A_291 = arith.constant 0 : i32
      %dma_wait3A_292 = arith.constant 0 : i32
      %dma_wait3A_293 = tpu.memref_slice %arg12[%dma_wait3A_291, %dma_wait3A_292] : memref<10112x128xf32, #tpu.memory_space<vmem_shared>> -> memref<10112x128xf32, #tpu.memory_space<vmem_shared>>
      tpu.wait_indirect_dma semaphore(%run_scoped3A_281 : memref<!tpu.dma_semaphore, #tpu.memory_space<semaphore_mem>>) src(%arg9 : memref<64x128xf32, #tpu.memory_space<vmem>>) dst(%dma_wait3A_293 : memref<10112x128xf32, #tpu.memory_space<vmem_shared>>)
      tpu.yield
    }) : () -> ()
    %dma_wait3A_121 = arith.constant 38 : i32
    %dma_wait3A_122 = arith.constant 0 : i32
    %dma_wait3A_123 = tpu.memref_slice %arg6[%dma_wait3A_121, %dma_wait3A_122] : memref<40x64xi32, #tpu.memory_space<vmem>> -> memref<1x64xi32, #tpu.memory_space<vmem>>
    %dma_wait3A_124 = tpu.memref_squeeze %dma_wait3A_123 : memref<1x64xi32, #tpu.memory_space<vmem>> -> memref<64xi32, #tpu.memory_space<vmem>>
    %dma_wait3A_125 = arith.constant 0 : i32
    %dma_wait3A_126 = arith.constant 0 : i32
    %dma_wait3A_127 = tpu.memref_slice %arg2[%dma_wait3A_125, %dma_wait3A_126] : memref<20480x128xf32, #tpu.memory_space<hbm>> -> memref<20480x128xf32, #tpu.memory_space<hbm>>
    tpu.wait_indirect_dma semaphore(%arg15 : memref<!tpu.dma_semaphore, #tpu.memory_space<semaphore_mem>>) src(%dma_wait3A_127 : memref<20480x128xf32, #tpu.memory_space<hbm>>) dst(%arg10 : memref<64x128xf32, #tpu.memory_space<vmem>>)
    %run_scoped3A_128 = arith.constant 38 : i32
    "tpu.region"() ({
      %run_scoped3A_281 = tpu.sem_alloc : memref<!tpu.dma_semaphore, #tpu.memory_space<semaphore_mem>>
      %dma_start3A_282 = arith.constant 0 : i32
      %dma_start3A_283 = tpu.memref_slice %arg7[%run_scoped3A_128, %dma_start3A_282] : memref<40x64xi32, #tpu.memory_space<vmem>> -> memref<1x64xi32, #tpu.memory_space<vmem>>
      %dma_start3A_284 = tpu.memref_squeeze %dma_start3A_283 : memref<1x64xi32, #tpu.memory_space<vmem>> -> memref<64xi32, #tpu.memory_space<vmem>>
      %dma_start3A_285 = arith.constant 0 : i32
      %dma_start3A_286 = arith.constant 0 : i32
      %dma_start3A_287 = tpu.memref_slice %arg12[%dma_start3A_285, %dma_start3A_286] : memref<10112x128xf32, #tpu.memory_space<vmem_shared>> -> memref<10112x128xf32, #tpu.memory_space<vmem_shared>>
      tpu.enqueue_indirect_dma source(%arg10 : memref<64x128xf32, #tpu.memory_space<vmem>>) target(%dma_start3A_287 : memref<10112x128xf32, #tpu.memory_space<vmem_shared>>) offsets(%dma_start3A_284 : memref<64xi32, #tpu.memory_space<vmem>>) semaphore(%run_scoped3A_281 : memref<!tpu.dma_semaphore, #tpu.memory_space<semaphore_mem>>) {add = true}
      %dma_wait3A_288 = arith.constant 0 : i32
      %dma_wait3A_289 = tpu.memref_slice %arg7[%run_scoped3A_128, %dma_wait3A_288] : memref<40x64xi32, #tpu.memory_space<vmem>> -> memref<1x64xi32, #tpu.memory_space<vmem>>
      %dma_wait3A_290 = tpu.memref_squeeze %dma_wait3A_289 : memref<1x64xi32, #tpu.memory_space<vmem>> -> memref<64xi32, #tpu.memory_space<vmem>>
      %dma_wait3A_291 = arith.constant 0 : i32
      %dma_wait3A_292 = arith.constant 0 : i32
      %dma_wait3A_293 = tpu.memref_slice %arg12[%dma_wait3A_291, %dma_wait3A_292] : memref<10112x128xf32, #tpu.memory_space<vmem_shared>> -> memref<10112x128xf32, #tpu.memory_space<vmem_shared>>
      tpu.wait_indirect_dma semaphore(%run_scoped3A_281 : memref<!tpu.dma_semaphore, #tpu.memory_space<semaphore_mem>>) src(%arg10 : memref<64x128xf32, #tpu.memory_space<vmem>>) dst(%dma_wait3A_293 : memref<10112x128xf32, #tpu.memory_space<vmem_shared>>)
      tpu.yield
    }) : () -> ()
    %dma_wait3A_129 = arith.constant 39 : i32
    %dma_wait3A_130 = arith.constant 0 : i32
    %dma_wait3A_131 = tpu.memref_slice %arg6[%dma_wait3A_129, %dma_wait3A_130] : memref<40x64xi32, #tpu.memory_space<vmem>> -> memref<1x64xi32, #tpu.memory_space<vmem>>
    %dma_wait3A_132 = tpu.memref_squeeze %dma_wait3A_131 : memref<1x64xi32, #tpu.memory_space<vmem>> -> memref<64xi32, #tpu.memory_space<vmem>>
    %dma_wait3A_133 = arith.constant 0 : i32
    %dma_wait3A_134 = arith.constant 0 : i32
    %dma_wait3A_135 = tpu.memref_slice %arg2[%dma_wait3A_133, %dma_wait3A_134] : memref<20480x128xf32, #tpu.memory_space<hbm>> -> memref<20480x128xf32, #tpu.memory_space<hbm>>
    tpu.wait_indirect_dma semaphore(%arg16 : memref<!tpu.dma_semaphore, #tpu.memory_space<semaphore_mem>>) src(%dma_wait3A_135 : memref<20480x128xf32, #tpu.memory_space<hbm>>) dst(%arg11 : memref<64x128xf32, #tpu.memory_space<vmem>>)
    %run_scoped3A_136 = arith.constant 39 : i32
    "tpu.region"() ({
      %run_scoped3A_281 = tpu.sem_alloc : memref<!tpu.dma_semaphore, #tpu.memory_space<semaphore_mem>>
      %dma_start3A_282 = arith.constant 0 : i32
      %dma_start3A_283 = tpu.memref_slice %arg7[%run_scoped3A_136, %dma_start3A_282] : memref<40x64xi32, #tpu.memory_space<vmem>> -> memref<1x64xi32, #tpu.memory_space<vmem>>
      %dma_start3A_284 = tpu.memref_squeeze %dma_start3A_283 : memref<1x64xi32, #tpu.memory_space<vmem>> -> memref<64xi32, #tpu.memory_space<vmem>>
      %dma_start3A_285 = arith.constant 0 : i32
      %dma_start3A_286 = arith.constant 0 : i32
      %dma_start3A_287 = tpu.memref_slice %arg12[%dma_start3A_285, %dma_start3A_286] : memref<10112x128xf32, #tpu.memory_space<vmem_shared>> -> memref<10112x128xf32, #tpu.memory_space<vmem_shared>>
      tpu.enqueue_indirect_dma source(%arg11 : memref<64x128xf32, #tpu.memory_space<vmem>>) target(%dma_start3A_287 : memref<10112x128xf32, #tpu.memory_space<vmem_shared>>) offsets(%dma_start3A_284 : memref<64xi32, #tpu.memory_space<vmem>>) semaphore(%run_scoped3A_281 : memref<!tpu.dma_semaphore, #tpu.memory_space<semaphore_mem>>) {add = true}
      %dma_wait3A_288 = arith.constant 0 : i32
      %dma_wait3A_289 = tpu.memref_slice %arg7[%run_scoped3A_136, %dma_wait3A_288] : memref<40x64xi32, #tpu.memory_space<vmem>> -> memref<1x64xi32, #tpu.memory_space<vmem>>
      %dma_wait3A_290 = tpu.memref_squeeze %dma_wait3A_289 : memref<1x64xi32, #tpu.memory_space<vmem>> -> memref<64xi32, #tpu.memory_space<vmem>>
      %dma_wait3A_291 = arith.constant 0 : i32
      %dma_wait3A_292 = arith.constant 0 : i32
      %dma_wait3A_293 = tpu.memref_slice %arg12[%dma_wait3A_291, %dma_wait3A_292] : memref<10112x128xf32, #tpu.memory_space<vmem_shared>> -> memref<10112x128xf32, #tpu.memory_space<vmem_shared>>
      tpu.wait_indirect_dma semaphore(%run_scoped3A_281 : memref<!tpu.dma_semaphore, #tpu.memory_space<semaphore_mem>>) src(%arg11 : memref<64x128xf32, #tpu.memory_space<vmem>>) dst(%dma_wait3A_293 : memref<10112x128xf32, #tpu.memory_space<vmem_shared>>)
      tpu.yield
    }) : () -> ()
    %run_scoped3A_137 = arith.constant 2 : i32
    "tpu.region"() ({
      %run_scoped3A_281 = tpu.sem_alloc : memref<!tpu.dma_semaphore, #tpu.memory_space<semaphore_mem>>
      %dma_start3A_282 = arith.constant 0 : i32
      %dma_start3A_283 = arith.constant 0 : i32
      %dma_start3A_284 = tpu.memref_slice %arg3[%arg0, %arg1, %run_scoped3A_137, %dma_start3A_282, %dma_start3A_283] : memref<2x16x4x40x64xi32, #tpu.memory_space<hbm>> -> memref<1x1x1x40x64xi32, #tpu.memory_space<hbm>>
      %dma_start3A_285 = tpu.memref_squeeze %dma_start3A_284 : memref<1x1x1x40x64xi32, #tpu.memory_space<hbm>> -> memref<40x64xi32, #tpu.memory_space<hbm>>
      %dma_start3A_286 = arith.constant 0 : i32
      %dma_start3A_287 = arith.constant 0 : i32
      %dma_start3A_288 = tpu.memref_slice %arg3[%arg0, %arg1, %run_scoped3A_137, %dma_start3A_286, %dma_start3A_287] : memref<2x16x4x40x64xi32, #tpu.memory_space<hbm>> -> memref<1x1x1x40x64xi32, #tpu.memory_space<hbm>>
      %dma_start3A_289 = tpu.memref_squeeze %dma_start3A_288 : memref<1x1x1x40x64xi32, #tpu.memory_space<hbm>> -> memref<40x64xi32, #tpu.memory_space<hbm>>
      tpu.enqueue_dma source(%dma_start3A_289 : memref<40x64xi32, #tpu.memory_space<hbm>>) target(%arg6 : memref<40x64xi32, #tpu.memory_space<vmem>>) target_semaphore(%run_scoped3A_281 : memref<!tpu.dma_semaphore, #tpu.memory_space<semaphore_mem>>)
      %dma_wait3A_290 = arith.constant 0 : i32
      %dma_wait3A_291 = arith.constant 0 : i32
      %dma_wait3A_292 = tpu.memref_slice %arg3[%arg0, %arg1, %run_scoped3A_137, %dma_wait3A_290, %dma_wait3A_291] : memref<2x16x4x40x64xi32, #tpu.memory_space<hbm>> -> memref<1x1x1x40x64xi32, #tpu.memory_space<hbm>>
      %dma_wait3A_293 = tpu.memref_squeeze %dma_wait3A_292 : memref<1x1x1x40x64xi32, #tpu.memory_space<hbm>> -> memref<40x64xi32, #tpu.memory_space<hbm>>
      %dma_wait3A_294 = arith.constant 0 : i32
      %dma_wait3A_295 = arith.constant 0 : i32
      %dma_wait3A_296 = tpu.memref_slice %arg3[%arg0, %arg1, %run_scoped3A_137, %dma_wait3A_294, %dma_wait3A_295] : memref<2x16x4x40x64xi32, #tpu.memory_space<hbm>> -> memref<1x1x1x40x64xi32, #tpu.memory_space<hbm>>
      %dma_wait3A_297 = tpu.memref_squeeze %dma_wait3A_296 : memref<1x1x1x40x64xi32, #tpu.memory_space<hbm>> -> memref<40x64xi32, #tpu.memory_space<hbm>>
      tpu.wait_dma2 semaphore(%run_scoped3A_281 : memref<!tpu.dma_semaphore, #tpu.memory_space<semaphore_mem>>) src(%dma_wait3A_297 : memref<40x64xi32, #tpu.memory_space<hbm>>) dst(%arg6 : memref<40x64xi32, #tpu.memory_space<vmem>>)
      tpu.yield
    }) : () -> ()
    %run_scoped3A_138 = arith.constant 2 : i32
    "tpu.region"() ({
      %run_scoped3A_281 = tpu.sem_alloc : memref<!tpu.dma_semaphore, #tpu.memory_space<semaphore_mem>>
      %dma_start3A_282 = arith.constant 0 : i32
      %dma_start3A_283 = arith.constant 0 : i32
      %dma_start3A_284 = tpu.memref_slice %arg4[%arg1, %run_scoped3A_138, %dma_start3A_282, %dma_start3A_283] : memref<16x4x40x64xi32, #tpu.memory_space<hbm>> -> memref<1x1x40x64xi32, #tpu.memory_space<hbm>>
      %dma_start3A_285 = tpu.memref_squeeze %dma_start3A_284 : memref<1x1x40x64xi32, #tpu.memory_space<hbm>> -> memref<40x64xi32, #tpu.memory_space<hbm>>
      %dma_start3A_286 = arith.constant 0 : i32
      %dma_start3A_287 = arith.constant 0 : i32
      %dma_start3A_288 = tpu.memref_slice %arg4[%arg1, %run_scoped3A_138, %dma_start3A_286, %dma_start3A_287] : memref<16x4x40x64xi32, #tpu.memory_space<hbm>> -> memref<1x1x40x64xi32, #tpu.memory_space<hbm>>
      %dma_start3A_289 = tpu.memref_squeeze %dma_start3A_288 : memref<1x1x40x64xi32, #tpu.memory_space<hbm>> -> memref<40x64xi32, #tpu.memory_space<hbm>>
      tpu.enqueue_dma source(%dma_start3A_289 : memref<40x64xi32, #tpu.memory_space<hbm>>) target(%arg7 : memref<40x64xi32, #tpu.memory_space<vmem>>) target_semaphore(%run_scoped3A_281 : memref<!tpu.dma_semaphore, #tpu.memory_space<semaphore_mem>>)
      %dma_wait3A_290 = arith.constant 0 : i32
      %dma_wait3A_291 = arith.constant 0 : i32
      %dma_wait3A_292 = tpu.memref_slice %arg4[%arg1, %run_scoped3A_138, %dma_wait3A_290, %dma_wait3A_291] : memref<16x4x40x64xi32, #tpu.memory_space<hbm>> -> memref<1x1x40x64xi32, #tpu.memory_space<hbm>>
      %dma_wait3A_293 = tpu.memref_squeeze %dma_wait3A_292 : memref<1x1x40x64xi32, #tpu.memory_space<hbm>> -> memref<40x64xi32, #tpu.memory_space<hbm>>
      %dma_wait3A_294 = arith.constant 0 : i32
      %dma_wait3A_295 = arith.constant 0 : i32
      %dma_wait3A_296 = tpu.memref_slice %arg4[%arg1, %run_scoped3A_138, %dma_wait3A_294, %dma_wait3A_295] : memref<16x4x40x64xi32, #tpu.memory_space<hbm>> -> memref<1x1x40x64xi32, #tpu.memory_space<hbm>>
      %dma_wait3A_297 = tpu.memref_squeeze %dma_wait3A_296 : memref<1x1x40x64xi32, #tpu.memory_space<hbm>> -> memref<40x64xi32, #tpu.memory_space<hbm>>
      tpu.wait_dma2 semaphore(%run_scoped3A_281 : memref<!tpu.dma_semaphore, #tpu.memory_space<semaphore_mem>>) src(%dma_wait3A_297 : memref<40x64xi32, #tpu.memory_space<hbm>>) dst(%arg7 : memref<40x64xi32, #tpu.memory_space<vmem>>)
      tpu.yield
    }) : () -> ()
    %dma_start3A_139 = arith.constant 0 : i32
    %dma_start3A_140 = arith.constant 0 : i32
    %dma_start3A_141 = tpu.memref_slice %arg6[%dma_start3A_139, %dma_start3A_140] : memref<40x64xi32, #tpu.memory_space<vmem>> -> memref<1x64xi32, #tpu.memory_space<vmem>>
    %dma_start3A_142 = tpu.memref_squeeze %dma_start3A_141 : memref<1x64xi32, #tpu.memory_space<vmem>> -> memref<64xi32, #tpu.memory_space<vmem>>
    %dma_start3A_143 = arith.constant 0 : i32
    %dma_start3A_144 = arith.constant 0 : i32
    %dma_start3A_145 = tpu.memref_slice %arg2[%dma_start3A_143, %dma_start3A_144] : memref<20480x128xf32, #tpu.memory_space<hbm>> -> memref<20480x128xf32, #tpu.memory_space<hbm>>
    tpu.enqueue_indirect_dma source(%dma_start3A_145 : memref<20480x128xf32, #tpu.memory_space<hbm>>) target(%arg8 : memref<64x128xf32, #tpu.memory_space<vmem>>) offsets(%dma_start3A_142 : memref<64xi32, #tpu.memory_space<vmem>>) semaphore(%arg13 : memref<!tpu.dma_semaphore, #tpu.memory_space<semaphore_mem>>)
    %dma_start3A_146 = arith.constant 1 : i32
    %dma_start3A_147 = arith.constant 0 : i32
    %dma_start3A_148 = tpu.memref_slice %arg6[%dma_start3A_146, %dma_start3A_147] : memref<40x64xi32, #tpu.memory_space<vmem>> -> memref<1x64xi32, #tpu.memory_space<vmem>>
    %dma_start3A_149 = tpu.memref_squeeze %dma_start3A_148 : memref<1x64xi32, #tpu.memory_space<vmem>> -> memref<64xi32, #tpu.memory_space<vmem>>
    %dma_start3A_150 = arith.constant 0 : i32
    %dma_start3A_151 = arith.constant 0 : i32
    %dma_start3A_152 = tpu.memref_slice %arg2[%dma_start3A_150, %dma_start3A_151] : memref<20480x128xf32, #tpu.memory_space<hbm>> -> memref<20480x128xf32, #tpu.memory_space<hbm>>
    tpu.enqueue_indirect_dma source(%dma_start3A_152 : memref<20480x128xf32, #tpu.memory_space<hbm>>) target(%arg9 : memref<64x128xf32, #tpu.memory_space<vmem>>) offsets(%dma_start3A_149 : memref<64xi32, #tpu.memory_space<vmem>>) semaphore(%arg14 : memref<!tpu.dma_semaphore, #tpu.memory_space<semaphore_mem>>)
    %dma_start3A_153 = arith.constant 2 : i32
    %dma_start3A_154 = arith.constant 0 : i32
    %dma_start3A_155 = tpu.memref_slice %arg6[%dma_start3A_153, %dma_start3A_154] : memref<40x64xi32, #tpu.memory_space<vmem>> -> memref<1x64xi32, #tpu.memory_space<vmem>>
    %dma_start3A_156 = tpu.memref_squeeze %dma_start3A_155 : memref<1x64xi32, #tpu.memory_space<vmem>> -> memref<64xi32, #tpu.memory_space<vmem>>
    %dma_start3A_157 = arith.constant 0 : i32
    %dma_start3A_158 = arith.constant 0 : i32
    %dma_start3A_159 = tpu.memref_slice %arg2[%dma_start3A_157, %dma_start3A_158] : memref<20480x128xf32, #tpu.memory_space<hbm>> -> memref<20480x128xf32, #tpu.memory_space<hbm>>
    tpu.enqueue_indirect_dma source(%dma_start3A_159 : memref<20480x128xf32, #tpu.memory_space<hbm>>) target(%arg10 : memref<64x128xf32, #tpu.memory_space<vmem>>) offsets(%dma_start3A_156 : memref<64xi32, #tpu.memory_space<vmem>>) semaphore(%arg15 : memref<!tpu.dma_semaphore, #tpu.memory_space<semaphore_mem>>)
    %dma_start3A_160 = arith.constant 3 : i32
    %dma_start3A_161 = arith.constant 0 : i32
    %dma_start3A_162 = tpu.memref_slice %arg6[%dma_start3A_160, %dma_start3A_161] : memref<40x64xi32, #tpu.memory_space<vmem>> -> memref<1x64xi32, #tpu.memory_space<vmem>>
    %dma_start3A_163 = tpu.memref_squeeze %dma_start3A_162 : memref<1x64xi32, #tpu.memory_space<vmem>> -> memref<64xi32, #tpu.memory_space<vmem>>
    %dma_start3A_164 = arith.constant 0 : i32
    %dma_start3A_165 = arith.constant 0 : i32
    %dma_start3A_166 = tpu.memref_slice %arg2[%dma_start3A_164, %dma_start3A_165] : memref<20480x128xf32, #tpu.memory_space<hbm>> -> memref<20480x128xf32, #tpu.memory_space<hbm>>
    tpu.enqueue_indirect_dma source(%dma_start3A_166 : memref<20480x128xf32, #tpu.memory_space<hbm>>) target(%arg11 : memref<64x128xf32, #tpu.memory_space<vmem>>) offsets(%dma_start3A_163 : memref<64xi32, #tpu.memory_space<vmem>>) semaphore(%arg16 : memref<!tpu.dma_semaphore, #tpu.memory_space<semaphore_mem>>)
    %scan3A_167 = arith.constant 0 : i32
    %scan3A_168 = arith.constant 0 : i32
    %scan3A_169 = arith.constant 9 : i32
    %scan3A_170 = arith.addi %scan3A_168, %scan3A_169 : i32
    %scan3A_171 = arith.constant 1 : i32
    scf.for %scan3A_281 = %scan3A_168 to %scan3A_170 step %scan3A_171  : i32 {
      %mul3A_282 = arith.constant 4 : i32
      %mul3A_283 = arith.muli %scan3A_281, %mul3A_282 : i32
      %add3A_284 = arith.constant 0 : i32
      %add3A_285 = arith.addi %mul3A_283, %add3A_284 : i32
      %dma_wait3A_286 = arith.constant 0 : i32
      %dma_wait3A_287 = tpu.memref_slice %arg6[%add3A_285, %dma_wait3A_286] : memref<40x64xi32, #tpu.memory_space<vmem>> -> memref<1x64xi32, #tpu.memory_space<vmem>>
      %dma_wait3A_288 = tpu.memref_squeeze %dma_wait3A_287 : memref<1x64xi32, #tpu.memory_space<vmem>> -> memref<64xi32, #tpu.memory_space<vmem>>
      %dma_wait3A_289 = arith.constant 0 : i32
      %dma_wait3A_290 = arith.constant 0 : i32
      %dma_wait3A_291 = tpu.memref_slice %arg2[%dma_wait3A_289, %dma_wait3A_290] : memref<20480x128xf32, #tpu.memory_space<hbm>> -> memref<20480x128xf32, #tpu.memory_space<hbm>>
      tpu.wait_indirect_dma semaphore(%arg13 : memref<!tpu.dma_semaphore, #tpu.memory_space<semaphore_mem>>) src(%dma_wait3A_291 : memref<20480x128xf32, #tpu.memory_space<hbm>>) dst(%arg8 : memref<64x128xf32, #tpu.memory_space<vmem>>)
      "tpu.region"() ({
        %run_scoped3A_354 = tpu.sem_alloc : memref<!tpu.dma_semaphore, #tpu.memory_space<semaphore_mem>>
        %dma_start3A_355 = arith.constant 0 : i32
        %dma_start3A_356 = tpu.memref_slice %arg7[%add3A_285, %dma_start3A_355] : memref<40x64xi32, #tpu.memory_space<vmem>> -> memref<1x64xi32, #tpu.memory_space<vmem>>
        %dma_start3A_357 = tpu.memref_squeeze %dma_start3A_356 : memref<1x64xi32, #tpu.memory_space<vmem>> -> memref<64xi32, #tpu.memory_space<vmem>>
        %dma_start3A_358 = arith.constant 0 : i32
        %dma_start3A_359 = arith.constant 0 : i32
        %dma_start3A_360 = tpu.memref_slice %arg12[%dma_start3A_358, %dma_start3A_359] : memref<10112x128xf32, #tpu.memory_space<vmem_shared>> -> memref<10112x128xf32, #tpu.memory_space<vmem_shared>>
        tpu.enqueue_indirect_dma source(%arg8 : memref<64x128xf32, #tpu.memory_space<vmem>>) target(%dma_start3A_360 : memref<10112x128xf32, #tpu.memory_space<vmem_shared>>) offsets(%dma_start3A_357 : memref<64xi32, #tpu.memory_space<vmem>>) semaphore(%run_scoped3A_354 : memref<!tpu.dma_semaphore, #tpu.memory_space<semaphore_mem>>) {add = true}
        %dma_wait3A_361 = arith.constant 0 : i32
        %dma_wait3A_362 = tpu.memref_slice %arg7[%add3A_285, %dma_wait3A_361] : memref<40x64xi32, #tpu.memory_space<vmem>> -> memref<1x64xi32, #tpu.memory_space<vmem>>
        %dma_wait3A_363 = tpu.memref_squeeze %dma_wait3A_362 : memref<1x64xi32, #tpu.memory_space<vmem>> -> memref<64xi32, #tpu.memory_space<vmem>>
        %dma_wait3A_364 = arith.constant 0 : i32
        %dma_wait3A_365 = arith.constant 0 : i32
        %dma_wait3A_366 = tpu.memref_slice %arg12[%dma_wait3A_364, %dma_wait3A_365] : memref<10112x128xf32, #tpu.memory_space<vmem_shared>> -> memref<10112x128xf32, #tpu.memory_space<vmem_shared>>
        tpu.wait_indirect_dma semaphore(%run_scoped3A_354 : memref<!tpu.dma_semaphore, #tpu.memory_space<semaphore_mem>>) src(%arg8 : memref<64x128xf32, #tpu.memory_space<vmem>>) dst(%dma_wait3A_366 : memref<10112x128xf32, #tpu.memory_space<vmem_shared>>)
        tpu.yield
      }) : () -> ()
      %add3A_292 = arith.constant 4 : i32
      %add3A_293 = arith.addi %add3A_285, %add3A_292 : i32
      %dma_start3A_294 = arith.constant 0 : i32
      %dma_start3A_295 = tpu.memref_slice %arg6[%add3A_293, %dma_start3A_294] : memref<40x64xi32, #tpu.memory_space<vmem>> -> memref<1x64xi32, #tpu.memory_space<vmem>>
      %dma_start3A_296 = tpu.memref_squeeze %dma_start3A_295 : memref<1x64xi32, #tpu.memory_space<vmem>> -> memref<64xi32, #tpu.memory_space<vmem>>
      %dma_start3A_297 = arith.constant 0 : i32
      %dma_start3A_298 = arith.constant 0 : i32
      %dma_start3A_299 = tpu.memref_slice %arg2[%dma_start3A_297, %dma_start3A_298] : memref<20480x128xf32, #tpu.memory_space<hbm>> -> memref<20480x128xf32, #tpu.memory_space<hbm>>
      tpu.enqueue_indirect_dma source(%dma_start3A_299 : memref<20480x128xf32, #tpu.memory_space<hbm>>) target(%arg8 : memref<64x128xf32, #tpu.memory_space<vmem>>) offsets(%dma_start3A_296 : memref<64xi32, #tpu.memory_space<vmem>>) semaphore(%arg13 : memref<!tpu.dma_semaphore, #tpu.memory_space<semaphore_mem>>)
      %mul3A_300 = arith.constant 4 : i32
      %mul3A_301 = arith.muli %scan3A_281, %mul3A_300 : i32
      %add3A_302 = arith.constant 1 : i32
      %add3A_303 = arith.addi %mul3A_301, %add3A_302 : i32
      %dma_wait3A_304 = arith.constant 0 : i32
      %dma_wait3A_305 = tpu.memref_slice %arg6[%add3A_303, %dma_wait3A_304] : memref<40x64xi32, #tpu.memory_space<vmem>> -> memref<1x64xi32, #tpu.memory_space<vmem>>
      %dma_wait3A_306 = tpu.memref_squeeze %dma_wait3A_305 : memref<1x64xi32, #tpu.memory_space<vmem>> -> memref<64xi32, #tpu.memory_space<vmem>>
      %dma_wait3A_307 = arith.constant 0 : i32
      %dma_wait3A_308 = arith.constant 0 : i32
      %dma_wait3A_309 = tpu.memref_slice %arg2[%dma_wait3A_307, %dma_wait3A_308] : memref<20480x128xf32, #tpu.memory_space<hbm>> -> memref<20480x128xf32, #tpu.memory_space<hbm>>
      tpu.wait_indirect_dma semaphore(%arg14 : memref<!tpu.dma_semaphore, #tpu.memory_space<semaphore_mem>>) src(%dma_wait3A_309 : memref<20480x128xf32, #tpu.memory_space<hbm>>) dst(%arg9 : memref<64x128xf32, #tpu.memory_space<vmem>>)
      "tpu.region"() ({
        %run_scoped3A_354 = tpu.sem_alloc : memref<!tpu.dma_semaphore, #tpu.memory_space<semaphore_mem>>
        %dma_start3A_355 = arith.constant 0 : i32
        %dma_start3A_356 = tpu.memref_slice %arg7[%add3A_303, %dma_start3A_355] : memref<40x64xi32, #tpu.memory_space<vmem>> -> memref<1x64xi32, #tpu.memory_space<vmem>>
        %dma_start3A_357 = tpu.memref_squeeze %dma_start3A_356 : memref<1x64xi32, #tpu.memory_space<vmem>> -> memref<64xi32, #tpu.memory_space<vmem>>
        %dma_start3A_358 = arith.constant 0 : i32
        %dma_start3A_359 = arith.constant 0 : i32
        %dma_start3A_360 = tpu.memref_slice %arg12[%dma_start3A_358, %dma_start3A_359] : memref<10112x128xf32, #tpu.memory_space<vmem_shared>> -> memref<10112x128xf32, #tpu.memory_space<vmem_shared>>
        tpu.enqueue_indirect_dma source(%arg9 : memref<64x128xf32, #tpu.memory_space<vmem>>) target(%dma_start3A_360 : memref<10112x128xf32, #tpu.memory_space<vmem_shared>>) offsets(%dma_start3A_357 : memref<64xi32, #tpu.memory_space<vmem>>) semaphore(%run_scoped3A_354 : memref<!tpu.dma_semaphore, #tpu.memory_space<semaphore_mem>>) {add = true}
        %dma_wait3A_361 = arith.constant 0 : i32
        %dma_wait3A_362 = tpu.memref_slice %arg7[%add3A_303, %dma_wait3A_361] : memref<40x64xi32, #tpu.memory_space<vmem>> -> memref<1x64xi32, #tpu.memory_space<vmem>>
        %dma_wait3A_363 = tpu.memref_squeeze %dma_wait3A_362 : memref<1x64xi32, #tpu.memory_space<vmem>> -> memref<64xi32, #tpu.memory_space<vmem>>
        %dma_wait3A_364 = arith.constant 0 : i32
        %dma_wait3A_365 = arith.constant 0 : i32
        %dma_wait3A_366 = tpu.memref_slice %arg12[%dma_wait3A_364, %dma_wait3A_365] : memref<10112x128xf32, #tpu.memory_space<vmem_shared>> -> memref<10112x128xf32, #tpu.memory_space<vmem_shared>>
        tpu.wait_indirect_dma semaphore(%run_scoped3A_354 : memref<!tpu.dma_semaphore, #tpu.memory_space<semaphore_mem>>) src(%arg9 : memref<64x128xf32, #tpu.memory_space<vmem>>) dst(%dma_wait3A_366 : memref<10112x128xf32, #tpu.memory_space<vmem_shared>>)
        tpu.yield
      }) : () -> ()
      %add3A_310 = arith.constant 4 : i32
      %add3A_311 = arith.addi %add3A_303, %add3A_310 : i32
      %dma_start3A_312 = arith.constant 0 : i32
      %dma_start3A_313 = tpu.memref_slice %arg6[%add3A_311, %dma_start3A_312] : memref<40x64xi32, #tpu.memory_space<vmem>> -> memref<1x64xi32, #tpu.memory_space<vmem>>
      %dma_start3A_314 = tpu.memref_squeeze %dma_start3A_313 : memref<1x64xi32, #tpu.memory_space<vmem>> -> memref<64xi32, #tpu.memory_space<vmem>>
      %dma_start3A_315 = arith.constant 0 : i32
      %dma_start3A_316 = arith.constant 0 : i32
      %dma_start3A_317 = tpu.memref_slice %arg2[%dma_start3A_315, %dma_start3A_316] : memref<20480x128xf32, #tpu.memory_space<hbm>> -> memref<20480x128xf32, #tpu.memory_space<hbm>>
      tpu.enqueue_indirect_dma source(%dma_start3A_317 : memref<20480x128xf32, #tpu.memory_space<hbm>>) target(%arg9 : memref<64x128xf32, #tpu.memory_space<vmem>>) offsets(%dma_start3A_314 : memref<64xi32, #tpu.memory_space<vmem>>) semaphore(%arg14 : memref<!tpu.dma_semaphore, #tpu.memory_space<semaphore_mem>>)
      %mul3A_318 = arith.constant 4 : i32
      %mul3A_319 = arith.muli %scan3A_281, %mul3A_318 : i32
      %add3A_320 = arith.constant 2 : i32
      %add3A_321 = arith.addi %mul3A_319, %add3A_320 : i32
      %dma_wait3A_322 = arith.constant 0 : i32
      %dma_wait3A_323 = tpu.memref_slice %arg6[%add3A_321, %dma_wait3A_322] : memref<40x64xi32, #tpu.memory_space<vmem>> -> memref<1x64xi32, #tpu.memory_space<vmem>>
      %dma_wait3A_324 = tpu.memref_squeeze %dma_wait3A_323 : memref<1x64xi32, #tpu.memory_space<vmem>> -> memref<64xi32, #tpu.memory_space<vmem>>
      %dma_wait3A_325 = arith.constant 0 : i32
      %dma_wait3A_326 = arith.constant 0 : i32
      %dma_wait3A_327 = tpu.memref_slice %arg2[%dma_wait3A_325, %dma_wait3A_326] : memref<20480x128xf32, #tpu.memory_space<hbm>> -> memref<20480x128xf32, #tpu.memory_space<hbm>>
      tpu.wait_indirect_dma semaphore(%arg15 : memref<!tpu.dma_semaphore, #tpu.memory_space<semaphore_mem>>) src(%dma_wait3A_327 : memref<20480x128xf32, #tpu.memory_space<hbm>>) dst(%arg10 : memref<64x128xf32, #tpu.memory_space<vmem>>)
      "tpu.region"() ({
        %run_scoped3A_354 = tpu.sem_alloc : memref<!tpu.dma_semaphore, #tpu.memory_space<semaphore_mem>>
        %dma_start3A_355 = arith.constant 0 : i32
        %dma_start3A_356 = tpu.memref_slice %arg7[%add3A_321, %dma_start3A_355] : memref<40x64xi32, #tpu.memory_space<vmem>> -> memref<1x64xi32, #tpu.memory_space<vmem>>
        %dma_start3A_357 = tpu.memref_squeeze %dma_start3A_356 : memref<1x64xi32, #tpu.memory_space<vmem>> -> memref<64xi32, #tpu.memory_space<vmem>>
        %dma_start3A_358 = arith.constant 0 : i32
        %dma_start3A_359 = arith.constant 0 : i32
        %dma_start3A_360 = tpu.memref_slice %arg12[%dma_start3A_358, %dma_start3A_359] : memref<10112x128xf32, #tpu.memory_space<vmem_shared>> -> memref<10112x128xf32, #tpu.memory_space<vmem_shared>>
        tpu.enqueue_indirect_dma source(%arg10 : memref<64x128xf32, #tpu.memory_space<vmem>>) target(%dma_start3A_360 : memref<10112x128xf32, #tpu.memory_space<vmem_shared>>) offsets(%dma_start3A_357 : memref<64xi32, #tpu.memory_space<vmem>>) semaphore(%run_scoped3A_354 : memref<!tpu.dma_semaphore, #tpu.memory_space<semaphore_mem>>) {add = true}
        %dma_wait3A_361 = arith.constant 0 : i32
        %dma_wait3A_362 = tpu.memref_slice %arg7[%add3A_321, %dma_wait3A_361] : memref<40x64xi32, #tpu.memory_space<vmem>> -> memref<1x64xi32, #tpu.memory_space<vmem>>
        %dma_wait3A_363 = tpu.memref_squeeze %dma_wait3A_362 : memref<1x64xi32, #tpu.memory_space<vmem>> -> memref<64xi32, #tpu.memory_space<vmem>>
        %dma_wait3A_364 = arith.constant 0 : i32
        %dma_wait3A_365 = arith.constant 0 : i32
        %dma_wait3A_366 = tpu.memref_slice %arg12[%dma_wait3A_364, %dma_wait3A_365] : memref<10112x128xf32, #tpu.memory_space<vmem_shared>> -> memref<10112x128xf32, #tpu.memory_space<vmem_shared>>
        tpu.wait_indirect_dma semaphore(%run_scoped3A_354 : memref<!tpu.dma_semaphore, #tpu.memory_space<semaphore_mem>>) src(%arg10 : memref<64x128xf32, #tpu.memory_space<vmem>>) dst(%dma_wait3A_366 : memref<10112x128xf32, #tpu.memory_space<vmem_shared>>)
        tpu.yield
      }) : () -> ()
      %add3A_328 = arith.constant 4 : i32
      %add3A_329 = arith.addi %add3A_321, %add3A_328 : i32
      %dma_start3A_330 = arith.constant 0 : i32
      %dma_start3A_331 = tpu.memref_slice %arg6[%add3A_329, %dma_start3A_330] : memref<40x64xi32, #tpu.memory_space<vmem>> -> memref<1x64xi32, #tpu.memory_space<vmem>>
      %dma_start3A_332 = tpu.memref_squeeze %dma_start3A_331 : memref<1x64xi32, #tpu.memory_space<vmem>> -> memref<64xi32, #tpu.memory_space<vmem>>
      %dma_start3A_333 = arith.constant 0 : i32
      %dma_start3A_334 = arith.constant 0 : i32
      %dma_start3A_335 = tpu.memref_slice %arg2[%dma_start3A_333, %dma_start3A_334] : memref<20480x128xf32, #tpu.memory_space<hbm>> -> memref<20480x128xf32, #tpu.memory_space<hbm>>
      tpu.enqueue_indirect_dma source(%dma_start3A_335 : memref<20480x128xf32, #tpu.memory_space<hbm>>) target(%arg10 : memref<64x128xf32, #tpu.memory_space<vmem>>) offsets(%dma_start3A_332 : memref<64xi32, #tpu.memory_space<vmem>>) semaphore(%arg15 : memref<!tpu.dma_semaphore, #tpu.memory_space<semaphore_mem>>)
      %mul3A_336 = arith.constant 4 : i32
      %mul3A_337 = arith.muli %scan3A_281, %mul3A_336 : i32
      %add3A_338 = arith.constant 3 : i32
      %add3A_339 = arith.addi %mul3A_337, %add3A_338 : i32
      %dma_wait3A_340 = arith.constant 0 : i32
      %dma_wait3A_341 = tpu.memref_slice %arg6[%add3A_339, %dma_wait3A_340] : memref<40x64xi32, #tpu.memory_space<vmem>> -> memref<1x64xi32, #tpu.memory_space<vmem>>
      %dma_wait3A_342 = tpu.memref_squeeze %dma_wait3A_341 : memref<1x64xi32, #tpu.memory_space<vmem>> -> memref<64xi32, #tpu.memory_space<vmem>>
      %dma_wait3A_343 = arith.constant 0 : i32
      %dma_wait3A_344 = arith.constant 0 : i32
      %dma_wait3A_345 = tpu.memref_slice %arg2[%dma_wait3A_343, %dma_wait3A_344] : memref<20480x128xf32, #tpu.memory_space<hbm>> -> memref<20480x128xf32, #tpu.memory_space<hbm>>
      tpu.wait_indirect_dma semaphore(%arg16 : memref<!tpu.dma_semaphore, #tpu.memory_space<semaphore_mem>>) src(%dma_wait3A_345 : memref<20480x128xf32, #tpu.memory_space<hbm>>) dst(%arg11 : memref<64x128xf32, #tpu.memory_space<vmem>>)
      "tpu.region"() ({
        %run_scoped3A_354 = tpu.sem_alloc : memref<!tpu.dma_semaphore, #tpu.memory_space<semaphore_mem>>
        %dma_start3A_355 = arith.constant 0 : i32
        %dma_start3A_356 = tpu.memref_slice %arg7[%add3A_339, %dma_start3A_355] : memref<40x64xi32, #tpu.memory_space<vmem>> -> memref<1x64xi32, #tpu.memory_space<vmem>>
        %dma_start3A_357 = tpu.memref_squeeze %dma_start3A_356 : memref<1x64xi32, #tpu.memory_space<vmem>> -> memref<64xi32, #tpu.memory_space<vmem>>
        %dma_start3A_358 = arith.constant 0 : i32
        %dma_start3A_359 = arith.constant 0 : i32
        %dma_start3A_360 = tpu.memref_slice %arg12[%dma_start3A_358, %dma_start3A_359] : memref<10112x128xf32, #tpu.memory_space<vmem_shared>> -> memref<10112x128xf32, #tpu.memory_space<vmem_shared>>
        tpu.enqueue_indirect_dma source(%arg11 : memref<64x128xf32, #tpu.memory_space<vmem>>) target(%dma_start3A_360 : memref<10112x128xf32, #tpu.memory_space<vmem_shared>>) offsets(%dma_start3A_357 : memref<64xi32, #tpu.memory_space<vmem>>) semaphore(%run_scoped3A_354 : memref<!tpu.dma_semaphore, #tpu.memory_space<semaphore_mem>>) {add = true}
        %dma_wait3A_361 = arith.constant 0 : i32
        %dma_wait3A_362 = tpu.memref_slice %arg7[%add3A_339, %dma_wait3A_361] : memref<40x64xi32, #tpu.memory_space<vmem>> -> memref<1x64xi32, #tpu.memory_space<vmem>>
        %dma_wait3A_363 = tpu.memref_squeeze %dma_wait3A_362 : memref<1x64xi32, #tpu.memory_space<vmem>> -> memref<64xi32, #tpu.memory_space<vmem>>
        %dma_wait3A_364 = arith.constant 0 : i32
        %dma_wait3A_365 = arith.constant 0 : i32
        %dma_wait3A_366 = tpu.memref_slice %arg12[%dma_wait3A_364, %dma_wait3A_365] : memref<10112x128xf32, #tpu.memory_space<vmem_shared>> -> memref<10112x128xf32, #tpu.memory_space<vmem_shared>>
        tpu.wait_indirect_dma semaphore(%run_scoped3A_354 : memref<!tpu.dma_semaphore, #tpu.memory_space<semaphore_mem>>) src(%arg11 : memref<64x128xf32, #tpu.memory_space<vmem>>) dst(%dma_wait3A_366 : memref<10112x128xf32, #tpu.memory_space<vmem_shared>>)
        tpu.yield
      }) : () -> ()
      %add3A_346 = arith.constant 4 : i32
      %add3A_347 = arith.addi %add3A_339, %add3A_346 : i32
      %dma_start3A_348 = arith.constant 0 : i32
      %dma_start3A_349 = tpu.memref_slice %arg6[%add3A_347, %dma_start3A_348] : memref<40x64xi32, #tpu.memory_space<vmem>> -> memref<1x64xi32, #tpu.memory_space<vmem>>
      %dma_start3A_350 = tpu.memref_squeeze %dma_start3A_349 : memref<1x64xi32, #tpu.memory_space<vmem>> -> memref<64xi32, #tpu.memory_space<vmem>>
      %dma_start3A_351 = arith.constant 0 : i32
      %dma_start3A_352 = arith.constant 0 : i32
      %dma_start3A_353 = tpu.memref_slice %arg2[%dma_start3A_351, %dma_start3A_352] : memref<20480x128xf32, #tpu.memory_space<hbm>> -> memref<20480x128xf32, #tpu.memory_space<hbm>>
      tpu.enqueue_indirect_dma source(%dma_start3A_353 : memref<20480x128xf32, #tpu.memory_space<hbm>>) target(%arg11 : memref<64x128xf32, #tpu.memory_space<vmem>>) offsets(%dma_start3A_350 : memref<64xi32, #tpu.memory_space<vmem>>) semaphore(%arg16 : memref<!tpu.dma_semaphore, #tpu.memory_space<semaphore_mem>>)
    }
    %scan3A_172 = arith.constant 9 : i32
    %dma_wait3A_173 = arith.constant 36 : i32
    %dma_wait3A_174 = arith.constant 0 : i32
    %dma_wait3A_175 = tpu.memref_slice %arg6[%dma_wait3A_173, %dma_wait3A_174] : memref<40x64xi32, #tpu.memory_space<vmem>> -> memref<1x64xi32, #tpu.memory_space<vmem>>
    %dma_wait3A_176 = tpu.memref_squeeze %dma_wait3A_175 : memref<1x64xi32, #tpu.memory_space<vmem>> -> memref<64xi32, #tpu.memory_space<vmem>>
    %dma_wait3A_177 = arith.constant 0 : i32
    %dma_wait3A_178 = arith.constant 0 : i32
    %dma_wait3A_179 = tpu.memref_slice %arg2[%dma_wait3A_177, %dma_wait3A_178] : memref<20480x128xf32, #tpu.memory_space<hbm>> -> memref<20480x128xf32, #tpu.memory_space<hbm>>
    tpu.wait_indirect_dma semaphore(%arg13 : memref<!tpu.dma_semaphore, #tpu.memory_space<semaphore_mem>>) src(%dma_wait3A_179 : memref<20480x128xf32, #tpu.memory_space<hbm>>) dst(%arg8 : memref<64x128xf32, #tpu.memory_space<vmem>>)
    %run_scoped3A_180 = arith.constant 36 : i32
    "tpu.region"() ({
      %run_scoped3A_281 = tpu.sem_alloc : memref<!tpu.dma_semaphore, #tpu.memory_space<semaphore_mem>>
      %dma_start3A_282 = arith.constant 0 : i32
      %dma_start3A_283 = tpu.memref_slice %arg7[%run_scoped3A_180, %dma_start3A_282] : memref<40x64xi32, #tpu.memory_space<vmem>> -> memref<1x64xi32, #tpu.memory_space<vmem>>
      %dma_start3A_284 = tpu.memref_squeeze %dma_start3A_283 : memref<1x64xi32, #tpu.memory_space<vmem>> -> memref<64xi32, #tpu.memory_space<vmem>>
      %dma_start3A_285 = arith.constant 0 : i32
      %dma_start3A_286 = arith.constant 0 : i32
      %dma_start3A_287 = tpu.memref_slice %arg12[%dma_start3A_285, %dma_start3A_286] : memref<10112x128xf32, #tpu.memory_space<vmem_shared>> -> memref<10112x128xf32, #tpu.memory_space<vmem_shared>>
      tpu.enqueue_indirect_dma source(%arg8 : memref<64x128xf32, #tpu.memory_space<vmem>>) target(%dma_start3A_287 : memref<10112x128xf32, #tpu.memory_space<vmem_shared>>) offsets(%dma_start3A_284 : memref<64xi32, #tpu.memory_space<vmem>>) semaphore(%run_scoped3A_281 : memref<!tpu.dma_semaphore, #tpu.memory_space<semaphore_mem>>) {add = true}
      %dma_wait3A_288 = arith.constant 0 : i32
      %dma_wait3A_289 = tpu.memref_slice %arg7[%run_scoped3A_180, %dma_wait3A_288] : memref<40x64xi32, #tpu.memory_space<vmem>> -> memref<1x64xi32, #tpu.memory_space<vmem>>
      %dma_wait3A_290 = tpu.memref_squeeze %dma_wait3A_289 : memref<1x64xi32, #tpu.memory_space<vmem>> -> memref<64xi32, #tpu.memory_space<vmem>>
      %dma_wait3A_291 = arith.constant 0 : i32
      %dma_wait3A_292 = arith.constant 0 : i32
      %dma_wait3A_293 = tpu.memref_slice %arg12[%dma_wait3A_291, %dma_wait3A_292] : memref<10112x128xf32, #tpu.memory_space<vmem_shared>> -> memref<10112x128xf32, #tpu.memory_space<vmem_shared>>
      tpu.wait_indirect_dma semaphore(%run_scoped3A_281 : memref<!tpu.dma_semaphore, #tpu.memory_space<semaphore_mem>>) src(%arg8 : memref<64x128xf32, #tpu.memory_space<vmem>>) dst(%dma_wait3A_293 : memref<10112x128xf32, #tpu.memory_space<vmem_shared>>)
      tpu.yield
    }) : () -> ()
    %dma_wait3A_181 = arith.constant 37 : i32
    %dma_wait3A_182 = arith.constant 0 : i32
    %dma_wait3A_183 = tpu.memref_slice %arg6[%dma_wait3A_181, %dma_wait3A_182] : memref<40x64xi32, #tpu.memory_space<vmem>> -> memref<1x64xi32, #tpu.memory_space<vmem>>
    %dma_wait3A_184 = tpu.memref_squeeze %dma_wait3A_183 : memref<1x64xi32, #tpu.memory_space<vmem>> -> memref<64xi32, #tpu.memory_space<vmem>>
    %dma_wait3A_185 = arith.constant 0 : i32
    %dma_wait3A_186 = arith.constant 0 : i32
    %dma_wait3A_187 = tpu.memref_slice %arg2[%dma_wait3A_185, %dma_wait3A_186] : memref<20480x128xf32, #tpu.memory_space<hbm>> -> memref<20480x128xf32, #tpu.memory_space<hbm>>
    tpu.wait_indirect_dma semaphore(%arg14 : memref<!tpu.dma_semaphore, #tpu.memory_space<semaphore_mem>>) src(%dma_wait3A_187 : memref<20480x128xf32, #tpu.memory_space<hbm>>) dst(%arg9 : memref<64x128xf32, #tpu.memory_space<vmem>>)
    %run_scoped3A_188 = arith.constant 37 : i32
    "tpu.region"() ({
      %run_scoped3A_281 = tpu.sem_alloc : memref<!tpu.dma_semaphore, #tpu.memory_space<semaphore_mem>>
      %dma_start3A_282 = arith.constant 0 : i32
      %dma_start3A_283 = tpu.memref_slice %arg7[%run_scoped3A_188, %dma_start3A_282] : memref<40x64xi32, #tpu.memory_space<vmem>> -> memref<1x64xi32, #tpu.memory_space<vmem>>
      %dma_start3A_284 = tpu.memref_squeeze %dma_start3A_283 : memref<1x64xi32, #tpu.memory_space<vmem>> -> memref<64xi32, #tpu.memory_space<vmem>>
      %dma_start3A_285 = arith.constant 0 : i32
      %dma_start3A_286 = arith.constant 0 : i32
      %dma_start3A_287 = tpu.memref_slice %arg12[%dma_start3A_285, %dma_start3A_286] : memref<10112x128xf32, #tpu.memory_space<vmem_shared>> -> memref<10112x128xf32, #tpu.memory_space<vmem_shared>>
      tpu.enqueue_indirect_dma source(%arg9 : memref<64x128xf32, #tpu.memory_space<vmem>>) target(%dma_start3A_287 : memref<10112x128xf32, #tpu.memory_space<vmem_shared>>) offsets(%dma_start3A_284 : memref<64xi32, #tpu.memory_space<vmem>>) semaphore(%run_scoped3A_281 : memref<!tpu.dma_semaphore, #tpu.memory_space<semaphore_mem>>) {add = true}
      %dma_wait3A_288 = arith.constant 0 : i32
      %dma_wait3A_289 = tpu.memref_slice %arg7[%run_scoped3A_188, %dma_wait3A_288] : memref<40x64xi32, #tpu.memory_space<vmem>> -> memref<1x64xi32, #tpu.memory_space<vmem>>
      %dma_wait3A_290 = tpu.memref_squeeze %dma_wait3A_289 : memref<1x64xi32, #tpu.memory_space<vmem>> -> memref<64xi32, #tpu.memory_space<vmem>>
      %dma_wait3A_291 = arith.constant 0 : i32
      %dma_wait3A_292 = arith.constant 0 : i32
      %dma_wait3A_293 = tpu.memref_slice %arg12[%dma_wait3A_291, %dma_wait3A_292] : memref<10112x128xf32, #tpu.memory_space<vmem_shared>> -> memref<10112x128xf32, #tpu.memory_space<vmem_shared>>
      tpu.wait_indirect_dma semaphore(%run_scoped3A_281 : memref<!tpu.dma_semaphore, #tpu.memory_space<semaphore_mem>>) src(%arg9 : memref<64x128xf32, #tpu.memory_space<vmem>>) dst(%dma_wait3A_293 : memref<10112x128xf32, #tpu.memory_space<vmem_shared>>)
      tpu.yield
    }) : () -> ()
    %dma_wait3A_189 = arith.constant 38 : i32
    %dma_wait3A_190 = arith.constant 0 : i32
    %dma_wait3A_191 = tpu.memref_slice %arg6[%dma_wait3A_189, %dma_wait3A_190] : memref<40x64xi32, #tpu.memory_space<vmem>> -> memref<1x64xi32, #tpu.memory_space<vmem>>
    %dma_wait3A_192 = tpu.memref_squeeze %dma_wait3A_191 : memref<1x64xi32, #tpu.memory_space<vmem>> -> memref<64xi32, #tpu.memory_space<vmem>>
    %dma_wait3A_193 = arith.constant 0 : i32
    %dma_wait3A_194 = arith.constant 0 : i32
    %dma_wait3A_195 = tpu.memref_slice %arg2[%dma_wait3A_193, %dma_wait3A_194] : memref<20480x128xf32, #tpu.memory_space<hbm>> -> memref<20480x128xf32, #tpu.memory_space<hbm>>
    tpu.wait_indirect_dma semaphore(%arg15 : memref<!tpu.dma_semaphore, #tpu.memory_space<semaphore_mem>>) src(%dma_wait3A_195 : memref<20480x128xf32, #tpu.memory_space<hbm>>) dst(%arg10 : memref<64x128xf32, #tpu.memory_space<vmem>>)
    %run_scoped3A_196 = arith.constant 38 : i32
    "tpu.region"() ({
      %run_scoped3A_281 = tpu.sem_alloc : memref<!tpu.dma_semaphore, #tpu.memory_space<semaphore_mem>>
      %dma_start3A_282 = arith.constant 0 : i32
      %dma_start3A_283 = tpu.memref_slice %arg7[%run_scoped3A_196, %dma_start3A_282] : memref<40x64xi32, #tpu.memory_space<vmem>> -> memref<1x64xi32, #tpu.memory_space<vmem>>
      %dma_start3A_284 = tpu.memref_squeeze %dma_start3A_283 : memref<1x64xi32, #tpu.memory_space<vmem>> -> memref<64xi32, #tpu.memory_space<vmem>>
      %dma_start3A_285 = arith.constant 0 : i32
      %dma_start3A_286 = arith.constant 0 : i32
      %dma_start3A_287 = tpu.memref_slice %arg12[%dma_start3A_285, %dma_start3A_286] : memref<10112x128xf32, #tpu.memory_space<vmem_shared>> -> memref<10112x128xf32, #tpu.memory_space<vmem_shared>>
      tpu.enqueue_indirect_dma source(%arg10 : memref<64x128xf32, #tpu.memory_space<vmem>>) target(%dma_start3A_287 : memref<10112x128xf32, #tpu.memory_space<vmem_shared>>) offsets(%dma_start3A_284 : memref<64xi32, #tpu.memory_space<vmem>>) semaphore(%run_scoped3A_281 : memref<!tpu.dma_semaphore, #tpu.memory_space<semaphore_mem>>) {add = true}
      %dma_wait3A_288 = arith.constant 0 : i32
      %dma_wait3A_289 = tpu.memref_slice %arg7[%run_scoped3A_196, %dma_wait3A_288] : memref<40x64xi32, #tpu.memory_space<vmem>> -> memref<1x64xi32, #tpu.memory_space<vmem>>
      %dma_wait3A_290 = tpu.memref_squeeze %dma_wait3A_289 : memref<1x64xi32, #tpu.memory_space<vmem>> -> memref<64xi32, #tpu.memory_space<vmem>>
      %dma_wait3A_291 = arith.constant 0 : i32
      %dma_wait3A_292 = arith.constant 0 : i32
      %dma_wait3A_293 = tpu.memref_slice %arg12[%dma_wait3A_291, %dma_wait3A_292] : memref<10112x128xf32, #tpu.memory_space<vmem_shared>> -> memref<10112x128xf32, #tpu.memory_space<vmem_shared>>
      tpu.wait_indirect_dma semaphore(%run_scoped3A_281 : memref<!tpu.dma_semaphore, #tpu.memory_space<semaphore_mem>>) src(%arg10 : memref<64x128xf32, #tpu.memory_space<vmem>>) dst(%dma_wait3A_293 : memref<10112x128xf32, #tpu.memory_space<vmem_shared>>)
      tpu.yield
    }) : () -> ()
    %dma_wait3A_197 = arith.constant 39 : i32
    %dma_wait3A_198 = arith.constant 0 : i32
    %dma_wait3A_199 = tpu.memref_slice %arg6[%dma_wait3A_197, %dma_wait3A_198] : memref<40x64xi32, #tpu.memory_space<vmem>> -> memref<1x64xi32, #tpu.memory_space<vmem>>
    %dma_wait3A_200 = tpu.memref_squeeze %dma_wait3A_199 : memref<1x64xi32, #tpu.memory_space<vmem>> -> memref<64xi32, #tpu.memory_space<vmem>>
    %dma_wait3A_201 = arith.constant 0 : i32
    %dma_wait3A_202 = arith.constant 0 : i32
    %dma_wait3A_203 = tpu.memref_slice %arg2[%dma_wait3A_201, %dma_wait3A_202] : memref<20480x128xf32, #tpu.memory_space<hbm>> -> memref<20480x128xf32, #tpu.memory_space<hbm>>
    tpu.wait_indirect_dma semaphore(%arg16 : memref<!tpu.dma_semaphore, #tpu.memory_space<semaphore_mem>>) src(%dma_wait3A_203 : memref<20480x128xf32, #tpu.memory_space<hbm>>) dst(%arg11 : memref<64x128xf32, #tpu.memory_space<vmem>>)
    %run_scoped3A_204 = arith.constant 39 : i32
    "tpu.region"() ({
      %run_scoped3A_281 = tpu.sem_alloc : memref<!tpu.dma_semaphore, #tpu.memory_space<semaphore_mem>>
      %dma_start3A_282 = arith.constant 0 : i32
      %dma_start3A_283 = tpu.memref_slice %arg7[%run_scoped3A_204, %dma_start3A_282] : memref<40x64xi32, #tpu.memory_space<vmem>> -> memref<1x64xi32, #tpu.memory_space<vmem>>
      %dma_start3A_284 = tpu.memref_squeeze %dma_start3A_283 : memref<1x64xi32, #tpu.memory_space<vmem>> -> memref<64xi32, #tpu.memory_space<vmem>>
      %dma_start3A_285 = arith.constant 0 : i32
      %dma_start3A_286 = arith.constant 0 : i32
      %dma_start3A_287 = tpu.memref_slice %arg12[%dma_start3A_285, %dma_start3A_286] : memref<10112x128xf32, #tpu.memory_space<vmem_shared>> -> memref<10112x128xf32, #tpu.memory_space<vmem_shared>>
      tpu.enqueue_indirect_dma source(%arg11 : memref<64x128xf32, #tpu.memory_space<vmem>>) target(%dma_start3A_287 : memref<10112x128xf32, #tpu.memory_space<vmem_shared>>) offsets(%dma_start3A_284 : memref<64xi32, #tpu.memory_space<vmem>>) semaphore(%run_scoped3A_281 : memref<!tpu.dma_semaphore, #tpu.memory_space<semaphore_mem>>) {add = true}
      %dma_wait3A_288 = arith.constant 0 : i32
      %dma_wait3A_289 = tpu.memref_slice %arg7[%run_scoped3A_204, %dma_wait3A_288] : memref<40x64xi32, #tpu.memory_space<vmem>> -> memref<1x64xi32, #tpu.memory_space<vmem>>
      %dma_wait3A_290 = tpu.memref_squeeze %dma_wait3A_289 : memref<1x64xi32, #tpu.memory_space<vmem>> -> memref<64xi32, #tpu.memory_space<vmem>>
      %dma_wait3A_291 = arith.constant 0 : i32
      %dma_wait3A_292 = arith.constant 0 : i32
      %dma_wait3A_293 = tpu.memref_slice %arg12[%dma_wait3A_291, %dma_wait3A_292] : memref<10112x128xf32, #tpu.memory_space<vmem_shared>> -> memref<10112x128xf32, #tpu.memory_space<vmem_shared>>
      tpu.wait_indirect_dma semaphore(%run_scoped3A_281 : memref<!tpu.dma_semaphore, #tpu.memory_space<semaphore_mem>>) src(%arg11 : memref<64x128xf32, #tpu.memory_space<vmem>>) dst(%dma_wait3A_293 : memref<10112x128xf32, #tpu.memory_space<vmem_shared>>)
      tpu.yield
    }) : () -> ()
    %run_scoped3A_205 = arith.constant 3 : i32
    "tpu.region"() ({
      %run_scoped3A_281 = tpu.sem_alloc : memref<!tpu.dma_semaphore, #tpu.memory_space<semaphore_mem>>
      %dma_start3A_282 = arith.constant 0 : i32
      %dma_start3A_283 = arith.constant 0 : i32
      %dma_start3A_284 = tpu.memref_slice %arg3[%arg0, %arg1, %run_scoped3A_205, %dma_start3A_282, %dma_start3A_283] : memref<2x16x4x40x64xi32, #tpu.memory_space<hbm>> -> memref<1x1x1x40x64xi32, #tpu.memory_space<hbm>>
      %dma_start3A_285 = tpu.memref_squeeze %dma_start3A_284 : memref<1x1x1x40x64xi32, #tpu.memory_space<hbm>> -> memref<40x64xi32, #tpu.memory_space<hbm>>
      %dma_start3A_286 = arith.constant 0 : i32
      %dma_start3A_287 = arith.constant 0 : i32
      %dma_start3A_288 = tpu.memref_slice %arg3[%arg0, %arg1, %run_scoped3A_205, %dma_start3A_286, %dma_start3A_287] : memref<2x16x4x40x64xi32, #tpu.memory_space<hbm>> -> memref<1x1x1x40x64xi32, #tpu.memory_space<hbm>>
      %dma_start3A_289 = tpu.memref_squeeze %dma_start3A_288 : memref<1x1x1x40x64xi32, #tpu.memory_space<hbm>> -> memref<40x64xi32, #tpu.memory_space<hbm>>
      tpu.enqueue_dma source(%dma_start3A_289 : memref<40x64xi32, #tpu.memory_space<hbm>>) target(%arg6 : memref<40x64xi32, #tpu.memory_space<vmem>>) target_semaphore(%run_scoped3A_281 : memref<!tpu.dma_semaphore, #tpu.memory_space<semaphore_mem>>)
      %dma_wait3A_290 = arith.constant 0 : i32
      %dma_wait3A_291 = arith.constant 0 : i32
      %dma_wait3A_292 = tpu.memref_slice %arg3[%arg0, %arg1, %run_scoped3A_205, %dma_wait3A_290, %dma_wait3A_291] : memref<2x16x4x40x64xi32, #tpu.memory_space<hbm>> -> memref<1x1x1x40x64xi32, #tpu.memory_space<hbm>>
      %dma_wait3A_293 = tpu.memref_squeeze %dma_wait3A_292 : memref<1x1x1x40x64xi32, #tpu.memory_space<hbm>> -> memref<40x64xi32, #tpu.memory_space<hbm>>
      %dma_wait3A_294 = arith.constant 0 : i32
      %dma_wait3A_295 = arith.constant 0 : i32
      %dma_wait3A_296 = tpu.memref_slice %arg3[%arg0, %arg1, %run_scoped3A_205, %dma_wait3A_294, %dma_wait3A_295] : memref<2x16x4x40x64xi32, #tpu.memory_space<hbm>> -> memref<1x1x1x40x64xi32, #tpu.memory_space<hbm>>
      %dma_wait3A_297 = tpu.memref_squeeze %dma_wait3A_296 : memref<1x1x1x40x64xi32, #tpu.memory_space<hbm>> -> memref<40x64xi32, #tpu.memory_space<hbm>>
      tpu.wait_dma2 semaphore(%run_scoped3A_281 : memref<!tpu.dma_semaphore, #tpu.memory_space<semaphore_mem>>) src(%dma_wait3A_297 : memref<40x64xi32, #tpu.memory_space<hbm>>) dst(%arg6 : memref<40x64xi32, #tpu.memory_space<vmem>>)
      tpu.yield
    }) : () -> ()
    %run_scoped3A_206 = arith.constant 3 : i32
    "tpu.region"() ({
      %run_scoped3A_281 = tpu.sem_alloc : memref<!tpu.dma_semaphore, #tpu.memory_space<semaphore_mem>>
      %dma_start3A_282 = arith.constant 0 : i32
      %dma_start3A_283 = arith.constant 0 : i32
      %dma_start3A_284 = tpu.memref_slice %arg4[%arg1, %run_scoped3A_206, %dma_start3A_282, %dma_start3A_283] : memref<16x4x40x64xi32, #tpu.memory_space<hbm>> -> memref<1x1x40x64xi32, #tpu.memory_space<hbm>>
      %dma_start3A_285 = tpu.memref_squeeze %dma_start3A_284 : memref<1x1x40x64xi32, #tpu.memory_space<hbm>> -> memref<40x64xi32, #tpu.memory_space<hbm>>
      %dma_start3A_286 = arith.constant 0 : i32
      %dma_start3A_287 = arith.constant 0 : i32
      %dma_start3A_288 = tpu.memref_slice %arg4[%arg1, %run_scoped3A_206, %dma_start3A_286, %dma_start3A_287] : memref<16x4x40x64xi32, #tpu.memory_space<hbm>> -> memref<1x1x40x64xi32, #tpu.memory_space<hbm>>
      %dma_start3A_289 = tpu.memref_squeeze %dma_start3A_288 : memref<1x1x40x64xi32, #tpu.memory_space<hbm>> -> memref<40x64xi32, #tpu.memory_space<hbm>>
      tpu.enqueue_dma source(%dma_start3A_289 : memref<40x64xi32, #tpu.memory_space<hbm>>) target(%arg7 : memref<40x64xi32, #tpu.memory_space<vmem>>) target_semaphore(%run_scoped3A_281 : memref<!tpu.dma_semaphore, #tpu.memory_space<semaphore_mem>>)
      %dma_wait3A_290 = arith.constant 0 : i32
      %dma_wait3A_291 = arith.constant 0 : i32
      %dma_wait3A_292 = tpu.memref_slice %arg4[%arg1, %run_scoped3A_206, %dma_wait3A_290, %dma_wait3A_291] : memref<16x4x40x64xi32, #tpu.memory_space<hbm>> -> memref<1x1x40x64xi32, #tpu.memory_space<hbm>>
      %dma_wait3A_293 = tpu.memref_squeeze %dma_wait3A_292 : memref<1x1x40x64xi32, #tpu.memory_space<hbm>> -> memref<40x64xi32, #tpu.memory_space<hbm>>
      %dma_wait3A_294 = arith.constant 0 : i32
      %dma_wait3A_295 = arith.constant 0 : i32
      %dma_wait3A_296 = tpu.memref_slice %arg4[%arg1, %run_scoped3A_206, %dma_wait3A_294, %dma_wait3A_295] : memref<16x4x40x64xi32, #tpu.memory_space<hbm>> -> memref<1x1x40x64xi32, #tpu.memory_space<hbm>>
      %dma_wait3A_297 = tpu.memref_squeeze %dma_wait3A_296 : memref<1x1x40x64xi32, #tpu.memory_space<hbm>> -> memref<40x64xi32, #tpu.memory_space<hbm>>
      tpu.wait_dma2 semaphore(%run_scoped3A_281 : memref<!tpu.dma_semaphore, #tpu.memory_space<semaphore_mem>>) src(%dma_wait3A_297 : memref<40x64xi32, #tpu.memory_space<hbm>>) dst(%arg7 : memref<40x64xi32, #tpu.memory_space<vmem>>)
      tpu.yield
    }) : () -> ()
    %dma_start3A_207 = arith.constant 0 : i32
    %dma_start3A_208 = arith.constant 0 : i32
    %dma_start3A_209 = tpu.memref_slice %arg6[%dma_start3A_207, %dma_start3A_208] : memref<40x64xi32, #tpu.memory_space<vmem>> -> memref<1x64xi32, #tpu.memory_space<vmem>>
    %dma_start3A_210 = tpu.memref_squeeze %dma_start3A_209 : memref<1x64xi32, #tpu.memory_space<vmem>> -> memref<64xi32, #tpu.memory_space<vmem>>
    %dma_start3A_211 = arith.constant 0 : i32
    %dma_start3A_212 = arith.constant 0 : i32
    %dma_start3A_213 = tpu.memref_slice %arg2[%dma_start3A_211, %dma_start3A_212] : memref<20480x128xf32, #tpu.memory_space<hbm>> -> memref<20480x128xf32, #tpu.memory_space<hbm>>
    tpu.enqueue_indirect_dma source(%dma_start3A_213 : memref<20480x128xf32, #tpu.memory_space<hbm>>) target(%arg8 : memref<64x128xf32, #tpu.memory_space<vmem>>) offsets(%dma_start3A_210 : memref<64xi32, #tpu.memory_space<vmem>>) semaphore(%arg13 : memref<!tpu.dma_semaphore, #tpu.memory_space<semaphore_mem>>)
    %dma_start3A_214 = arith.constant 1 : i32
    %dma_start3A_215 = arith.constant 0 : i32
    %dma_start3A_216 = tpu.memref_slice %arg6[%dma_start3A_214, %dma_start3A_215] : memref<40x64xi32, #tpu.memory_space<vmem>> -> memref<1x64xi32, #tpu.memory_space<vmem>>
    %dma_start3A_217 = tpu.memref_squeeze %dma_start3A_216 : memref<1x64xi32, #tpu.memory_space<vmem>> -> memref<64xi32, #tpu.memory_space<vmem>>
    %dma_start3A_218 = arith.constant 0 : i32
    %dma_start3A_219 = arith.constant 0 : i32
    %dma_start3A_220 = tpu.memref_slice %arg2[%dma_start3A_218, %dma_start3A_219] : memref<20480x128xf32, #tpu.memory_space<hbm>> -> memref<20480x128xf32, #tpu.memory_space<hbm>>
    tpu.enqueue_indirect_dma source(%dma_start3A_220 : memref<20480x128xf32, #tpu.memory_space<hbm>>) target(%arg9 : memref<64x128xf32, #tpu.memory_space<vmem>>) offsets(%dma_start3A_217 : memref<64xi32, #tpu.memory_space<vmem>>) semaphore(%arg14 : memref<!tpu.dma_semaphore, #tpu.memory_space<semaphore_mem>>)
    %dma_start3A_221 = arith.constant 2 : i32
    %dma_start3A_222 = arith.constant 0 : i32
    %dma_start3A_223 = tpu.memref_slice %arg6[%dma_start3A_221, %dma_start3A_222] : memref<40x64xi32, #tpu.memory_space<vmem>> -> memref<1x64xi32, #tpu.memory_space<vmem>>
    %dma_start3A_224 = tpu.memref_squeeze %dma_start3A_223 : memref<1x64xi32, #tpu.memory_space<vmem>> -> memref<64xi32, #tpu.memory_space<vmem>>
    %dma_start3A_225 = arith.constant 0 : i32
    %dma_start3A_226 = arith.constant 0 : i32
    %dma_start3A_227 = tpu.memref_slice %arg2[%dma_start3A_225, %dma_start3A_226] : memref<20480x128xf32, #tpu.memory_space<hbm>> -> memref<20480x128xf32, #tpu.memory_space<hbm>>
    tpu.enqueue_indirect_dma source(%dma_start3A_227 : memref<20480x128xf32, #tpu.memory_space<hbm>>) target(%arg10 : memref<64x128xf32, #tpu.memory_space<vmem>>) offsets(%dma_start3A_224 : memref<64xi32, #tpu.memory_space<vmem>>) semaphore(%arg15 : memref<!tpu.dma_semaphore, #tpu.memory_space<semaphore_mem>>)
    %dma_start3A_228 = arith.constant 3 : i32
    %dma_start3A_229 = arith.constant 0 : i32
    %dma_start3A_230 = tpu.memref_slice %arg6[%dma_start3A_228, %dma_start3A_229] : memref<40x64xi32, #tpu.memory_space<vmem>> -> memref<1x64xi32, #tpu.memory_space<vmem>>
    %dma_start3A_231 = tpu.memref_squeeze %dma_start3A_230 : memref<1x64xi32, #tpu.memory_space<vmem>> -> memref<64xi32, #tpu.memory_space<vmem>>
    %dma_start3A_232 = arith.constant 0 : i32
    %dma_start3A_233 = arith.constant 0 : i32
    %dma_start3A_234 = tpu.memref_slice %arg2[%dma_start3A_232, %dma_start3A_233] : memref<20480x128xf32, #tpu.memory_space<hbm>> -> memref<20480x128xf32, #tpu.memory_space<hbm>>
    tpu.enqueue_indirect_dma source(%dma_start3A_234 : memref<20480x128xf32, #tpu.memory_space<hbm>>) target(%arg11 : memref<64x128xf32, #tpu.memory_space<vmem>>) offsets(%dma_start3A_231 : memref<64xi32, #tpu.memory_space<vmem>>) semaphore(%arg16 : memref<!tpu.dma_semaphore, #tpu.memory_space<semaphore_mem>>)
    %scan3A_235 = arith.constant 0 : i32
    %scan3A_236 = arith.constant 0 : i32
    %scan3A_237 = arith.constant 9 : i32
    %scan3A_238 = arith.addi %scan3A_236, %scan3A_237 : i32
    %scan3A_239 = arith.constant 1 : i32
    scf.for %scan3A_281 = %scan3A_236 to %scan3A_238 step %scan3A_239  : i32 {
      %mul3A_282 = arith.constant 4 : i32
      %mul3A_283 = arith.muli %scan3A_281, %mul3A_282 : i32
      %add3A_284 = arith.constant 0 : i32
      %add3A_285 = arith.addi %mul3A_283, %add3A_284 : i32
      %dma_wait3A_286 = arith.constant 0 : i32
      %dma_wait3A_287 = tpu.memref_slice %arg6[%add3A_285, %dma_wait3A_286] : memref<40x64xi32, #tpu.memory_space<vmem>> -> memref<1x64xi32, #tpu.memory_space<vmem>>
      %dma_wait3A_288 = tpu.memref_squeeze %dma_wait3A_287 : memref<1x64xi32, #tpu.memory_space<vmem>> -> memref<64xi32, #tpu.memory_space<vmem>>
      %dma_wait3A_289 = arith.constant 0 : i32
      %dma_wait3A_290 = arith.constant 0 : i32
      %dma_wait3A_291 = tpu.memref_slice %arg2[%dma_wait3A_289, %dma_wait3A_290] : memref<20480x128xf32, #tpu.memory_space<hbm>> -> memref<20480x128xf32, #tpu.memory_space<hbm>>
      tpu.wait_indirect_dma semaphore(%arg13 : memref<!tpu.dma_semaphore, #tpu.memory_space<semaphore_mem>>) src(%dma_wait3A_291 : memref<20480x128xf32, #tpu.memory_space<hbm>>) dst(%arg8 : memref<64x128xf32, #tpu.memory_space<vmem>>)
      "tpu.region"() ({
        %run_scoped3A_354 = tpu.sem_alloc : memref<!tpu.dma_semaphore, #tpu.memory_space<semaphore_mem>>
        %dma_start3A_355 = arith.constant 0 : i32
        %dma_start3A_356 = tpu.memref_slice %arg7[%add3A_285, %dma_start3A_355] : memref<40x64xi32, #tpu.memory_space<vmem>> -> memref<1x64xi32, #tpu.memory_space<vmem>>
        %dma_start3A_357 = tpu.memref_squeeze %dma_start3A_356 : memref<1x64xi32, #tpu.memory_space<vmem>> -> memref<64xi32, #tpu.memory_space<vmem>>
        %dma_start3A_358 = arith.constant 0 : i32
        %dma_start3A_359 = arith.constant 0 : i32
        %dma_start3A_360 = tpu.memref_slice %arg12[%dma_start3A_358, %dma_start3A_359] : memref<10112x128xf32, #tpu.memory_space<vmem_shared>> -> memref<10112x128xf32, #tpu.memory_space<vmem_shared>>
        tpu.enqueue_indirect_dma source(%arg8 : memref<64x128xf32, #tpu.memory_space<vmem>>) target(%dma_start3A_360 : memref<10112x128xf32, #tpu.memory_space<vmem_shared>>) offsets(%dma_start3A_357 : memref<64xi32, #tpu.memory_space<vmem>>) semaphore(%run_scoped3A_354 : memref<!tpu.dma_semaphore, #tpu.memory_space<semaphore_mem>>) {add = true}
        %dma_wait3A_361 = arith.constant 0 : i32
        %dma_wait3A_362 = tpu.memref_slice %arg7[%add3A_285, %dma_wait3A_361] : memref<40x64xi32, #tpu.memory_space<vmem>> -> memref<1x64xi32, #tpu.memory_space<vmem>>
        %dma_wait3A_363 = tpu.memref_squeeze %dma_wait3A_362 : memref<1x64xi32, #tpu.memory_space<vmem>> -> memref<64xi32, #tpu.memory_space<vmem>>
        %dma_wait3A_364 = arith.constant 0 : i32
        %dma_wait3A_365 = arith.constant 0 : i32
        %dma_wait3A_366 = tpu.memref_slice %arg12[%dma_wait3A_364, %dma_wait3A_365] : memref<10112x128xf32, #tpu.memory_space<vmem_shared>> -> memref<10112x128xf32, #tpu.memory_space<vmem_shared>>
        tpu.wait_indirect_dma semaphore(%run_scoped3A_354 : memref<!tpu.dma_semaphore, #tpu.memory_space<semaphore_mem>>) src(%arg8 : memref<64x128xf32, #tpu.memory_space<vmem>>) dst(%dma_wait3A_366 : memref<10112x128xf32, #tpu.memory_space<vmem_shared>>)
        tpu.yield
      }) : () -> ()
      %add3A_292 = arith.constant 4 : i32
      %add3A_293 = arith.addi %add3A_285, %add3A_292 : i32
      %dma_start3A_294 = arith.constant 0 : i32
      %dma_start3A_295 = tpu.memref_slice %arg6[%add3A_293, %dma_start3A_294] : memref<40x64xi32, #tpu.memory_space<vmem>> -> memref<1x64xi32, #tpu.memory_space<vmem>>
      %dma_start3A_296 = tpu.memref_squeeze %dma_start3A_295 : memref<1x64xi32, #tpu.memory_space<vmem>> -> memref<64xi32, #tpu.memory_space<vmem>>
      %dma_start3A_297 = arith.constant 0 : i32
      %dma_start3A_298 = arith.constant 0 : i32
      %dma_start3A_299 = tpu.memref_slice %arg2[%dma_start3A_297, %dma_start3A_298] : memref<20480x128xf32, #tpu.memory_space<hbm>> -> memref<20480x128xf32, #tpu.memory_space<hbm>>
      tpu.enqueue_indirect_dma source(%dma_start3A_299 : memref<20480x128xf32, #tpu.memory_space<hbm>>) target(%arg8 : memref<64x128xf32, #tpu.memory_space<vmem>>) offsets(%dma_start3A_296 : memref<64xi32, #tpu.memory_space<vmem>>) semaphore(%arg13 : memref<!tpu.dma_semaphore, #tpu.memory_space<semaphore_mem>>)
      %mul3A_300 = arith.constant 4 : i32
      %mul3A_301 = arith.muli %scan3A_281, %mul3A_300 : i32
      %add3A_302 = arith.constant 1 : i32
      %add3A_303 = arith.addi %mul3A_301, %add3A_302 : i32
      %dma_wait3A_304 = arith.constant 0 : i32
      %dma_wait3A_305 = tpu.memref_slice %arg6[%add3A_303, %dma_wait3A_304] : memref<40x64xi32, #tpu.memory_space<vmem>> -> memref<1x64xi32, #tpu.memory_space<vmem>>
      %dma_wait3A_306 = tpu.memref_squeeze %dma_wait3A_305 : memref<1x64xi32, #tpu.memory_space<vmem>> -> memref<64xi32, #tpu.memory_space<vmem>>
      %dma_wait3A_307 = arith.constant 0 : i32
      %dma_wait3A_308 = arith.constant 0 : i32
      %dma_wait3A_309 = tpu.memref_slice %arg2[%dma_wait3A_307, %dma_wait3A_308] : memref<20480x128xf32, #tpu.memory_space<hbm>> -> memref<20480x128xf32, #tpu.memory_space<hbm>>
      tpu.wait_indirect_dma semaphore(%arg14 : memref<!tpu.dma_semaphore, #tpu.memory_space<semaphore_mem>>) src(%dma_wait3A_309 : memref<20480x128xf32, #tpu.memory_space<hbm>>) dst(%arg9 : memref<64x128xf32, #tpu.memory_space<vmem>>)
      "tpu.region"() ({
        %run_scoped3A_354 = tpu.sem_alloc : memref<!tpu.dma_semaphore, #tpu.memory_space<semaphore_mem>>
        %dma_start3A_355 = arith.constant 0 : i32
        %dma_start3A_356 = tpu.memref_slice %arg7[%add3A_303, %dma_start3A_355] : memref<40x64xi32, #tpu.memory_space<vmem>> -> memref<1x64xi32, #tpu.memory_space<vmem>>
        %dma_start3A_357 = tpu.memref_squeeze %dma_start3A_356 : memref<1x64xi32, #tpu.memory_space<vmem>> -> memref<64xi32, #tpu.memory_space<vmem>>
        %dma_start3A_358 = arith.constant 0 : i32
        %dma_start3A_359 = arith.constant 0 : i32
        %dma_start3A_360 = tpu.memref_slice %arg12[%dma_start3A_358, %dma_start3A_359] : memref<10112x128xf32, #tpu.memory_space<vmem_shared>> -> memref<10112x128xf32, #tpu.memory_space<vmem_shared>>
        tpu.enqueue_indirect_dma source(%arg9 : memref<64x128xf32, #tpu.memory_space<vmem>>) target(%dma_start3A_360 : memref<10112x128xf32, #tpu.memory_space<vmem_shared>>) offsets(%dma_start3A_357 : memref<64xi32, #tpu.memory_space<vmem>>) semaphore(%run_scoped3A_354 : memref<!tpu.dma_semaphore, #tpu.memory_space<semaphore_mem>>) {add = true}
        %dma_wait3A_361 = arith.constant 0 : i32
        %dma_wait3A_362 = tpu.memref_slice %arg7[%add3A_303, %dma_wait3A_361] : memref<40x64xi32, #tpu.memory_space<vmem>> -> memref<1x64xi32, #tpu.memory_space<vmem>>
        %dma_wait3A_363 = tpu.memref_squeeze %dma_wait3A_362 : memref<1x64xi32, #tpu.memory_space<vmem>> -> memref<64xi32, #tpu.memory_space<vmem>>
        %dma_wait3A_364 = arith.constant 0 : i32
        %dma_wait3A_365 = arith.constant 0 : i32
        %dma_wait3A_366 = tpu.memref_slice %arg12[%dma_wait3A_364, %dma_wait3A_365] : memref<10112x128xf32, #tpu.memory_space<vmem_shared>> -> memref<10112x128xf32, #tpu.memory_space<vmem_shared>>
        tpu.wait_indirect_dma semaphore(%run_scoped3A_354 : memref<!tpu.dma_semaphore, #tpu.memory_space<semaphore_mem>>) src(%arg9 : memref<64x128xf32, #tpu.memory_space<vmem>>) dst(%dma_wait3A_366 : memref<10112x128xf32, #tpu.memory_space<vmem_shared>>)
        tpu.yield
      }) : () -> ()
      %add3A_310 = arith.constant 4 : i32
      %add3A_311 = arith.addi %add3A_303, %add3A_310 : i32
      %dma_start3A_312 = arith.constant 0 : i32
      %dma_start3A_313 = tpu.memref_slice %arg6[%add3A_311, %dma_start3A_312] : memref<40x64xi32, #tpu.memory_space<vmem>> -> memref<1x64xi32, #tpu.memory_space<vmem>>
      %dma_start3A_314 = tpu.memref_squeeze %dma_start3A_313 : memref<1x64xi32, #tpu.memory_space<vmem>> -> memref<64xi32, #tpu.memory_space<vmem>>
      %dma_start3A_315 = arith.constant 0 : i32
      %dma_start3A_316 = arith.constant 0 : i32
      %dma_start3A_317 = tpu.memref_slice %arg2[%dma_start3A_315, %dma_start3A_316] : memref<20480x128xf32, #tpu.memory_space<hbm>> -> memref<20480x128xf32, #tpu.memory_space<hbm>>
      tpu.enqueue_indirect_dma source(%dma_start3A_317 : memref<20480x128xf32, #tpu.memory_space<hbm>>) target(%arg9 : memref<64x128xf32, #tpu.memory_space<vmem>>) offsets(%dma_start3A_314 : memref<64xi32, #tpu.memory_space<vmem>>) semaphore(%arg14 : memref<!tpu.dma_semaphore, #tpu.memory_space<semaphore_mem>>)
      %mul3A_318 = arith.constant 4 : i32
      %mul3A_319 = arith.muli %scan3A_281, %mul3A_318 : i32
      %add3A_320 = arith.constant 2 : i32
      %add3A_321 = arith.addi %mul3A_319, %add3A_320 : i32
      %dma_wait3A_322 = arith.constant 0 : i32
      %dma_wait3A_323 = tpu.memref_slice %arg6[%add3A_321, %dma_wait3A_322] : memref<40x64xi32, #tpu.memory_space<vmem>> -> memref<1x64xi32, #tpu.memory_space<vmem>>
      %dma_wait3A_324 = tpu.memref_squeeze %dma_wait3A_323 : memref<1x64xi32, #tpu.memory_space<vmem>> -> memref<64xi32, #tpu.memory_space<vmem>>
      %dma_wait3A_325 = arith.constant 0 : i32
      %dma_wait3A_326 = arith.constant 0 : i32
      %dma_wait3A_327 = tpu.memref_slice %arg2[%dma_wait3A_325, %dma_wait3A_326] : memref<20480x128xf32, #tpu.memory_space<hbm>> -> memref<20480x128xf32, #tpu.memory_space<hbm>>
      tpu.wait_indirect_dma semaphore(%arg15 : memref<!tpu.dma_semaphore, #tpu.memory_space<semaphore_mem>>) src(%dma_wait3A_327 : memref<20480x128xf32, #tpu.memory_space<hbm>>) dst(%arg10 : memref<64x128xf32, #tpu.memory_space<vmem>>)
      "tpu.region"() ({
        %run_scoped3A_354 = tpu.sem_alloc : memref<!tpu.dma_semaphore, #tpu.memory_space<semaphore_mem>>
        %dma_start3A_355 = arith.constant 0 : i32
        %dma_start3A_356 = tpu.memref_slice %arg7[%add3A_321, %dma_start3A_355] : memref<40x64xi32, #tpu.memory_space<vmem>> -> memref<1x64xi32, #tpu.memory_space<vmem>>
        %dma_start3A_357 = tpu.memref_squeeze %dma_start3A_356 : memref<1x64xi32, #tpu.memory_space<vmem>> -> memref<64xi32, #tpu.memory_space<vmem>>
        %dma_start3A_358 = arith.constant 0 : i32
        %dma_start3A_359 = arith.constant 0 : i32
        %dma_start3A_360 = tpu.memref_slice %arg12[%dma_start3A_358, %dma_start3A_359] : memref<10112x128xf32, #tpu.memory_space<vmem_shared>> -> memref<10112x128xf32, #tpu.memory_space<vmem_shared>>
        tpu.enqueue_indirect_dma source(%arg10 : memref<64x128xf32, #tpu.memory_space<vmem>>) target(%dma_start3A_360 : memref<10112x128xf32, #tpu.memory_space<vmem_shared>>) offsets(%dma_start3A_357 : memref<64xi32, #tpu.memory_space<vmem>>) semaphore(%run_scoped3A_354 : memref<!tpu.dma_semaphore, #tpu.memory_space<semaphore_mem>>) {add = true}
        %dma_wait3A_361 = arith.constant 0 : i32
        %dma_wait3A_362 = tpu.memref_slice %arg7[%add3A_321, %dma_wait3A_361] : memref<40x64xi32, #tpu.memory_space<vmem>> -> memref<1x64xi32, #tpu.memory_space<vmem>>
        %dma_wait3A_363 = tpu.memref_squeeze %dma_wait3A_362 : memref<1x64xi32, #tpu.memory_space<vmem>> -> memref<64xi32, #tpu.memory_space<vmem>>
        %dma_wait3A_364 = arith.constant 0 : i32
        %dma_wait3A_365 = arith.constant 0 : i32
        %dma_wait3A_366 = tpu.memref_slice %arg12[%dma_wait3A_364, %dma_wait3A_365] : memref<10112x128xf32, #tpu.memory_space<vmem_shared>> -> memref<10112x128xf32, #tpu.memory_space<vmem_shared>>
        tpu.wait_indirect_dma semaphore(%run_scoped3A_354 : memref<!tpu.dma_semaphore, #tpu.memory_space<semaphore_mem>>) src(%arg10 : memref<64x128xf32, #tpu.memory_space<vmem>>) dst(%dma_wait3A_366 : memref<10112x128xf32, #tpu.memory_space<vmem_shared>>)
        tpu.yield
      }) : () -> ()
      %add3A_328 = arith.constant 4 : i32
      %add3A_329 = arith.addi %add3A_321, %add3A_328 : i32
      %dma_start3A_330 = arith.constant 0 : i32
      %dma_start3A_331 = tpu.memref_slice %arg6[%add3A_329, %dma_start3A_330] : memref<40x64xi32, #tpu.memory_space<vmem>> -> memref<1x64xi32, #tpu.memory_space<vmem>>
      %dma_start3A_332 = tpu.memref_squeeze %dma_start3A_331 : memref<1x64xi32, #tpu.memory_space<vmem>> -> memref<64xi32, #tpu.memory_space<vmem>>
      %dma_start3A_333 = arith.constant 0 : i32
      %dma_start3A_334 = arith.constant 0 : i32
      %dma_start3A_335 = tpu.memref_slice %arg2[%dma_start3A_333, %dma_start3A_334] : memref<20480x128xf32, #tpu.memory_space<hbm>> -> memref<20480x128xf32, #tpu.memory_space<hbm>>
      tpu.enqueue_indirect_dma source(%dma_start3A_335 : memref<20480x128xf32, #tpu.memory_space<hbm>>) target(%arg10 : memref<64x128xf32, #tpu.memory_space<vmem>>) offsets(%dma_start3A_332 : memref<64xi32, #tpu.memory_space<vmem>>) semaphore(%arg15 : memref<!tpu.dma_semaphore, #tpu.memory_space<semaphore_mem>>)
      %mul3A_336 = arith.constant 4 : i32
      %mul3A_337 = arith.muli %scan3A_281, %mul3A_336 : i32
      %add3A_338 = arith.constant 3 : i32
      %add3A_339 = arith.addi %mul3A_337, %add3A_338 : i32
      %dma_wait3A_340 = arith.constant 0 : i32
      %dma_wait3A_341 = tpu.memref_slice %arg6[%add3A_339, %dma_wait3A_340] : memref<40x64xi32, #tpu.memory_space<vmem>> -> memref<1x64xi32, #tpu.memory_space<vmem>>
      %dma_wait3A_342 = tpu.memref_squeeze %dma_wait3A_341 : memref<1x64xi32, #tpu.memory_space<vmem>> -> memref<64xi32, #tpu.memory_space<vmem>>
      %dma_wait3A_343 = arith.constant 0 : i32
      %dma_wait3A_344 = arith.constant 0 : i32
      %dma_wait3A_345 = tpu.memref_slice %arg2[%dma_wait3A_343, %dma_wait3A_344] : memref<20480x128xf32, #tpu.memory_space<hbm>> -> memref<20480x128xf32, #tpu.memory_space<hbm>>
      tpu.wait_indirect_dma semaphore(%arg16 : memref<!tpu.dma_semaphore, #tpu.memory_space<semaphore_mem>>) src(%dma_wait3A_345 : memref<20480x128xf32, #tpu.memory_space<hbm>>) dst(%arg11 : memref<64x128xf32, #tpu.memory_space<vmem>>)
      "tpu.region"() ({
        %run_scoped3A_354 = tpu.sem_alloc : memref<!tpu.dma_semaphore, #tpu.memory_space<semaphore_mem>>
        %dma_start3A_355 = arith.constant 0 : i32
        %dma_start3A_356 = tpu.memref_slice %arg7[%add3A_339, %dma_start3A_355] : memref<40x64xi32, #tpu.memory_space<vmem>> -> memref<1x64xi32, #tpu.memory_space<vmem>>
        %dma_start3A_357 = tpu.memref_squeeze %dma_start3A_356 : memref<1x64xi32, #tpu.memory_space<vmem>> -> memref<64xi32, #tpu.memory_space<vmem>>
        %dma_start3A_358 = arith.constant 0 : i32
        %dma_start3A_359 = arith.constant 0 : i32
        %dma_start3A_360 = tpu.memref_slice %arg12[%dma_start3A_358, %dma_start3A_359] : memref<10112x128xf32, #tpu.memory_space<vmem_shared>> -> memref<10112x128xf32, #tpu.memory_space<vmem_shared>>
        tpu.enqueue_indirect_dma source(%arg11 : memref<64x128xf32, #tpu.memory_space<vmem>>) target(%dma_start3A_360 : memref<10112x128xf32, #tpu.memory_space<vmem_shared>>) offsets(%dma_start3A_357 : memref<64xi32, #tpu.memory_space<vmem>>) semaphore(%run_scoped3A_354 : memref<!tpu.dma_semaphore, #tpu.memory_space<semaphore_mem>>) {add = true}
        %dma_wait3A_361 = arith.constant 0 : i32
        %dma_wait3A_362 = tpu.memref_slice %arg7[%add3A_339, %dma_wait3A_361] : memref<40x64xi32, #tpu.memory_space<vmem>> -> memref<1x64xi32, #tpu.memory_space<vmem>>
        %dma_wait3A_363 = tpu.memref_squeeze %dma_wait3A_362 : memref<1x64xi32, #tpu.memory_space<vmem>> -> memref<64xi32, #tpu.memory_space<vmem>>
        %dma_wait3A_364 = arith.constant 0 : i32
        %dma_wait3A_365 = arith.constant 0 : i32
        %dma_wait3A_366 = tpu.memref_slice %arg12[%dma_wait3A_364, %dma_wait3A_365] : memref<10112x128xf32, #tpu.memory_space<vmem_shared>> -> memref<10112x128xf32, #tpu.memory_space<vmem_shared>>
        tpu.wait_indirect_dma semaphore(%run_scoped3A_354 : memref<!tpu.dma_semaphore, #tpu.memory_space<semaphore_mem>>) src(%arg11 : memref<64x128xf32, #tpu.memory_space<vmem>>) dst(%dma_wait3A_366 : memref<10112x128xf32, #tpu.memory_space<vmem_shared>>)
        tpu.yield
      }) : () -> ()
      %add3A_346 = arith.constant 4 : i32
      %add3A_347 = arith.addi %add3A_339, %add3A_346 : i32
      %dma_start3A_348 = arith.constant 0 : i32
      %dma_start3A_349 = tpu.memref_slice %arg6[%add3A_347, %dma_start3A_348] : memref<40x64xi32, #tpu.memory_space<vmem>> -> memref<1x64xi32, #tpu.memory_space<vmem>>
      %dma_start3A_350 = tpu.memref_squeeze %dma_start3A_349 : memref<1x64xi32, #tpu.memory_space<vmem>> -> memref<64xi32, #tpu.memory_space<vmem>>
      %dma_start3A_351 = arith.constant 0 : i32
      %dma_start3A_352 = arith.constant 0 : i32
      %dma_start3A_353 = tpu.memref_slice %arg2[%dma_start3A_351, %dma_start3A_352] : memref<20480x128xf32, #tpu.memory_space<hbm>> -> memref<20480x128xf32, #tpu.memory_space<hbm>>
      tpu.enqueue_indirect_dma source(%dma_start3A_353 : memref<20480x128xf32, #tpu.memory_space<hbm>>) target(%arg11 : memref<64x128xf32, #tpu.memory_space<vmem>>) offsets(%dma_start3A_350 : memref<64xi32, #tpu.memory_space<vmem>>) semaphore(%arg16 : memref<!tpu.dma_semaphore, #tpu.memory_space<semaphore_mem>>)
    }
    %scan3A_240 = arith.constant 9 : i32
    %dma_wait3A_241 = arith.constant 36 : i32
    %dma_wait3A_242 = arith.constant 0 : i32
    %dma_wait3A_243 = tpu.memref_slice %arg6[%dma_wait3A_241, %dma_wait3A_242] : memref<40x64xi32, #tpu.memory_space<vmem>> -> memref<1x64xi32, #tpu.memory_space<vmem>>
    %dma_wait3A_244 = tpu.memref_squeeze %dma_wait3A_243 : memref<1x64xi32, #tpu.memory_space<vmem>> -> memref<64xi32, #tpu.memory_space<vmem>>
    %dma_wait3A_245 = arith.constant 0 : i32
    %dma_wait3A_246 = arith.constant 0 : i32
    %dma_wait3A_247 = tpu.memref_slice %arg2[%dma_wait3A_245, %dma_wait3A_246] : memref<20480x128xf32, #tpu.memory_space<hbm>> -> memref<20480x128xf32, #tpu.memory_space<hbm>>
    tpu.wait_indirect_dma semaphore(%arg13 : memref<!tpu.dma_semaphore, #tpu.memory_space<semaphore_mem>>) src(%dma_wait3A_247 : memref<20480x128xf32, #tpu.memory_space<hbm>>) dst(%arg8 : memref<64x128xf32, #tpu.memory_space<vmem>>)
    %run_scoped3A_248 = arith.constant 36 : i32
    "tpu.region"() ({
      %run_scoped3A_281 = tpu.sem_alloc : memref<!tpu.dma_semaphore, #tpu.memory_space<semaphore_mem>>
      %dma_start3A_282 = arith.constant 0 : i32
      %dma_start3A_283 = tpu.memref_slice %arg7[%run_scoped3A_248, %dma_start3A_282] : memref<40x64xi32, #tpu.memory_space<vmem>> -> memref<1x64xi32, #tpu.memory_space<vmem>>
      %dma_start3A_284 = tpu.memref_squeeze %dma_start3A_283 : memref<1x64xi32, #tpu.memory_space<vmem>> -> memref<64xi32, #tpu.memory_space<vmem>>
      %dma_start3A_285 = arith.constant 0 : i32
      %dma_start3A_286 = arith.constant 0 : i32
      %dma_start3A_287 = tpu.memref_slice %arg12[%dma_start3A_285, %dma_start3A_286] : memref<10112x128xf32, #tpu.memory_space<vmem_shared>> -> memref<10112x128xf32, #tpu.memory_space<vmem_shared>>
      tpu.enqueue_indirect_dma source(%arg8 : memref<64x128xf32, #tpu.memory_space<vmem>>) target(%dma_start3A_287 : memref<10112x128xf32, #tpu.memory_space<vmem_shared>>) offsets(%dma_start3A_284 : memref<64xi32, #tpu.memory_space<vmem>>) semaphore(%run_scoped3A_281 : memref<!tpu.dma_semaphore, #tpu.memory_space<semaphore_mem>>) {add = true}
      %dma_wait3A_288 = arith.constant 0 : i32
      %dma_wait3A_289 = tpu.memref_slice %arg7[%run_scoped3A_248, %dma_wait3A_288] : memref<40x64xi32, #tpu.memory_space<vmem>> -> memref<1x64xi32, #tpu.memory_space<vmem>>
      %dma_wait3A_290 = tpu.memref_squeeze %dma_wait3A_289 : memref<1x64xi32, #tpu.memory_space<vmem>> -> memref<64xi32, #tpu.memory_space<vmem>>
      %dma_wait3A_291 = arith.constant 0 : i32
      %dma_wait3A_292 = arith.constant 0 : i32
      %dma_wait3A_293 = tpu.memref_slice %arg12[%dma_wait3A_291, %dma_wait3A_292] : memref<10112x128xf32, #tpu.memory_space<vmem_shared>> -> memref<10112x128xf32, #tpu.memory_space<vmem_shared>>
      tpu.wait_indirect_dma semaphore(%run_scoped3A_281 : memref<!tpu.dma_semaphore, #tpu.memory_space<semaphore_mem>>) src(%arg8 : memref<64x128xf32, #tpu.memory_space<vmem>>) dst(%dma_wait3A_293 : memref<10112x128xf32, #tpu.memory_space<vmem_shared>>)
      tpu.yield
    }) : () -> ()
    %dma_wait3A_249 = arith.constant 37 : i32
    %dma_wait3A_250 = arith.constant 0 : i32
    %dma_wait3A_251 = tpu.memref_slice %arg6[%dma_wait3A_249, %dma_wait3A_250] : memref<40x64xi32, #tpu.memory_space<vmem>> -> memref<1x64xi32, #tpu.memory_space<vmem>>
    %dma_wait3A_252 = tpu.memref_squeeze %dma_wait3A_251 : memref<1x64xi32, #tpu.memory_space<vmem>> -> memref<64xi32, #tpu.memory_space<vmem>>
    %dma_wait3A_253 = arith.constant 0 : i32
    %dma_wait3A_254 = arith.constant 0 : i32
    %dma_wait3A_255 = tpu.memref_slice %arg2[%dma_wait3A_253, %dma_wait3A_254] : memref<20480x128xf32, #tpu.memory_space<hbm>> -> memref<20480x128xf32, #tpu.memory_space<hbm>>
    tpu.wait_indirect_dma semaphore(%arg14 : memref<!tpu.dma_semaphore, #tpu.memory_space<semaphore_mem>>) src(%dma_wait3A_255 : memref<20480x128xf32, #tpu.memory_space<hbm>>) dst(%arg9 : memref<64x128xf32, #tpu.memory_space<vmem>>)
    %run_scoped3A_256 = arith.constant 37 : i32
    "tpu.region"() ({
      %run_scoped3A_281 = tpu.sem_alloc : memref<!tpu.dma_semaphore, #tpu.memory_space<semaphore_mem>>
      %dma_start3A_282 = arith.constant 0 : i32
      %dma_start3A_283 = tpu.memref_slice %arg7[%run_scoped3A_256, %dma_start3A_282] : memref<40x64xi32, #tpu.memory_space<vmem>> -> memref<1x64xi32, #tpu.memory_space<vmem>>
      %dma_start3A_284 = tpu.memref_squeeze %dma_start3A_283 : memref<1x64xi32, #tpu.memory_space<vmem>> -> memref<64xi32, #tpu.memory_space<vmem>>
      %dma_start3A_285 = arith.constant 0 : i32
      %dma_start3A_286 = arith.constant 0 : i32
      %dma_start3A_287 = tpu.memref_slice %arg12[%dma_start3A_285, %dma_start3A_286] : memref<10112x128xf32, #tpu.memory_space<vmem_shared>> -> memref<10112x128xf32, #tpu.memory_space<vmem_shared>>
      tpu.enqueue_indirect_dma source(%arg9 : memref<64x128xf32, #tpu.memory_space<vmem>>) target(%dma_start3A_287 : memref<10112x128xf32, #tpu.memory_space<vmem_shared>>) offsets(%dma_start3A_284 : memref<64xi32, #tpu.memory_space<vmem>>) semaphore(%run_scoped3A_281 : memref<!tpu.dma_semaphore, #tpu.memory_space<semaphore_mem>>) {add = true}
      %dma_wait3A_288 = arith.constant 0 : i32
      %dma_wait3A_289 = tpu.memref_slice %arg7[%run_scoped3A_256, %dma_wait3A_288] : memref<40x64xi32, #tpu.memory_space<vmem>> -> memref<1x64xi32, #tpu.memory_space<vmem>>
      %dma_wait3A_290 = tpu.memref_squeeze %dma_wait3A_289 : memref<1x64xi32, #tpu.memory_space<vmem>> -> memref<64xi32, #tpu.memory_space<vmem>>
      %dma_wait3A_291 = arith.constant 0 : i32
      %dma_wait3A_292 = arith.constant 0 : i32
      %dma_wait3A_293 = tpu.memref_slice %arg12[%dma_wait3A_291, %dma_wait3A_292] : memref<10112x128xf32, #tpu.memory_space<vmem_shared>> -> memref<10112x128xf32, #tpu.memory_space<vmem_shared>>
      tpu.wait_indirect_dma semaphore(%run_scoped3A_281 : memref<!tpu.dma_semaphore, #tpu.memory_space<semaphore_mem>>) src(%arg9 : memref<64x128xf32, #tpu.memory_space<vmem>>) dst(%dma_wait3A_293 : memref<10112x128xf32, #tpu.memory_space<vmem_shared>>)
      tpu.yield
    }) : () -> ()
    %dma_wait3A_257 = arith.constant 38 : i32
    %dma_wait3A_258 = arith.constant 0 : i32
    %dma_wait3A_259 = tpu.memref_slice %arg6[%dma_wait3A_257, %dma_wait3A_258] : memref<40x64xi32, #tpu.memory_space<vmem>> -> memref<1x64xi32, #tpu.memory_space<vmem>>
    %dma_wait3A_260 = tpu.memref_squeeze %dma_wait3A_259 : memref<1x64xi32, #tpu.memory_space<vmem>> -> memref<64xi32, #tpu.memory_space<vmem>>
    %dma_wait3A_261 = arith.constant 0 : i32
    %dma_wait3A_262 = arith.constant 0 : i32
    %dma_wait3A_263 = tpu.memref_slice %arg2[%dma_wait3A_261, %dma_wait3A_262] : memref<20480x128xf32, #tpu.memory_space<hbm>> -> memref<20480x128xf32, #tpu.memory_space<hbm>>
    tpu.wait_indirect_dma semaphore(%arg15 : memref<!tpu.dma_semaphore, #tpu.memory_space<semaphore_mem>>) src(%dma_wait3A_263 : memref<20480x128xf32, #tpu.memory_space<hbm>>) dst(%arg10 : memref<64x128xf32, #tpu.memory_space<vmem>>)
    %run_scoped3A_264 = arith.constant 38 : i32
    "tpu.region"() ({
      %run_scoped3A_281 = tpu.sem_alloc : memref<!tpu.dma_semaphore, #tpu.memory_space<semaphore_mem>>
      %dma_start3A_282 = arith.constant 0 : i32
      %dma_start3A_283 = tpu.memref_slice %arg7[%run_scoped3A_264, %dma_start3A_282] : memref<40x64xi32, #tpu.memory_space<vmem>> -> memref<1x64xi32, #tpu.memory_space<vmem>>
      %dma_start3A_284 = tpu.memref_squeeze %dma_start3A_283 : memref<1x64xi32, #tpu.memory_space<vmem>> -> memref<64xi32, #tpu.memory_space<vmem>>
      %dma_start3A_285 = arith.constant 0 : i32
      %dma_start3A_286 = arith.constant 0 : i32
      %dma_start3A_287 = tpu.memref_slice %arg12[%dma_start3A_285, %dma_start3A_286] : memref<10112x128xf32, #tpu.memory_space<vmem_shared>> -> memref<10112x128xf32, #tpu.memory_space<vmem_shared>>
      tpu.enqueue_indirect_dma source(%arg10 : memref<64x128xf32, #tpu.memory_space<vmem>>) target(%dma_start3A_287 : memref<10112x128xf32, #tpu.memory_space<vmem_shared>>) offsets(%dma_start3A_284 : memref<64xi32, #tpu.memory_space<vmem>>) semaphore(%run_scoped3A_281 : memref<!tpu.dma_semaphore, #tpu.memory_space<semaphore_mem>>) {add = true}
      %dma_wait3A_288 = arith.constant 0 : i32
      %dma_wait3A_289 = tpu.memref_slice %arg7[%run_scoped3A_264, %dma_wait3A_288] : memref<40x64xi32, #tpu.memory_space<vmem>> -> memref<1x64xi32, #tpu.memory_space<vmem>>
      %dma_wait3A_290 = tpu.memref_squeeze %dma_wait3A_289 : memref<1x64xi32, #tpu.memory_space<vmem>> -> memref<64xi32, #tpu.memory_space<vmem>>
      %dma_wait3A_291 = arith.constant 0 : i32
      %dma_wait3A_292 = arith.constant 0 : i32
      %dma_wait3A_293 = tpu.memref_slice %arg12[%dma_wait3A_291, %dma_wait3A_292] : memref<10112x128xf32, #tpu.memory_space<vmem_shared>> -> memref<10112x128xf32, #tpu.memory_space<vmem_shared>>
      tpu.wait_indirect_dma semaphore(%run_scoped3A_281 : memref<!tpu.dma_semaphore, #tpu.memory_space<semaphore_mem>>) src(%arg10 : memref<64x128xf32, #tpu.memory_space<vmem>>) dst(%dma_wait3A_293 : memref<10112x128xf32, #tpu.memory_space<vmem_shared>>)
      tpu.yield
    }) : () -> ()
    %dma_wait3A_265 = arith.constant 39 : i32
    %dma_wait3A_266 = arith.constant 0 : i32
    %dma_wait3A_267 = tpu.memref_slice %arg6[%dma_wait3A_265, %dma_wait3A_266] : memref<40x64xi32, #tpu.memory_space<vmem>> -> memref<1x64xi32, #tpu.memory_space<vmem>>
    %dma_wait3A_268 = tpu.memref_squeeze %dma_wait3A_267 : memref<1x64xi32, #tpu.memory_space<vmem>> -> memref<64xi32, #tpu.memory_space<vmem>>
    %dma_wait3A_269 = arith.constant 0 : i32
    %dma_wait3A_270 = arith.constant 0 : i32
    %dma_wait3A_271 = tpu.memref_slice %arg2[%dma_wait3A_269, %dma_wait3A_270] : memref<20480x128xf32, #tpu.memory_space<hbm>> -> memref<20480x128xf32, #tpu.memory_space<hbm>>
    tpu.wait_indirect_dma semaphore(%arg16 : memref<!tpu.dma_semaphore, #tpu.memory_space<semaphore_mem>>) src(%dma_wait3A_271 : memref<20480x128xf32, #tpu.memory_space<hbm>>) dst(%arg11 : memref<64x128xf32, #tpu.memory_space<vmem>>)
    %run_scoped3A_272 = arith.constant 39 : i32
    "tpu.region"() ({
      %run_scoped3A_281 = tpu.sem_alloc : memref<!tpu.dma_semaphore, #tpu.memory_space<semaphore_mem>>
      %dma_start3A_282 = arith.constant 0 : i32
      %dma_start3A_283 = tpu.memref_slice %arg7[%run_scoped3A_272, %dma_start3A_282] : memref<40x64xi32, #tpu.memory_space<vmem>> -> memref<1x64xi32, #tpu.memory_space<vmem>>
      %dma_start3A_284 = tpu.memref_squeeze %dma_start3A_283 : memref<1x64xi32, #tpu.memory_space<vmem>> -> memref<64xi32, #tpu.memory_space<vmem>>
      %dma_start3A_285 = arith.constant 0 : i32
      %dma_start3A_286 = arith.constant 0 : i32
      %dma_start3A_287 = tpu.memref_slice %arg12[%dma_start3A_285, %dma_start3A_286] : memref<10112x128xf32, #tpu.memory_space<vmem_shared>> -> memref<10112x128xf32, #tpu.memory_space<vmem_shared>>
      tpu.enqueue_indirect_dma source(%arg11 : memref<64x128xf32, #tpu.memory_space<vmem>>) target(%dma_start3A_287 : memref<10112x128xf32, #tpu.memory_space<vmem_shared>>) offsets(%dma_start3A_284 : memref<64xi32, #tpu.memory_space<vmem>>) semaphore(%run_scoped3A_281 : memref<!tpu.dma_semaphore, #tpu.memory_space<semaphore_mem>>) {add = true}
      %dma_wait3A_288 = arith.constant 0 : i32
      %dma_wait3A_289 = tpu.memref_slice %arg7[%run_scoped3A_272, %dma_wait3A_288] : memref<40x64xi32, #tpu.memory_space<vmem>> -> memref<1x64xi32, #tpu.memory_space<vmem>>
      %dma_wait3A_290 = tpu.memref_squeeze %dma_wait3A_289 : memref<1x64xi32, #tpu.memory_space<vmem>> -> memref<64xi32, #tpu.memory_space<vmem>>
      %dma_wait3A_291 = arith.constant 0 : i32
      %dma_wait3A_292 = arith.constant 0 : i32
      %dma_wait3A_293 = tpu.memref_slice %arg12[%dma_wait3A_291, %dma_wait3A_292] : memref<10112x128xf32, #tpu.memory_space<vmem_shared>> -> memref<10112x128xf32, #tpu.memory_space<vmem_shared>>
      tpu.wait_indirect_dma semaphore(%run_scoped3A_281 : memref<!tpu.dma_semaphore, #tpu.memory_space<semaphore_mem>>) src(%arg11 : memref<64x128xf32, #tpu.memory_space<vmem>>) dst(%dma_wait3A_293 : memref<10112x128xf32, #tpu.memory_space<vmem_shared>>)
      tpu.yield
    }) : () -> ()
    %barrier3A_273 = arith.constant 0 : index
    tpu.barrier barrier_id(%barrier3A_273)
    %mul3A_274 = arith.constant 632 : i32
    %mul3A_275 = arith.muli %arg1, %mul3A_274 : i32
    %mul3A_276 = arith.constant 10240 : i32
    %mul3A_277 = arith.muli %arg0, %mul3A_276 : i32
    %mul3A_278 = arith.constant 632 : i32
    %mul3A_279 = arith.muli %arg1, %mul3A_278 : i32
    %add3A_280 = arith.addi %mul3A_277, %mul3A_279 : i32
    "tpu.region"() ({
      %run_scoped3A_281 = tpu.sem_alloc : memref<!tpu.dma_semaphore, #tpu.memory_space<semaphore_mem>>
      %dma_start3A_282 = arith.constant 0 : i32
      %dma_start3A_283 = tpu.memref_slice %arg5[%add3A_280, %dma_start3A_282] : memref<20480x128xf32, #tpu.memory_space<hbm>> -> memref<632x128xf32, #tpu.memory_space<hbm>>
      %dma_start3A_284 = arith.constant 0 : i32
      %dma_start3A_285 = tpu.memref_slice %arg12[%mul3A_275, %dma_start3A_284] : memref<10112x128xf32, #tpu.memory_space<vmem_shared>> -> memref<632x128xf32, #tpu.memory_space<vmem_shared>>
      tpu.enqueue_dma source(%dma_start3A_285 : memref<632x128xf32, #tpu.memory_space<vmem_shared>>) target(%dma_start3A_283 : memref<632x128xf32, #tpu.memory_space<hbm>>) target_semaphore(%run_scoped3A_281 : memref<!tpu.dma_semaphore, #tpu.memory_space<semaphore_mem>>)
      %dma_wait3A_286 = arith.constant 0 : i32
      %dma_wait3A_287 = tpu.memref_slice %arg5[%add3A_280, %dma_wait3A_286] : memref<20480x128xf32, #tpu.memory_space<hbm>> -> memref<632x128xf32, #tpu.memory_space<hbm>>
      %dma_wait3A_288 = arith.constant 0 : i32
      %dma_wait3A_289 = tpu.memref_slice %arg12[%mul3A_275, %dma_wait3A_288] : memref<10112x128xf32, #tpu.memory_space<vmem_shared>> -> memref<632x128xf32, #tpu.memory_space<vmem_shared>>
      tpu.wait_dma2 semaphore(%run_scoped3A_281 : memref<!tpu.dma_semaphore, #tpu.memory_space<semaphore_mem>>) src(%dma_wait3A_289 : memref<632x128xf32, #tpu.memory_space<vmem_shared>>) dst(%dma_wait3A_287 : memref<632x128xf32, #tpu.memory_space<hbm>>)
      tpu.yield
    }) : () -> ()
    return
  }
}

#map = affine_map<(d0, d1) -> (0, 0, 0)>
#map1 = affine_map<(d0, d1) -> (0, 0)>
module attributes {stable_mosaic.version = 14 : i64} {
  func.func @_deg_body(%arg0: i32, %arg1: i32, %arg2: memref<16x80x128xi32, #tpu.memory_space<hbm>>, %arg3: memref<10240x16xf32, #tpu.memory_space<hbm>>, %arg4: memref<2x10240x16xf32, #tpu.memory_space<hbm>>, %arg5: memref<80x128xi32, #tpu.memory_space<vmem>>, %arg6: memref<128x16xf32, #tpu.memory_space<vmem>>, %arg7: memref<10240x16xf32, #tpu.memory_space<vmem_shared>>) attributes {dimension_semantics = [#tpu.dimension_semantics<core_parallel>, #tpu.dimension_semantics<subcore_parallel>], iteration_bounds = array<i64: 2, 16>, scalar_prefetch = 0 : i64, scratch_operands = 3 : i64, tpu.core_type = #tpu.core_type<sc_vector_subcore>, window_params = [{transform_indices = #map}, {transform_indices = #map1}, {transform_indices = #map}]} {
    %scan3A = arith.constant 0 : i32
    %scan3A_0 = arith.constant 0 : i32
    %scan3A_1 = arith.constant 128 : i32
    %scan3A_2 = arith.addi %scan3A_0, %scan3A_1 : i32
    %scan3A_3 = arith.constant 1 : i32
    scf.for %scan3A_19 = %scan3A_0 to %scan3A_2 step %scan3A_3  : i32 {
      %broadcast_in_dim3A = arith.constant 1.000000e+00 : f32
      %broadcast_in_dim3A_20 = vector.broadcast %broadcast_in_dim3A : f32 to vector<16xf32>
      %swap3A = arith.index_cast %scan3A_19 : i32 to index
      %swap3A_21 = arith.constant 0 : index
      %swap3A_22 = tpu.vector_load %arg6[%swap3A, %swap3A_21] {strides = array<i32>} : memref<128x16xf32, #tpu.memory_space<vmem>>, vector<1x16xf32>,
      %swap3A_23 = vector.shape_cast %swap3A_22 : vector<1x16xf32> to vector<16xf32>
      %swap3A_24 = vector.shape_cast %broadcast_in_dim3A_20 : vector<16xf32> to vector<1x16xf32>
      tpu.vector_store %arg6[%swap3A, %swap3A_21], %swap3A_24 {strides = array<i32>} : memref<128x16xf32, #tpu.memory_space<vmem>>, vector<1x16xf32>,
    }
    %scan3A_4 = arith.constant 128 : i32
    %mul3A = arith.constant 640 : i32
    %mul3A_5 = arith.muli %arg1, %mul3A : i32
    %mul3A_6 = arith.constant 640 : i32
    %mul3A_7 = arith.muli %arg1, %mul3A_6 : i32
    "tpu.region"() ({
      %run_scoped3A = tpu.sem_alloc : memref<!tpu.dma_semaphore, #tpu.memory_space<semaphore_mem>>
      %dma_start3A = arith.constant 0 : i32
      %dma_start3A_19 = tpu.memref_slice %arg7[%mul3A_7, %dma_start3A] : memref<10240x16xf32, #tpu.memory_space<vmem_shared>> -> memref<640x16xf32, #tpu.memory_space<vmem_shared>>
      %dma_start3A_20 = arith.constant 0 : i32
      %dma_start3A_21 = tpu.memref_slice %arg3[%mul3A_5, %dma_start3A_20] : memref<10240x16xf32, #tpu.memory_space<hbm>> -> memref<640x16xf32, #tpu.memory_space<hbm>>
      tpu.enqueue_dma source(%dma_start3A_21 : memref<640x16xf32, #tpu.memory_space<hbm>>) target(%dma_start3A_19 : memref<640x16xf32, #tpu.memory_space<vmem_shared>>) target_semaphore(%run_scoped3A : memref<!tpu.dma_semaphore, #tpu.memory_space<semaphore_mem>>)
      %dma_wait3A = arith.constant 0 : i32
      %dma_wait3A_22 = tpu.memref_slice %arg7[%mul3A_7, %dma_wait3A] : memref<10240x16xf32, #tpu.memory_space<vmem_shared>> -> memref<640x16xf32, #tpu.memory_space<vmem_shared>>
      %dma_wait3A_23 = arith.constant 0 : i32
      %dma_wait3A_24 = tpu.memref_slice %arg3[%mul3A_5, %dma_wait3A_23] : memref<10240x16xf32, #tpu.memory_space<hbm>> -> memref<640x16xf32, #tpu.memory_space<hbm>>
      tpu.wait_dma2 semaphore(%run_scoped3A : memref<!tpu.dma_semaphore, #tpu.memory_space<semaphore_mem>>) src(%dma_wait3A_24 : memref<640x16xf32, #tpu.memory_space<hbm>>) dst(%dma_wait3A_22 : memref<640x16xf32, #tpu.memory_space<vmem_shared>>)
      tpu.yield
    }) : () -> ()
    %barrier3A = arith.constant 0 : index
    tpu.barrier barrier_id(%barrier3A)
    "tpu.region"() ({
      %run_scoped3A = tpu.sem_alloc : memref<!tpu.dma_semaphore, #tpu.memory_space<semaphore_mem>>
      %dma_start3A = arith.constant 0 : i32
      %dma_start3A_19 = arith.constant 0 : i32
      %dma_start3A_20 = tpu.memref_slice %arg2[%arg1, %dma_start3A, %dma_start3A_19] : memref<16x80x128xi32, #tpu.memory_space<hbm>> -> memref<1x80x128xi32, #tpu.memory_space<hbm>>
      %dma_start3A_21 = tpu.memref_squeeze %dma_start3A_20 : memref<1x80x128xi32, #tpu.memory_space<hbm>> -> memref<80x128xi32, #tpu.memory_space<hbm>>
      %dma_start3A_22 = arith.constant 0 : i32
      %dma_start3A_23 = arith.constant 0 : i32
      %dma_start3A_24 = tpu.memref_slice %arg2[%arg1, %dma_start3A_22, %dma_start3A_23] : memref<16x80x128xi32, #tpu.memory_space<hbm>> -> memref<1x80x128xi32, #tpu.memory_space<hbm>>
      %dma_start3A_25 = tpu.memref_squeeze %dma_start3A_24 : memref<1x80x128xi32, #tpu.memory_space<hbm>> -> memref<80x128xi32, #tpu.memory_space<hbm>>
      tpu.enqueue_dma source(%dma_start3A_25 : memref<80x128xi32, #tpu.memory_space<hbm>>) target(%arg5 : memref<80x128xi32, #tpu.memory_space<vmem>>) target_semaphore(%run_scoped3A : memref<!tpu.dma_semaphore, #tpu.memory_space<semaphore_mem>>)
      %dma_wait3A = arith.constant 0 : i32
      %dma_wait3A_26 = arith.constant 0 : i32
      %dma_wait3A_27 = tpu.memref_slice %arg2[%arg1, %dma_wait3A, %dma_wait3A_26] : memref<16x80x128xi32, #tpu.memory_space<hbm>> -> memref<1x80x128xi32, #tpu.memory_space<hbm>>
      %dma_wait3A_28 = tpu.memref_squeeze %dma_wait3A_27 : memref<1x80x128xi32, #tpu.memory_space<hbm>> -> memref<80x128xi32, #tpu.memory_space<hbm>>
      %dma_wait3A_29 = arith.constant 0 : i32
      %dma_wait3A_30 = arith.constant 0 : i32
      %dma_wait3A_31 = tpu.memref_slice %arg2[%arg1, %dma_wait3A_29, %dma_wait3A_30] : memref<16x80x128xi32, #tpu.memory_space<hbm>> -> memref<1x80x128xi32, #tpu.memory_space<hbm>>
      %dma_wait3A_32 = tpu.memref_squeeze %dma_wait3A_31 : memref<1x80x128xi32, #tpu.memory_space<hbm>> -> memref<80x128xi32, #tpu.memory_space<hbm>>
      tpu.wait_dma2 semaphore(%run_scoped3A : memref<!tpu.dma_semaphore, #tpu.memory_space<semaphore_mem>>) src(%dma_wait3A_32 : memref<80x128xi32, #tpu.memory_space<hbm>>) dst(%arg5 : memref<80x128xi32, #tpu.memory_space<vmem>>)
      tpu.yield
    }) : () -> ()
    %scan3A_8 = arith.constant 0 : i32
    %scan3A_9 = arith.constant 0 : i32
    %scan3A_10 = arith.constant 80 : i32
    %scan3A_11 = arith.addi %scan3A_9, %scan3A_10 : i32
    %scan3A_12 = arith.constant 1 : i32
    scf.for %scan3A_19 = %scan3A_9 to %scan3A_11 step %scan3A_12  : i32 {
      "tpu.region"() ({
        %run_scoped3A = tpu.sem_alloc : memref<!tpu.dma_semaphore, #tpu.memory_space<semaphore_mem>>
        %dma_start3A = arith.constant 0 : i32
        %dma_start3A_20 = tpu.memref_slice %arg5[%scan3A_19, %dma_start3A] : memref<80x128xi32, #tpu.memory_space<vmem>> -> memref<1x128xi32, #tpu.memory_space<vmem>>
        %dma_start3A_21 = tpu.memref_squeeze %dma_start3A_20 : memref<1x128xi32, #tpu.memory_space<vmem>> -> memref<128xi32, #tpu.memory_space<vmem>>
        %dma_start3A_22 = arith.constant 0 : i32
        %dma_start3A_23 = arith.constant 0 : i32
        %dma_start3A_24 = tpu.memref_slice %arg7[%dma_start3A_22, %dma_start3A_23] : memref<10240x16xf32, #tpu.memory_space<vmem_shared>> -> memref<10240x16xf32, #tpu.memory_space<vmem_shared>>
        tpu.enqueue_indirect_dma source(%arg6 : memref<128x16xf32, #tpu.memory_space<vmem>>) target(%dma_start3A_24 : memref<10240x16xf32, #tpu.memory_space<vmem_shared>>) offsets(%dma_start3A_21 : memref<128xi32, #tpu.memory_space<vmem>>) semaphore(%run_scoped3A : memref<!tpu.dma_semaphore, #tpu.memory_space<semaphore_mem>>) {add = true}
        %dma_wait3A = arith.constant 0 : i32
        %dma_wait3A_25 = tpu.memref_slice %arg5[%scan3A_19, %dma_wait3A] : memref<80x128xi32, #tpu.memory_space<vmem>> -> memref<1x128xi32, #tpu.memory_space<vmem>>
        %dma_wait3A_26 = tpu.memref_squeeze %dma_wait3A_25 : memref<1x128xi32, #tpu.memory_space<vmem>> -> memref<128xi32, #tpu.memory_space<vmem>>
        %dma_wait3A_27 = arith.constant 0 : i32
        %dma_wait3A_28 = arith.constant 0 : i32
        %dma_wait3A_29 = tpu.memref_slice %arg7[%dma_wait3A_27, %dma_wait3A_28] : memref<10240x16xf32, #tpu.memory_space<vmem_shared>> -> memref<10240x16xf32, #tpu.memory_space<vmem_shared>>
        tpu.wait_indirect_dma semaphore(%run_scoped3A : memref<!tpu.dma_semaphore, #tpu.memory_space<semaphore_mem>>) src(%arg6 : memref<128x16xf32, #tpu.memory_space<vmem>>) dst(%dma_wait3A_29 : memref<10240x16xf32, #tpu.memory_space<vmem_shared>>)
        tpu.yield
      }) : () -> ()
    }
    %scan3A_13 = arith.constant 80 : i32
    %barrier3A_14 = arith.constant 0 : index
    tpu.barrier barrier_id(%barrier3A_14)
    %mul3A_15 = arith.constant 640 : i32
    %mul3A_16 = arith.muli %arg1, %mul3A_15 : i32
    %mul3A_17 = arith.constant 640 : i32
    %mul3A_18 = arith.muli %arg1, %mul3A_17 : i32
    "tpu.region"() ({
      %run_scoped3A = tpu.sem_alloc : memref<!tpu.dma_semaphore, #tpu.memory_space<semaphore_mem>>
      %dma_start3A = arith.constant 0 : i32
      %dma_start3A_19 = tpu.memref_slice %arg4[%arg0, %mul3A_18, %dma_start3A] : memref<2x10240x16xf32, #tpu.memory_space<hbm>> -> memref<1x640x16xf32, #tpu.memory_space<hbm>>
      %dma_start3A_20 = tpu.memref_squeeze %dma_start3A_19 : memref<1x640x16xf32, #tpu.memory_space<hbm>> -> memref<640x16xf32, #tpu.memory_space<hbm>>
      %dma_start3A_21 = arith.constant 0 : i32
      %dma_start3A_22 = tpu.memref_slice %arg7[%mul3A_16, %dma_start3A_21] : memref<10240x16xf32, #tpu.memory_space<vmem_shared>> -> memref<640x16xf32, #tpu.memory_space<vmem_shared>>
      tpu.enqueue_dma source(%dma_start3A_22 : memref<640x16xf32, #tpu.memory_space<vmem_shared>>) target(%dma_start3A_20 : memref<640x16xf32, #tpu.memory_space<hbm>>) target_semaphore(%run_scoped3A : memref<!tpu.dma_semaphore, #tpu.memory_space<semaphore_mem>>)
      %dma_wait3A = arith.constant 0 : i32
      %dma_wait3A_23 = tpu.memref_slice %arg4[%arg0, %mul3A_18, %dma_wait3A] : memref<2x10240x16xf32, #tpu.memory_space<hbm>> -> memref<1x640x16xf32, #tpu.memory_space<hbm>>
      %dma_wait3A_24 = tpu.memref_squeeze %dma_wait3A_23 : memref<1x640x16xf32, #tpu.memory_space<hbm>> -> memref<640x16xf32, #tpu.memory_space<hbm>>
      %dma_wait3A_25 = arith.constant 0 : i32
      %dma_wait3A_26 = tpu.memref_slice %arg7[%mul3A_16, %dma_wait3A_25] : memref<10240x16xf32, #tpu.memory_space<vmem_shared>> -> memref<640x16xf32, #tpu.memory_space<vmem_shared>>
      tpu.wait_dma2 semaphore(%run_scoped3A : memref<!tpu.dma_semaphore, #tpu.memory_space<semaphore_mem>>) src(%dma_wait3A_26 : memref<640x16xf32, #tpu.memory_space<vmem_shared>>) dst(%dma_wait3A_24 : memref<640x16xf32, #tpu.memory_space<hbm>>)
      tpu.yield
    }) : () -> ()
    return
  }
}

#map = affine_map<(d0, d1) -> (0, 0)>
#map1 = affine_map<(d0, d1) -> (0, 0, 0, 0, 0)>
#map2 = affine_map<(d0, d1) -> (0, 0, 0, 0)>
module attributes {stable_mosaic.version = 14 : i64} {
  func.func @_scatter_body(%arg0: i32, %arg1: i32, %arg2: memref<20480x128xf32, #tpu.memory_space<hbm>>, %arg3: memref<2x16x4x40x64xi32, #tpu.memory_space<hbm>>, %arg4: memref<16x4x40x64xi32, #tpu.memory_space<hbm>>, %arg5: memref<20480x128xf32, #tpu.memory_space<hbm>>, %arg6: memref<40x64xi32, #tpu.memory_space<vmem>>, %arg7: memref<40x64xi32, #tpu.memory_space<vmem>>, %arg8: memref<64x128xf32, #tpu.memory_space<vmem>>, %arg9: memref<64x128xf32, #tpu.memory_space<vmem>>, %arg10: memref<64x128xf32, #tpu.memory_space<vmem>>, %arg11: memref<64x128xf32, #tpu.memory_space<vmem>>, %arg12: memref<10112x128xf32, #tpu.memory_space<vmem_shared>>, %arg13: memref<!tpu.dma_semaphore, #tpu.memory_space<semaphore_mem>>, %arg14: memref<!tpu.dma_semaphore, #tpu.memory_space<semaphore_mem>>, %arg15: memref<!tpu.dma_semaphore, #tpu.memory_space<semaphore_mem>>, %arg16: memref<!tpu.dma_semaphore, #tpu.memory_space<semaphore_mem>>) attributes {dimension_semantics = [#tpu.dimension_semantics<core_parallel>, #tpu.dimension_semantics<subcore_parallel>], iteration_bounds = array<i64: 2, 16>, scalar_prefetch = 0 : i64, scratch_operands = 11 : i64, tpu.core_type = #tpu.core_type<sc_vector_subcore>, window_params = [{transform_indices = #map}, {transform_indices = #map1}, {transform_indices = #map2}, {transform_indices = #map}]} {
    %mul3A = arith.constant 10240 : i32
    %mul3A_0 = arith.muli %arg0, %mul3A : i32
    %mul3A_1 = arith.constant 632 : i32
    %mul3A_2 = arith.muli %arg1, %mul3A_1 : i32
    %add3A = arith.addi %mul3A_0, %mul3A_2 : i32
    %mul3A_3 = arith.constant 632 : i32
    %mul3A_4 = arith.muli %arg1, %mul3A_3 : i32
    "tpu.region"() ({
      %run_scoped3A_281 = tpu.sem_alloc : memref<!tpu.dma_semaphore, #tpu.memory_space<semaphore_mem>>
      %dma_start3A_282 = arith.constant 0 : i32
      %dma_start3A_283 = tpu.memref_slice %arg12[%mul3A_4, %dma_start3A_282] : memref<10112x128xf32, #tpu.memory_space<vmem_shared>> -> memref<632x128xf32, #tpu.memory_space<vmem_shared>>
      %dma_start3A_284 = arith.constant 0 : i32
      %dma_start3A_285 = tpu.memref_slice %arg2[%add3A, %dma_start3A_284] : memref<20480x128xf32, #tpu.memory_space<hbm>> -> memref<632x128xf32, #tpu.memory_space<hbm>>
      tpu.enqueue_dma source(%dma_start3A_285 : memref<632x128xf32, #tpu.memory_space<hbm>>) target(%dma_start3A_283 : memref<632x128xf32, #tpu.memory_space<vmem_shared>>) target_semaphore(%run_scoped3A_281 : memref<!tpu.dma_semaphore, #tpu.memory_space<semaphore_mem>>)
      %dma_wait3A_286 = arith.constant 0 : i32
      %dma_wait3A_287 = tpu.memref_slice %arg12[%mul3A_4, %dma_wait3A_286] : memref<10112x128xf32, #tpu.memory_space<vmem_shared>> -> memref<632x128xf32, #tpu.memory_space<vmem_shared>>
      %dma_wait3A_288 = arith.constant 0 : i32
      %dma_wait3A_289 = tpu.memref_slice %arg2[%add3A, %dma_wait3A_288] : memref<20480x128xf32, #tpu.memory_space<hbm>> -> memref<632x128xf32, #tpu.memory_space<hbm>>
      tpu.wait_dma2 semaphore(%run_scoped3A_281 : memref<!tpu.dma_semaphore, #tpu.memory_space<semaphore_mem>>) src(%dma_wait3A_289 : memref<632x128xf32, #tpu.memory_space<hbm>>) dst(%dma_wait3A_287 : memref<632x128xf32, #tpu.memory_space<vmem_shared>>)
      tpu.yield
    }) : () -> ()
    %barrier3A = arith.constant 0 : index
    tpu.barrier barrier_id(%barrier3A)
    %run_scoped3A = arith.constant 0 : i32
    "tpu.region"() ({
      %run_scoped3A_281 = tpu.sem_alloc : memref<!tpu.dma_semaphore, #tpu.memory_space<semaphore_mem>>
      %dma_start3A_282 = arith.constant 0 : i32
      %dma_start3A_283 = arith.constant 0 : i32
      %dma_start3A_284 = tpu.memref_slice %arg3[%arg0, %arg1, %run_scoped3A, %dma_start3A_282, %dma_start3A_283] : memref<2x16x4x40x64xi32, #tpu.memory_space<hbm>> -> memref<1x1x1x40x64xi32, #tpu.memory_space<hbm>>
      %dma_start3A_285 = tpu.memref_squeeze %dma_start3A_284 : memref<1x1x1x40x64xi32, #tpu.memory_space<hbm>> -> memref<40x64xi32, #tpu.memory_space<hbm>>
      %dma_start3A_286 = arith.constant 0 : i32
      %dma_start3A_287 = arith.constant 0 : i32
      %dma_start3A_288 = tpu.memref_slice %arg3[%arg0, %arg1, %run_scoped3A, %dma_start3A_286, %dma_start3A_287] : memref<2x16x4x40x64xi32, #tpu.memory_space<hbm>> -> memref<1x1x1x40x64xi32, #tpu.memory_space<hbm>>
      %dma_start3A_289 = tpu.memref_squeeze %dma_start3A_288 : memref<1x1x1x40x64xi32, #tpu.memory_space<hbm>> -> memref<40x64xi32, #tpu.memory_space<hbm>>
      tpu.enqueue_dma source(%dma_start3A_289 : memref<40x64xi32, #tpu.memory_space<hbm>>) target(%arg6 : memref<40x64xi32, #tpu.memory_space<vmem>>) target_semaphore(%run_scoped3A_281 : memref<!tpu.dma_semaphore, #tpu.memory_space<semaphore_mem>>)
      %dma_wait3A_290 = arith.constant 0 : i32
      %dma_wait3A_291 = arith.constant 0 : i32
      %dma_wait3A_292 = tpu.memref_slice %arg3[%arg0, %arg1, %run_scoped3A, %dma_wait3A_290, %dma_wait3A_291] : memref<2x16x4x40x64xi32, #tpu.memory_space<hbm>> -> memref<1x1x1x40x64xi32, #tpu.memory_space<hbm>>
      %dma_wait3A_293 = tpu.memref_squeeze %dma_wait3A_292 : memref<1x1x1x40x64xi32, #tpu.memory_space<hbm>> -> memref<40x64xi32, #tpu.memory_space<hbm>>
      %dma_wait3A_294 = arith.constant 0 : i32
      %dma_wait3A_295 = arith.constant 0 : i32
      %dma_wait3A_296 = tpu.memref_slice %arg3[%arg0, %arg1, %run_scoped3A, %dma_wait3A_294, %dma_wait3A_295] : memref<2x16x4x40x64xi32, #tpu.memory_space<hbm>> -> memref<1x1x1x40x64xi32, #tpu.memory_space<hbm>>
      %dma_wait3A_297 = tpu.memref_squeeze %dma_wait3A_296 : memref<1x1x1x40x64xi32, #tpu.memory_space<hbm>> -> memref<40x64xi32, #tpu.memory_space<hbm>>
      tpu.wait_dma2 semaphore(%run_scoped3A_281 : memref<!tpu.dma_semaphore, #tpu.memory_space<semaphore_mem>>) src(%dma_wait3A_297 : memref<40x64xi32, #tpu.memory_space<hbm>>) dst(%arg6 : memref<40x64xi32, #tpu.memory_space<vmem>>)
      tpu.yield
    }) : () -> ()
    %run_scoped3A_5 = arith.constant 0 : i32
    "tpu.region"() ({
      %run_scoped3A_281 = tpu.sem_alloc : memref<!tpu.dma_semaphore, #tpu.memory_space<semaphore_mem>>
      %dma_start3A_282 = arith.constant 0 : i32
      %dma_start3A_283 = arith.constant 0 : i32
      %dma_start3A_284 = tpu.memref_slice %arg4[%arg1, %run_scoped3A_5, %dma_start3A_282, %dma_start3A_283] : memref<16x4x40x64xi32, #tpu.memory_space<hbm>> -> memref<1x1x40x64xi32, #tpu.memory_space<hbm>>
      %dma_start3A_285 = tpu.memref_squeeze %dma_start3A_284 : memref<1x1x40x64xi32, #tpu.memory_space<hbm>> -> memref<40x64xi32, #tpu.memory_space<hbm>>
      %dma_start3A_286 = arith.constant 0 : i32
      %dma_start3A_287 = arith.constant 0 : i32
      %dma_start3A_288 = tpu.memref_slice %arg4[%arg1, %run_scoped3A_5, %dma_start3A_286, %dma_start3A_287] : memref<16x4x40x64xi32, #tpu.memory_space<hbm>> -> memref<1x1x40x64xi32, #tpu.memory_space<hbm>>
      %dma_start3A_289 = tpu.memref_squeeze %dma_start3A_288 : memref<1x1x40x64xi32, #tpu.memory_space<hbm>> -> memref<40x64xi32, #tpu.memory_space<hbm>>
      tpu.enqueue_dma source(%dma_start3A_289 : memref<40x64xi32, #tpu.memory_space<hbm>>) target(%arg7 : memref<40x64xi32, #tpu.memory_space<vmem>>) target_semaphore(%run_scoped3A_281 : memref<!tpu.dma_semaphore, #tpu.memory_space<semaphore_mem>>)
      %dma_wait3A_290 = arith.constant 0 : i32
      %dma_wait3A_291 = arith.constant 0 : i32
      %dma_wait3A_292 = tpu.memref_slice %arg4[%arg1, %run_scoped3A_5, %dma_wait3A_290, %dma_wait3A_291] : memref<16x4x40x64xi32, #tpu.memory_space<hbm>> -> memref<1x1x40x64xi32, #tpu.memory_space<hbm>>
      %dma_wait3A_293 = tpu.memref_squeeze %dma_wait3A_292 : memref<1x1x40x64xi32, #tpu.memory_space<hbm>> -> memref<40x64xi32, #tpu.memory_space<hbm>>
      %dma_wait3A_294 = arith.constant 0 : i32
      %dma_wait3A_295 = arith.constant 0 : i32
      %dma_wait3A_296 = tpu.memref_slice %arg4[%arg1, %run_scoped3A_5, %dma_wait3A_294, %dma_wait3A_295] : memref<16x4x40x64xi32, #tpu.memory_space<hbm>> -> memref<1x1x40x64xi32, #tpu.memory_space<hbm>>
      %dma_wait3A_297 = tpu.memref_squeeze %dma_wait3A_296 : memref<1x1x40x64xi32, #tpu.memory_space<hbm>> -> memref<40x64xi32, #tpu.memory_space<hbm>>
      tpu.wait_dma2 semaphore(%run_scoped3A_281 : memref<!tpu.dma_semaphore, #tpu.memory_space<semaphore_mem>>) src(%dma_wait3A_297 : memref<40x64xi32, #tpu.memory_space<hbm>>) dst(%arg7 : memref<40x64xi32, #tpu.memory_space<vmem>>)
      tpu.yield
    }) : () -> ()
    %dma_start3A = arith.constant 0 : i32
    %dma_start3A_6 = arith.constant 0 : i32
    %dma_start3A_7 = tpu.memref_slice %arg6[%dma_start3A, %dma_start3A_6] : memref<40x64xi32, #tpu.memory_space<vmem>> -> memref<1x64xi32, #tpu.memory_space<vmem>>
    %dma_start3A_8 = tpu.memref_squeeze %dma_start3A_7 : memref<1x64xi32, #tpu.memory_space<vmem>> -> memref<64xi32, #tpu.memory_space<vmem>>
    %dma_start3A_9 = arith.constant 0 : i32
    %dma_start3A_10 = arith.constant 0 : i32
    %dma_start3A_11 = tpu.memref_slice %arg2[%dma_start3A_9, %dma_start3A_10] : memref<20480x128xf32, #tpu.memory_space<hbm>> -> memref<20480x128xf32, #tpu.memory_space<hbm>>
    tpu.enqueue_indirect_dma source(%dma_start3A_11 : memref<20480x128xf32, #tpu.memory_space<hbm>>) target(%arg8 : memref<64x128xf32, #tpu.memory_space<vmem>>) offsets(%dma_start3A_8 : memref<64xi32, #tpu.memory_space<vmem>>) semaphore(%arg13 : memref<!tpu.dma_semaphore, #tpu.memory_space<semaphore_mem>>)
    %dma_start3A_12 = arith.constant 1 : i32
    %dma_start3A_13 = arith.constant 0 : i32
    %dma_start3A_14 = tpu.memref_slice %arg6[%dma_start3A_12, %dma_start3A_13] : memref<40x64xi32, #tpu.memory_space<vmem>> -> memref<1x64xi32, #tpu.memory_space<vmem>>
    %dma_start3A_15 = tpu.memref_squeeze %dma_start3A_14 : memref<1x64xi32, #tpu.memory_space<vmem>> -> memref<64xi32, #tpu.memory_space<vmem>>
    %dma_start3A_16 = arith.constant 0 : i32
    %dma_start3A_17 = arith.constant 0 : i32
    %dma_start3A_18 = tpu.memref_slice %arg2[%dma_start3A_16, %dma_start3A_17] : memref<20480x128xf32, #tpu.memory_space<hbm>> -> memref<20480x128xf32, #tpu.memory_space<hbm>>
    tpu.enqueue_indirect_dma source(%dma_start3A_18 : memref<20480x128xf32, #tpu.memory_space<hbm>>) target(%arg9 : memref<64x128xf32, #tpu.memory_space<vmem>>) offsets(%dma_start3A_15 : memref<64xi32, #tpu.memory_space<vmem>>) semaphore(%arg14 : memref<!tpu.dma_semaphore, #tpu.memory_space<semaphore_mem>>)
    %dma_start3A_19 = arith.constant 2 : i32
    %dma_start3A_20 = arith.constant 0 : i32
    %dma_start3A_21 = tpu.memref_slice %arg6[%dma_start3A_19, %dma_start3A_20] : memref<40x64xi32, #tpu.memory_space<vmem>> -> memref<1x64xi32, #tpu.memory_space<vmem>>
    %dma_start3A_22 = tpu.memref_squeeze %dma_start3A_21 : memref<1x64xi32, #tpu.memory_space<vmem>> -> memref<64xi32, #tpu.memory_space<vmem>>
    %dma_start3A_23 = arith.constant 0 : i32
    %dma_start3A_24 = arith.constant 0 : i32
    %dma_start3A_25 = tpu.memref_slice %arg2[%dma_start3A_23, %dma_start3A_24] : memref<20480x128xf32, #tpu.memory_space<hbm>> -> memref<20480x128xf32, #tpu.memory_space<hbm>>
    tpu.enqueue_indirect_dma source(%dma_start3A_25 : memref<20480x128xf32, #tpu.memory_space<hbm>>) target(%arg10 : memref<64x128xf32, #tpu.memory_space<vmem>>) offsets(%dma_start3A_22 : memref<64xi32, #tpu.memory_space<vmem>>) semaphore(%arg15 : memref<!tpu.dma_semaphore, #tpu.memory_space<semaphore_mem>>)
    %dma_start3A_26 = arith.constant 3 : i32
    %dma_start3A_27 = arith.constant 0 : i32
    %dma_start3A_28 = tpu.memref_slice %arg6[%dma_start3A_26, %dma_start3A_27] : memref<40x64xi32, #tpu.memory_space<vmem>> -> memref<1x64xi32, #tpu.memory_space<vmem>>
    %dma_start3A_29 = tpu.memref_squeeze %dma_start3A_28 : memref<1x64xi32, #tpu.memory_space<vmem>> -> memref<64xi32, #tpu.memory_space<vmem>>
    %dma_start3A_30 = arith.constant 0 : i32
    %dma_start3A_31 = arith.constant 0 : i32
    %dma_start3A_32 = tpu.memref_slice %arg2[%dma_start3A_30, %dma_start3A_31] : memref<20480x128xf32, #tpu.memory_space<hbm>> -> memref<20480x128xf32, #tpu.memory_space<hbm>>
    tpu.enqueue_indirect_dma source(%dma_start3A_32 : memref<20480x128xf32, #tpu.memory_space<hbm>>) target(%arg11 : memref<64x128xf32, #tpu.memory_space<vmem>>) offsets(%dma_start3A_29 : memref<64xi32, #tpu.memory_space<vmem>>) semaphore(%arg16 : memref<!tpu.dma_semaphore, #tpu.memory_space<semaphore_mem>>)
    %scan3A = arith.constant 0 : i32
    %scan3A_33 = arith.constant 0 : i32
    %scan3A_34 = arith.constant 9 : i32
    %scan3A_35 = arith.addi %scan3A_33, %scan3A_34 : i32
    %scan3A_36 = arith.constant 1 : i32
    scf.for %scan3A_281 = %scan3A_33 to %scan3A_35 step %scan3A_36  : i32 {
      %mul3A_282 = arith.constant 4 : i32
      %mul3A_283 = arith.muli %scan3A_281, %mul3A_282 : i32
      %add3A_284 = arith.constant 0 : i32
      %add3A_285 = arith.addi %mul3A_283, %add3A_284 : i32
      %dma_wait3A_286 = arith.constant 0 : i32
      %dma_wait3A_287 = tpu.memref_slice %arg6[%add3A_285, %dma_wait3A_286] : memref<40x64xi32, #tpu.memory_space<vmem>> -> memref<1x64xi32, #tpu.memory_space<vmem>>
      %dma_wait3A_288 = tpu.memref_squeeze %dma_wait3A_287 : memref<1x64xi32, #tpu.memory_space<vmem>> -> memref<64xi32, #tpu.memory_space<vmem>>
      %dma_wait3A_289 = arith.constant 0 : i32
      %dma_wait3A_290 = arith.constant 0 : i32
      %dma_wait3A_291 = tpu.memref_slice %arg2[%dma_wait3A_289, %dma_wait3A_290] : memref<20480x128xf32, #tpu.memory_space<hbm>> -> memref<20480x128xf32, #tpu.memory_space<hbm>>
      tpu.wait_indirect_dma semaphore(%arg13 : memref<!tpu.dma_semaphore, #tpu.memory_space<semaphore_mem>>) src(%dma_wait3A_291 : memref<20480x128xf32, #tpu.memory_space<hbm>>) dst(%arg8 : memref<64x128xf32, #tpu.memory_space<vmem>>)
      "tpu.region"() ({
        %run_scoped3A_354 = tpu.sem_alloc : memref<!tpu.dma_semaphore, #tpu.memory_space<semaphore_mem>>
        %dma_start3A_355 = arith.constant 0 : i32
        %dma_start3A_356 = tpu.memref_slice %arg7[%add3A_285, %dma_start3A_355] : memref<40x64xi32, #tpu.memory_space<vmem>> -> memref<1x64xi32, #tpu.memory_space<vmem>>
        %dma_start3A_357 = tpu.memref_squeeze %dma_start3A_356 : memref<1x64xi32, #tpu.memory_space<vmem>> -> memref<64xi32, #tpu.memory_space<vmem>>
        %dma_start3A_358 = arith.constant 0 : i32
        %dma_start3A_359 = arith.constant 0 : i32
        %dma_start3A_360 = tpu.memref_slice %arg12[%dma_start3A_358, %dma_start3A_359] : memref<10112x128xf32, #tpu.memory_space<vmem_shared>> -> memref<10112x128xf32, #tpu.memory_space<vmem_shared>>
        tpu.enqueue_indirect_dma source(%arg8 : memref<64x128xf32, #tpu.memory_space<vmem>>) target(%dma_start3A_360 : memref<10112x128xf32, #tpu.memory_space<vmem_shared>>) offsets(%dma_start3A_357 : memref<64xi32, #tpu.memory_space<vmem>>) semaphore(%run_scoped3A_354 : memref<!tpu.dma_semaphore, #tpu.memory_space<semaphore_mem>>) {add = true}
        %dma_wait3A_361 = arith.constant 0 : i32
        %dma_wait3A_362 = tpu.memref_slice %arg7[%add3A_285, %dma_wait3A_361] : memref<40x64xi32, #tpu.memory_space<vmem>> -> memref<1x64xi32, #tpu.memory_space<vmem>>
        %dma_wait3A_363 = tpu.memref_squeeze %dma_wait3A_362 : memref<1x64xi32, #tpu.memory_space<vmem>> -> memref<64xi32, #tpu.memory_space<vmem>>
        %dma_wait3A_364 = arith.constant 0 : i32
        %dma_wait3A_365 = arith.constant 0 : i32
        %dma_wait3A_366 = tpu.memref_slice %arg12[%dma_wait3A_364, %dma_wait3A_365] : memref<10112x128xf32, #tpu.memory_space<vmem_shared>> -> memref<10112x128xf32, #tpu.memory_space<vmem_shared>>
        tpu.wait_indirect_dma semaphore(%run_scoped3A_354 : memref<!tpu.dma_semaphore, #tpu.memory_space<semaphore_mem>>) src(%arg8 : memref<64x128xf32, #tpu.memory_space<vmem>>) dst(%dma_wait3A_366 : memref<10112x128xf32, #tpu.memory_space<vmem_shared>>)
        tpu.yield
      }) : () -> ()
      %add3A_292 = arith.constant 4 : i32
      %add3A_293 = arith.addi %add3A_285, %add3A_292 : i32
      %dma_start3A_294 = arith.constant 0 : i32
      %dma_start3A_295 = tpu.memref_slice %arg6[%add3A_293, %dma_start3A_294] : memref<40x64xi32, #tpu.memory_space<vmem>> -> memref<1x64xi32, #tpu.memory_space<vmem>>
      %dma_start3A_296 = tpu.memref_squeeze %dma_start3A_295 : memref<1x64xi32, #tpu.memory_space<vmem>> -> memref<64xi32, #tpu.memory_space<vmem>>
      %dma_start3A_297 = arith.constant 0 : i32
      %dma_start3A_298 = arith.constant 0 : i32
      %dma_start3A_299 = tpu.memref_slice %arg2[%dma_start3A_297, %dma_start3A_298] : memref<20480x128xf32, #tpu.memory_space<hbm>> -> memref<20480x128xf32, #tpu.memory_space<hbm>>
      tpu.enqueue_indirect_dma source(%dma_start3A_299 : memref<20480x128xf32, #tpu.memory_space<hbm>>) target(%arg8 : memref<64x128xf32, #tpu.memory_space<vmem>>) offsets(%dma_start3A_296 : memref<64xi32, #tpu.memory_space<vmem>>) semaphore(%arg13 : memref<!tpu.dma_semaphore, #tpu.memory_space<semaphore_mem>>)
      %mul3A_300 = arith.constant 4 : i32
      %mul3A_301 = arith.muli %scan3A_281, %mul3A_300 : i32
      %add3A_302 = arith.constant 1 : i32
      %add3A_303 = arith.addi %mul3A_301, %add3A_302 : i32
      %dma_wait3A_304 = arith.constant 0 : i32
      %dma_wait3A_305 = tpu.memref_slice %arg6[%add3A_303, %dma_wait3A_304] : memref<40x64xi32, #tpu.memory_space<vmem>> -> memref<1x64xi32, #tpu.memory_space<vmem>>
      %dma_wait3A_306 = tpu.memref_squeeze %dma_wait3A_305 : memref<1x64xi32, #tpu.memory_space<vmem>> -> memref<64xi32, #tpu.memory_space<vmem>>
      %dma_wait3A_307 = arith.constant 0 : i32
      %dma_wait3A_308 = arith.constant 0 : i32
      %dma_wait3A_309 = tpu.memref_slice %arg2[%dma_wait3A_307, %dma_wait3A_308] : memref<20480x128xf32, #tpu.memory_space<hbm>> -> memref<20480x128xf32, #tpu.memory_space<hbm>>
      tpu.wait_indirect_dma semaphore(%arg14 : memref<!tpu.dma_semaphore, #tpu.memory_space<semaphore_mem>>) src(%dma_wait3A_309 : memref<20480x128xf32, #tpu.memory_space<hbm>>) dst(%arg9 : memref<64x128xf32, #tpu.memory_space<vmem>>)
      "tpu.region"() ({
        %run_scoped3A_354 = tpu.sem_alloc : memref<!tpu.dma_semaphore, #tpu.memory_space<semaphore_mem>>
        %dma_start3A_355 = arith.constant 0 : i32
        %dma_start3A_356 = tpu.memref_slice %arg7[%add3A_303, %dma_start3A_355] : memref<40x64xi32, #tpu.memory_space<vmem>> -> memref<1x64xi32, #tpu.memory_space<vmem>>
        %dma_start3A_357 = tpu.memref_squeeze %dma_start3A_356 : memref<1x64xi32, #tpu.memory_space<vmem>> -> memref<64xi32, #tpu.memory_space<vmem>>
        %dma_start3A_358 = arith.constant 0 : i32
        %dma_start3A_359 = arith.constant 0 : i32
        %dma_start3A_360 = tpu.memref_slice %arg12[%dma_start3A_358, %dma_start3A_359] : memref<10112x128xf32, #tpu.memory_space<vmem_shared>> -> memref<10112x128xf32, #tpu.memory_space<vmem_shared>>
        tpu.enqueue_indirect_dma source(%arg9 : memref<64x128xf32, #tpu.memory_space<vmem>>) target(%dma_start3A_360 : memref<10112x128xf32, #tpu.memory_space<vmem_shared>>) offsets(%dma_start3A_357 : memref<64xi32, #tpu.memory_space<vmem>>) semaphore(%run_scoped3A_354 : memref<!tpu.dma_semaphore, #tpu.memory_space<semaphore_mem>>) {add = true}
        %dma_wait3A_361 = arith.constant 0 : i32
        %dma_wait3A_362 = tpu.memref_slice %arg7[%add3A_303, %dma_wait3A_361] : memref<40x64xi32, #tpu.memory_space<vmem>> -> memref<1x64xi32, #tpu.memory_space<vmem>>
        %dma_wait3A_363 = tpu.memref_squeeze %dma_wait3A_362 : memref<1x64xi32, #tpu.memory_space<vmem>> -> memref<64xi32, #tpu.memory_space<vmem>>
        %dma_wait3A_364 = arith.constant 0 : i32
        %dma_wait3A_365 = arith.constant 0 : i32
        %dma_wait3A_366 = tpu.memref_slice %arg12[%dma_wait3A_364, %dma_wait3A_365] : memref<10112x128xf32, #tpu.memory_space<vmem_shared>> -> memref<10112x128xf32, #tpu.memory_space<vmem_shared>>
        tpu.wait_indirect_dma semaphore(%run_scoped3A_354 : memref<!tpu.dma_semaphore, #tpu.memory_space<semaphore_mem>>) src(%arg9 : memref<64x128xf32, #tpu.memory_space<vmem>>) dst(%dma_wait3A_366 : memref<10112x128xf32, #tpu.memory_space<vmem_shared>>)
        tpu.yield
      }) : () -> ()
      %add3A_310 = arith.constant 4 : i32
      %add3A_311 = arith.addi %add3A_303, %add3A_310 : i32
      %dma_start3A_312 = arith.constant 0 : i32
      %dma_start3A_313 = tpu.memref_slice %arg6[%add3A_311, %dma_start3A_312] : memref<40x64xi32, #tpu.memory_space<vmem>> -> memref<1x64xi32, #tpu.memory_space<vmem>>
      %dma_start3A_314 = tpu.memref_squeeze %dma_start3A_313 : memref<1x64xi32, #tpu.memory_space<vmem>> -> memref<64xi32, #tpu.memory_space<vmem>>
      %dma_start3A_315 = arith.constant 0 : i32
      %dma_start3A_316 = arith.constant 0 : i32
      %dma_start3A_317 = tpu.memref_slice %arg2[%dma_start3A_315, %dma_start3A_316] : memref<20480x128xf32, #tpu.memory_space<hbm>> -> memref<20480x128xf32, #tpu.memory_space<hbm>>
      tpu.enqueue_indirect_dma source(%dma_start3A_317 : memref<20480x128xf32, #tpu.memory_space<hbm>>) target(%arg9 : memref<64x128xf32, #tpu.memory_space<vmem>>) offsets(%dma_start3A_314 : memref<64xi32, #tpu.memory_space<vmem>>) semaphore(%arg14 : memref<!tpu.dma_semaphore, #tpu.memory_space<semaphore_mem>>)
      %mul3A_318 = arith.constant 4 : i32
      %mul3A_319 = arith.muli %scan3A_281, %mul3A_318 : i32
      %add3A_320 = arith.constant 2 : i32
      %add3A_321 = arith.addi %mul3A_319, %add3A_320 : i32
      %dma_wait3A_322 = arith.constant 0 : i32
      %dma_wait3A_323 = tpu.memref_slice %arg6[%add3A_321, %dma_wait3A_322] : memref<40x64xi32, #tpu.memory_space<vmem>> -> memref<1x64xi32, #tpu.memory_space<vmem>>
      %dma_wait3A_324 = tpu.memref_squeeze %dma_wait3A_323 : memref<1x64xi32, #tpu.memory_space<vmem>> -> memref<64xi32, #tpu.memory_space<vmem>>
      %dma_wait3A_325 = arith.constant 0 : i32
      %dma_wait3A_326 = arith.constant 0 : i32
      %dma_wait3A_327 = tpu.memref_slice %arg2[%dma_wait3A_325, %dma_wait3A_326] : memref<20480x128xf32, #tpu.memory_space<hbm>> -> memref<20480x128xf32, #tpu.memory_space<hbm>>
      tpu.wait_indirect_dma semaphore(%arg15 : memref<!tpu.dma_semaphore, #tpu.memory_space<semaphore_mem>>) src(%dma_wait3A_327 : memref<20480x128xf32, #tpu.memory_space<hbm>>) dst(%arg10 : memref<64x128xf32, #tpu.memory_space<vmem>>)
      "tpu.region"() ({
        %run_scoped3A_354 = tpu.sem_alloc : memref<!tpu.dma_semaphore, #tpu.memory_space<semaphore_mem>>
        %dma_start3A_355 = arith.constant 0 : i32
        %dma_start3A_356 = tpu.memref_slice %arg7[%add3A_321, %dma_start3A_355] : memref<40x64xi32, #tpu.memory_space<vmem>> -> memref<1x64xi32, #tpu.memory_space<vmem>>
        %dma_start3A_357 = tpu.memref_squeeze %dma_start3A_356 : memref<1x64xi32, #tpu.memory_space<vmem>> -> memref<64xi32, #tpu.memory_space<vmem>>
        %dma_start3A_358 = arith.constant 0 : i32
        %dma_start3A_359 = arith.constant 0 : i32
        %dma_start3A_360 = tpu.memref_slice %arg12[%dma_start3A_358, %dma_start3A_359] : memref<10112x128xf32, #tpu.memory_space<vmem_shared>> -> memref<10112x128xf32, #tpu.memory_space<vmem_shared>>
        tpu.enqueue_indirect_dma source(%arg10 : memref<64x128xf32, #tpu.memory_space<vmem>>) target(%dma_start3A_360 : memref<10112x128xf32, #tpu.memory_space<vmem_shared>>) offsets(%dma_start3A_357 : memref<64xi32, #tpu.memory_space<vmem>>) semaphore(%run_scoped3A_354 : memref<!tpu.dma_semaphore, #tpu.memory_space<semaphore_mem>>) {add = true}
        %dma_wait3A_361 = arith.constant 0 : i32
        %dma_wait3A_362 = tpu.memref_slice %arg7[%add3A_321, %dma_wait3A_361] : memref<40x64xi32, #tpu.memory_space<vmem>> -> memref<1x64xi32, #tpu.memory_space<vmem>>
        %dma_wait3A_363 = tpu.memref_squeeze %dma_wait3A_362 : memref<1x64xi32, #tpu.memory_space<vmem>> -> memref<64xi32, #tpu.memory_space<vmem>>
        %dma_wait3A_364 = arith.constant 0 : i32
        %dma_wait3A_365 = arith.constant 0 : i32
        %dma_wait3A_366 = tpu.memref_slice %arg12[%dma_wait3A_364, %dma_wait3A_365] : memref<10112x128xf32, #tpu.memory_space<vmem_shared>> -> memref<10112x128xf32, #tpu.memory_space<vmem_shared>>
        tpu.wait_indirect_dma semaphore(%run_scoped3A_354 : memref<!tpu.dma_semaphore, #tpu.memory_space<semaphore_mem>>) src(%arg10 : memref<64x128xf32, #tpu.memory_space<vmem>>) dst(%dma_wait3A_366 : memref<10112x128xf32, #tpu.memory_space<vmem_shared>>)
        tpu.yield
      }) : () -> ()
      %add3A_328 = arith.constant 4 : i32
      %add3A_329 = arith.addi %add3A_321, %add3A_328 : i32
      %dma_start3A_330 = arith.constant 0 : i32
      %dma_start3A_331 = tpu.memref_slice %arg6[%add3A_329, %dma_start3A_330] : memref<40x64xi32, #tpu.memory_space<vmem>> -> memref<1x64xi32, #tpu.memory_space<vmem>>
      %dma_start3A_332 = tpu.memref_squeeze %dma_start3A_331 : memref<1x64xi32, #tpu.memory_space<vmem>> -> memref<64xi32, #tpu.memory_space<vmem>>
      %dma_start3A_333 = arith.constant 0 : i32
      %dma_start3A_334 = arith.constant 0 : i32
      %dma_start3A_335 = tpu.memref_slice %arg2[%dma_start3A_333, %dma_start3A_334] : memref<20480x128xf32, #tpu.memory_space<hbm>> -> memref<20480x128xf32, #tpu.memory_space<hbm>>
      tpu.enqueue_indirect_dma source(%dma_start3A_335 : memref<20480x128xf32, #tpu.memory_space<hbm>>) target(%arg10 : memref<64x128xf32, #tpu.memory_space<vmem>>) offsets(%dma_start3A_332 : memref<64xi32, #tpu.memory_space<vmem>>) semaphore(%arg15 : memref<!tpu.dma_semaphore, #tpu.memory_space<semaphore_mem>>)
      %mul3A_336 = arith.constant 4 : i32
      %mul3A_337 = arith.muli %scan3A_281, %mul3A_336 : i32
      %add3A_338 = arith.constant 3 : i32
      %add3A_339 = arith.addi %mul3A_337, %add3A_338 : i32
      %dma_wait3A_340 = arith.constant 0 : i32
      %dma_wait3A_341 = tpu.memref_slice %arg6[%add3A_339, %dma_wait3A_340] : memref<40x64xi32, #tpu.memory_space<vmem>> -> memref<1x64xi32, #tpu.memory_space<vmem>>
      %dma_wait3A_342 = tpu.memref_squeeze %dma_wait3A_341 : memref<1x64xi32, #tpu.memory_space<vmem>> -> memref<64xi32, #tpu.memory_space<vmem>>
      %dma_wait3A_343 = arith.constant 0 : i32
      %dma_wait3A_344 = arith.constant 0 : i32
      %dma_wait3A_345 = tpu.memref_slice %arg2[%dma_wait3A_343, %dma_wait3A_344] : memref<20480x128xf32, #tpu.memory_space<hbm>> -> memref<20480x128xf32, #tpu.memory_space<hbm>>
      tpu.wait_indirect_dma semaphore(%arg16 : memref<!tpu.dma_semaphore, #tpu.memory_space<semaphore_mem>>) src(%dma_wait3A_345 : memref<20480x128xf32, #tpu.memory_space<hbm>>) dst(%arg11 : memref<64x128xf32, #tpu.memory_space<vmem>>)
      "tpu.region"() ({
        %run_scoped3A_354 = tpu.sem_alloc : memref<!tpu.dma_semaphore, #tpu.memory_space<semaphore_mem>>
        %dma_start3A_355 = arith.constant 0 : i32
        %dma_start3A_356 = tpu.memref_slice %arg7[%add3A_339, %dma_start3A_355] : memref<40x64xi32, #tpu.memory_space<vmem>> -> memref<1x64xi32, #tpu.memory_space<vmem>>
        %dma_start3A_357 = tpu.memref_squeeze %dma_start3A_356 : memref<1x64xi32, #tpu.memory_space<vmem>> -> memref<64xi32, #tpu.memory_space<vmem>>
        %dma_start3A_358 = arith.constant 0 : i32
        %dma_start3A_359 = arith.constant 0 : i32
        %dma_start3A_360 = tpu.memref_slice %arg12[%dma_start3A_358, %dma_start3A_359] : memref<10112x128xf32, #tpu.memory_space<vmem_shared>> -> memref<10112x128xf32, #tpu.memory_space<vmem_shared>>
        tpu.enqueue_indirect_dma source(%arg11 : memref<64x128xf32, #tpu.memory_space<vmem>>) target(%dma_start3A_360 : memref<10112x128xf32, #tpu.memory_space<vmem_shared>>) offsets(%dma_start3A_357 : memref<64xi32, #tpu.memory_space<vmem>>) semaphore(%run_scoped3A_354 : memref<!tpu.dma_semaphore, #tpu.memory_space<semaphore_mem>>) {add = true}
        %dma_wait3A_361 = arith.constant 0 : i32
        %dma_wait3A_362 = tpu.memref_slice %arg7[%add3A_339, %dma_wait3A_361] : memref<40x64xi32, #tpu.memory_space<vmem>> -> memref<1x64xi32, #tpu.memory_space<vmem>>
        %dma_wait3A_363 = tpu.memref_squeeze %dma_wait3A_362 : memref<1x64xi32, #tpu.memory_space<vmem>> -> memref<64xi32, #tpu.memory_space<vmem>>
        %dma_wait3A_364 = arith.constant 0 : i32
        %dma_wait3A_365 = arith.constant 0 : i32
        %dma_wait3A_366 = tpu.memref_slice %arg12[%dma_wait3A_364, %dma_wait3A_365] : memref<10112x128xf32, #tpu.memory_space<vmem_shared>> -> memref<10112x128xf32, #tpu.memory_space<vmem_shared>>
        tpu.wait_indirect_dma semaphore(%run_scoped3A_354 : memref<!tpu.dma_semaphore, #tpu.memory_space<semaphore_mem>>) src(%arg11 : memref<64x128xf32, #tpu.memory_space<vmem>>) dst(%dma_wait3A_366 : memref<10112x128xf32, #tpu.memory_space<vmem_shared>>)
        tpu.yield
      }) : () -> ()
      %add3A_346 = arith.constant 4 : i32
      %add3A_347 = arith.addi %add3A_339, %add3A_346 : i32
      %dma_start3A_348 = arith.constant 0 : i32
      %dma_start3A_349 = tpu.memref_slice %arg6[%add3A_347, %dma_start3A_348] : memref<40x64xi32, #tpu.memory_space<vmem>> -> memref<1x64xi32, #tpu.memory_space<vmem>>
      %dma_start3A_350 = tpu.memref_squeeze %dma_start3A_349 : memref<1x64xi32, #tpu.memory_space<vmem>> -> memref<64xi32, #tpu.memory_space<vmem>>
      %dma_start3A_351 = arith.constant 0 : i32
      %dma_start3A_352 = arith.constant 0 : i32
      %dma_start3A_353 = tpu.memref_slice %arg2[%dma_start3A_351, %dma_start3A_352] : memref<20480x128xf32, #tpu.memory_space<hbm>> -> memref<20480x128xf32, #tpu.memory_space<hbm>>
      tpu.enqueue_indirect_dma source(%dma_start3A_353 : memref<20480x128xf32, #tpu.memory_space<hbm>>) target(%arg11 : memref<64x128xf32, #tpu.memory_space<vmem>>) offsets(%dma_start3A_350 : memref<64xi32, #tpu.memory_space<vmem>>) semaphore(%arg16 : memref<!tpu.dma_semaphore, #tpu.memory_space<semaphore_mem>>)
    }
    %scan3A_37 = arith.constant 9 : i32
    %dma_wait3A = arith.constant 36 : i32
    %dma_wait3A_38 = arith.constant 0 : i32
    %dma_wait3A_39 = tpu.memref_slice %arg6[%dma_wait3A, %dma_wait3A_38] : memref<40x64xi32, #tpu.memory_space<vmem>> -> memref<1x64xi32, #tpu.memory_space<vmem>>
    %dma_wait3A_40 = tpu.memref_squeeze %dma_wait3A_39 : memref<1x64xi32, #tpu.memory_space<vmem>> -> memref<64xi32, #tpu.memory_space<vmem>>
    %dma_wait3A_41 = arith.constant 0 : i32
    %dma_wait3A_42 = arith.constant 0 : i32
    %dma_wait3A_43 = tpu.memref_slice %arg2[%dma_wait3A_41, %dma_wait3A_42] : memref<20480x128xf32, #tpu.memory_space<hbm>> -> memref<20480x128xf32, #tpu.memory_space<hbm>>
    tpu.wait_indirect_dma semaphore(%arg13 : memref<!tpu.dma_semaphore, #tpu.memory_space<semaphore_mem>>) src(%dma_wait3A_43 : memref<20480x128xf32, #tpu.memory_space<hbm>>) dst(%arg8 : memref<64x128xf32, #tpu.memory_space<vmem>>)
    %run_scoped3A_44 = arith.constant 36 : i32
    "tpu.region"() ({
      %run_scoped3A_281 = tpu.sem_alloc : memref<!tpu.dma_semaphore, #tpu.memory_space<semaphore_mem>>
      %dma_start3A_282 = arith.constant 0 : i32
      %dma_start3A_283 = tpu.memref_slice %arg7[%run_scoped3A_44, %dma_start3A_282] : memref<40x64xi32, #tpu.memory_space<vmem>> -> memref<1x64xi32, #tpu.memory_space<vmem>>
      %dma_start3A_284 = tpu.memref_squeeze %dma_start3A_283 : memref<1x64xi32, #tpu.memory_space<vmem>> -> memref<64xi32, #tpu.memory_space<vmem>>
      %dma_start3A_285 = arith.constant 0 : i32
      %dma_start3A_286 = arith.constant 0 : i32
      %dma_start3A_287 = tpu.memref_slice %arg12[%dma_start3A_285, %dma_start3A_286] : memref<10112x128xf32, #tpu.memory_space<vmem_shared>> -> memref<10112x128xf32, #tpu.memory_space<vmem_shared>>
      tpu.enqueue_indirect_dma source(%arg8 : memref<64x128xf32, #tpu.memory_space<vmem>>) target(%dma_start3A_287 : memref<10112x128xf32, #tpu.memory_space<vmem_shared>>) offsets(%dma_start3A_284 : memref<64xi32, #tpu.memory_space<vmem>>) semaphore(%run_scoped3A_281 : memref<!tpu.dma_semaphore, #tpu.memory_space<semaphore_mem>>) {add = true}
      %dma_wait3A_288 = arith.constant 0 : i32
      %dma_wait3A_289 = tpu.memref_slice %arg7[%run_scoped3A_44, %dma_wait3A_288] : memref<40x64xi32, #tpu.memory_space<vmem>> -> memref<1x64xi32, #tpu.memory_space<vmem>>
      %dma_wait3A_290 = tpu.memref_squeeze %dma_wait3A_289 : memref<1x64xi32, #tpu.memory_space<vmem>> -> memref<64xi32, #tpu.memory_space<vmem>>
      %dma_wait3A_291 = arith.constant 0 : i32
      %dma_wait3A_292 = arith.constant 0 : i32
      %dma_wait3A_293 = tpu.memref_slice %arg12[%dma_wait3A_291, %dma_wait3A_292] : memref<10112x128xf32, #tpu.memory_space<vmem_shared>> -> memref<10112x128xf32, #tpu.memory_space<vmem_shared>>
      tpu.wait_indirect_dma semaphore(%run_scoped3A_281 : memref<!tpu.dma_semaphore, #tpu.memory_space<semaphore_mem>>) src(%arg8 : memref<64x128xf32, #tpu.memory_space<vmem>>) dst(%dma_wait3A_293 : memref<10112x128xf32, #tpu.memory_space<vmem_shared>>)
      tpu.yield
    }) : () -> ()
    %dma_wait3A_45 = arith.constant 37 : i32
    %dma_wait3A_46 = arith.constant 0 : i32
    %dma_wait3A_47 = tpu.memref_slice %arg6[%dma_wait3A_45, %dma_wait3A_46] : memref<40x64xi32, #tpu.memory_space<vmem>> -> memref<1x64xi32, #tpu.memory_space<vmem>>
    %dma_wait3A_48 = tpu.memref_squeeze %dma_wait3A_47 : memref<1x64xi32, #tpu.memory_space<vmem>> -> memref<64xi32, #tpu.memory_space<vmem>>
    %dma_wait3A_49 = arith.constant 0 : i32
    %dma_wait3A_50 = arith.constant 0 : i32
    %dma_wait3A_51 = tpu.memref_slice %arg2[%dma_wait3A_49, %dma_wait3A_50] : memref<20480x128xf32, #tpu.memory_space<hbm>> -> memref<20480x128xf32, #tpu.memory_space<hbm>>
    tpu.wait_indirect_dma semaphore(%arg14 : memref<!tpu.dma_semaphore, #tpu.memory_space<semaphore_mem>>) src(%dma_wait3A_51 : memref<20480x128xf32, #tpu.memory_space<hbm>>) dst(%arg9 : memref<64x128xf32, #tpu.memory_space<vmem>>)
    %run_scoped3A_52 = arith.constant 37 : i32
    "tpu.region"() ({
      %run_scoped3A_281 = tpu.sem_alloc : memref<!tpu.dma_semaphore, #tpu.memory_space<semaphore_mem>>
      %dma_start3A_282 = arith.constant 0 : i32
      %dma_start3A_283 = tpu.memref_slice %arg7[%run_scoped3A_52, %dma_start3A_282] : memref<40x64xi32, #tpu.memory_space<vmem>> -> memref<1x64xi32, #tpu.memory_space<vmem>>
      %dma_start3A_284 = tpu.memref_squeeze %dma_start3A_283 : memref<1x64xi32, #tpu.memory_space<vmem>> -> memref<64xi32, #tpu.memory_space<vmem>>
      %dma_start3A_285 = arith.constant 0 : i32
      %dma_start3A_286 = arith.constant 0 : i32
      %dma_start3A_287 = tpu.memref_slice %arg12[%dma_start3A_285, %dma_start3A_286] : memref<10112x128xf32, #tpu.memory_space<vmem_shared>> -> memref<10112x128xf32, #tpu.memory_space<vmem_shared>>
      tpu.enqueue_indirect_dma source(%arg9 : memref<64x128xf32, #tpu.memory_space<vmem>>) target(%dma_start3A_287 : memref<10112x128xf32, #tpu.memory_space<vmem_shared>>) offsets(%dma_start3A_284 : memref<64xi32, #tpu.memory_space<vmem>>) semaphore(%run_scoped3A_281 : memref<!tpu.dma_semaphore, #tpu.memory_space<semaphore_mem>>) {add = true}
      %dma_wait3A_288 = arith.constant 0 : i32
      %dma_wait3A_289 = tpu.memref_slice %arg7[%run_scoped3A_52, %dma_wait3A_288] : memref<40x64xi32, #tpu.memory_space<vmem>> -> memref<1x64xi32, #tpu.memory_space<vmem>>
      %dma_wait3A_290 = tpu.memref_squeeze %dma_wait3A_289 : memref<1x64xi32, #tpu.memory_space<vmem>> -> memref<64xi32, #tpu.memory_space<vmem>>
      %dma_wait3A_291 = arith.constant 0 : i32
      %dma_wait3A_292 = arith.constant 0 : i32
      %dma_wait3A_293 = tpu.memref_slice %arg12[%dma_wait3A_291, %dma_wait3A_292] : memref<10112x128xf32, #tpu.memory_space<vmem_shared>> -> memref<10112x128xf32, #tpu.memory_space<vmem_shared>>
      tpu.wait_indirect_dma semaphore(%run_scoped3A_281 : memref<!tpu.dma_semaphore, #tpu.memory_space<semaphore_mem>>) src(%arg9 : memref<64x128xf32, #tpu.memory_space<vmem>>) dst(%dma_wait3A_293 : memref<10112x128xf32, #tpu.memory_space<vmem_shared>>)
      tpu.yield
    }) : () -> ()
    %dma_wait3A_53 = arith.constant 38 : i32
    %dma_wait3A_54 = arith.constant 0 : i32
    %dma_wait3A_55 = tpu.memref_slice %arg6[%dma_wait3A_53, %dma_wait3A_54] : memref<40x64xi32, #tpu.memory_space<vmem>> -> memref<1x64xi32, #tpu.memory_space<vmem>>
    %dma_wait3A_56 = tpu.memref_squeeze %dma_wait3A_55 : memref<1x64xi32, #tpu.memory_space<vmem>> -> memref<64xi32, #tpu.memory_space<vmem>>
    %dma_wait3A_57 = arith.constant 0 : i32
    %dma_wait3A_58 = arith.constant 0 : i32
    %dma_wait3A_59 = tpu.memref_slice %arg2[%dma_wait3A_57, %dma_wait3A_58] : memref<20480x128xf32, #tpu.memory_space<hbm>> -> memref<20480x128xf32, #tpu.memory_space<hbm>>
    tpu.wait_indirect_dma semaphore(%arg15 : memref<!tpu.dma_semaphore, #tpu.memory_space<semaphore_mem>>) src(%dma_wait3A_59 : memref<20480x128xf32, #tpu.memory_space<hbm>>) dst(%arg10 : memref<64x128xf32, #tpu.memory_space<vmem>>)
    %run_scoped3A_60 = arith.constant 38 : i32
    "tpu.region"() ({
      %run_scoped3A_281 = tpu.sem_alloc : memref<!tpu.dma_semaphore, #tpu.memory_space<semaphore_mem>>
      %dma_start3A_282 = arith.constant 0 : i32
      %dma_start3A_283 = tpu.memref_slice %arg7[%run_scoped3A_60, %dma_start3A_282] : memref<40x64xi32, #tpu.memory_space<vmem>> -> memref<1x64xi32, #tpu.memory_space<vmem>>
      %dma_start3A_284 = tpu.memref_squeeze %dma_start3A_283 : memref<1x64xi32, #tpu.memory_space<vmem>> -> memref<64xi32, #tpu.memory_space<vmem>>
      %dma_start3A_285 = arith.constant 0 : i32
      %dma_start3A_286 = arith.constant 0 : i32
      %dma_start3A_287 = tpu.memref_slice %arg12[%dma_start3A_285, %dma_start3A_286] : memref<10112x128xf32, #tpu.memory_space<vmem_shared>> -> memref<10112x128xf32, #tpu.memory_space<vmem_shared>>
      tpu.enqueue_indirect_dma source(%arg10 : memref<64x128xf32, #tpu.memory_space<vmem>>) target(%dma_start3A_287 : memref<10112x128xf32, #tpu.memory_space<vmem_shared>>) offsets(%dma_start3A_284 : memref<64xi32, #tpu.memory_space<vmem>>) semaphore(%run_scoped3A_281 : memref<!tpu.dma_semaphore, #tpu.memory_space<semaphore_mem>>) {add = true}
      %dma_wait3A_288 = arith.constant 0 : i32
      %dma_wait3A_289 = tpu.memref_slice %arg7[%run_scoped3A_60, %dma_wait3A_288] : memref<40x64xi32, #tpu.memory_space<vmem>> -> memref<1x64xi32, #tpu.memory_space<vmem>>
      %dma_wait3A_290 = tpu.memref_squeeze %dma_wait3A_289 : memref<1x64xi32, #tpu.memory_space<vmem>> -> memref<64xi32, #tpu.memory_space<vmem>>
      %dma_wait3A_291 = arith.constant 0 : i32
      %dma_wait3A_292 = arith.constant 0 : i32
      %dma_wait3A_293 = tpu.memref_slice %arg12[%dma_wait3A_291, %dma_wait3A_292] : memref<10112x128xf32, #tpu.memory_space<vmem_shared>> -> memref<10112x128xf32, #tpu.memory_space<vmem_shared>>
      tpu.wait_indirect_dma semaphore(%run_scoped3A_281 : memref<!tpu.dma_semaphore, #tpu.memory_space<semaphore_mem>>) src(%arg10 : memref<64x128xf32, #tpu.memory_space<vmem>>) dst(%dma_wait3A_293 : memref<10112x128xf32, #tpu.memory_space<vmem_shared>>)
      tpu.yield
    }) : () -> ()
    %dma_wait3A_61 = arith.constant 39 : i32
    %dma_wait3A_62 = arith.constant 0 : i32
    %dma_wait3A_63 = tpu.memref_slice %arg6[%dma_wait3A_61, %dma_wait3A_62] : memref<40x64xi32, #tpu.memory_space<vmem>> -> memref<1x64xi32, #tpu.memory_space<vmem>>
    %dma_wait3A_64 = tpu.memref_squeeze %dma_wait3A_63 : memref<1x64xi32, #tpu.memory_space<vmem>> -> memref<64xi32, #tpu.memory_space<vmem>>
    %dma_wait3A_65 = arith.constant 0 : i32
    %dma_wait3A_66 = arith.constant 0 : i32
    %dma_wait3A_67 = tpu.memref_slice %arg2[%dma_wait3A_65, %dma_wait3A_66] : memref<20480x128xf32, #tpu.memory_space<hbm>> -> memref<20480x128xf32, #tpu.memory_space<hbm>>
    tpu.wait_indirect_dma semaphore(%arg16 : memref<!tpu.dma_semaphore, #tpu.memory_space<semaphore_mem>>) src(%dma_wait3A_67 : memref<20480x128xf32, #tpu.memory_space<hbm>>) dst(%arg11 : memref<64x128xf32, #tpu.memory_space<vmem>>)
    %run_scoped3A_68 = arith.constant 39 : i32
    "tpu.region"() ({
      %run_scoped3A_281 = tpu.sem_alloc : memref<!tpu.dma_semaphore, #tpu.memory_space<semaphore_mem>>
      %dma_start3A_282 = arith.constant 0 : i32
      %dma_start3A_283 = tpu.memref_slice %arg7[%run_scoped3A_68, %dma_start3A_282] : memref<40x64xi32, #tpu.memory_space<vmem>> -> memref<1x64xi32, #tpu.memory_space<vmem>>
      %dma_start3A_284 = tpu.memref_squeeze %dma_start3A_283 : memref<1x64xi32, #tpu.memory_space<vmem>> -> memref<64xi32, #tpu.memory_space<vmem>>
      %dma_start3A_285 = arith.constant 0 : i32
      %dma_start3A_286 = arith.constant 0 : i32
      %dma_start3A_287 = tpu.memref_slice %arg12[%dma_start3A_285, %dma_start3A_286] : memref<10112x128xf32, #tpu.memory_space<vmem_shared>> -> memref<10112x128xf32, #tpu.memory_space<vmem_shared>>
      tpu.enqueue_indirect_dma source(%arg11 : memref<64x128xf32, #tpu.memory_space<vmem>>) target(%dma_start3A_287 : memref<10112x128xf32, #tpu.memory_space<vmem_shared>>) offsets(%dma_start3A_284 : memref<64xi32, #tpu.memory_space<vmem>>) semaphore(%run_scoped3A_281 : memref<!tpu.dma_semaphore, #tpu.memory_space<semaphore_mem>>) {add = true}
      %dma_wait3A_288 = arith.constant 0 : i32
      %dma_wait3A_289 = tpu.memref_slice %arg7[%run_scoped3A_68, %dma_wait3A_288] : memref<40x64xi32, #tpu.memory_space<vmem>> -> memref<1x64xi32, #tpu.memory_space<vmem>>
      %dma_wait3A_290 = tpu.memref_squeeze %dma_wait3A_289 : memref<1x64xi32, #tpu.memory_space<vmem>> -> memref<64xi32, #tpu.memory_space<vmem>>
      %dma_wait3A_291 = arith.constant 0 : i32
      %dma_wait3A_292 = arith.constant 0 : i32
      %dma_wait3A_293 = tpu.memref_slice %arg12[%dma_wait3A_291, %dma_wait3A_292] : memref<10112x128xf32, #tpu.memory_space<vmem_shared>> -> memref<10112x128xf32, #tpu.memory_space<vmem_shared>>
      tpu.wait_indirect_dma semaphore(%run_scoped3A_281 : memref<!tpu.dma_semaphore, #tpu.memory_space<semaphore_mem>>) src(%arg11 : memref<64x128xf32, #tpu.memory_space<vmem>>) dst(%dma_wait3A_293 : memref<10112x128xf32, #tpu.memory_space<vmem_shared>>)
      tpu.yield
    }) : () -> ()
    %run_scoped3A_69 = arith.constant 1 : i32
    "tpu.region"() ({
      %run_scoped3A_281 = tpu.sem_alloc : memref<!tpu.dma_semaphore, #tpu.memory_space<semaphore_mem>>
      %dma_start3A_282 = arith.constant 0 : i32
      %dma_start3A_283 = arith.constant 0 : i32
      %dma_start3A_284 = tpu.memref_slice %arg3[%arg0, %arg1, %run_scoped3A_69, %dma_start3A_282, %dma_start3A_283] : memref<2x16x4x40x64xi32, #tpu.memory_space<hbm>> -> memref<1x1x1x40x64xi32, #tpu.memory_space<hbm>>
      %dma_start3A_285 = tpu.memref_squeeze %dma_start3A_284 : memref<1x1x1x40x64xi32, #tpu.memory_space<hbm>> -> memref<40x64xi32, #tpu.memory_space<hbm>>
      %dma_start3A_286 = arith.constant 0 : i32
      %dma_start3A_287 = arith.constant 0 : i32
      %dma_start3A_288 = tpu.memref_slice %arg3[%arg0, %arg1, %run_scoped3A_69, %dma_start3A_286, %dma_start3A_287] : memref<2x16x4x40x64xi32, #tpu.memory_space<hbm>> -> memref<1x1x1x40x64xi32, #tpu.memory_space<hbm>>
      %dma_start3A_289 = tpu.memref_squeeze %dma_start3A_288 : memref<1x1x1x40x64xi32, #tpu.memory_space<hbm>> -> memref<40x64xi32, #tpu.memory_space<hbm>>
      tpu.enqueue_dma source(%dma_start3A_289 : memref<40x64xi32, #tpu.memory_space<hbm>>) target(%arg6 : memref<40x64xi32, #tpu.memory_space<vmem>>) target_semaphore(%run_scoped3A_281 : memref<!tpu.dma_semaphore, #tpu.memory_space<semaphore_mem>>)
      %dma_wait3A_290 = arith.constant 0 : i32
      %dma_wait3A_291 = arith.constant 0 : i32
      %dma_wait3A_292 = tpu.memref_slice %arg3[%arg0, %arg1, %run_scoped3A_69, %dma_wait3A_290, %dma_wait3A_291] : memref<2x16x4x40x64xi32, #tpu.memory_space<hbm>> -> memref<1x1x1x40x64xi32, #tpu.memory_space<hbm>>
      %dma_wait3A_293 = tpu.memref_squeeze %dma_wait3A_292 : memref<1x1x1x40x64xi32, #tpu.memory_space<hbm>> -> memref<40x64xi32, #tpu.memory_space<hbm>>
      %dma_wait3A_294 = arith.constant 0 : i32
      %dma_wait3A_295 = arith.constant 0 : i32
      %dma_wait3A_296 = tpu.memref_slice %arg3[%arg0, %arg1, %run_scoped3A_69, %dma_wait3A_294, %dma_wait3A_295] : memref<2x16x4x40x64xi32, #tpu.memory_space<hbm>> -> memref<1x1x1x40x64xi32, #tpu.memory_space<hbm>>
      %dma_wait3A_297 = tpu.memref_squeeze %dma_wait3A_296 : memref<1x1x1x40x64xi32, #tpu.memory_space<hbm>> -> memref<40x64xi32, #tpu.memory_space<hbm>>
      tpu.wait_dma2 semaphore(%run_scoped3A_281 : memref<!tpu.dma_semaphore, #tpu.memory_space<semaphore_mem>>) src(%dma_wait3A_297 : memref<40x64xi32, #tpu.memory_space<hbm>>) dst(%arg6 : memref<40x64xi32, #tpu.memory_space<vmem>>)
      tpu.yield
    }) : () -> ()
    %run_scoped3A_70 = arith.constant 1 : i32
    "tpu.region"() ({
      %run_scoped3A_281 = tpu.sem_alloc : memref<!tpu.dma_semaphore, #tpu.memory_space<semaphore_mem>>
      %dma_start3A_282 = arith.constant 0 : i32
      %dma_start3A_283 = arith.constant 0 : i32
      %dma_start3A_284 = tpu.memref_slice %arg4[%arg1, %run_scoped3A_70, %dma_start3A_282, %dma_start3A_283] : memref<16x4x40x64xi32, #tpu.memory_space<hbm>> -> memref<1x1x40x64xi32, #tpu.memory_space<hbm>>
      %dma_start3A_285 = tpu.memref_squeeze %dma_start3A_284 : memref<1x1x40x64xi32, #tpu.memory_space<hbm>> -> memref<40x64xi32, #tpu.memory_space<hbm>>
      %dma_start3A_286 = arith.constant 0 : i32
      %dma_start3A_287 = arith.constant 0 : i32
      %dma_start3A_288 = tpu.memref_slice %arg4[%arg1, %run_scoped3A_70, %dma_start3A_286, %dma_start3A_287] : memref<16x4x40x64xi32, #tpu.memory_space<hbm>> -> memref<1x1x40x64xi32, #tpu.memory_space<hbm>>
      %dma_start3A_289 = tpu.memref_squeeze %dma_start3A_288 : memref<1x1x40x64xi32, #tpu.memory_space<hbm>> -> memref<40x64xi32, #tpu.memory_space<hbm>>
      tpu.enqueue_dma source(%dma_start3A_289 : memref<40x64xi32, #tpu.memory_space<hbm>>) target(%arg7 : memref<40x64xi32, #tpu.memory_space<vmem>>) target_semaphore(%run_scoped3A_281 : memref<!tpu.dma_semaphore, #tpu.memory_space<semaphore_mem>>)
      %dma_wait3A_290 = arith.constant 0 : i32
      %dma_wait3A_291 = arith.constant 0 : i32
      %dma_wait3A_292 = tpu.memref_slice %arg4[%arg1, %run_scoped3A_70, %dma_wait3A_290, %dma_wait3A_291] : memref<16x4x40x64xi32, #tpu.memory_space<hbm>> -> memref<1x1x40x64xi32, #tpu.memory_space<hbm>>
      %dma_wait3A_293 = tpu.memref_squeeze %dma_wait3A_292 : memref<1x1x40x64xi32, #tpu.memory_space<hbm>> -> memref<40x64xi32, #tpu.memory_space<hbm>>
      %dma_wait3A_294 = arith.constant 0 : i32
      %dma_wait3A_295 = arith.constant 0 : i32
      %dma_wait3A_296 = tpu.memref_slice %arg4[%arg1, %run_scoped3A_70, %dma_wait3A_294, %dma_wait3A_295] : memref<16x4x40x64xi32, #tpu.memory_space<hbm>> -> memref<1x1x40x64xi32, #tpu.memory_space<hbm>>
      %dma_wait3A_297 = tpu.memref_squeeze %dma_wait3A_296 : memref<1x1x40x64xi32, #tpu.memory_space<hbm>> -> memref<40x64xi32, #tpu.memory_space<hbm>>
      tpu.wait_dma2 semaphore(%run_scoped3A_281 : memref<!tpu.dma_semaphore, #tpu.memory_space<semaphore_mem>>) src(%dma_wait3A_297 : memref<40x64xi32, #tpu.memory_space<hbm>>) dst(%arg7 : memref<40x64xi32, #tpu.memory_space<vmem>>)
      tpu.yield
    }) : () -> ()
    %dma_start3A_71 = arith.constant 0 : i32
    %dma_start3A_72 = arith.constant 0 : i32
    %dma_start3A_73 = tpu.memref_slice %arg6[%dma_start3A_71, %dma_start3A_72] : memref<40x64xi32, #tpu.memory_space<vmem>> -> memref<1x64xi32, #tpu.memory_space<vmem>>
    %dma_start3A_74 = tpu.memref_squeeze %dma_start3A_73 : memref<1x64xi32, #tpu.memory_space<vmem>> -> memref<64xi32, #tpu.memory_space<vmem>>
    %dma_start3A_75 = arith.constant 0 : i32
    %dma_start3A_76 = arith.constant 0 : i32
    %dma_start3A_77 = tpu.memref_slice %arg2[%dma_start3A_75, %dma_start3A_76] : memref<20480x128xf32, #tpu.memory_space<hbm>> -> memref<20480x128xf32, #tpu.memory_space<hbm>>
    tpu.enqueue_indirect_dma source(%dma_start3A_77 : memref<20480x128xf32, #tpu.memory_space<hbm>>) target(%arg8 : memref<64x128xf32, #tpu.memory_space<vmem>>) offsets(%dma_start3A_74 : memref<64xi32, #tpu.memory_space<vmem>>) semaphore(%arg13 : memref<!tpu.dma_semaphore, #tpu.memory_space<semaphore_mem>>)
    %dma_start3A_78 = arith.constant 1 : i32
    %dma_start3A_79 = arith.constant 0 : i32
    %dma_start3A_80 = tpu.memref_slice %arg6[%dma_start3A_78, %dma_start3A_79] : memref<40x64xi32, #tpu.memory_space<vmem>> -> memref<1x64xi32, #tpu.memory_space<vmem>>
    %dma_start3A_81 = tpu.memref_squeeze %dma_start3A_80 : memref<1x64xi32, #tpu.memory_space<vmem>> -> memref<64xi32, #tpu.memory_space<vmem>>
    %dma_start3A_82 = arith.constant 0 : i32
    %dma_start3A_83 = arith.constant 0 : i32
    %dma_start3A_84 = tpu.memref_slice %arg2[%dma_start3A_82, %dma_start3A_83] : memref<20480x128xf32, #tpu.memory_space<hbm>> -> memref<20480x128xf32, #tpu.memory_space<hbm>>
    tpu.enqueue_indirect_dma source(%dma_start3A_84 : memref<20480x128xf32, #tpu.memory_space<hbm>>) target(%arg9 : memref<64x128xf32, #tpu.memory_space<vmem>>) offsets(%dma_start3A_81 : memref<64xi32, #tpu.memory_space<vmem>>) semaphore(%arg14 : memref<!tpu.dma_semaphore, #tpu.memory_space<semaphore_mem>>)
    %dma_start3A_85 = arith.constant 2 : i32
    %dma_start3A_86 = arith.constant 0 : i32
    %dma_start3A_87 = tpu.memref_slice %arg6[%dma_start3A_85, %dma_start3A_86] : memref<40x64xi32, #tpu.memory_space<vmem>> -> memref<1x64xi32, #tpu.memory_space<vmem>>
    %dma_start3A_88 = tpu.memref_squeeze %dma_start3A_87 : memref<1x64xi32, #tpu.memory_space<vmem>> -> memref<64xi32, #tpu.memory_space<vmem>>
    %dma_start3A_89 = arith.constant 0 : i32
    %dma_start3A_90 = arith.constant 0 : i32
    %dma_start3A_91 = tpu.memref_slice %arg2[%dma_start3A_89, %dma_start3A_90] : memref<20480x128xf32, #tpu.memory_space<hbm>> -> memref<20480x128xf32, #tpu.memory_space<hbm>>
    tpu.enqueue_indirect_dma source(%dma_start3A_91 : memref<20480x128xf32, #tpu.memory_space<hbm>>) target(%arg10 : memref<64x128xf32, #tpu.memory_space<vmem>>) offsets(%dma_start3A_88 : memref<64xi32, #tpu.memory_space<vmem>>) semaphore(%arg15 : memref<!tpu.dma_semaphore, #tpu.memory_space<semaphore_mem>>)
    %dma_start3A_92 = arith.constant 3 : i32
    %dma_start3A_93 = arith.constant 0 : i32
    %dma_start3A_94 = tpu.memref_slice %arg6[%dma_start3A_92, %dma_start3A_93] : memref<40x64xi32, #tpu.memory_space<vmem>> -> memref<1x64xi32, #tpu.memory_space<vmem>>
    %dma_start3A_95 = tpu.memref_squeeze %dma_start3A_94 : memref<1x64xi32, #tpu.memory_space<vmem>> -> memref<64xi32, #tpu.memory_space<vmem>>
    %dma_start3A_96 = arith.constant 0 : i32
    %dma_start3A_97 = arith.constant 0 : i32
    %dma_start3A_98 = tpu.memref_slice %arg2[%dma_start3A_96, %dma_start3A_97] : memref<20480x128xf32, #tpu.memory_space<hbm>> -> memref<20480x128xf32, #tpu.memory_space<hbm>>
    tpu.enqueue_indirect_dma source(%dma_start3A_98 : memref<20480x128xf32, #tpu.memory_space<hbm>>) target(%arg11 : memref<64x128xf32, #tpu.memory_space<vmem>>) offsets(%dma_start3A_95 : memref<64xi32, #tpu.memory_space<vmem>>) semaphore(%arg16 : memref<!tpu.dma_semaphore, #tpu.memory_space<semaphore_mem>>)
    %scan3A_99 = arith.constant 0 : i32
    %scan3A_100 = arith.constant 0 : i32
    %scan3A_101 = arith.constant 9 : i32
    %scan3A_102 = arith.addi %scan3A_100, %scan3A_101 : i32
    %scan3A_103 = arith.constant 1 : i32
    scf.for %scan3A_281 = %scan3A_100 to %scan3A_102 step %scan3A_103  : i32 {
      %mul3A_282 = arith.constant 4 : i32
      %mul3A_283 = arith.muli %scan3A_281, %mul3A_282 : i32
      %add3A_284 = arith.constant 0 : i32
      %add3A_285 = arith.addi %mul3A_283, %add3A_284 : i32
      %dma_wait3A_286 = arith.constant 0 : i32
      %dma_wait3A_287 = tpu.memref_slice %arg6[%add3A_285, %dma_wait3A_286] : memref<40x64xi32, #tpu.memory_space<vmem>> -> memref<1x64xi32, #tpu.memory_space<vmem>>
      %dma_wait3A_288 = tpu.memref_squeeze %dma_wait3A_287 : memref<1x64xi32, #tpu.memory_space<vmem>> -> memref<64xi32, #tpu.memory_space<vmem>>
      %dma_wait3A_289 = arith.constant 0 : i32
      %dma_wait3A_290 = arith.constant 0 : i32
      %dma_wait3A_291 = tpu.memref_slice %arg2[%dma_wait3A_289, %dma_wait3A_290] : memref<20480x128xf32, #tpu.memory_space<hbm>> -> memref<20480x128xf32, #tpu.memory_space<hbm>>
      tpu.wait_indirect_dma semaphore(%arg13 : memref<!tpu.dma_semaphore, #tpu.memory_space<semaphore_mem>>) src(%dma_wait3A_291 : memref<20480x128xf32, #tpu.memory_space<hbm>>) dst(%arg8 : memref<64x128xf32, #tpu.memory_space<vmem>>)
      "tpu.region"() ({
        %run_scoped3A_354 = tpu.sem_alloc : memref<!tpu.dma_semaphore, #tpu.memory_space<semaphore_mem>>
        %dma_start3A_355 = arith.constant 0 : i32
        %dma_start3A_356 = tpu.memref_slice %arg7[%add3A_285, %dma_start3A_355] : memref<40x64xi32, #tpu.memory_space<vmem>> -> memref<1x64xi32, #tpu.memory_space<vmem>>
        %dma_start3A_357 = tpu.memref_squeeze %dma_start3A_356 : memref<1x64xi32, #tpu.memory_space<vmem>> -> memref<64xi32, #tpu.memory_space<vmem>>
        %dma_start3A_358 = arith.constant 0 : i32
        %dma_start3A_359 = arith.constant 0 : i32
        %dma_start3A_360 = tpu.memref_slice %arg12[%dma_start3A_358, %dma_start3A_359] : memref<10112x128xf32, #tpu.memory_space<vmem_shared>> -> memref<10112x128xf32, #tpu.memory_space<vmem_shared>>
        tpu.enqueue_indirect_dma source(%arg8 : memref<64x128xf32, #tpu.memory_space<vmem>>) target(%dma_start3A_360 : memref<10112x128xf32, #tpu.memory_space<vmem_shared>>) offsets(%dma_start3A_357 : memref<64xi32, #tpu.memory_space<vmem>>) semaphore(%run_scoped3A_354 : memref<!tpu.dma_semaphore, #tpu.memory_space<semaphore_mem>>) {add = true}
        %dma_wait3A_361 = arith.constant 0 : i32
        %dma_wait3A_362 = tpu.memref_slice %arg7[%add3A_285, %dma_wait3A_361] : memref<40x64xi32, #tpu.memory_space<vmem>> -> memref<1x64xi32, #tpu.memory_space<vmem>>
        %dma_wait3A_363 = tpu.memref_squeeze %dma_wait3A_362 : memref<1x64xi32, #tpu.memory_space<vmem>> -> memref<64xi32, #tpu.memory_space<vmem>>
        %dma_wait3A_364 = arith.constant 0 : i32
        %dma_wait3A_365 = arith.constant 0 : i32
        %dma_wait3A_366 = tpu.memref_slice %arg12[%dma_wait3A_364, %dma_wait3A_365] : memref<10112x128xf32, #tpu.memory_space<vmem_shared>> -> memref<10112x128xf32, #tpu.memory_space<vmem_shared>>
        tpu.wait_indirect_dma semaphore(%run_scoped3A_354 : memref<!tpu.dma_semaphore, #tpu.memory_space<semaphore_mem>>) src(%arg8 : memref<64x128xf32, #tpu.memory_space<vmem>>) dst(%dma_wait3A_366 : memref<10112x128xf32, #tpu.memory_space<vmem_shared>>)
        tpu.yield
      }) : () -> ()
      %add3A_292 = arith.constant 4 : i32
      %add3A_293 = arith.addi %add3A_285, %add3A_292 : i32
      %dma_start3A_294 = arith.constant 0 : i32
      %dma_start3A_295 = tpu.memref_slice %arg6[%add3A_293, %dma_start3A_294] : memref<40x64xi32, #tpu.memory_space<vmem>> -> memref<1x64xi32, #tpu.memory_space<vmem>>
      %dma_start3A_296 = tpu.memref_squeeze %dma_start3A_295 : memref<1x64xi32, #tpu.memory_space<vmem>> -> memref<64xi32, #tpu.memory_space<vmem>>
      %dma_start3A_297 = arith.constant 0 : i32
      %dma_start3A_298 = arith.constant 0 : i32
      %dma_start3A_299 = tpu.memref_slice %arg2[%dma_start3A_297, %dma_start3A_298] : memref<20480x128xf32, #tpu.memory_space<hbm>> -> memref<20480x128xf32, #tpu.memory_space<hbm>>
      tpu.enqueue_indirect_dma source(%dma_start3A_299 : memref<20480x128xf32, #tpu.memory_space<hbm>>) target(%arg8 : memref<64x128xf32, #tpu.memory_space<vmem>>) offsets(%dma_start3A_296 : memref<64xi32, #tpu.memory_space<vmem>>) semaphore(%arg13 : memref<!tpu.dma_semaphore, #tpu.memory_space<semaphore_mem>>)
      %mul3A_300 = arith.constant 4 : i32
      %mul3A_301 = arith.muli %scan3A_281, %mul3A_300 : i32
      %add3A_302 = arith.constant 1 : i32
      %add3A_303 = arith.addi %mul3A_301, %add3A_302 : i32
      %dma_wait3A_304 = arith.constant 0 : i32
      %dma_wait3A_305 = tpu.memref_slice %arg6[%add3A_303, %dma_wait3A_304] : memref<40x64xi32, #tpu.memory_space<vmem>> -> memref<1x64xi32, #tpu.memory_space<vmem>>
      %dma_wait3A_306 = tpu.memref_squeeze %dma_wait3A_305 : memref<1x64xi32, #tpu.memory_space<vmem>> -> memref<64xi32, #tpu.memory_space<vmem>>
      %dma_wait3A_307 = arith.constant 0 : i32
      %dma_wait3A_308 = arith.constant 0 : i32
      %dma_wait3A_309 = tpu.memref_slice %arg2[%dma_wait3A_307, %dma_wait3A_308] : memref<20480x128xf32, #tpu.memory_space<hbm>> -> memref<20480x128xf32, #tpu.memory_space<hbm>>
      tpu.wait_indirect_dma semaphore(%arg14 : memref<!tpu.dma_semaphore, #tpu.memory_space<semaphore_mem>>) src(%dma_wait3A_309 : memref<20480x128xf32, #tpu.memory_space<hbm>>) dst(%arg9 : memref<64x128xf32, #tpu.memory_space<vmem>>)
      "tpu.region"() ({
        %run_scoped3A_354 = tpu.sem_alloc : memref<!tpu.dma_semaphore, #tpu.memory_space<semaphore_mem>>
        %dma_start3A_355 = arith.constant 0 : i32
        %dma_start3A_356 = tpu.memref_slice %arg7[%add3A_303, %dma_start3A_355] : memref<40x64xi32, #tpu.memory_space<vmem>> -> memref<1x64xi32, #tpu.memory_space<vmem>>
        %dma_start3A_357 = tpu.memref_squeeze %dma_start3A_356 : memref<1x64xi32, #tpu.memory_space<vmem>> -> memref<64xi32, #tpu.memory_space<vmem>>
        %dma_start3A_358 = arith.constant 0 : i32
        %dma_start3A_359 = arith.constant 0 : i32
        %dma_start3A_360 = tpu.memref_slice %arg12[%dma_start3A_358, %dma_start3A_359] : memref<10112x128xf32, #tpu.memory_space<vmem_shared>> -> memref<10112x128xf32, #tpu.memory_space<vmem_shared>>
        tpu.enqueue_indirect_dma source(%arg9 : memref<64x128xf32, #tpu.memory_space<vmem>>) target(%dma_start3A_360 : memref<10112x128xf32, #tpu.memory_space<vmem_shared>>) offsets(%dma_start3A_357 : memref<64xi32, #tpu.memory_space<vmem>>) semaphore(%run_scoped3A_354 : memref<!tpu.dma_semaphore, #tpu.memory_space<semaphore_mem>>) {add = true}
        %dma_wait3A_361 = arith.constant 0 : i32
        %dma_wait3A_362 = tpu.memref_slice %arg7[%add3A_303, %dma_wait3A_361] : memref<40x64xi32, #tpu.memory_space<vmem>> -> memref<1x64xi32, #tpu.memory_space<vmem>>
        %dma_wait3A_363 = tpu.memref_squeeze %dma_wait3A_362 : memref<1x64xi32, #tpu.memory_space<vmem>> -> memref<64xi32, #tpu.memory_space<vmem>>
        %dma_wait3A_364 = arith.constant 0 : i32
        %dma_wait3A_365 = arith.constant 0 : i32
        %dma_wait3A_366 = tpu.memref_slice %arg12[%dma_wait3A_364, %dma_wait3A_365] : memref<10112x128xf32, #tpu.memory_space<vmem_shared>> -> memref<10112x128xf32, #tpu.memory_space<vmem_shared>>
        tpu.wait_indirect_dma semaphore(%run_scoped3A_354 : memref<!tpu.dma_semaphore, #tpu.memory_space<semaphore_mem>>) src(%arg9 : memref<64x128xf32, #tpu.memory_space<vmem>>) dst(%dma_wait3A_366 : memref<10112x128xf32, #tpu.memory_space<vmem_shared>>)
        tpu.yield
      }) : () -> ()
      %add3A_310 = arith.constant 4 : i32
      %add3A_311 = arith.addi %add3A_303, %add3A_310 : i32
      %dma_start3A_312 = arith.constant 0 : i32
      %dma_start3A_313 = tpu.memref_slice %arg6[%add3A_311, %dma_start3A_312] : memref<40x64xi32, #tpu.memory_space<vmem>> -> memref<1x64xi32, #tpu.memory_space<vmem>>
      %dma_start3A_314 = tpu.memref_squeeze %dma_start3A_313 : memref<1x64xi32, #tpu.memory_space<vmem>> -> memref<64xi32, #tpu.memory_space<vmem>>
      %dma_start3A_315 = arith.constant 0 : i32
      %dma_start3A_316 = arith.constant 0 : i32
      %dma_start3A_317 = tpu.memref_slice %arg2[%dma_start3A_315, %dma_start3A_316] : memref<20480x128xf32, #tpu.memory_space<hbm>> -> memref<20480x128xf32, #tpu.memory_space<hbm>>
      tpu.enqueue_indirect_dma source(%dma_start3A_317 : memref<20480x128xf32, #tpu.memory_space<hbm>>) target(%arg9 : memref<64x128xf32, #tpu.memory_space<vmem>>) offsets(%dma_start3A_314 : memref<64xi32, #tpu.memory_space<vmem>>) semaphore(%arg14 : memref<!tpu.dma_semaphore, #tpu.memory_space<semaphore_mem>>)
      %mul3A_318 = arith.constant 4 : i32
      %mul3A_319 = arith.muli %scan3A_281, %mul3A_318 : i32
      %add3A_320 = arith.constant 2 : i32
      %add3A_321 = arith.addi %mul3A_319, %add3A_320 : i32
      %dma_wait3A_322 = arith.constant 0 : i32
      %dma_wait3A_323 = tpu.memref_slice %arg6[%add3A_321, %dma_wait3A_322] : memref<40x64xi32, #tpu.memory_space<vmem>> -> memref<1x64xi32, #tpu.memory_space<vmem>>
      %dma_wait3A_324 = tpu.memref_squeeze %dma_wait3A_323 : memref<1x64xi32, #tpu.memory_space<vmem>> -> memref<64xi32, #tpu.memory_space<vmem>>
      %dma_wait3A_325 = arith.constant 0 : i32
      %dma_wait3A_326 = arith.constant 0 : i32
      %dma_wait3A_327 = tpu.memref_slice %arg2[%dma_wait3A_325, %dma_wait3A_326] : memref<20480x128xf32, #tpu.memory_space<hbm>> -> memref<20480x128xf32, #tpu.memory_space<hbm>>
      tpu.wait_indirect_dma semaphore(%arg15 : memref<!tpu.dma_semaphore, #tpu.memory_space<semaphore_mem>>) src(%dma_wait3A_327 : memref<20480x128xf32, #tpu.memory_space<hbm>>) dst(%arg10 : memref<64x128xf32, #tpu.memory_space<vmem>>)
      "tpu.region"() ({
        %run_scoped3A_354 = tpu.sem_alloc : memref<!tpu.dma_semaphore, #tpu.memory_space<semaphore_mem>>
        %dma_start3A_355 = arith.constant 0 : i32
        %dma_start3A_356 = tpu.memref_slice %arg7[%add3A_321, %dma_start3A_355] : memref<40x64xi32, #tpu.memory_space<vmem>> -> memref<1x64xi32, #tpu.memory_space<vmem>>
        %dma_start3A_357 = tpu.memref_squeeze %dma_start3A_356 : memref<1x64xi32, #tpu.memory_space<vmem>> -> memref<64xi32, #tpu.memory_space<vmem>>
        %dma_start3A_358 = arith.constant 0 : i32
        %dma_start3A_359 = arith.constant 0 : i32
        %dma_start3A_360 = tpu.memref_slice %arg12[%dma_start3A_358, %dma_start3A_359] : memref<10112x128xf32, #tpu.memory_space<vmem_shared>> -> memref<10112x128xf32, #tpu.memory_space<vmem_shared>>
        tpu.enqueue_indirect_dma source(%arg10 : memref<64x128xf32, #tpu.memory_space<vmem>>) target(%dma_start3A_360 : memref<10112x128xf32, #tpu.memory_space<vmem_shared>>) offsets(%dma_start3A_357 : memref<64xi32, #tpu.memory_space<vmem>>) semaphore(%run_scoped3A_354 : memref<!tpu.dma_semaphore, #tpu.memory_space<semaphore_mem>>) {add = true}
        %dma_wait3A_361 = arith.constant 0 : i32
        %dma_wait3A_362 = tpu.memref_slice %arg7[%add3A_321, %dma_wait3A_361] : memref<40x64xi32, #tpu.memory_space<vmem>> -> memref<1x64xi32, #tpu.memory_space<vmem>>
        %dma_wait3A_363 = tpu.memref_squeeze %dma_wait3A_362 : memref<1x64xi32, #tpu.memory_space<vmem>> -> memref<64xi32, #tpu.memory_space<vmem>>
        %dma_wait3A_364 = arith.constant 0 : i32
        %dma_wait3A_365 = arith.constant 0 : i32
        %dma_wait3A_366 = tpu.memref_slice %arg12[%dma_wait3A_364, %dma_wait3A_365] : memref<10112x128xf32, #tpu.memory_space<vmem_shared>> -> memref<10112x128xf32, #tpu.memory_space<vmem_shared>>
        tpu.wait_indirect_dma semaphore(%run_scoped3A_354 : memref<!tpu.dma_semaphore, #tpu.memory_space<semaphore_mem>>) src(%arg10 : memref<64x128xf32, #tpu.memory_space<vmem>>) dst(%dma_wait3A_366 : memref<10112x128xf32, #tpu.memory_space<vmem_shared>>)
        tpu.yield
      }) : () -> ()
      %add3A_328 = arith.constant 4 : i32
      %add3A_329 = arith.addi %add3A_321, %add3A_328 : i32
      %dma_start3A_330 = arith.constant 0 : i32
      %dma_start3A_331 = tpu.memref_slice %arg6[%add3A_329, %dma_start3A_330] : memref<40x64xi32, #tpu.memory_space<vmem>> -> memref<1x64xi32, #tpu.memory_space<vmem>>
      %dma_start3A_332 = tpu.memref_squeeze %dma_start3A_331 : memref<1x64xi32, #tpu.memory_space<vmem>> -> memref<64xi32, #tpu.memory_space<vmem>>
      %dma_start3A_333 = arith.constant 0 : i32
      %dma_start3A_334 = arith.constant 0 : i32
      %dma_start3A_335 = tpu.memref_slice %arg2[%dma_start3A_333, %dma_start3A_334] : memref<20480x128xf32, #tpu.memory_space<hbm>> -> memref<20480x128xf32, #tpu.memory_space<hbm>>
      tpu.enqueue_indirect_dma source(%dma_start3A_335 : memref<20480x128xf32, #tpu.memory_space<hbm>>) target(%arg10 : memref<64x128xf32, #tpu.memory_space<vmem>>) offsets(%dma_start3A_332 : memref<64xi32, #tpu.memory_space<vmem>>) semaphore(%arg15 : memref<!tpu.dma_semaphore, #tpu.memory_space<semaphore_mem>>)
      %mul3A_336 = arith.constant 4 : i32
      %mul3A_337 = arith.muli %scan3A_281, %mul3A_336 : i32
      %add3A_338 = arith.constant 3 : i32
      %add3A_339 = arith.addi %mul3A_337, %add3A_338 : i32
      %dma_wait3A_340 = arith.constant 0 : i32
      %dma_wait3A_341 = tpu.memref_slice %arg6[%add3A_339, %dma_wait3A_340] : memref<40x64xi32, #tpu.memory_space<vmem>> -> memref<1x64xi32, #tpu.memory_space<vmem>>
      %dma_wait3A_342 = tpu.memref_squeeze %dma_wait3A_341 : memref<1x64xi32, #tpu.memory_space<vmem>> -> memref<64xi32, #tpu.memory_space<vmem>>
      %dma_wait3A_343 = arith.constant 0 : i32
      %dma_wait3A_344 = arith.constant 0 : i32
      %dma_wait3A_345 = tpu.memref_slice %arg2[%dma_wait3A_343, %dma_wait3A_344] : memref<20480x128xf32, #tpu.memory_space<hbm>> -> memref<20480x128xf32, #tpu.memory_space<hbm>>
      tpu.wait_indirect_dma semaphore(%arg16 : memref<!tpu.dma_semaphore, #tpu.memory_space<semaphore_mem>>) src(%dma_wait3A_345 : memref<20480x128xf32, #tpu.memory_space<hbm>>) dst(%arg11 : memref<64x128xf32, #tpu.memory_space<vmem>>)
      "tpu.region"() ({
        %run_scoped3A_354 = tpu.sem_alloc : memref<!tpu.dma_semaphore, #tpu.memory_space<semaphore_mem>>
        %dma_start3A_355 = arith.constant 0 : i32
        %dma_start3A_356 = tpu.memref_slice %arg7[%add3A_339, %dma_start3A_355] : memref<40x64xi32, #tpu.memory_space<vmem>> -> memref<1x64xi32, #tpu.memory_space<vmem>>
        %dma_start3A_357 = tpu.memref_squeeze %dma_start3A_356 : memref<1x64xi32, #tpu.memory_space<vmem>> -> memref<64xi32, #tpu.memory_space<vmem>>
        %dma_start3A_358 = arith.constant 0 : i32
        %dma_start3A_359 = arith.constant 0 : i32
        %dma_start3A_360 = tpu.memref_slice %arg12[%dma_start3A_358, %dma_start3A_359] : memref<10112x128xf32, #tpu.memory_space<vmem_shared>> -> memref<10112x128xf32, #tpu.memory_space<vmem_shared>>
        tpu.enqueue_indirect_dma source(%arg11 : memref<64x128xf32, #tpu.memory_space<vmem>>) target(%dma_start3A_360 : memref<10112x128xf32, #tpu.memory_space<vmem_shared>>) offsets(%dma_start3A_357 : memref<64xi32, #tpu.memory_space<vmem>>) semaphore(%run_scoped3A_354 : memref<!tpu.dma_semaphore, #tpu.memory_space<semaphore_mem>>) {add = true}
        %dma_wait3A_361 = arith.constant 0 : i32
        %dma_wait3A_362 = tpu.memref_slice %arg7[%add3A_339, %dma_wait3A_361] : memref<40x64xi32, #tpu.memory_space<vmem>> -> memref<1x64xi32, #tpu.memory_space<vmem>>
        %dma_wait3A_363 = tpu.memref_squeeze %dma_wait3A_362 : memref<1x64xi32, #tpu.memory_space<vmem>> -> memref<64xi32, #tpu.memory_space<vmem>>
        %dma_wait3A_364 = arith.constant 0 : i32
        %dma_wait3A_365 = arith.constant 0 : i32
        %dma_wait3A_366 = tpu.memref_slice %arg12[%dma_wait3A_364, %dma_wait3A_365] : memref<10112x128xf32, #tpu.memory_space<vmem_shared>> -> memref<10112x128xf32, #tpu.memory_space<vmem_shared>>
        tpu.wait_indirect_dma semaphore(%run_scoped3A_354 : memref<!tpu.dma_semaphore, #tpu.memory_space<semaphore_mem>>) src(%arg11 : memref<64x128xf32, #tpu.memory_space<vmem>>) dst(%dma_wait3A_366 : memref<10112x128xf32, #tpu.memory_space<vmem_shared>>)
        tpu.yield
      }) : () -> ()
      %add3A_346 = arith.constant 4 : i32
      %add3A_347 = arith.addi %add3A_339, %add3A_346 : i32
      %dma_start3A_348 = arith.constant 0 : i32
      %dma_start3A_349 = tpu.memref_slice %arg6[%add3A_347, %dma_start3A_348] : memref<40x64xi32, #tpu.memory_space<vmem>> -> memref<1x64xi32, #tpu.memory_space<vmem>>
      %dma_start3A_350 = tpu.memref_squeeze %dma_start3A_349 : memref<1x64xi32, #tpu.memory_space<vmem>> -> memref<64xi32, #tpu.memory_space<vmem>>
      %dma_start3A_351 = arith.constant 0 : i32
      %dma_start3A_352 = arith.constant 0 : i32
      %dma_start3A_353 = tpu.memref_slice %arg2[%dma_start3A_351, %dma_start3A_352] : memref<20480x128xf32, #tpu.memory_space<hbm>> -> memref<20480x128xf32, #tpu.memory_space<hbm>>
      tpu.enqueue_indirect_dma source(%dma_start3A_353 : memref<20480x128xf32, #tpu.memory_space<hbm>>) target(%arg11 : memref<64x128xf32, #tpu.memory_space<vmem>>) offsets(%dma_start3A_350 : memref<64xi32, #tpu.memory_space<vmem>>) semaphore(%arg16 : memref<!tpu.dma_semaphore, #tpu.memory_space<semaphore_mem>>)
    }
    %scan3A_104 = arith.constant 9 : i32
    %dma_wait3A_105 = arith.constant 36 : i32
    %dma_wait3A_106 = arith.constant 0 : i32
    %dma_wait3A_107 = tpu.memref_slice %arg6[%dma_wait3A_105, %dma_wait3A_106] : memref<40x64xi32, #tpu.memory_space<vmem>> -> memref<1x64xi32, #tpu.memory_space<vmem>>
    %dma_wait3A_108 = tpu.memref_squeeze %dma_wait3A_107 : memref<1x64xi32, #tpu.memory_space<vmem>> -> memref<64xi32, #tpu.memory_space<vmem>>
    %dma_wait3A_109 = arith.constant 0 : i32
    %dma_wait3A_110 = arith.constant 0 : i32
    %dma_wait3A_111 = tpu.memref_slice %arg2[%dma_wait3A_109, %dma_wait3A_110] : memref<20480x128xf32, #tpu.memory_space<hbm>> -> memref<20480x128xf32, #tpu.memory_space<hbm>>
    tpu.wait_indirect_dma semaphore(%arg13 : memref<!tpu.dma_semaphore, #tpu.memory_space<semaphore_mem>>) src(%dma_wait3A_111 : memref<20480x128xf32, #tpu.memory_space<hbm>>) dst(%arg8 : memref<64x128xf32, #tpu.memory_space<vmem>>)
    %run_scoped3A_112 = arith.constant 36 : i32
    "tpu.region"() ({
      %run_scoped3A_281 = tpu.sem_alloc : memref<!tpu.dma_semaphore, #tpu.memory_space<semaphore_mem>>
      %dma_start3A_282 = arith.constant 0 : i32
      %dma_start3A_283 = tpu.memref_slice %arg7[%run_scoped3A_112, %dma_start3A_282] : memref<40x64xi32, #tpu.memory_space<vmem>> -> memref<1x64xi32, #tpu.memory_space<vmem>>
      %dma_start3A_284 = tpu.memref_squeeze %dma_start3A_283 : memref<1x64xi32, #tpu.memory_space<vmem>> -> memref<64xi32, #tpu.memory_space<vmem>>
      %dma_start3A_285 = arith.constant 0 : i32
      %dma_start3A_286 = arith.constant 0 : i32
      %dma_start3A_287 = tpu.memref_slice %arg12[%dma_start3A_285, %dma_start3A_286] : memref<10112x128xf32, #tpu.memory_space<vmem_shared>> -> memref<10112x128xf32, #tpu.memory_space<vmem_shared>>
      tpu.enqueue_indirect_dma source(%arg8 : memref<64x128xf32, #tpu.memory_space<vmem>>) target(%dma_start3A_287 : memref<10112x128xf32, #tpu.memory_space<vmem_shared>>) offsets(%dma_start3A_284 : memref<64xi32, #tpu.memory_space<vmem>>) semaphore(%run_scoped3A_281 : memref<!tpu.dma_semaphore, #tpu.memory_space<semaphore_mem>>) {add = true}
      %dma_wait3A_288 = arith.constant 0 : i32
      %dma_wait3A_289 = tpu.memref_slice %arg7[%run_scoped3A_112, %dma_wait3A_288] : memref<40x64xi32, #tpu.memory_space<vmem>> -> memref<1x64xi32, #tpu.memory_space<vmem>>
      %dma_wait3A_290 = tpu.memref_squeeze %dma_wait3A_289 : memref<1x64xi32, #tpu.memory_space<vmem>> -> memref<64xi32, #tpu.memory_space<vmem>>
      %dma_wait3A_291 = arith.constant 0 : i32
      %dma_wait3A_292 = arith.constant 0 : i32
      %dma_wait3A_293 = tpu.memref_slice %arg12[%dma_wait3A_291, %dma_wait3A_292] : memref<10112x128xf32, #tpu.memory_space<vmem_shared>> -> memref<10112x128xf32, #tpu.memory_space<vmem_shared>>
      tpu.wait_indirect_dma semaphore(%run_scoped3A_281 : memref<!tpu.dma_semaphore, #tpu.memory_space<semaphore_mem>>) src(%arg8 : memref<64x128xf32, #tpu.memory_space<vmem>>) dst(%dma_wait3A_293 : memref<10112x128xf32, #tpu.memory_space<vmem_shared>>)
      tpu.yield
    }) : () -> ()
    %dma_wait3A_113 = arith.constant 37 : i32
    %dma_wait3A_114 = arith.constant 0 : i32
    %dma_wait3A_115 = tpu.memref_slice %arg6[%dma_wait3A_113, %dma_wait3A_114] : memref<40x64xi32, #tpu.memory_space<vmem>> -> memref<1x64xi32, #tpu.memory_space<vmem>>
    %dma_wait3A_116 = tpu.memref_squeeze %dma_wait3A_115 : memref<1x64xi32, #tpu.memory_space<vmem>> -> memref<64xi32, #tpu.memory_space<vmem>>
    %dma_wait3A_117 = arith.constant 0 : i32
    %dma_wait3A_118 = arith.constant 0 : i32
    %dma_wait3A_119 = tpu.memref_slice %arg2[%dma_wait3A_117, %dma_wait3A_118] : memref<20480x128xf32, #tpu.memory_space<hbm>> -> memref<20480x128xf32, #tpu.memory_space<hbm>>
    tpu.wait_indirect_dma semaphore(%arg14 : memref<!tpu.dma_semaphore, #tpu.memory_space<semaphore_mem>>) src(%dma_wait3A_119 : memref<20480x128xf32, #tpu.memory_space<hbm>>) dst(%arg9 : memref<64x128xf32, #tpu.memory_space<vmem>>)
    %run_scoped3A_120 = arith.constant 37 : i32
    "tpu.region"() ({
      %run_scoped3A_281 = tpu.sem_alloc : memref<!tpu.dma_semaphore, #tpu.memory_space<semaphore_mem>>
      %dma_start3A_282 = arith.constant 0 : i32
      %dma_start3A_283 = tpu.memref_slice %arg7[%run_scoped3A_120, %dma_start3A_282] : memref<40x64xi32, #tpu.memory_space<vmem>> -> memref<1x64xi32, #tpu.memory_space<vmem>>
      %dma_start3A_284 = tpu.memref_squeeze %dma_start3A_283 : memref<1x64xi32, #tpu.memory_space<vmem>> -> memref<64xi32, #tpu.memory_space<vmem>>
      %dma_start3A_285 = arith.constant 0 : i32
      %dma_start3A_286 = arith.constant 0 : i32
      %dma_start3A_287 = tpu.memref_slice %arg12[%dma_start3A_285, %dma_start3A_286] : memref<10112x128xf32, #tpu.memory_space<vmem_shared>> -> memref<10112x128xf32, #tpu.memory_space<vmem_shared>>
      tpu.enqueue_indirect_dma source(%arg9 : memref<64x128xf32, #tpu.memory_space<vmem>>) target(%dma_start3A_287 : memref<10112x128xf32, #tpu.memory_space<vmem_shared>>) offsets(%dma_start3A_284 : memref<64xi32, #tpu.memory_space<vmem>>) semaphore(%run_scoped3A_281 : memref<!tpu.dma_semaphore, #tpu.memory_space<semaphore_mem>>) {add = true}
      %dma_wait3A_288 = arith.constant 0 : i32
      %dma_wait3A_289 = tpu.memref_slice %arg7[%run_scoped3A_120, %dma_wait3A_288] : memref<40x64xi32, #tpu.memory_space<vmem>> -> memref<1x64xi32, #tpu.memory_space<vmem>>
      %dma_wait3A_290 = tpu.memref_squeeze %dma_wait3A_289 : memref<1x64xi32, #tpu.memory_space<vmem>> -> memref<64xi32, #tpu.memory_space<vmem>>
      %dma_wait3A_291 = arith.constant 0 : i32
      %dma_wait3A_292 = arith.constant 0 : i32
      %dma_wait3A_293 = tpu.memref_slice %arg12[%dma_wait3A_291, %dma_wait3A_292] : memref<10112x128xf32, #tpu.memory_space<vmem_shared>> -> memref<10112x128xf32, #tpu.memory_space<vmem_shared>>
      tpu.wait_indirect_dma semaphore(%run_scoped3A_281 : memref<!tpu.dma_semaphore, #tpu.memory_space<semaphore_mem>>) src(%arg9 : memref<64x128xf32, #tpu.memory_space<vmem>>) dst(%dma_wait3A_293 : memref<10112x128xf32, #tpu.memory_space<vmem_shared>>)
      tpu.yield
    }) : () -> ()
    %dma_wait3A_121 = arith.constant 38 : i32
    %dma_wait3A_122 = arith.constant 0 : i32
    %dma_wait3A_123 = tpu.memref_slice %arg6[%dma_wait3A_121, %dma_wait3A_122] : memref<40x64xi32, #tpu.memory_space<vmem>> -> memref<1x64xi32, #tpu.memory_space<vmem>>
    %dma_wait3A_124 = tpu.memref_squeeze %dma_wait3A_123 : memref<1x64xi32, #tpu.memory_space<vmem>> -> memref<64xi32, #tpu.memory_space<vmem>>
    %dma_wait3A_125 = arith.constant 0 : i32
    %dma_wait3A_126 = arith.constant 0 : i32
    %dma_wait3A_127 = tpu.memref_slice %arg2[%dma_wait3A_125, %dma_wait3A_126] : memref<20480x128xf32, #tpu.memory_space<hbm>> -> memref<20480x128xf32, #tpu.memory_space<hbm>>
    tpu.wait_indirect_dma semaphore(%arg15 : memref<!tpu.dma_semaphore, #tpu.memory_space<semaphore_mem>>) src(%dma_wait3A_127 : memref<20480x128xf32, #tpu.memory_space<hbm>>) dst(%arg10 : memref<64x128xf32, #tpu.memory_space<vmem>>)
    %run_scoped3A_128 = arith.constant 38 : i32
    "tpu.region"() ({
      %run_scoped3A_281 = tpu.sem_alloc : memref<!tpu.dma_semaphore, #tpu.memory_space<semaphore_mem>>
      %dma_start3A_282 = arith.constant 0 : i32
      %dma_start3A_283 = tpu.memref_slice %arg7[%run_scoped3A_128, %dma_start3A_282] : memref<40x64xi32, #tpu.memory_space<vmem>> -> memref<1x64xi32, #tpu.memory_space<vmem>>
      %dma_start3A_284 = tpu.memref_squeeze %dma_start3A_283 : memref<1x64xi32, #tpu.memory_space<vmem>> -> memref<64xi32, #tpu.memory_space<vmem>>
      %dma_start3A_285 = arith.constant 0 : i32
      %dma_start3A_286 = arith.constant 0 : i32
      %dma_start3A_287 = tpu.memref_slice %arg12[%dma_start3A_285, %dma_start3A_286] : memref<10112x128xf32, #tpu.memory_space<vmem_shared>> -> memref<10112x128xf32, #tpu.memory_space<vmem_shared>>
      tpu.enqueue_indirect_dma source(%arg10 : memref<64x128xf32, #tpu.memory_space<vmem>>) target(%dma_start3A_287 : memref<10112x128xf32, #tpu.memory_space<vmem_shared>>) offsets(%dma_start3A_284 : memref<64xi32, #tpu.memory_space<vmem>>) semaphore(%run_scoped3A_281 : memref<!tpu.dma_semaphore, #tpu.memory_space<semaphore_mem>>) {add = true}
      %dma_wait3A_288 = arith.constant 0 : i32
      %dma_wait3A_289 = tpu.memref_slice %arg7[%run_scoped3A_128, %dma_wait3A_288] : memref<40x64xi32, #tpu.memory_space<vmem>> -> memref<1x64xi32, #tpu.memory_space<vmem>>
      %dma_wait3A_290 = tpu.memref_squeeze %dma_wait3A_289 : memref<1x64xi32, #tpu.memory_space<vmem>> -> memref<64xi32, #tpu.memory_space<vmem>>
      %dma_wait3A_291 = arith.constant 0 : i32
      %dma_wait3A_292 = arith.constant 0 : i32
      %dma_wait3A_293 = tpu.memref_slice %arg12[%dma_wait3A_291, %dma_wait3A_292] : memref<10112x128xf32, #tpu.memory_space<vmem_shared>> -> memref<10112x128xf32, #tpu.memory_space<vmem_shared>>
      tpu.wait_indirect_dma semaphore(%run_scoped3A_281 : memref<!tpu.dma_semaphore, #tpu.memory_space<semaphore_mem>>) src(%arg10 : memref<64x128xf32, #tpu.memory_space<vmem>>) dst(%dma_wait3A_293 : memref<10112x128xf32, #tpu.memory_space<vmem_shared>>)
      tpu.yield
    }) : () -> ()
    %dma_wait3A_129 = arith.constant 39 : i32
    %dma_wait3A_130 = arith.constant 0 : i32
    %dma_wait3A_131 = tpu.memref_slice %arg6[%dma_wait3A_129, %dma_wait3A_130] : memref<40x64xi32, #tpu.memory_space<vmem>> -> memref<1x64xi32, #tpu.memory_space<vmem>>
    %dma_wait3A_132 = tpu.memref_squeeze %dma_wait3A_131 : memref<1x64xi32, #tpu.memory_space<vmem>> -> memref<64xi32, #tpu.memory_space<vmem>>
    %dma_wait3A_133 = arith.constant 0 : i32
    %dma_wait3A_134 = arith.constant 0 : i32
    %dma_wait3A_135 = tpu.memref_slice %arg2[%dma_wait3A_133, %dma_wait3A_134] : memref<20480x128xf32, #tpu.memory_space<hbm>> -> memref<20480x128xf32, #tpu.memory_space<hbm>>
    tpu.wait_indirect_dma semaphore(%arg16 : memref<!tpu.dma_semaphore, #tpu.memory_space<semaphore_mem>>) src(%dma_wait3A_135 : memref<20480x128xf32, #tpu.memory_space<hbm>>) dst(%arg11 : memref<64x128xf32, #tpu.memory_space<vmem>>)
    %run_scoped3A_136 = arith.constant 39 : i32
    "tpu.region"() ({
      %run_scoped3A_281 = tpu.sem_alloc : memref<!tpu.dma_semaphore, #tpu.memory_space<semaphore_mem>>
      %dma_start3A_282 = arith.constant 0 : i32
      %dma_start3A_283 = tpu.memref_slice %arg7[%run_scoped3A_136, %dma_start3A_282] : memref<40x64xi32, #tpu.memory_space<vmem>> -> memref<1x64xi32, #tpu.memory_space<vmem>>
      %dma_start3A_284 = tpu.memref_squeeze %dma_start3A_283 : memref<1x64xi32, #tpu.memory_space<vmem>> -> memref<64xi32, #tpu.memory_space<vmem>>
      %dma_start3A_285 = arith.constant 0 : i32
      %dma_start3A_286 = arith.constant 0 : i32
      %dma_start3A_287 = tpu.memref_slice %arg12[%dma_start3A_285, %dma_start3A_286] : memref<10112x128xf32, #tpu.memory_space<vmem_shared>> -> memref<10112x128xf32, #tpu.memory_space<vmem_shared>>
      tpu.enqueue_indirect_dma source(%arg11 : memref<64x128xf32, #tpu.memory_space<vmem>>) target(%dma_start3A_287 : memref<10112x128xf32, #tpu.memory_space<vmem_shared>>) offsets(%dma_start3A_284 : memref<64xi32, #tpu.memory_space<vmem>>) semaphore(%run_scoped3A_281 : memref<!tpu.dma_semaphore, #tpu.memory_space<semaphore_mem>>) {add = true}
      %dma_wait3A_288 = arith.constant 0 : i32
      %dma_wait3A_289 = tpu.memref_slice %arg7[%run_scoped3A_136, %dma_wait3A_288] : memref<40x64xi32, #tpu.memory_space<vmem>> -> memref<1x64xi32, #tpu.memory_space<vmem>>
      %dma_wait3A_290 = tpu.memref_squeeze %dma_wait3A_289 : memref<1x64xi32, #tpu.memory_space<vmem>> -> memref<64xi32, #tpu.memory_space<vmem>>
      %dma_wait3A_291 = arith.constant 0 : i32
      %dma_wait3A_292 = arith.constant 0 : i32
      %dma_wait3A_293 = tpu.memref_slice %arg12[%dma_wait3A_291, %dma_wait3A_292] : memref<10112x128xf32, #tpu.memory_space<vmem_shared>> -> memref<10112x128xf32, #tpu.memory_space<vmem_shared>>
      tpu.wait_indirect_dma semaphore(%run_scoped3A_281 : memref<!tpu.dma_semaphore, #tpu.memory_space<semaphore_mem>>) src(%arg11 : memref<64x128xf32, #tpu.memory_space<vmem>>) dst(%dma_wait3A_293 : memref<10112x128xf32, #tpu.memory_space<vmem_shared>>)
      tpu.yield
    }) : () -> ()
    %run_scoped3A_137 = arith.constant 2 : i32
    "tpu.region"() ({
      %run_scoped3A_281 = tpu.sem_alloc : memref<!tpu.dma_semaphore, #tpu.memory_space<semaphore_mem>>
      %dma_start3A_282 = arith.constant 0 : i32
      %dma_start3A_283 = arith.constant 0 : i32
      %dma_start3A_284 = tpu.memref_slice %arg3[%arg0, %arg1, %run_scoped3A_137, %dma_start3A_282, %dma_start3A_283] : memref<2x16x4x40x64xi32, #tpu.memory_space<hbm>> -> memref<1x1x1x40x64xi32, #tpu.memory_space<hbm>>
      %dma_start3A_285 = tpu.memref_squeeze %dma_start3A_284 : memref<1x1x1x40x64xi32, #tpu.memory_space<hbm>> -> memref<40x64xi32, #tpu.memory_space<hbm>>
      %dma_start3A_286 = arith.constant 0 : i32
      %dma_start3A_287 = arith.constant 0 : i32
      %dma_start3A_288 = tpu.memref_slice %arg3[%arg0, %arg1, %run_scoped3A_137, %dma_start3A_286, %dma_start3A_287] : memref<2x16x4x40x64xi32, #tpu.memory_space<hbm>> -> memref<1x1x1x40x64xi32, #tpu.memory_space<hbm>>
      %dma_start3A_289 = tpu.memref_squeeze %dma_start3A_288 : memref<1x1x1x40x64xi32, #tpu.memory_space<hbm>> -> memref<40x64xi32, #tpu.memory_space<hbm>>
      tpu.enqueue_dma source(%dma_start3A_289 : memref<40x64xi32, #tpu.memory_space<hbm>>) target(%arg6 : memref<40x64xi32, #tpu.memory_space<vmem>>) target_semaphore(%run_scoped3A_281 : memref<!tpu.dma_semaphore, #tpu.memory_space<semaphore_mem>>)
      %dma_wait3A_290 = arith.constant 0 : i32
      %dma_wait3A_291 = arith.constant 0 : i32
      %dma_wait3A_292 = tpu.memref_slice %arg3[%arg0, %arg1, %run_scoped3A_137, %dma_wait3A_290, %dma_wait3A_291] : memref<2x16x4x40x64xi32, #tpu.memory_space<hbm>> -> memref<1x1x1x40x64xi32, #tpu.memory_space<hbm>>
      %dma_wait3A_293 = tpu.memref_squeeze %dma_wait3A_292 : memref<1x1x1x40x64xi32, #tpu.memory_space<hbm>> -> memref<40x64xi32, #tpu.memory_space<hbm>>
      %dma_wait3A_294 = arith.constant 0 : i32
      %dma_wait3A_295 = arith.constant 0 : i32
      %dma_wait3A_296 = tpu.memref_slice %arg3[%arg0, %arg1, %run_scoped3A_137, %dma_wait3A_294, %dma_wait3A_295] : memref<2x16x4x40x64xi32, #tpu.memory_space<hbm>> -> memref<1x1x1x40x64xi32, #tpu.memory_space<hbm>>
      %dma_wait3A_297 = tpu.memref_squeeze %dma_wait3A_296 : memref<1x1x1x40x64xi32, #tpu.memory_space<hbm>> -> memref<40x64xi32, #tpu.memory_space<hbm>>
      tpu.wait_dma2 semaphore(%run_scoped3A_281 : memref<!tpu.dma_semaphore, #tpu.memory_space<semaphore_mem>>) src(%dma_wait3A_297 : memref<40x64xi32, #tpu.memory_space<hbm>>) dst(%arg6 : memref<40x64xi32, #tpu.memory_space<vmem>>)
      tpu.yield
    }) : () -> ()
    %run_scoped3A_138 = arith.constant 2 : i32
    "tpu.region"() ({
      %run_scoped3A_281 = tpu.sem_alloc : memref<!tpu.dma_semaphore, #tpu.memory_space<semaphore_mem>>
      %dma_start3A_282 = arith.constant 0 : i32
      %dma_start3A_283 = arith.constant 0 : i32
      %dma_start3A_284 = tpu.memref_slice %arg4[%arg1, %run_scoped3A_138, %dma_start3A_282, %dma_start3A_283] : memref<16x4x40x64xi32, #tpu.memory_space<hbm>> -> memref<1x1x40x64xi32, #tpu.memory_space<hbm>>
      %dma_start3A_285 = tpu.memref_squeeze %dma_start3A_284 : memref<1x1x40x64xi32, #tpu.memory_space<hbm>> -> memref<40x64xi32, #tpu.memory_space<hbm>>
      %dma_start3A_286 = arith.constant 0 : i32
      %dma_start3A_287 = arith.constant 0 : i32
      %dma_start3A_288 = tpu.memref_slice %arg4[%arg1, %run_scoped3A_138, %dma_start3A_286, %dma_start3A_287] : memref<16x4x40x64xi32, #tpu.memory_space<hbm>> -> memref<1x1x40x64xi32, #tpu.memory_space<hbm>>
      %dma_start3A_289 = tpu.memref_squeeze %dma_start3A_288 : memref<1x1x40x64xi32, #tpu.memory_space<hbm>> -> memref<40x64xi32, #tpu.memory_space<hbm>>
      tpu.enqueue_dma source(%dma_start3A_289 : memref<40x64xi32, #tpu.memory_space<hbm>>) target(%arg7 : memref<40x64xi32, #tpu.memory_space<vmem>>) target_semaphore(%run_scoped3A_281 : memref<!tpu.dma_semaphore, #tpu.memory_space<semaphore_mem>>)
      %dma_wait3A_290 = arith.constant 0 : i32
      %dma_wait3A_291 = arith.constant 0 : i32
      %dma_wait3A_292 = tpu.memref_slice %arg4[%arg1, %run_scoped3A_138, %dma_wait3A_290, %dma_wait3A_291] : memref<16x4x40x64xi32, #tpu.memory_space<hbm>> -> memref<1x1x40x64xi32, #tpu.memory_space<hbm>>
      %dma_wait3A_293 = tpu.memref_squeeze %dma_wait3A_292 : memref<1x1x40x64xi32, #tpu.memory_space<hbm>> -> memref<40x64xi32, #tpu.memory_space<hbm>>
      %dma_wait3A_294 = arith.constant 0 : i32
      %dma_wait3A_295 = arith.constant 0 : i32
      %dma_wait3A_296 = tpu.memref_slice %arg4[%arg1, %run_scoped3A_138, %dma_wait3A_294, %dma_wait3A_295] : memref<16x4x40x64xi32, #tpu.memory_space<hbm>> -> memref<1x1x40x64xi32, #tpu.memory_space<hbm>>
      %dma_wait3A_297 = tpu.memref_squeeze %dma_wait3A_296 : memref<1x1x40x64xi32, #tpu.memory_space<hbm>> -> memref<40x64xi32, #tpu.memory_space<hbm>>
      tpu.wait_dma2 semaphore(%run_scoped3A_281 : memref<!tpu.dma_semaphore, #tpu.memory_space<semaphore_mem>>) src(%dma_wait3A_297 : memref<40x64xi32, #tpu.memory_space<hbm>>) dst(%arg7 : memref<40x64xi32, #tpu.memory_space<vmem>>)
      tpu.yield
    }) : () -> ()
    %dma_start3A_139 = arith.constant 0 : i32
    %dma_start3A_140 = arith.constant 0 : i32
    %dma_start3A_141 = tpu.memref_slice %arg6[%dma_start3A_139, %dma_start3A_140] : memref<40x64xi32, #tpu.memory_space<vmem>> -> memref<1x64xi32, #tpu.memory_space<vmem>>
    %dma_start3A_142 = tpu.memref_squeeze %dma_start3A_141 : memref<1x64xi32, #tpu.memory_space<vmem>> -> memref<64xi32, #tpu.memory_space<vmem>>
    %dma_start3A_143 = arith.constant 0 : i32
    %dma_start3A_144 = arith.constant 0 : i32
    %dma_start3A_145 = tpu.memref_slice %arg2[%dma_start3A_143, %dma_start3A_144] : memref<20480x128xf32, #tpu.memory_space<hbm>> -> memref<20480x128xf32, #tpu.memory_space<hbm>>
    tpu.enqueue_indirect_dma source(%dma_start3A_145 : memref<20480x128xf32, #tpu.memory_space<hbm>>) target(%arg8 : memref<64x128xf32, #tpu.memory_space<vmem>>) offsets(%dma_start3A_142 : memref<64xi32, #tpu.memory_space<vmem>>) semaphore(%arg13 : memref<!tpu.dma_semaphore, #tpu.memory_space<semaphore_mem>>)
    %dma_start3A_146 = arith.constant 1 : i32
    %dma_start3A_147 = arith.constant 0 : i32
    %dma_start3A_148 = tpu.memref_slice %arg6[%dma_start3A_146, %dma_start3A_147] : memref<40x64xi32, #tpu.memory_space<vmem>> -> memref<1x64xi32, #tpu.memory_space<vmem>>
    %dma_start3A_149 = tpu.memref_squeeze %dma_start3A_148 : memref<1x64xi32, #tpu.memory_space<vmem>> -> memref<64xi32, #tpu.memory_space<vmem>>
    %dma_start3A_150 = arith.constant 0 : i32
    %dma_start3A_151 = arith.constant 0 : i32
    %dma_start3A_152 = tpu.memref_slice %arg2[%dma_start3A_150, %dma_start3A_151] : memref<20480x128xf32, #tpu.memory_space<hbm>> -> memref<20480x128xf32, #tpu.memory_space<hbm>>
    tpu.enqueue_indirect_dma source(%dma_start3A_152 : memref<20480x128xf32, #tpu.memory_space<hbm>>) target(%arg9 : memref<64x128xf32, #tpu.memory_space<vmem>>) offsets(%dma_start3A_149 : memref<64xi32, #tpu.memory_space<vmem>>) semaphore(%arg14 : memref<!tpu.dma_semaphore, #tpu.memory_space<semaphore_mem>>)
    %dma_start3A_153 = arith.constant 2 : i32
    %dma_start3A_154 = arith.constant 0 : i32
    %dma_start3A_155 = tpu.memref_slice %arg6[%dma_start3A_153, %dma_start3A_154] : memref<40x64xi32, #tpu.memory_space<vmem>> -> memref<1x64xi32, #tpu.memory_space<vmem>>
    %dma_start3A_156 = tpu.memref_squeeze %dma_start3A_155 : memref<1x64xi32, #tpu.memory_space<vmem>> -> memref<64xi32, #tpu.memory_space<vmem>>
    %dma_start3A_157 = arith.constant 0 : i32
    %dma_start3A_158 = arith.constant 0 : i32
    %dma_start3A_159 = tpu.memref_slice %arg2[%dma_start3A_157, %dma_start3A_158] : memref<20480x128xf32, #tpu.memory_space<hbm>> -> memref<20480x128xf32, #tpu.memory_space<hbm>>
    tpu.enqueue_indirect_dma source(%dma_start3A_159 : memref<20480x128xf32, #tpu.memory_space<hbm>>) target(%arg10 : memref<64x128xf32, #tpu.memory_space<vmem>>) offsets(%dma_start3A_156 : memref<64xi32, #tpu.memory_space<vmem>>) semaphore(%arg15 : memref<!tpu.dma_semaphore, #tpu.memory_space<semaphore_mem>>)
    %dma_start3A_160 = arith.constant 3 : i32
    %dma_start3A_161 = arith.constant 0 : i32
    %dma_start3A_162 = tpu.memref_slice %arg6[%dma_start3A_160, %dma_start3A_161] : memref<40x64xi32, #tpu.memory_space<vmem>> -> memref<1x64xi32, #tpu.memory_space<vmem>>
    %dma_start3A_163 = tpu.memref_squeeze %dma_start3A_162 : memref<1x64xi32, #tpu.memory_space<vmem>> -> memref<64xi32, #tpu.memory_space<vmem>>
    %dma_start3A_164 = arith.constant 0 : i32
    %dma_start3A_165 = arith.constant 0 : i32
    %dma_start3A_166 = tpu.memref_slice %arg2[%dma_start3A_164, %dma_start3A_165] : memref<20480x128xf32, #tpu.memory_space<hbm>> -> memref<20480x128xf32, #tpu.memory_space<hbm>>
    tpu.enqueue_indirect_dma source(%dma_start3A_166 : memref<20480x128xf32, #tpu.memory_space<hbm>>) target(%arg11 : memref<64x128xf32, #tpu.memory_space<vmem>>) offsets(%dma_start3A_163 : memref<64xi32, #tpu.memory_space<vmem>>) semaphore(%arg16 : memref<!tpu.dma_semaphore, #tpu.memory_space<semaphore_mem>>)
    %scan3A_167 = arith.constant 0 : i32
    %scan3A_168 = arith.constant 0 : i32
    %scan3A_169 = arith.constant 9 : i32
    %scan3A_170 = arith.addi %scan3A_168, %scan3A_169 : i32
    %scan3A_171 = arith.constant 1 : i32
    scf.for %scan3A_281 = %scan3A_168 to %scan3A_170 step %scan3A_171  : i32 {
      %mul3A_282 = arith.constant 4 : i32
      %mul3A_283 = arith.muli %scan3A_281, %mul3A_282 : i32
      %add3A_284 = arith.constant 0 : i32
      %add3A_285 = arith.addi %mul3A_283, %add3A_284 : i32
      %dma_wait3A_286 = arith.constant 0 : i32
      %dma_wait3A_287 = tpu.memref_slice %arg6[%add3A_285, %dma_wait3A_286] : memref<40x64xi32, #tpu.memory_space<vmem>> -> memref<1x64xi32, #tpu.memory_space<vmem>>
      %dma_wait3A_288 = tpu.memref_squeeze %dma_wait3A_287 : memref<1x64xi32, #tpu.memory_space<vmem>> -> memref<64xi32, #tpu.memory_space<vmem>>
      %dma_wait3A_289 = arith.constant 0 : i32
      %dma_wait3A_290 = arith.constant 0 : i32
      %dma_wait3A_291 = tpu.memref_slice %arg2[%dma_wait3A_289, %dma_wait3A_290] : memref<20480x128xf32, #tpu.memory_space<hbm>> -> memref<20480x128xf32, #tpu.memory_space<hbm>>
      tpu.wait_indirect_dma semaphore(%arg13 : memref<!tpu.dma_semaphore, #tpu.memory_space<semaphore_mem>>) src(%dma_wait3A_291 : memref<20480x128xf32, #tpu.memory_space<hbm>>) dst(%arg8 : memref<64x128xf32, #tpu.memory_space<vmem>>)
      "tpu.region"() ({
        %run_scoped3A_354 = tpu.sem_alloc : memref<!tpu.dma_semaphore, #tpu.memory_space<semaphore_mem>>
        %dma_start3A_355 = arith.constant 0 : i32
        %dma_start3A_356 = tpu.memref_slice %arg7[%add3A_285, %dma_start3A_355] : memref<40x64xi32, #tpu.memory_space<vmem>> -> memref<1x64xi32, #tpu.memory_space<vmem>>
        %dma_start3A_357 = tpu.memref_squeeze %dma_start3A_356 : memref<1x64xi32, #tpu.memory_space<vmem>> -> memref<64xi32, #tpu.memory_space<vmem>>
        %dma_start3A_358 = arith.constant 0 : i32
        %dma_start3A_359 = arith.constant 0 : i32
        %dma_start3A_360 = tpu.memref_slice %arg12[%dma_start3A_358, %dma_start3A_359] : memref<10112x128xf32, #tpu.memory_space<vmem_shared>> -> memref<10112x128xf32, #tpu.memory_space<vmem_shared>>
        tpu.enqueue_indirect_dma source(%arg8 : memref<64x128xf32, #tpu.memory_space<vmem>>) target(%dma_start3A_360 : memref<10112x128xf32, #tpu.memory_space<vmem_shared>>) offsets(%dma_start3A_357 : memref<64xi32, #tpu.memory_space<vmem>>) semaphore(%run_scoped3A_354 : memref<!tpu.dma_semaphore, #tpu.memory_space<semaphore_mem>>) {add = true}
        %dma_wait3A_361 = arith.constant 0 : i32
        %dma_wait3A_362 = tpu.memref_slice %arg7[%add3A_285, %dma_wait3A_361] : memref<40x64xi32, #tpu.memory_space<vmem>> -> memref<1x64xi32, #tpu.memory_space<vmem>>
        %dma_wait3A_363 = tpu.memref_squeeze %dma_wait3A_362 : memref<1x64xi32, #tpu.memory_space<vmem>> -> memref<64xi32, #tpu.memory_space<vmem>>
        %dma_wait3A_364 = arith.constant 0 : i32
        %dma_wait3A_365 = arith.constant 0 : i32
        %dma_wait3A_366 = tpu.memref_slice %arg12[%dma_wait3A_364, %dma_wait3A_365] : memref<10112x128xf32, #tpu.memory_space<vmem_shared>> -> memref<10112x128xf32, #tpu.memory_space<vmem_shared>>
        tpu.wait_indirect_dma semaphore(%run_scoped3A_354 : memref<!tpu.dma_semaphore, #tpu.memory_space<semaphore_mem>>) src(%arg8 : memref<64x128xf32, #tpu.memory_space<vmem>>) dst(%dma_wait3A_366 : memref<10112x128xf32, #tpu.memory_space<vmem_shared>>)
        tpu.yield
      }) : () -> ()
      %add3A_292 = arith.constant 4 : i32
      %add3A_293 = arith.addi %add3A_285, %add3A_292 : i32
      %dma_start3A_294 = arith.constant 0 : i32
      %dma_start3A_295 = tpu.memref_slice %arg6[%add3A_293, %dma_start3A_294] : memref<40x64xi32, #tpu.memory_space<vmem>> -> memref<1x64xi32, #tpu.memory_space<vmem>>
      %dma_start3A_296 = tpu.memref_squeeze %dma_start3A_295 : memref<1x64xi32, #tpu.memory_space<vmem>> -> memref<64xi32, #tpu.memory_space<vmem>>
      %dma_start3A_297 = arith.constant 0 : i32
      %dma_start3A_298 = arith.constant 0 : i32
      %dma_start3A_299 = tpu.memref_slice %arg2[%dma_start3A_297, %dma_start3A_298] : memref<20480x128xf32, #tpu.memory_space<hbm>> -> memref<20480x128xf32, #tpu.memory_space<hbm>>
      tpu.enqueue_indirect_dma source(%dma_start3A_299 : memref<20480x128xf32, #tpu.memory_space<hbm>>) target(%arg8 : memref<64x128xf32, #tpu.memory_space<vmem>>) offsets(%dma_start3A_296 : memref<64xi32, #tpu.memory_space<vmem>>) semaphore(%arg13 : memref<!tpu.dma_semaphore, #tpu.memory_space<semaphore_mem>>)
      %mul3A_300 = arith.constant 4 : i32
      %mul3A_301 = arith.muli %scan3A_281, %mul3A_300 : i32
      %add3A_302 = arith.constant 1 : i32
      %add3A_303 = arith.addi %mul3A_301, %add3A_302 : i32
      %dma_wait3A_304 = arith.constant 0 : i32
      %dma_wait3A_305 = tpu.memref_slice %arg6[%add3A_303, %dma_wait3A_304] : memref<40x64xi32, #tpu.memory_space<vmem>> -> memref<1x64xi32, #tpu.memory_space<vmem>>
      %dma_wait3A_306 = tpu.memref_squeeze %dma_wait3A_305 : memref<1x64xi32, #tpu.memory_space<vmem>> -> memref<64xi32, #tpu.memory_space<vmem>>
      %dma_wait3A_307 = arith.constant 0 : i32
      %dma_wait3A_308 = arith.constant 0 : i32
      %dma_wait3A_309 = tpu.memref_slice %arg2[%dma_wait3A_307, %dma_wait3A_308] : memref<20480x128xf32, #tpu.memory_space<hbm>> -> memref<20480x128xf32, #tpu.memory_space<hbm>>
      tpu.wait_indirect_dma semaphore(%arg14 : memref<!tpu.dma_semaphore, #tpu.memory_space<semaphore_mem>>) src(%dma_wait3A_309 : memref<20480x128xf32, #tpu.memory_space<hbm>>) dst(%arg9 : memref<64x128xf32, #tpu.memory_space<vmem>>)
      "tpu.region"() ({
        %run_scoped3A_354 = tpu.sem_alloc : memref<!tpu.dma_semaphore, #tpu.memory_space<semaphore_mem>>
        %dma_start3A_355 = arith.constant 0 : i32
        %dma_start3A_356 = tpu.memref_slice %arg7[%add3A_303, %dma_start3A_355] : memref<40x64xi32, #tpu.memory_space<vmem>> -> memref<1x64xi32, #tpu.memory_space<vmem>>
        %dma_start3A_357 = tpu.memref_squeeze %dma_start3A_356 : memref<1x64xi32, #tpu.memory_space<vmem>> -> memref<64xi32, #tpu.memory_space<vmem>>
        %dma_start3A_358 = arith.constant 0 : i32
        %dma_start3A_359 = arith.constant 0 : i32
        %dma_start3A_360 = tpu.memref_slice %arg12[%dma_start3A_358, %dma_start3A_359] : memref<10112x128xf32, #tpu.memory_space<vmem_shared>> -> memref<10112x128xf32, #tpu.memory_space<vmem_shared>>
        tpu.enqueue_indirect_dma source(%arg9 : memref<64x128xf32, #tpu.memory_space<vmem>>) target(%dma_start3A_360 : memref<10112x128xf32, #tpu.memory_space<vmem_shared>>) offsets(%dma_start3A_357 : memref<64xi32, #tpu.memory_space<vmem>>) semaphore(%run_scoped3A_354 : memref<!tpu.dma_semaphore, #tpu.memory_space<semaphore_mem>>) {add = true}
        %dma_wait3A_361 = arith.constant 0 : i32
        %dma_wait3A_362 = tpu.memref_slice %arg7[%add3A_303, %dma_wait3A_361] : memref<40x64xi32, #tpu.memory_space<vmem>> -> memref<1x64xi32, #tpu.memory_space<vmem>>
        %dma_wait3A_363 = tpu.memref_squeeze %dma_wait3A_362 : memref<1x64xi32, #tpu.memory_space<vmem>> -> memref<64xi32, #tpu.memory_space<vmem>>
        %dma_wait3A_364 = arith.constant 0 : i32
        %dma_wait3A_365 = arith.constant 0 : i32
        %dma_wait3A_366 = tpu.memref_slice %arg12[%dma_wait3A_364, %dma_wait3A_365] : memref<10112x128xf32, #tpu.memory_space<vmem_shared>> -> memref<10112x128xf32, #tpu.memory_space<vmem_shared>>
        tpu.wait_indirect_dma semaphore(%run_scoped3A_354 : memref<!tpu.dma_semaphore, #tpu.memory_space<semaphore_mem>>) src(%arg9 : memref<64x128xf32, #tpu.memory_space<vmem>>) dst(%dma_wait3A_366 : memref<10112x128xf32, #tpu.memory_space<vmem_shared>>)
        tpu.yield
      }) : () -> ()
      %add3A_310 = arith.constant 4 : i32
      %add3A_311 = arith.addi %add3A_303, %add3A_310 : i32
      %dma_start3A_312 = arith.constant 0 : i32
      %dma_start3A_313 = tpu.memref_slice %arg6[%add3A_311, %dma_start3A_312] : memref<40x64xi32, #tpu.memory_space<vmem>> -> memref<1x64xi32, #tpu.memory_space<vmem>>
      %dma_start3A_314 = tpu.memref_squeeze %dma_start3A_313 : memref<1x64xi32, #tpu.memory_space<vmem>> -> memref<64xi32, #tpu.memory_space<vmem>>
      %dma_start3A_315 = arith.constant 0 : i32
      %dma_start3A_316 = arith.constant 0 : i32
      %dma_start3A_317 = tpu.memref_slice %arg2[%dma_start3A_315, %dma_start3A_316] : memref<20480x128xf32, #tpu.memory_space<hbm>> -> memref<20480x128xf32, #tpu.memory_space<hbm>>
      tpu.enqueue_indirect_dma source(%dma_start3A_317 : memref<20480x128xf32, #tpu.memory_space<hbm>>) target(%arg9 : memref<64x128xf32, #tpu.memory_space<vmem>>) offsets(%dma_start3A_314 : memref<64xi32, #tpu.memory_space<vmem>>) semaphore(%arg14 : memref<!tpu.dma_semaphore, #tpu.memory_space<semaphore_mem>>)
      %mul3A_318 = arith.constant 4 : i32
      %mul3A_319 = arith.muli %scan3A_281, %mul3A_318 : i32
      %add3A_320 = arith.constant 2 : i32
      %add3A_321 = arith.addi %mul3A_319, %add3A_320 : i32
      %dma_wait3A_322 = arith.constant 0 : i32
      %dma_wait3A_323 = tpu.memref_slice %arg6[%add3A_321, %dma_wait3A_322] : memref<40x64xi32, #tpu.memory_space<vmem>> -> memref<1x64xi32, #tpu.memory_space<vmem>>
      %dma_wait3A_324 = tpu.memref_squeeze %dma_wait3A_323 : memref<1x64xi32, #tpu.memory_space<vmem>> -> memref<64xi32, #tpu.memory_space<vmem>>
      %dma_wait3A_325 = arith.constant 0 : i32
      %dma_wait3A_326 = arith.constant 0 : i32
      %dma_wait3A_327 = tpu.memref_slice %arg2[%dma_wait3A_325, %dma_wait3A_326] : memref<20480x128xf32, #tpu.memory_space<hbm>> -> memref<20480x128xf32, #tpu.memory_space<hbm>>
      tpu.wait_indirect_dma semaphore(%arg15 : memref<!tpu.dma_semaphore, #tpu.memory_space<semaphore_mem>>) src(%dma_wait3A_327 : memref<20480x128xf32, #tpu.memory_space<hbm>>) dst(%arg10 : memref<64x128xf32, #tpu.memory_space<vmem>>)
      "tpu.region"() ({
        %run_scoped3A_354 = tpu.sem_alloc : memref<!tpu.dma_semaphore, #tpu.memory_space<semaphore_mem>>
        %dma_start3A_355 = arith.constant 0 : i32
        %dma_start3A_356 = tpu.memref_slice %arg7[%add3A_321, %dma_start3A_355] : memref<40x64xi32, #tpu.memory_space<vmem>> -> memref<1x64xi32, #tpu.memory_space<vmem>>
        %dma_start3A_357 = tpu.memref_squeeze %dma_start3A_356 : memref<1x64xi32, #tpu.memory_space<vmem>> -> memref<64xi32, #tpu.memory_space<vmem>>
        %dma_start3A_358 = arith.constant 0 : i32
        %dma_start3A_359 = arith.constant 0 : i32
        %dma_start3A_360 = tpu.memref_slice %arg12[%dma_start3A_358, %dma_start3A_359] : memref<10112x128xf32, #tpu.memory_space<vmem_shared>> -> memref<10112x128xf32, #tpu.memory_space<vmem_shared>>
        tpu.enqueue_indirect_dma source(%arg10 : memref<64x128xf32, #tpu.memory_space<vmem>>) target(%dma_start3A_360 : memref<10112x128xf32, #tpu.memory_space<vmem_shared>>) offsets(%dma_start3A_357 : memref<64xi32, #tpu.memory_space<vmem>>) semaphore(%run_scoped3A_354 : memref<!tpu.dma_semaphore, #tpu.memory_space<semaphore_mem>>) {add = true}
        %dma_wait3A_361 = arith.constant 0 : i32
        %dma_wait3A_362 = tpu.memref_slice %arg7[%add3A_321, %dma_wait3A_361] : memref<40x64xi32, #tpu.memory_space<vmem>> -> memref<1x64xi32, #tpu.memory_space<vmem>>
        %dma_wait3A_363 = tpu.memref_squeeze %dma_wait3A_362 : memref<1x64xi32, #tpu.memory_space<vmem>> -> memref<64xi32, #tpu.memory_space<vmem>>
        %dma_wait3A_364 = arith.constant 0 : i32
        %dma_wait3A_365 = arith.constant 0 : i32
        %dma_wait3A_366 = tpu.memref_slice %arg12[%dma_wait3A_364, %dma_wait3A_365] : memref<10112x128xf32, #tpu.memory_space<vmem_shared>> -> memref<10112x128xf32, #tpu.memory_space<vmem_shared>>
        tpu.wait_indirect_dma semaphore(%run_scoped3A_354 : memref<!tpu.dma_semaphore, #tpu.memory_space<semaphore_mem>>) src(%arg10 : memref<64x128xf32, #tpu.memory_space<vmem>>) dst(%dma_wait3A_366 : memref<10112x128xf32, #tpu.memory_space<vmem_shared>>)
        tpu.yield
      }) : () -> ()
      %add3A_328 = arith.constant 4 : i32
      %add3A_329 = arith.addi %add3A_321, %add3A_328 : i32
      %dma_start3A_330 = arith.constant 0 : i32
      %dma_start3A_331 = tpu.memref_slice %arg6[%add3A_329, %dma_start3A_330] : memref<40x64xi32, #tpu.memory_space<vmem>> -> memref<1x64xi32, #tpu.memory_space<vmem>>
      %dma_start3A_332 = tpu.memref_squeeze %dma_start3A_331 : memref<1x64xi32, #tpu.memory_space<vmem>> -> memref<64xi32, #tpu.memory_space<vmem>>
      %dma_start3A_333 = arith.constant 0 : i32
      %dma_start3A_334 = arith.constant 0 : i32
      %dma_start3A_335 = tpu.memref_slice %arg2[%dma_start3A_333, %dma_start3A_334] : memref<20480x128xf32, #tpu.memory_space<hbm>> -> memref<20480x128xf32, #tpu.memory_space<hbm>>
      tpu.enqueue_indirect_dma source(%dma_start3A_335 : memref<20480x128xf32, #tpu.memory_space<hbm>>) target(%arg10 : memref<64x128xf32, #tpu.memory_space<vmem>>) offsets(%dma_start3A_332 : memref<64xi32, #tpu.memory_space<vmem>>) semaphore(%arg15 : memref<!tpu.dma_semaphore, #tpu.memory_space<semaphore_mem>>)
      %mul3A_336 = arith.constant 4 : i32
      %mul3A_337 = arith.muli %scan3A_281, %mul3A_336 : i32
      %add3A_338 = arith.constant 3 : i32
      %add3A_339 = arith.addi %mul3A_337, %add3A_338 : i32
      %dma_wait3A_340 = arith.constant 0 : i32
      %dma_wait3A_341 = tpu.memref_slice %arg6[%add3A_339, %dma_wait3A_340] : memref<40x64xi32, #tpu.memory_space<vmem>> -> memref<1x64xi32, #tpu.memory_space<vmem>>
      %dma_wait3A_342 = tpu.memref_squeeze %dma_wait3A_341 : memref<1x64xi32, #tpu.memory_space<vmem>> -> memref<64xi32, #tpu.memory_space<vmem>>
      %dma_wait3A_343 = arith.constant 0 : i32
      %dma_wait3A_344 = arith.constant 0 : i32
      %dma_wait3A_345 = tpu.memref_slice %arg2[%dma_wait3A_343, %dma_wait3A_344] : memref<20480x128xf32, #tpu.memory_space<hbm>> -> memref<20480x128xf32, #tpu.memory_space<hbm>>
      tpu.wait_indirect_dma semaphore(%arg16 : memref<!tpu.dma_semaphore, #tpu.memory_space<semaphore_mem>>) src(%dma_wait3A_345 : memref<20480x128xf32, #tpu.memory_space<hbm>>) dst(%arg11 : memref<64x128xf32, #tpu.memory_space<vmem>>)
      "tpu.region"() ({
        %run_scoped3A_354 = tpu.sem_alloc : memref<!tpu.dma_semaphore, #tpu.memory_space<semaphore_mem>>
        %dma_start3A_355 = arith.constant 0 : i32
        %dma_start3A_356 = tpu.memref_slice %arg7[%add3A_339, %dma_start3A_355] : memref<40x64xi32, #tpu.memory_space<vmem>> -> memref<1x64xi32, #tpu.memory_space<vmem>>
        %dma_start3A_357 = tpu.memref_squeeze %dma_start3A_356 : memref<1x64xi32, #tpu.memory_space<vmem>> -> memref<64xi32, #tpu.memory_space<vmem>>
        %dma_start3A_358 = arith.constant 0 : i32
        %dma_start3A_359 = arith.constant 0 : i32
        %dma_start3A_360 = tpu.memref_slice %arg12[%dma_start3A_358, %dma_start3A_359] : memref<10112x128xf32, #tpu.memory_space<vmem_shared>> -> memref<10112x128xf32, #tpu.memory_space<vmem_shared>>
        tpu.enqueue_indirect_dma source(%arg11 : memref<64x128xf32, #tpu.memory_space<vmem>>) target(%dma_start3A_360 : memref<10112x128xf32, #tpu.memory_space<vmem_shared>>) offsets(%dma_start3A_357 : memref<64xi32, #tpu.memory_space<vmem>>) semaphore(%run_scoped3A_354 : memref<!tpu.dma_semaphore, #tpu.memory_space<semaphore_mem>>) {add = true}
        %dma_wait3A_361 = arith.constant 0 : i32
        %dma_wait3A_362 = tpu.memref_slice %arg7[%add3A_339, %dma_wait3A_361] : memref<40x64xi32, #tpu.memory_space<vmem>> -> memref<1x64xi32, #tpu.memory_space<vmem>>
        %dma_wait3A_363 = tpu.memref_squeeze %dma_wait3A_362 : memref<1x64xi32, #tpu.memory_space<vmem>> -> memref<64xi32, #tpu.memory_space<vmem>>
        %dma_wait3A_364 = arith.constant 0 : i32
        %dma_wait3A_365 = arith.constant 0 : i32
        %dma_wait3A_366 = tpu.memref_slice %arg12[%dma_wait3A_364, %dma_wait3A_365] : memref<10112x128xf32, #tpu.memory_space<vmem_shared>> -> memref<10112x128xf32, #tpu.memory_space<vmem_shared>>
        tpu.wait_indirect_dma semaphore(%run_scoped3A_354 : memref<!tpu.dma_semaphore, #tpu.memory_space<semaphore_mem>>) src(%arg11 : memref<64x128xf32, #tpu.memory_space<vmem>>) dst(%dma_wait3A_366 : memref<10112x128xf32, #tpu.memory_space<vmem_shared>>)
        tpu.yield
      }) : () -> ()
      %add3A_346 = arith.constant 4 : i32
      %add3A_347 = arith.addi %add3A_339, %add3A_346 : i32
      %dma_start3A_348 = arith.constant 0 : i32
      %dma_start3A_349 = tpu.memref_slice %arg6[%add3A_347, %dma_start3A_348] : memref<40x64xi32, #tpu.memory_space<vmem>> -> memref<1x64xi32, #tpu.memory_space<vmem>>
      %dma_start3A_350 = tpu.memref_squeeze %dma_start3A_349 : memref<1x64xi32, #tpu.memory_space<vmem>> -> memref<64xi32, #tpu.memory_space<vmem>>
      %dma_start3A_351 = arith.constant 0 : i32
      %dma_start3A_352 = arith.constant 0 : i32
      %dma_start3A_353 = tpu.memref_slice %arg2[%dma_start3A_351, %dma_start3A_352] : memref<20480x128xf32, #tpu.memory_space<hbm>> -> memref<20480x128xf32, #tpu.memory_space<hbm>>
      tpu.enqueue_indirect_dma source(%dma_start3A_353 : memref<20480x128xf32, #tpu.memory_space<hbm>>) target(%arg11 : memref<64x128xf32, #tpu.memory_space<vmem>>) offsets(%dma_start3A_350 : memref<64xi32, #tpu.memory_space<vmem>>) semaphore(%arg16 : memref<!tpu.dma_semaphore, #tpu.memory_space<semaphore_mem>>)
    }
    %scan3A_172 = arith.constant 9 : i32
    %dma_wait3A_173 = arith.constant 36 : i32
    %dma_wait3A_174 = arith.constant 0 : i32
    %dma_wait3A_175 = tpu.memref_slice %arg6[%dma_wait3A_173, %dma_wait3A_174] : memref<40x64xi32, #tpu.memory_space<vmem>> -> memref<1x64xi32, #tpu.memory_space<vmem>>
    %dma_wait3A_176 = tpu.memref_squeeze %dma_wait3A_175 : memref<1x64xi32, #tpu.memory_space<vmem>> -> memref<64xi32, #tpu.memory_space<vmem>>
    %dma_wait3A_177 = arith.constant 0 : i32
    %dma_wait3A_178 = arith.constant 0 : i32
    %dma_wait3A_179 = tpu.memref_slice %arg2[%dma_wait3A_177, %dma_wait3A_178] : memref<20480x128xf32, #tpu.memory_space<hbm>> -> memref<20480x128xf32, #tpu.memory_space<hbm>>
    tpu.wait_indirect_dma semaphore(%arg13 : memref<!tpu.dma_semaphore, #tpu.memory_space<semaphore_mem>>) src(%dma_wait3A_179 : memref<20480x128xf32, #tpu.memory_space<hbm>>) dst(%arg8 : memref<64x128xf32, #tpu.memory_space<vmem>>)
    %run_scoped3A_180 = arith.constant 36 : i32
    "tpu.region"() ({
      %run_scoped3A_281 = tpu.sem_alloc : memref<!tpu.dma_semaphore, #tpu.memory_space<semaphore_mem>>
      %dma_start3A_282 = arith.constant 0 : i32
      %dma_start3A_283 = tpu.memref_slice %arg7[%run_scoped3A_180, %dma_start3A_282] : memref<40x64xi32, #tpu.memory_space<vmem>> -> memref<1x64xi32, #tpu.memory_space<vmem>>
      %dma_start3A_284 = tpu.memref_squeeze %dma_start3A_283 : memref<1x64xi32, #tpu.memory_space<vmem>> -> memref<64xi32, #tpu.memory_space<vmem>>
      %dma_start3A_285 = arith.constant 0 : i32
      %dma_start3A_286 = arith.constant 0 : i32
      %dma_start3A_287 = tpu.memref_slice %arg12[%dma_start3A_285, %dma_start3A_286] : memref<10112x128xf32, #tpu.memory_space<vmem_shared>> -> memref<10112x128xf32, #tpu.memory_space<vmem_shared>>
      tpu.enqueue_indirect_dma source(%arg8 : memref<64x128xf32, #tpu.memory_space<vmem>>) target(%dma_start3A_287 : memref<10112x128xf32, #tpu.memory_space<vmem_shared>>) offsets(%dma_start3A_284 : memref<64xi32, #tpu.memory_space<vmem>>) semaphore(%run_scoped3A_281 : memref<!tpu.dma_semaphore, #tpu.memory_space<semaphore_mem>>) {add = true}
      %dma_wait3A_288 = arith.constant 0 : i32
      %dma_wait3A_289 = tpu.memref_slice %arg7[%run_scoped3A_180, %dma_wait3A_288] : memref<40x64xi32, #tpu.memory_space<vmem>> -> memref<1x64xi32, #tpu.memory_space<vmem>>
      %dma_wait3A_290 = tpu.memref_squeeze %dma_wait3A_289 : memref<1x64xi32, #tpu.memory_space<vmem>> -> memref<64xi32, #tpu.memory_space<vmem>>
      %dma_wait3A_291 = arith.constant 0 : i32
      %dma_wait3A_292 = arith.constant 0 : i32
      %dma_wait3A_293 = tpu.memref_slice %arg12[%dma_wait3A_291, %dma_wait3A_292] : memref<10112x128xf32, #tpu.memory_space<vmem_shared>> -> memref<10112x128xf32, #tpu.memory_space<vmem_shared>>
      tpu.wait_indirect_dma semaphore(%run_scoped3A_281 : memref<!tpu.dma_semaphore, #tpu.memory_space<semaphore_mem>>) src(%arg8 : memref<64x128xf32, #tpu.memory_space<vmem>>) dst(%dma_wait3A_293 : memref<10112x128xf32, #tpu.memory_space<vmem_shared>>)
      tpu.yield
    }) : () -> ()
    %dma_wait3A_181 = arith.constant 37 : i32
    %dma_wait3A_182 = arith.constant 0 : i32
    %dma_wait3A_183 = tpu.memref_slice %arg6[%dma_wait3A_181, %dma_wait3A_182] : memref<40x64xi32, #tpu.memory_space<vmem>> -> memref<1x64xi32, #tpu.memory_space<vmem>>
    %dma_wait3A_184 = tpu.memref_squeeze %dma_wait3A_183 : memref<1x64xi32, #tpu.memory_space<vmem>> -> memref<64xi32, #tpu.memory_space<vmem>>
    %dma_wait3A_185 = arith.constant 0 : i32
    %dma_wait3A_186 = arith.constant 0 : i32
    %dma_wait3A_187 = tpu.memref_slice %arg2[%dma_wait3A_185, %dma_wait3A_186] : memref<20480x128xf32, #tpu.memory_space<hbm>> -> memref<20480x128xf32, #tpu.memory_space<hbm>>
    tpu.wait_indirect_dma semaphore(%arg14 : memref<!tpu.dma_semaphore, #tpu.memory_space<semaphore_mem>>) src(%dma_wait3A_187 : memref<20480x128xf32, #tpu.memory_space<hbm>>) dst(%arg9 : memref<64x128xf32, #tpu.memory_space<vmem>>)
    %run_scoped3A_188 = arith.constant 37 : i32
    "tpu.region"() ({
      %run_scoped3A_281 = tpu.sem_alloc : memref<!tpu.dma_semaphore, #tpu.memory_space<semaphore_mem>>
      %dma_start3A_282 = arith.constant 0 : i32
      %dma_start3A_283 = tpu.memref_slice %arg7[%run_scoped3A_188, %dma_start3A_282] : memref<40x64xi32, #tpu.memory_space<vmem>> -> memref<1x64xi32, #tpu.memory_space<vmem>>
      %dma_start3A_284 = tpu.memref_squeeze %dma_start3A_283 : memref<1x64xi32, #tpu.memory_space<vmem>> -> memref<64xi32, #tpu.memory_space<vmem>>
      %dma_start3A_285 = arith.constant 0 : i32
      %dma_start3A_286 = arith.constant 0 : i32
      %dma_start3A_287 = tpu.memref_slice %arg12[%dma_start3A_285, %dma_start3A_286] : memref<10112x128xf32, #tpu.memory_space<vmem_shared>> -> memref<10112x128xf32, #tpu.memory_space<vmem_shared>>
      tpu.enqueue_indirect_dma source(%arg9 : memref<64x128xf32, #tpu.memory_space<vmem>>) target(%dma_start3A_287 : memref<10112x128xf32, #tpu.memory_space<vmem_shared>>) offsets(%dma_start3A_284 : memref<64xi32, #tpu.memory_space<vmem>>) semaphore(%run_scoped3A_281 : memref<!tpu.dma_semaphore, #tpu.memory_space<semaphore_mem>>) {add = true}
      %dma_wait3A_288 = arith.constant 0 : i32
      %dma_wait3A_289 = tpu.memref_slice %arg7[%run_scoped3A_188, %dma_wait3A_288] : memref<40x64xi32, #tpu.memory_space<vmem>> -> memref<1x64xi32, #tpu.memory_space<vmem>>
      %dma_wait3A_290 = tpu.memref_squeeze %dma_wait3A_289 : memref<1x64xi32, #tpu.memory_space<vmem>> -> memref<64xi32, #tpu.memory_space<vmem>>
      %dma_wait3A_291 = arith.constant 0 : i32
      %dma_wait3A_292 = arith.constant 0 : i32
      %dma_wait3A_293 = tpu.memref_slice %arg12[%dma_wait3A_291, %dma_wait3A_292] : memref<10112x128xf32, #tpu.memory_space<vmem_shared>> -> memref<10112x128xf32, #tpu.memory_space<vmem_shared>>
      tpu.wait_indirect_dma semaphore(%run_scoped3A_281 : memref<!tpu.dma_semaphore, #tpu.memory_space<semaphore_mem>>) src(%arg9 : memref<64x128xf32, #tpu.memory_space<vmem>>) dst(%dma_wait3A_293 : memref<10112x128xf32, #tpu.memory_space<vmem_shared>>)
      tpu.yield
    }) : () -> ()
    %dma_wait3A_189 = arith.constant 38 : i32
    %dma_wait3A_190 = arith.constant 0 : i32
    %dma_wait3A_191 = tpu.memref_slice %arg6[%dma_wait3A_189, %dma_wait3A_190] : memref<40x64xi32, #tpu.memory_space<vmem>> -> memref<1x64xi32, #tpu.memory_space<vmem>>
    %dma_wait3A_192 = tpu.memref_squeeze %dma_wait3A_191 : memref<1x64xi32, #tpu.memory_space<vmem>> -> memref<64xi32, #tpu.memory_space<vmem>>
    %dma_wait3A_193 = arith.constant 0 : i32
    %dma_wait3A_194 = arith.constant 0 : i32
    %dma_wait3A_195 = tpu.memref_slice %arg2[%dma_wait3A_193, %dma_wait3A_194] : memref<20480x128xf32, #tpu.memory_space<hbm>> -> memref<20480x128xf32, #tpu.memory_space<hbm>>
    tpu.wait_indirect_dma semaphore(%arg15 : memref<!tpu.dma_semaphore, #tpu.memory_space<semaphore_mem>>) src(%dma_wait3A_195 : memref<20480x128xf32, #tpu.memory_space<hbm>>) dst(%arg10 : memref<64x128xf32, #tpu.memory_space<vmem>>)
    %run_scoped3A_196 = arith.constant 38 : i32
    "tpu.region"() ({
      %run_scoped3A_281 = tpu.sem_alloc : memref<!tpu.dma_semaphore, #tpu.memory_space<semaphore_mem>>
      %dma_start3A_282 = arith.constant 0 : i32
      %dma_start3A_283 = tpu.memref_slice %arg7[%run_scoped3A_196, %dma_start3A_282] : memref<40x64xi32, #tpu.memory_space<vmem>> -> memref<1x64xi32, #tpu.memory_space<vmem>>
      %dma_start3A_284 = tpu.memref_squeeze %dma_start3A_283 : memref<1x64xi32, #tpu.memory_space<vmem>> -> memref<64xi32, #tpu.memory_space<vmem>>
      %dma_start3A_285 = arith.constant 0 : i32
      %dma_start3A_286 = arith.constant 0 : i32
      %dma_start3A_287 = tpu.memref_slice %arg12[%dma_start3A_285, %dma_start3A_286] : memref<10112x128xf32, #tpu.memory_space<vmem_shared>> -> memref<10112x128xf32, #tpu.memory_space<vmem_shared>>
      tpu.enqueue_indirect_dma source(%arg10 : memref<64x128xf32, #tpu.memory_space<vmem>>) target(%dma_start3A_287 : memref<10112x128xf32, #tpu.memory_space<vmem_shared>>) offsets(%dma_start3A_284 : memref<64xi32, #tpu.memory_space<vmem>>) semaphore(%run_scoped3A_281 : memref<!tpu.dma_semaphore, #tpu.memory_space<semaphore_mem>>) {add = true}
      %dma_wait3A_288 = arith.constant 0 : i32
      %dma_wait3A_289 = tpu.memref_slice %arg7[%run_scoped3A_196, %dma_wait3A_288] : memref<40x64xi32, #tpu.memory_space<vmem>> -> memref<1x64xi32, #tpu.memory_space<vmem>>
      %dma_wait3A_290 = tpu.memref_squeeze %dma_wait3A_289 : memref<1x64xi32, #tpu.memory_space<vmem>> -> memref<64xi32, #tpu.memory_space<vmem>>
      %dma_wait3A_291 = arith.constant 0 : i32
      %dma_wait3A_292 = arith.constant 0 : i32
      %dma_wait3A_293 = tpu.memref_slice %arg12[%dma_wait3A_291, %dma_wait3A_292] : memref<10112x128xf32, #tpu.memory_space<vmem_shared>> -> memref<10112x128xf32, #tpu.memory_space<vmem_shared>>
      tpu.wait_indirect_dma semaphore(%run_scoped3A_281 : memref<!tpu.dma_semaphore, #tpu.memory_space<semaphore_mem>>) src(%arg10 : memref<64x128xf32, #tpu.memory_space<vmem>>) dst(%dma_wait3A_293 : memref<10112x128xf32, #tpu.memory_space<vmem_shared>>)
      tpu.yield
    }) : () -> ()
    %dma_wait3A_197 = arith.constant 39 : i32
    %dma_wait3A_198 = arith.constant 0 : i32
    %dma_wait3A_199 = tpu.memref_slice %arg6[%dma_wait3A_197, %dma_wait3A_198] : memref<40x64xi32, #tpu.memory_space<vmem>> -> memref<1x64xi32, #tpu.memory_space<vmem>>
    %dma_wait3A_200 = tpu.memref_squeeze %dma_wait3A_199 : memref<1x64xi32, #tpu.memory_space<vmem>> -> memref<64xi32, #tpu.memory_space<vmem>>
    %dma_wait3A_201 = arith.constant 0 : i32
    %dma_wait3A_202 = arith.constant 0 : i32
    %dma_wait3A_203 = tpu.memref_slice %arg2[%dma_wait3A_201, %dma_wait3A_202] : memref<20480x128xf32, #tpu.memory_space<hbm>> -> memref<20480x128xf32, #tpu.memory_space<hbm>>
    tpu.wait_indirect_dma semaphore(%arg16 : memref<!tpu.dma_semaphore, #tpu.memory_space<semaphore_mem>>) src(%dma_wait3A_203 : memref<20480x128xf32, #tpu.memory_space<hbm>>) dst(%arg11 : memref<64x128xf32, #tpu.memory_space<vmem>>)
    %run_scoped3A_204 = arith.constant 39 : i32
    "tpu.region"() ({
      %run_scoped3A_281 = tpu.sem_alloc : memref<!tpu.dma_semaphore, #tpu.memory_space<semaphore_mem>>
      %dma_start3A_282 = arith.constant 0 : i32
      %dma_start3A_283 = tpu.memref_slice %arg7[%run_scoped3A_204, %dma_start3A_282] : memref<40x64xi32, #tpu.memory_space<vmem>> -> memref<1x64xi32, #tpu.memory_space<vmem>>
      %dma_start3A_284 = tpu.memref_squeeze %dma_start3A_283 : memref<1x64xi32, #tpu.memory_space<vmem>> -> memref<64xi32, #tpu.memory_space<vmem>>
      %dma_start3A_285 = arith.constant 0 : i32
      %dma_start3A_286 = arith.constant 0 : i32
      %dma_start3A_287 = tpu.memref_slice %arg12[%dma_start3A_285, %dma_start3A_286] : memref<10112x128xf32, #tpu.memory_space<vmem_shared>> -> memref<10112x128xf32, #tpu.memory_space<vmem_shared>>
      tpu.enqueue_indirect_dma source(%arg11 : memref<64x128xf32, #tpu.memory_space<vmem>>) target(%dma_start3A_287 : memref<10112x128xf32, #tpu.memory_space<vmem_shared>>) offsets(%dma_start3A_284 : memref<64xi32, #tpu.memory_space<vmem>>) semaphore(%run_scoped3A_281 : memref<!tpu.dma_semaphore, #tpu.memory_space<semaphore_mem>>) {add = true}
      %dma_wait3A_288 = arith.constant 0 : i32
      %dma_wait3A_289 = tpu.memref_slice %arg7[%run_scoped3A_204, %dma_wait3A_288] : memref<40x64xi32, #tpu.memory_space<vmem>> -> memref<1x64xi32, #tpu.memory_space<vmem>>
      %dma_wait3A_290 = tpu.memref_squeeze %dma_wait3A_289 : memref<1x64xi32, #tpu.memory_space<vmem>> -> memref<64xi32, #tpu.memory_space<vmem>>
      %dma_wait3A_291 = arith.constant 0 : i32
      %dma_wait3A_292 = arith.constant 0 : i32
      %dma_wait3A_293 = tpu.memref_slice %arg12[%dma_wait3A_291, %dma_wait3A_292] : memref<10112x128xf32, #tpu.memory_space<vmem_shared>> -> memref<10112x128xf32, #tpu.memory_space<vmem_shared>>
      tpu.wait_indirect_dma semaphore(%run_scoped3A_281 : memref<!tpu.dma_semaphore, #tpu.memory_space<semaphore_mem>>) src(%arg11 : memref<64x128xf32, #tpu.memory_space<vmem>>) dst(%dma_wait3A_293 : memref<10112x128xf32, #tpu.memory_space<vmem_shared>>)
      tpu.yield
    }) : () -> ()
    %run_scoped3A_205 = arith.constant 3 : i32
    "tpu.region"() ({
      %run_scoped3A_281 = tpu.sem_alloc : memref<!tpu.dma_semaphore, #tpu.memory_space<semaphore_mem>>
      %dma_start3A_282 = arith.constant 0 : i32
      %dma_start3A_283 = arith.constant 0 : i32
      %dma_start3A_284 = tpu.memref_slice %arg3[%arg0, %arg1, %run_scoped3A_205, %dma_start3A_282, %dma_start3A_283] : memref<2x16x4x40x64xi32, #tpu.memory_space<hbm>> -> memref<1x1x1x40x64xi32, #tpu.memory_space<hbm>>
      %dma_start3A_285 = tpu.memref_squeeze %dma_start3A_284 : memref<1x1x1x40x64xi32, #tpu.memory_space<hbm>> -> memref<40x64xi32, #tpu.memory_space<hbm>>
      %dma_start3A_286 = arith.constant 0 : i32
      %dma_start3A_287 = arith.constant 0 : i32
      %dma_start3A_288 = tpu.memref_slice %arg3[%arg0, %arg1, %run_scoped3A_205, %dma_start3A_286, %dma_start3A_287] : memref<2x16x4x40x64xi32, #tpu.memory_space<hbm>> -> memref<1x1x1x40x64xi32, #tpu.memory_space<hbm>>
      %dma_start3A_289 = tpu.memref_squeeze %dma_start3A_288 : memref<1x1x1x40x64xi32, #tpu.memory_space<hbm>> -> memref<40x64xi32, #tpu.memory_space<hbm>>
      tpu.enqueue_dma source(%dma_start3A_289 : memref<40x64xi32, #tpu.memory_space<hbm>>) target(%arg6 : memref<40x64xi32, #tpu.memory_space<vmem>>) target_semaphore(%run_scoped3A_281 : memref<!tpu.dma_semaphore, #tpu.memory_space<semaphore_mem>>)
      %dma_wait3A_290 = arith.constant 0 : i32
      %dma_wait3A_291 = arith.constant 0 : i32
      %dma_wait3A_292 = tpu.memref_slice %arg3[%arg0, %arg1, %run_scoped3A_205, %dma_wait3A_290, %dma_wait3A_291] : memref<2x16x4x40x64xi32, #tpu.memory_space<hbm>> -> memref<1x1x1x40x64xi32, #tpu.memory_space<hbm>>
      %dma_wait3A_293 = tpu.memref_squeeze %dma_wait3A_292 : memref<1x1x1x40x64xi32, #tpu.memory_space<hbm>> -> memref<40x64xi32, #tpu.memory_space<hbm>>
      %dma_wait3A_294 = arith.constant 0 : i32
      %dma_wait3A_295 = arith.constant 0 : i32
      %dma_wait3A_296 = tpu.memref_slice %arg3[%arg0, %arg1, %run_scoped3A_205, %dma_wait3A_294, %dma_wait3A_295] : memref<2x16x4x40x64xi32, #tpu.memory_space<hbm>> -> memref<1x1x1x40x64xi32, #tpu.memory_space<hbm>>
      %dma_wait3A_297 = tpu.memref_squeeze %dma_wait3A_296 : memref<1x1x1x40x64xi32, #tpu.memory_space<hbm>> -> memref<40x64xi32, #tpu.memory_space<hbm>>
      tpu.wait_dma2 semaphore(%run_scoped3A_281 : memref<!tpu.dma_semaphore, #tpu.memory_space<semaphore_mem>>) src(%dma_wait3A_297 : memref<40x64xi32, #tpu.memory_space<hbm>>) dst(%arg6 : memref<40x64xi32, #tpu.memory_space<vmem>>)
      tpu.yield
    }) : () -> ()
    %run_scoped3A_206 = arith.constant 3 : i32
    "tpu.region"() ({
      %run_scoped3A_281 = tpu.sem_alloc : memref<!tpu.dma_semaphore, #tpu.memory_space<semaphore_mem>>
      %dma_start3A_282 = arith.constant 0 : i32
      %dma_start3A_283 = arith.constant 0 : i32
      %dma_start3A_284 = tpu.memref_slice %arg4[%arg1, %run_scoped3A_206, %dma_start3A_282, %dma_start3A_283] : memref<16x4x40x64xi32, #tpu.memory_space<hbm>> -> memref<1x1x40x64xi32, #tpu.memory_space<hbm>>
      %dma_start3A_285 = tpu.memref_squeeze %dma_start3A_284 : memref<1x1x40x64xi32, #tpu.memory_space<hbm>> -> memref<40x64xi32, #tpu.memory_space<hbm>>
      %dma_start3A_286 = arith.constant 0 : i32
      %dma_start3A_287 = arith.constant 0 : i32
      %dma_start3A_288 = tpu.memref_slice %arg4[%arg1, %run_scoped3A_206, %dma_start3A_286, %dma_start3A_287] : memref<16x4x40x64xi32, #tpu.memory_space<hbm>> -> memref<1x1x40x64xi32, #tpu.memory_space<hbm>>
      %dma_start3A_289 = tpu.memref_squeeze %dma_start3A_288 : memref<1x1x40x64xi32, #tpu.memory_space<hbm>> -> memref<40x64xi32, #tpu.memory_space<hbm>>
      tpu.enqueue_dma source(%dma_start3A_289 : memref<40x64xi32, #tpu.memory_space<hbm>>) target(%arg7 : memref<40x64xi32, #tpu.memory_space<vmem>>) target_semaphore(%run_scoped3A_281 : memref<!tpu.dma_semaphore, #tpu.memory_space<semaphore_mem>>)
      %dma_wait3A_290 = arith.constant 0 : i32
      %dma_wait3A_291 = arith.constant 0 : i32
      %dma_wait3A_292 = tpu.memref_slice %arg4[%arg1, %run_scoped3A_206, %dma_wait3A_290, %dma_wait3A_291] : memref<16x4x40x64xi32, #tpu.memory_space<hbm>> -> memref<1x1x40x64xi32, #tpu.memory_space<hbm>>
      %dma_wait3A_293 = tpu.memref_squeeze %dma_wait3A_292 : memref<1x1x40x64xi32, #tpu.memory_space<hbm>> -> memref<40x64xi32, #tpu.memory_space<hbm>>
      %dma_wait3A_294 = arith.constant 0 : i32
      %dma_wait3A_295 = arith.constant 0 : i32
      %dma_wait3A_296 = tpu.memref_slice %arg4[%arg1, %run_scoped3A_206, %dma_wait3A_294, %dma_wait3A_295] : memref<16x4x40x64xi32, #tpu.memory_space<hbm>> -> memref<1x1x40x64xi32, #tpu.memory_space<hbm>>
      %dma_wait3A_297 = tpu.memref_squeeze %dma_wait3A_296 : memref<1x1x40x64xi32, #tpu.memory_space<hbm>> -> memref<40x64xi32, #tpu.memory_space<hbm>>
      tpu.wait_dma2 semaphore(%run_scoped3A_281 : memref<!tpu.dma_semaphore, #tpu.memory_space<semaphore_mem>>) src(%dma_wait3A_297 : memref<40x64xi32, #tpu.memory_space<hbm>>) dst(%arg7 : memref<40x64xi32, #tpu.memory_space<vmem>>)
      tpu.yield
    }) : () -> ()
    %dma_start3A_207 = arith.constant 0 : i32
    %dma_start3A_208 = arith.constant 0 : i32
    %dma_start3A_209 = tpu.memref_slice %arg6[%dma_start3A_207, %dma_start3A_208] : memref<40x64xi32, #tpu.memory_space<vmem>> -> memref<1x64xi32, #tpu.memory_space<vmem>>
    %dma_start3A_210 = tpu.memref_squeeze %dma_start3A_209 : memref<1x64xi32, #tpu.memory_space<vmem>> -> memref<64xi32, #tpu.memory_space<vmem>>
    %dma_start3A_211 = arith.constant 0 : i32
    %dma_start3A_212 = arith.constant 0 : i32
    %dma_start3A_213 = tpu.memref_slice %arg2[%dma_start3A_211, %dma_start3A_212] : memref<20480x128xf32, #tpu.memory_space<hbm>> -> memref<20480x128xf32, #tpu.memory_space<hbm>>
    tpu.enqueue_indirect_dma source(%dma_start3A_213 : memref<20480x128xf32, #tpu.memory_space<hbm>>) target(%arg8 : memref<64x128xf32, #tpu.memory_space<vmem>>) offsets(%dma_start3A_210 : memref<64xi32, #tpu.memory_space<vmem>>) semaphore(%arg13 : memref<!tpu.dma_semaphore, #tpu.memory_space<semaphore_mem>>)
    %dma_start3A_214 = arith.constant 1 : i32
    %dma_start3A_215 = arith.constant 0 : i32
    %dma_start3A_216 = tpu.memref_slice %arg6[%dma_start3A_214, %dma_start3A_215] : memref<40x64xi32, #tpu.memory_space<vmem>> -> memref<1x64xi32, #tpu.memory_space<vmem>>
    %dma_start3A_217 = tpu.memref_squeeze %dma_start3A_216 : memref<1x64xi32, #tpu.memory_space<vmem>> -> memref<64xi32, #tpu.memory_space<vmem>>
    %dma_start3A_218 = arith.constant 0 : i32
    %dma_start3A_219 = arith.constant 0 : i32
    %dma_start3A_220 = tpu.memref_slice %arg2[%dma_start3A_218, %dma_start3A_219] : memref<20480x128xf32, #tpu.memory_space<hbm>> -> memref<20480x128xf32, #tpu.memory_space<hbm>>
    tpu.enqueue_indirect_dma source(%dma_start3A_220 : memref<20480x128xf32, #tpu.memory_space<hbm>>) target(%arg9 : memref<64x128xf32, #tpu.memory_space<vmem>>) offsets(%dma_start3A_217 : memref<64xi32, #tpu.memory_space<vmem>>) semaphore(%arg14 : memref<!tpu.dma_semaphore, #tpu.memory_space<semaphore_mem>>)
    %dma_start3A_221 = arith.constant 2 : i32
    %dma_start3A_222 = arith.constant 0 : i32
    %dma_start3A_223 = tpu.memref_slice %arg6[%dma_start3A_221, %dma_start3A_222] : memref<40x64xi32, #tpu.memory_space<vmem>> -> memref<1x64xi32, #tpu.memory_space<vmem>>
    %dma_start3A_224 = tpu.memref_squeeze %dma_start3A_223 : memref<1x64xi32, #tpu.memory_space<vmem>> -> memref<64xi32, #tpu.memory_space<vmem>>
    %dma_start3A_225 = arith.constant 0 : i32
    %dma_start3A_226 = arith.constant 0 : i32
    %dma_start3A_227 = tpu.memref_slice %arg2[%dma_start3A_225, %dma_start3A_226] : memref<20480x128xf32, #tpu.memory_space<hbm>> -> memref<20480x128xf32, #tpu.memory_space<hbm>>
    tpu.enqueue_indirect_dma source(%dma_start3A_227 : memref<20480x128xf32, #tpu.memory_space<hbm>>) target(%arg10 : memref<64x128xf32, #tpu.memory_space<vmem>>) offsets(%dma_start3A_224 : memref<64xi32, #tpu.memory_space<vmem>>) semaphore(%arg15 : memref<!tpu.dma_semaphore, #tpu.memory_space<semaphore_mem>>)
    %dma_start3A_228 = arith.constant 3 : i32
    %dma_start3A_229 = arith.constant 0 : i32
    %dma_start3A_230 = tpu.memref_slice %arg6[%dma_start3A_228, %dma_start3A_229] : memref<40x64xi32, #tpu.memory_space<vmem>> -> memref<1x64xi32, #tpu.memory_space<vmem>>
    %dma_start3A_231 = tpu.memref_squeeze %dma_start3A_230 : memref<1x64xi32, #tpu.memory_space<vmem>> -> memref<64xi32, #tpu.memory_space<vmem>>
    %dma_start3A_232 = arith.constant 0 : i32
    %dma_start3A_233 = arith.constant 0 : i32
    %dma_start3A_234 = tpu.memref_slice %arg2[%dma_start3A_232, %dma_start3A_233] : memref<20480x128xf32, #tpu.memory_space<hbm>> -> memref<20480x128xf32, #tpu.memory_space<hbm>>
    tpu.enqueue_indirect_dma source(%dma_start3A_234 : memref<20480x128xf32, #tpu.memory_space<hbm>>) target(%arg11 : memref<64x128xf32, #tpu.memory_space<vmem>>) offsets(%dma_start3A_231 : memref<64xi32, #tpu.memory_space<vmem>>) semaphore(%arg16 : memref<!tpu.dma_semaphore, #tpu.memory_space<semaphore_mem>>)
    %scan3A_235 = arith.constant 0 : i32
    %scan3A_236 = arith.constant 0 : i32
    %scan3A_237 = arith.constant 9 : i32
    %scan3A_238 = arith.addi %scan3A_236, %scan3A_237 : i32
    %scan3A_239 = arith.constant 1 : i32
    scf.for %scan3A_281 = %scan3A_236 to %scan3A_238 step %scan3A_239  : i32 {
      %mul3A_282 = arith.constant 4 : i32
      %mul3A_283 = arith.muli %scan3A_281, %mul3A_282 : i32
      %add3A_284 = arith.constant 0 : i32
      %add3A_285 = arith.addi %mul3A_283, %add3A_284 : i32
      %dma_wait3A_286 = arith.constant 0 : i32
      %dma_wait3A_287 = tpu.memref_slice %arg6[%add3A_285, %dma_wait3A_286] : memref<40x64xi32, #tpu.memory_space<vmem>> -> memref<1x64xi32, #tpu.memory_space<vmem>>
      %dma_wait3A_288 = tpu.memref_squeeze %dma_wait3A_287 : memref<1x64xi32, #tpu.memory_space<vmem>> -> memref<64xi32, #tpu.memory_space<vmem>>
      %dma_wait3A_289 = arith.constant 0 : i32
      %dma_wait3A_290 = arith.constant 0 : i32
      %dma_wait3A_291 = tpu.memref_slice %arg2[%dma_wait3A_289, %dma_wait3A_290] : memref<20480x128xf32, #tpu.memory_space<hbm>> -> memref<20480x128xf32, #tpu.memory_space<hbm>>
      tpu.wait_indirect_dma semaphore(%arg13 : memref<!tpu.dma_semaphore, #tpu.memory_space<semaphore_mem>>) src(%dma_wait3A_291 : memref<20480x128xf32, #tpu.memory_space<hbm>>) dst(%arg8 : memref<64x128xf32, #tpu.memory_space<vmem>>)
      "tpu.region"() ({
        %run_scoped3A_354 = tpu.sem_alloc : memref<!tpu.dma_semaphore, #tpu.memory_space<semaphore_mem>>
        %dma_start3A_355 = arith.constant 0 : i32
        %dma_start3A_356 = tpu.memref_slice %arg7[%add3A_285, %dma_start3A_355] : memref<40x64xi32, #tpu.memory_space<vmem>> -> memref<1x64xi32, #tpu.memory_space<vmem>>
        %dma_start3A_357 = tpu.memref_squeeze %dma_start3A_356 : memref<1x64xi32, #tpu.memory_space<vmem>> -> memref<64xi32, #tpu.memory_space<vmem>>
        %dma_start3A_358 = arith.constant 0 : i32
        %dma_start3A_359 = arith.constant 0 : i32
        %dma_start3A_360 = tpu.memref_slice %arg12[%dma_start3A_358, %dma_start3A_359] : memref<10112x128xf32, #tpu.memory_space<vmem_shared>> -> memref<10112x128xf32, #tpu.memory_space<vmem_shared>>
        tpu.enqueue_indirect_dma source(%arg8 : memref<64x128xf32, #tpu.memory_space<vmem>>) target(%dma_start3A_360 : memref<10112x128xf32, #tpu.memory_space<vmem_shared>>) offsets(%dma_start3A_357 : memref<64xi32, #tpu.memory_space<vmem>>) semaphore(%run_scoped3A_354 : memref<!tpu.dma_semaphore, #tpu.memory_space<semaphore_mem>>) {add = true}
        %dma_wait3A_361 = arith.constant 0 : i32
        %dma_wait3A_362 = tpu.memref_slice %arg7[%add3A_285, %dma_wait3A_361] : memref<40x64xi32, #tpu.memory_space<vmem>> -> memref<1x64xi32, #tpu.memory_space<vmem>>
        %dma_wait3A_363 = tpu.memref_squeeze %dma_wait3A_362 : memref<1x64xi32, #tpu.memory_space<vmem>> -> memref<64xi32, #tpu.memory_space<vmem>>
        %dma_wait3A_364 = arith.constant 0 : i32
        %dma_wait3A_365 = arith.constant 0 : i32
        %dma_wait3A_366 = tpu.memref_slice %arg12[%dma_wait3A_364, %dma_wait3A_365] : memref<10112x128xf32, #tpu.memory_space<vmem_shared>> -> memref<10112x128xf32, #tpu.memory_space<vmem_shared>>
        tpu.wait_indirect_dma semaphore(%run_scoped3A_354 : memref<!tpu.dma_semaphore, #tpu.memory_space<semaphore_mem>>) src(%arg8 : memref<64x128xf32, #tpu.memory_space<vmem>>) dst(%dma_wait3A_366 : memref<10112x128xf32, #tpu.memory_space<vmem_shared>>)
        tpu.yield
      }) : () -> ()
      %add3A_292 = arith.constant 4 : i32
      %add3A_293 = arith.addi %add3A_285, %add3A_292 : i32
      %dma_start3A_294 = arith.constant 0 : i32
      %dma_start3A_295 = tpu.memref_slice %arg6[%add3A_293, %dma_start3A_294] : memref<40x64xi32, #tpu.memory_space<vmem>> -> memref<1x64xi32, #tpu.memory_space<vmem>>
      %dma_start3A_296 = tpu.memref_squeeze %dma_start3A_295 : memref<1x64xi32, #tpu.memory_space<vmem>> -> memref<64xi32, #tpu.memory_space<vmem>>
      %dma_start3A_297 = arith.constant 0 : i32
      %dma_start3A_298 = arith.constant 0 : i32
      %dma_start3A_299 = tpu.memref_slice %arg2[%dma_start3A_297, %dma_start3A_298] : memref<20480x128xf32, #tpu.memory_space<hbm>> -> memref<20480x128xf32, #tpu.memory_space<hbm>>
      tpu.enqueue_indirect_dma source(%dma_start3A_299 : memref<20480x128xf32, #tpu.memory_space<hbm>>) target(%arg8 : memref<64x128xf32, #tpu.memory_space<vmem>>) offsets(%dma_start3A_296 : memref<64xi32, #tpu.memory_space<vmem>>) semaphore(%arg13 : memref<!tpu.dma_semaphore, #tpu.memory_space<semaphore_mem>>)
      %mul3A_300 = arith.constant 4 : i32
      %mul3A_301 = arith.muli %scan3A_281, %mul3A_300 : i32
      %add3A_302 = arith.constant 1 : i32
      %add3A_303 = arith.addi %mul3A_301, %add3A_302 : i32
      %dma_wait3A_304 = arith.constant 0 : i32
      %dma_wait3A_305 = tpu.memref_slice %arg6[%add3A_303, %dma_wait3A_304] : memref<40x64xi32, #tpu.memory_space<vmem>> -> memref<1x64xi32, #tpu.memory_space<vmem>>
      %dma_wait3A_306 = tpu.memref_squeeze %dma_wait3A_305 : memref<1x64xi32, #tpu.memory_space<vmem>> -> memref<64xi32, #tpu.memory_space<vmem>>
      %dma_wait3A_307 = arith.constant 0 : i32
      %dma_wait3A_308 = arith.constant 0 : i32
      %dma_wait3A_309 = tpu.memref_slice %arg2[%dma_wait3A_307, %dma_wait3A_308] : memref<20480x128xf32, #tpu.memory_space<hbm>> -> memref<20480x128xf32, #tpu.memory_space<hbm>>
      tpu.wait_indirect_dma semaphore(%arg14 : memref<!tpu.dma_semaphore, #tpu.memory_space<semaphore_mem>>) src(%dma_wait3A_309 : memref<20480x128xf32, #tpu.memory_space<hbm>>) dst(%arg9 : memref<64x128xf32, #tpu.memory_space<vmem>>)
      "tpu.region"() ({
        %run_scoped3A_354 = tpu.sem_alloc : memref<!tpu.dma_semaphore, #tpu.memory_space<semaphore_mem>>
        %dma_start3A_355 = arith.constant 0 : i32
        %dma_start3A_356 = tpu.memref_slice %arg7[%add3A_303, %dma_start3A_355] : memref<40x64xi32, #tpu.memory_space<vmem>> -> memref<1x64xi32, #tpu.memory_space<vmem>>
        %dma_start3A_357 = tpu.memref_squeeze %dma_start3A_356 : memref<1x64xi32, #tpu.memory_space<vmem>> -> memref<64xi32, #tpu.memory_space<vmem>>
        %dma_start3A_358 = arith.constant 0 : i32
        %dma_start3A_359 = arith.constant 0 : i32
        %dma_start3A_360 = tpu.memref_slice %arg12[%dma_start3A_358, %dma_start3A_359] : memref<10112x128xf32, #tpu.memory_space<vmem_shared>> -> memref<10112x128xf32, #tpu.memory_space<vmem_shared>>
        tpu.enqueue_indirect_dma source(%arg9 : memref<64x128xf32, #tpu.memory_space<vmem>>) target(%dma_start3A_360 : memref<10112x128xf32, #tpu.memory_space<vmem_shared>>) offsets(%dma_start3A_357 : memref<64xi32, #tpu.memory_space<vmem>>) semaphore(%run_scoped3A_354 : memref<!tpu.dma_semaphore, #tpu.memory_space<semaphore_mem>>) {add = true}
        %dma_wait3A_361 = arith.constant 0 : i32
        %dma_wait3A_362 = tpu.memref_slice %arg7[%add3A_303, %dma_wait3A_361] : memref<40x64xi32, #tpu.memory_space<vmem>> -> memref<1x64xi32, #tpu.memory_space<vmem>>
        %dma_wait3A_363 = tpu.memref_squeeze %dma_wait3A_362 : memref<1x64xi32, #tpu.memory_space<vmem>> -> memref<64xi32, #tpu.memory_space<vmem>>
        %dma_wait3A_364 = arith.constant 0 : i32
        %dma_wait3A_365 = arith.constant 0 : i32
        %dma_wait3A_366 = tpu.memref_slice %arg12[%dma_wait3A_364, %dma_wait3A_365] : memref<10112x128xf32, #tpu.memory_space<vmem_shared>> -> memref<10112x128xf32, #tpu.memory_space<vmem_shared>>
        tpu.wait_indirect_dma semaphore(%run_scoped3A_354 : memref<!tpu.dma_semaphore, #tpu.memory_space<semaphore_mem>>) src(%arg9 : memref<64x128xf32, #tpu.memory_space<vmem>>) dst(%dma_wait3A_366 : memref<10112x128xf32, #tpu.memory_space<vmem_shared>>)
        tpu.yield
      }) : () -> ()
      %add3A_310 = arith.constant 4 : i32
      %add3A_311 = arith.addi %add3A_303, %add3A_310 : i32
      %dma_start3A_312 = arith.constant 0 : i32
      %dma_start3A_313 = tpu.memref_slice %arg6[%add3A_311, %dma_start3A_312] : memref<40x64xi32, #tpu.memory_space<vmem>> -> memref<1x64xi32, #tpu.memory_space<vmem>>
      %dma_start3A_314 = tpu.memref_squeeze %dma_start3A_313 : memref<1x64xi32, #tpu.memory_space<vmem>> -> memref<64xi32, #tpu.memory_space<vmem>>
      %dma_start3A_315 = arith.constant 0 : i32
      %dma_start3A_316 = arith.constant 0 : i32
      %dma_start3A_317 = tpu.memref_slice %arg2[%dma_start3A_315, %dma_start3A_316] : memref<20480x128xf32, #tpu.memory_space<hbm>> -> memref<20480x128xf32, #tpu.memory_space<hbm>>
      tpu.enqueue_indirect_dma source(%dma_start3A_317 : memref<20480x128xf32, #tpu.memory_space<hbm>>) target(%arg9 : memref<64x128xf32, #tpu.memory_space<vmem>>) offsets(%dma_start3A_314 : memref<64xi32, #tpu.memory_space<vmem>>) semaphore(%arg14 : memref<!tpu.dma_semaphore, #tpu.memory_space<semaphore_mem>>)
      %mul3A_318 = arith.constant 4 : i32
      %mul3A_319 = arith.muli %scan3A_281, %mul3A_318 : i32
      %add3A_320 = arith.constant 2 : i32
      %add3A_321 = arith.addi %mul3A_319, %add3A_320 : i32
      %dma_wait3A_322 = arith.constant 0 : i32
      %dma_wait3A_323 = tpu.memref_slice %arg6[%add3A_321, %dma_wait3A_322] : memref<40x64xi32, #tpu.memory_space<vmem>> -> memref<1x64xi32, #tpu.memory_space<vmem>>
      %dma_wait3A_324 = tpu.memref_squeeze %dma_wait3A_323 : memref<1x64xi32, #tpu.memory_space<vmem>> -> memref<64xi32, #tpu.memory_space<vmem>>
      %dma_wait3A_325 = arith.constant 0 : i32
      %dma_wait3A_326 = arith.constant 0 : i32
      %dma_wait3A_327 = tpu.memref_slice %arg2[%dma_wait3A_325, %dma_wait3A_326] : memref<20480x128xf32, #tpu.memory_space<hbm>> -> memref<20480x128xf32, #tpu.memory_space<hbm>>
      tpu.wait_indirect_dma semaphore(%arg15 : memref<!tpu.dma_semaphore, #tpu.memory_space<semaphore_mem>>) src(%dma_wait3A_327 : memref<20480x128xf32, #tpu.memory_space<hbm>>) dst(%arg10 : memref<64x128xf32, #tpu.memory_space<vmem>>)
      "tpu.region"() ({
        %run_scoped3A_354 = tpu.sem_alloc : memref<!tpu.dma_semaphore, #tpu.memory_space<semaphore_mem>>
        %dma_start3A_355 = arith.constant 0 : i32
        %dma_start3A_356 = tpu.memref_slice %arg7[%add3A_321, %dma_start3A_355] : memref<40x64xi32, #tpu.memory_space<vmem>> -> memref<1x64xi32, #tpu.memory_space<vmem>>
        %dma_start3A_357 = tpu.memref_squeeze %dma_start3A_356 : memref<1x64xi32, #tpu.memory_space<vmem>> -> memref<64xi32, #tpu.memory_space<vmem>>
        %dma_start3A_358 = arith.constant 0 : i32
        %dma_start3A_359 = arith.constant 0 : i32
        %dma_start3A_360 = tpu.memref_slice %arg12[%dma_start3A_358, %dma_start3A_359] : memref<10112x128xf32, #tpu.memory_space<vmem_shared>> -> memref<10112x128xf32, #tpu.memory_space<vmem_shared>>
        tpu.enqueue_indirect_dma source(%arg10 : memref<64x128xf32, #tpu.memory_space<vmem>>) target(%dma_start3A_360 : memref<10112x128xf32, #tpu.memory_space<vmem_shared>>) offsets(%dma_start3A_357 : memref<64xi32, #tpu.memory_space<vmem>>) semaphore(%run_scoped3A_354 : memref<!tpu.dma_semaphore, #tpu.memory_space<semaphore_mem>>) {add = true}
        %dma_wait3A_361 = arith.constant 0 : i32
        %dma_wait3A_362 = tpu.memref_slice %arg7[%add3A_321, %dma_wait3A_361] : memref<40x64xi32, #tpu.memory_space<vmem>> -> memref<1x64xi32, #tpu.memory_space<vmem>>
        %dma_wait3A_363 = tpu.memref_squeeze %dma_wait3A_362 : memref<1x64xi32, #tpu.memory_space<vmem>> -> memref<64xi32, #tpu.memory_space<vmem>>
        %dma_wait3A_364 = arith.constant 0 : i32
        %dma_wait3A_365 = arith.constant 0 : i32
        %dma_wait3A_366 = tpu.memref_slice %arg12[%dma_wait3A_364, %dma_wait3A_365] : memref<10112x128xf32, #tpu.memory_space<vmem_shared>> -> memref<10112x128xf32, #tpu.memory_space<vmem_shared>>
        tpu.wait_indirect_dma semaphore(%run_scoped3A_354 : memref<!tpu.dma_semaphore, #tpu.memory_space<semaphore_mem>>) src(%arg10 : memref<64x128xf32, #tpu.memory_space<vmem>>) dst(%dma_wait3A_366 : memref<10112x128xf32, #tpu.memory_space<vmem_shared>>)
        tpu.yield
      }) : () -> ()
      %add3A_328 = arith.constant 4 : i32
      %add3A_329 = arith.addi %add3A_321, %add3A_328 : i32
      %dma_start3A_330 = arith.constant 0 : i32
      %dma_start3A_331 = tpu.memref_slice %arg6[%add3A_329, %dma_start3A_330] : memref<40x64xi32, #tpu.memory_space<vmem>> -> memref<1x64xi32, #tpu.memory_space<vmem>>
      %dma_start3A_332 = tpu.memref_squeeze %dma_start3A_331 : memref<1x64xi32, #tpu.memory_space<vmem>> -> memref<64xi32, #tpu.memory_space<vmem>>
      %dma_start3A_333 = arith.constant 0 : i32
      %dma_start3A_334 = arith.constant 0 : i32
      %dma_start3A_335 = tpu.memref_slice %arg2[%dma_start3A_333, %dma_start3A_334] : memref<20480x128xf32, #tpu.memory_space<hbm>> -> memref<20480x128xf32, #tpu.memory_space<hbm>>
      tpu.enqueue_indirect_dma source(%dma_start3A_335 : memref<20480x128xf32, #tpu.memory_space<hbm>>) target(%arg10 : memref<64x128xf32, #tpu.memory_space<vmem>>) offsets(%dma_start3A_332 : memref<64xi32, #tpu.memory_space<vmem>>) semaphore(%arg15 : memref<!tpu.dma_semaphore, #tpu.memory_space<semaphore_mem>>)
      %mul3A_336 = arith.constant 4 : i32
      %mul3A_337 = arith.muli %scan3A_281, %mul3A_336 : i32
      %add3A_338 = arith.constant 3 : i32
      %add3A_339 = arith.addi %mul3A_337, %add3A_338 : i32
      %dma_wait3A_340 = arith.constant 0 : i32
      %dma_wait3A_341 = tpu.memref_slice %arg6[%add3A_339, %dma_wait3A_340] : memref<40x64xi32, #tpu.memory_space<vmem>> -> memref<1x64xi32, #tpu.memory_space<vmem>>
      %dma_wait3A_342 = tpu.memref_squeeze %dma_wait3A_341 : memref<1x64xi32, #tpu.memory_space<vmem>> -> memref<64xi32, #tpu.memory_space<vmem>>
      %dma_wait3A_343 = arith.constant 0 : i32
      %dma_wait3A_344 = arith.constant 0 : i32
      %dma_wait3A_345 = tpu.memref_slice %arg2[%dma_wait3A_343, %dma_wait3A_344] : memref<20480x128xf32, #tpu.memory_space<hbm>> -> memref<20480x128xf32, #tpu.memory_space<hbm>>
      tpu.wait_indirect_dma semaphore(%arg16 : memref<!tpu.dma_semaphore, #tpu.memory_space<semaphore_mem>>) src(%dma_wait3A_345 : memref<20480x128xf32, #tpu.memory_space<hbm>>) dst(%arg11 : memref<64x128xf32, #tpu.memory_space<vmem>>)
      "tpu.region"() ({
        %run_scoped3A_354 = tpu.sem_alloc : memref<!tpu.dma_semaphore, #tpu.memory_space<semaphore_mem>>
        %dma_start3A_355 = arith.constant 0 : i32
        %dma_start3A_356 = tpu.memref_slice %arg7[%add3A_339, %dma_start3A_355] : memref<40x64xi32, #tpu.memory_space<vmem>> -> memref<1x64xi32, #tpu.memory_space<vmem>>
        %dma_start3A_357 = tpu.memref_squeeze %dma_start3A_356 : memref<1x64xi32, #tpu.memory_space<vmem>> -> memref<64xi32, #tpu.memory_space<vmem>>
        %dma_start3A_358 = arith.constant 0 : i32
        %dma_start3A_359 = arith.constant 0 : i32
        %dma_start3A_360 = tpu.memref_slice %arg12[%dma_start3A_358, %dma_start3A_359] : memref<10112x128xf32, #tpu.memory_space<vmem_shared>> -> memref<10112x128xf32, #tpu.memory_space<vmem_shared>>
        tpu.enqueue_indirect_dma source(%arg11 : memref<64x128xf32, #tpu.memory_space<vmem>>) target(%dma_start3A_360 : memref<10112x128xf32, #tpu.memory_space<vmem_shared>>) offsets(%dma_start3A_357 : memref<64xi32, #tpu.memory_space<vmem>>) semaphore(%run_scoped3A_354 : memref<!tpu.dma_semaphore, #tpu.memory_space<semaphore_mem>>) {add = true}
        %dma_wait3A_361 = arith.constant 0 : i32
        %dma_wait3A_362 = tpu.memref_slice %arg7[%add3A_339, %dma_wait3A_361] : memref<40x64xi32, #tpu.memory_space<vmem>> -> memref<1x64xi32, #tpu.memory_space<vmem>>
        %dma_wait3A_363 = tpu.memref_squeeze %dma_wait3A_362 : memref<1x64xi32, #tpu.memory_space<vmem>> -> memref<64xi32, #tpu.memory_space<vmem>>
        %dma_wait3A_364 = arith.constant 0 : i32
        %dma_wait3A_365 = arith.constant 0 : i32
        %dma_wait3A_366 = tpu.memref_slice %arg12[%dma_wait3A_364, %dma_wait3A_365] : memref<10112x128xf32, #tpu.memory_space<vmem_shared>> -> memref<10112x128xf32, #tpu.memory_space<vmem_shared>>
        tpu.wait_indirect_dma semaphore(%run_scoped3A_354 : memref<!tpu.dma_semaphore, #tpu.memory_space<semaphore_mem>>) src(%arg11 : memref<64x128xf32, #tpu.memory_space<vmem>>) dst(%dma_wait3A_366 : memref<10112x128xf32, #tpu.memory_space<vmem_shared>>)
        tpu.yield
      }) : () -> ()
      %add3A_346 = arith.constant 4 : i32
      %add3A_347 = arith.addi %add3A_339, %add3A_346 : i32
      %dma_start3A_348 = arith.constant 0 : i32
      %dma_start3A_349 = tpu.memref_slice %arg6[%add3A_347, %dma_start3A_348] : memref<40x64xi32, #tpu.memory_space<vmem>> -> memref<1x64xi32, #tpu.memory_space<vmem>>
      %dma_start3A_350 = tpu.memref_squeeze %dma_start3A_349 : memref<1x64xi32, #tpu.memory_space<vmem>> -> memref<64xi32, #tpu.memory_space<vmem>>
      %dma_start3A_351 = arith.constant 0 : i32
      %dma_start3A_352 = arith.constant 0 : i32
      %dma_start3A_353 = tpu.memref_slice %arg2[%dma_start3A_351, %dma_start3A_352] : memref<20480x128xf32, #tpu.memory_space<hbm>> -> memref<20480x128xf32, #tpu.memory_space<hbm>>
      tpu.enqueue_indirect_dma source(%dma_start3A_353 : memref<20480x128xf32, #tpu.memory_space<hbm>>) target(%arg11 : memref<64x128xf32, #tpu.memory_space<vmem>>) offsets(%dma_start3A_350 : memref<64xi32, #tpu.memory_space<vmem>>) semaphore(%arg16 : memref<!tpu.dma_semaphore, #tpu.memory_space<semaphore_mem>>)
    }
    %scan3A_240 = arith.constant 9 : i32
    %dma_wait3A_241 = arith.constant 36 : i32
    %dma_wait3A_242 = arith.constant 0 : i32
    %dma_wait3A_243 = tpu.memref_slice %arg6[%dma_wait3A_241, %dma_wait3A_242] : memref<40x64xi32, #tpu.memory_space<vmem>> -> memref<1x64xi32, #tpu.memory_space<vmem>>
    %dma_wait3A_244 = tpu.memref_squeeze %dma_wait3A_243 : memref<1x64xi32, #tpu.memory_space<vmem>> -> memref<64xi32, #tpu.memory_space<vmem>>
    %dma_wait3A_245 = arith.constant 0 : i32
    %dma_wait3A_246 = arith.constant 0 : i32
    %dma_wait3A_247 = tpu.memref_slice %arg2[%dma_wait3A_245, %dma_wait3A_246] : memref<20480x128xf32, #tpu.memory_space<hbm>> -> memref<20480x128xf32, #tpu.memory_space<hbm>>
    tpu.wait_indirect_dma semaphore(%arg13 : memref<!tpu.dma_semaphore, #tpu.memory_space<semaphore_mem>>) src(%dma_wait3A_247 : memref<20480x128xf32, #tpu.memory_space<hbm>>) dst(%arg8 : memref<64x128xf32, #tpu.memory_space<vmem>>)
    %run_scoped3A_248 = arith.constant 36 : i32
    "tpu.region"() ({
      %run_scoped3A_281 = tpu.sem_alloc : memref<!tpu.dma_semaphore, #tpu.memory_space<semaphore_mem>>
      %dma_start3A_282 = arith.constant 0 : i32
      %dma_start3A_283 = tpu.memref_slice %arg7[%run_scoped3A_248, %dma_start3A_282] : memref<40x64xi32, #tpu.memory_space<vmem>> -> memref<1x64xi32, #tpu.memory_space<vmem>>
      %dma_start3A_284 = tpu.memref_squeeze %dma_start3A_283 : memref<1x64xi32, #tpu.memory_space<vmem>> -> memref<64xi32, #tpu.memory_space<vmem>>
      %dma_start3A_285 = arith.constant 0 : i32
      %dma_start3A_286 = arith.constant 0 : i32
      %dma_start3A_287 = tpu.memref_slice %arg12[%dma_start3A_285, %dma_start3A_286] : memref<10112x128xf32, #tpu.memory_space<vmem_shared>> -> memref<10112x128xf32, #tpu.memory_space<vmem_shared>>
      tpu.enqueue_indirect_dma source(%arg8 : memref<64x128xf32, #tpu.memory_space<vmem>>) target(%dma_start3A_287 : memref<10112x128xf32, #tpu.memory_space<vmem_shared>>) offsets(%dma_start3A_284 : memref<64xi32, #tpu.memory_space<vmem>>) semaphore(%run_scoped3A_281 : memref<!tpu.dma_semaphore, #tpu.memory_space<semaphore_mem>>) {add = true}
      %dma_wait3A_288 = arith.constant 0 : i32
      %dma_wait3A_289 = tpu.memref_slice %arg7[%run_scoped3A_248, %dma_wait3A_288] : memref<40x64xi32, #tpu.memory_space<vmem>> -> memref<1x64xi32, #tpu.memory_space<vmem>>
      %dma_wait3A_290 = tpu.memref_squeeze %dma_wait3A_289 : memref<1x64xi32, #tpu.memory_space<vmem>> -> memref<64xi32, #tpu.memory_space<vmem>>
      %dma_wait3A_291 = arith.constant 0 : i32
      %dma_wait3A_292 = arith.constant 0 : i32
      %dma_wait3A_293 = tpu.memref_slice %arg12[%dma_wait3A_291, %dma_wait3A_292] : memref<10112x128xf32, #tpu.memory_space<vmem_shared>> -> memref<10112x128xf32, #tpu.memory_space<vmem_shared>>
      tpu.wait_indirect_dma semaphore(%run_scoped3A_281 : memref<!tpu.dma_semaphore, #tpu.memory_space<semaphore_mem>>) src(%arg8 : memref<64x128xf32, #tpu.memory_space<vmem>>) dst(%dma_wait3A_293 : memref<10112x128xf32, #tpu.memory_space<vmem_shared>>)
      tpu.yield
    }) : () -> ()
    %dma_wait3A_249 = arith.constant 37 : i32
    %dma_wait3A_250 = arith.constant 0 : i32
    %dma_wait3A_251 = tpu.memref_slice %arg6[%dma_wait3A_249, %dma_wait3A_250] : memref<40x64xi32, #tpu.memory_space<vmem>> -> memref<1x64xi32, #tpu.memory_space<vmem>>
    %dma_wait3A_252 = tpu.memref_squeeze %dma_wait3A_251 : memref<1x64xi32, #tpu.memory_space<vmem>> -> memref<64xi32, #tpu.memory_space<vmem>>
    %dma_wait3A_253 = arith.constant 0 : i32
    %dma_wait3A_254 = arith.constant 0 : i32
    %dma_wait3A_255 = tpu.memref_slice %arg2[%dma_wait3A_253, %dma_wait3A_254] : memref<20480x128xf32, #tpu.memory_space<hbm>> -> memref<20480x128xf32, #tpu.memory_space<hbm>>
    tpu.wait_indirect_dma semaphore(%arg14 : memref<!tpu.dma_semaphore, #tpu.memory_space<semaphore_mem>>) src(%dma_wait3A_255 : memref<20480x128xf32, #tpu.memory_space<hbm>>) dst(%arg9 : memref<64x128xf32, #tpu.memory_space<vmem>>)
    %run_scoped3A_256 = arith.constant 37 : i32
    "tpu.region"() ({
      %run_scoped3A_281 = tpu.sem_alloc : memref<!tpu.dma_semaphore, #tpu.memory_space<semaphore_mem>>
      %dma_start3A_282 = arith.constant 0 : i32
      %dma_start3A_283 = tpu.memref_slice %arg7[%run_scoped3A_256, %dma_start3A_282] : memref<40x64xi32, #tpu.memory_space<vmem>> -> memref<1x64xi32, #tpu.memory_space<vmem>>
      %dma_start3A_284 = tpu.memref_squeeze %dma_start3A_283 : memref<1x64xi32, #tpu.memory_space<vmem>> -> memref<64xi32, #tpu.memory_space<vmem>>
      %dma_start3A_285 = arith.constant 0 : i32
      %dma_start3A_286 = arith.constant 0 : i32
      %dma_start3A_287 = tpu.memref_slice %arg12[%dma_start3A_285, %dma_start3A_286] : memref<10112x128xf32, #tpu.memory_space<vmem_shared>> -> memref<10112x128xf32, #tpu.memory_space<vmem_shared>>
      tpu.enqueue_indirect_dma source(%arg9 : memref<64x128xf32, #tpu.memory_space<vmem>>) target(%dma_start3A_287 : memref<10112x128xf32, #tpu.memory_space<vmem_shared>>) offsets(%dma_start3A_284 : memref<64xi32, #tpu.memory_space<vmem>>) semaphore(%run_scoped3A_281 : memref<!tpu.dma_semaphore, #tpu.memory_space<semaphore_mem>>) {add = true}
      %dma_wait3A_288 = arith.constant 0 : i32
      %dma_wait3A_289 = tpu.memref_slice %arg7[%run_scoped3A_256, %dma_wait3A_288] : memref<40x64xi32, #tpu.memory_space<vmem>> -> memref<1x64xi32, #tpu.memory_space<vmem>>
      %dma_wait3A_290 = tpu.memref_squeeze %dma_wait3A_289 : memref<1x64xi32, #tpu.memory_space<vmem>> -> memref<64xi32, #tpu.memory_space<vmem>>
      %dma_wait3A_291 = arith.constant 0 : i32
      %dma_wait3A_292 = arith.constant 0 : i32
      %dma_wait3A_293 = tpu.memref_slice %arg12[%dma_wait3A_291, %dma_wait3A_292] : memref<10112x128xf32, #tpu.memory_space<vmem_shared>> -> memref<10112x128xf32, #tpu.memory_space<vmem_shared>>
      tpu.wait_indirect_dma semaphore(%run_scoped3A_281 : memref<!tpu.dma_semaphore, #tpu.memory_space<semaphore_mem>>) src(%arg9 : memref<64x128xf32, #tpu.memory_space<vmem>>) dst(%dma_wait3A_293 : memref<10112x128xf32, #tpu.memory_space<vmem_shared>>)
      tpu.yield
    }) : () -> ()
    %dma_wait3A_257 = arith.constant 38 : i32
    %dma_wait3A_258 = arith.constant 0 : i32
    %dma_wait3A_259 = tpu.memref_slice %arg6[%dma_wait3A_257, %dma_wait3A_258] : memref<40x64xi32, #tpu.memory_space<vmem>> -> memref<1x64xi32, #tpu.memory_space<vmem>>
    %dma_wait3A_260 = tpu.memref_squeeze %dma_wait3A_259 : memref<1x64xi32, #tpu.memory_space<vmem>> -> memref<64xi32, #tpu.memory_space<vmem>>
    %dma_wait3A_261 = arith.constant 0 : i32
    %dma_wait3A_262 = arith.constant 0 : i32
    %dma_wait3A_263 = tpu.memref_slice %arg2[%dma_wait3A_261, %dma_wait3A_262] : memref<20480x128xf32, #tpu.memory_space<hbm>> -> memref<20480x128xf32, #tpu.memory_space<hbm>>
    tpu.wait_indirect_dma semaphore(%arg15 : memref<!tpu.dma_semaphore, #tpu.memory_space<semaphore_mem>>) src(%dma_wait3A_263 : memref<20480x128xf32, #tpu.memory_space<hbm>>) dst(%arg10 : memref<64x128xf32, #tpu.memory_space<vmem>>)
    %run_scoped3A_264 = arith.constant 38 : i32
    "tpu.region"() ({
      %run_scoped3A_281 = tpu.sem_alloc : memref<!tpu.dma_semaphore, #tpu.memory_space<semaphore_mem>>
      %dma_start3A_282 = arith.constant 0 : i32
      %dma_start3A_283 = tpu.memref_slice %arg7[%run_scoped3A_264, %dma_start3A_282] : memref<40x64xi32, #tpu.memory_space<vmem>> -> memref<1x64xi32, #tpu.memory_space<vmem>>
      %dma_start3A_284 = tpu.memref_squeeze %dma_start3A_283 : memref<1x64xi32, #tpu.memory_space<vmem>> -> memref<64xi32, #tpu.memory_space<vmem>>
      %dma_start3A_285 = arith.constant 0 : i32
      %dma_start3A_286 = arith.constant 0 : i32
      %dma_start3A_287 = tpu.memref_slice %arg12[%dma_start3A_285, %dma_start3A_286] : memref<10112x128xf32, #tpu.memory_space<vmem_shared>> -> memref<10112x128xf32, #tpu.memory_space<vmem_shared>>
      tpu.enqueue_indirect_dma source(%arg10 : memref<64x128xf32, #tpu.memory_space<vmem>>) target(%dma_start3A_287 : memref<10112x128xf32, #tpu.memory_space<vmem_shared>>) offsets(%dma_start3A_284 : memref<64xi32, #tpu.memory_space<vmem>>) semaphore(%run_scoped3A_281 : memref<!tpu.dma_semaphore, #tpu.memory_space<semaphore_mem>>) {add = true}
      %dma_wait3A_288 = arith.constant 0 : i32
      %dma_wait3A_289 = tpu.memref_slice %arg7[%run_scoped3A_264, %dma_wait3A_288] : memref<40x64xi32, #tpu.memory_space<vmem>> -> memref<1x64xi32, #tpu.memory_space<vmem>>
      %dma_wait3A_290 = tpu.memref_squeeze %dma_wait3A_289 : memref<1x64xi32, #tpu.memory_space<vmem>> -> memref<64xi32, #tpu.memory_space<vmem>>
      %dma_wait3A_291 = arith.constant 0 : i32
      %dma_wait3A_292 = arith.constant 0 : i32
      %dma_wait3A_293 = tpu.memref_slice %arg12[%dma_wait3A_291, %dma_wait3A_292] : memref<10112x128xf32, #tpu.memory_space<vmem_shared>> -> memref<10112x128xf32, #tpu.memory_space<vmem_shared>>
      tpu.wait_indirect_dma semaphore(%run_scoped3A_281 : memref<!tpu.dma_semaphore, #tpu.memory_space<semaphore_mem>>) src(%arg10 : memref<64x128xf32, #tpu.memory_space<vmem>>) dst(%dma_wait3A_293 : memref<10112x128xf32, #tpu.memory_space<vmem_shared>>)
      tpu.yield
    }) : () -> ()
    %dma_wait3A_265 = arith.constant 39 : i32
    %dma_wait3A_266 = arith.constant 0 : i32
    %dma_wait3A_267 = tpu.memref_slice %arg6[%dma_wait3A_265, %dma_wait3A_266] : memref<40x64xi32, #tpu.memory_space<vmem>> -> memref<1x64xi32, #tpu.memory_space<vmem>>
    %dma_wait3A_268 = tpu.memref_squeeze %dma_wait3A_267 : memref<1x64xi32, #tpu.memory_space<vmem>> -> memref<64xi32, #tpu.memory_space<vmem>>
    %dma_wait3A_269 = arith.constant 0 : i32
    %dma_wait3A_270 = arith.constant 0 : i32
    %dma_wait3A_271 = tpu.memref_slice %arg2[%dma_wait3A_269, %dma_wait3A_270] : memref<20480x128xf32, #tpu.memory_space<hbm>> -> memref<20480x128xf32, #tpu.memory_space<hbm>>
    tpu.wait_indirect_dma semaphore(%arg16 : memref<!tpu.dma_semaphore, #tpu.memory_space<semaphore_mem>>) src(%dma_wait3A_271 : memref<20480x128xf32, #tpu.memory_space<hbm>>) dst(%arg11 : memref<64x128xf32, #tpu.memory_space<vmem>>)
    %run_scoped3A_272 = arith.constant 39 : i32
    "tpu.region"() ({
      %run_scoped3A_281 = tpu.sem_alloc : memref<!tpu.dma_semaphore, #tpu.memory_space<semaphore_mem>>
      %dma_start3A_282 = arith.constant 0 : i32
      %dma_start3A_283 = tpu.memref_slice %arg7[%run_scoped3A_272, %dma_start3A_282] : memref<40x64xi32, #tpu.memory_space<vmem>> -> memref<1x64xi32, #tpu.memory_space<vmem>>
      %dma_start3A_284 = tpu.memref_squeeze %dma_start3A_283 : memref<1x64xi32, #tpu.memory_space<vmem>> -> memref<64xi32, #tpu.memory_space<vmem>>
      %dma_start3A_285 = arith.constant 0 : i32
      %dma_start3A_286 = arith.constant 0 : i32
      %dma_start3A_287 = tpu.memref_slice %arg12[%dma_start3A_285, %dma_start3A_286] : memref<10112x128xf32, #tpu.memory_space<vmem_shared>> -> memref<10112x128xf32, #tpu.memory_space<vmem_shared>>
      tpu.enqueue_indirect_dma source(%arg11 : memref<64x128xf32, #tpu.memory_space<vmem>>) target(%dma_start3A_287 : memref<10112x128xf32, #tpu.memory_space<vmem_shared>>) offsets(%dma_start3A_284 : memref<64xi32, #tpu.memory_space<vmem>>) semaphore(%run_scoped3A_281 : memref<!tpu.dma_semaphore, #tpu.memory_space<semaphore_mem>>) {add = true}
      %dma_wait3A_288 = arith.constant 0 : i32
      %dma_wait3A_289 = tpu.memref_slice %arg7[%run_scoped3A_272, %dma_wait3A_288] : memref<40x64xi32, #tpu.memory_space<vmem>> -> memref<1x64xi32, #tpu.memory_space<vmem>>
      %dma_wait3A_290 = tpu.memref_squeeze %dma_wait3A_289 : memref<1x64xi32, #tpu.memory_space<vmem>> -> memref<64xi32, #tpu.memory_space<vmem>>
      %dma_wait3A_291 = arith.constant 0 : i32
      %dma_wait3A_292 = arith.constant 0 : i32
      %dma_wait3A_293 = tpu.memref_slice %arg12[%dma_wait3A_291, %dma_wait3A_292] : memref<10112x128xf32, #tpu.memory_space<vmem_shared>> -> memref<10112x128xf32, #tpu.memory_space<vmem_shared>>
      tpu.wait_indirect_dma semaphore(%run_scoped3A_281 : memref<!tpu.dma_semaphore, #tpu.memory_space<semaphore_mem>>) src(%arg11 : memref<64x128xf32, #tpu.memory_space<vmem>>) dst(%dma_wait3A_293 : memref<10112x128xf32, #tpu.memory_space<vmem_shared>>)
      tpu.yield
    }) : () -> ()
    %barrier3A_273 = arith.constant 0 : index
    tpu.barrier barrier_id(%barrier3A_273)
    %mul3A_274 = arith.constant 632 : i32
    %mul3A_275 = arith.muli %arg1, %mul3A_274 : i32
    %mul3A_276 = arith.constant 10240 : i32
    %mul3A_277 = arith.muli %arg0, %mul3A_276 : i32
    %mul3A_278 = arith.constant 632 : i32
    %mul3A_279 = arith.muli %arg1, %mul3A_278 : i32
    %add3A_280 = arith.addi %mul3A_277, %mul3A_279 : i32
    "tpu.region"() ({
      %run_scoped3A_281 = tpu.sem_alloc : memref<!tpu.dma_semaphore, #tpu.memory_space<semaphore_mem>>
      %dma_start3A_282 = arith.constant 0 : i32
      %dma_start3A_283 = tpu.memref_slice %arg5[%add3A_280, %dma_start3A_282] : memref<20480x128xf32, #tpu.memory_space<hbm>> -> memref<632x128xf32, #tpu.memory_space<hbm>>
      %dma_start3A_284 = arith.constant 0 : i32
      %dma_start3A_285 = tpu.memref_slice %arg12[%mul3A_275, %dma_start3A_284] : memref<10112x128xf32, #tpu.memory_space<vmem_shared>> -> memref<632x128xf32, #tpu.memory_space<vmem_shared>>
      tpu.enqueue_dma source(%dma_start3A_285 : memref<632x128xf32, #tpu.memory_space<vmem_shared>>) target(%dma_start3A_283 : memref<632x128xf32, #tpu.memory_space<hbm>>) target_semaphore(%run_scoped3A_281 : memref<!tpu.dma_semaphore, #tpu.memory_space<semaphore_mem>>)
      %dma_wait3A_286 = arith.constant 0 : i32
      %dma_wait3A_287 = tpu.memref_slice %arg5[%add3A_280, %dma_wait3A_286] : memref<20480x128xf32, #tpu.memory_space<hbm>> -> memref<632x128xf32, #tpu.memory_space<hbm>>
      %dma_wait3A_288 = arith.constant 0 : i32
      %dma_wait3A_289 = tpu.memref_slice %arg12[%mul3A_275, %dma_wait3A_288] : memref<10112x128xf32, #tpu.memory_space<vmem_shared>> -> memref<632x128xf32, #tpu.memory_space<vmem_shared>>
      tpu.wait_dma2 semaphore(%run_scoped3A_281 : memref<!tpu.dma_semaphore, #tpu.memory_space<semaphore_mem>>) src(%dma_wait3A_289 : memref<632x128xf32, #tpu.memory_space<vmem_shared>>) dst(%dma_wait3A_287 : memref<632x128xf32, #tpu.memory_space<hbm>>)
      tpu.yield
    }) : () -> ()
    return
  }
}

module attributes {stable_mosaic.version = 14 : i64} {
  func.func @_tck1_body(%arg0: i32, %arg1: memref<640x16xf32, #tpu.memory_space<vmem>>, %arg2: memref<640x256xf32, #tpu.memory_space<vmem>>, %arg3: memref<256x256xf32, #tpu.memory_space<vmem>>, %arg4: memref<2x640x128xf32, #tpu.memory_space<vmem>>) attributes {dimension_semantics = [#tpu.dimension_semantics<arbitrary>], iteration_bounds = array<i64: 16>, scalar_prefetch = 0 : i64, scratch_operands = 0 : i64, tpu.core_type = #tpu.core_type<tc>, window_params = [{transform_indices = @transform_0, window_bounds = array<i64: 640, 16>}, {transform_indices = @transform_1, window_bounds = array<i64: 640, 256>}, {pipeline_mode = #tpu.pipeline_mode<synchronous>, transform_indices = @transform_2, window_bounds = array<i64: 256, 256>}, {transform_indices = @transform_3, window_bounds = array<i64: 2, 640, 128>}]} {
    %get3A = arith.constant 0 : index
    %get3A_0 = arith.constant 0 : index
    %get3A_1 = vector.load %arg1[%get3A, %get3A_0] : memref<640x16xf32, #tpu.memory_space<vmem>>, vector<640x1xf32>
    %add3A = arith.constant 1.000000e+00 : f32
    %add3A_2 = vector.broadcast %add3A : f32 to vector<640x1xf32>
    %add3A_3 = arith.addf %add3A_2, %get3A_1 : vector<640x1xf32>
    %rsqrt3A = math.rsqrt %add3A_3 : vector<640x1xf32>
    %get3A_4 = arith.constant 0 : index
    %get3A_5 = arith.constant 0 : index
    %get3A_6 = vector.load %arg2[%get3A_4, %get3A_5] : memref<640x256xf32, #tpu.memory_space<vmem>>, vector<640x256xf32>
    %get3A_7 = arith.constant 0 : index
    %get3A_8 = arith.constant 0 : index
    %get3A_9 = vector.load %arg3[%get3A_7, %get3A_8] : memref<256x256xf32, #tpu.memory_space<vmem>>, vector<256x256xf32>
    %dot_general3A = arith.constant dense<0.000000e+00> : vector<640x256xf32>
    %dot_general3A_10 = tpu.matmul %get3A_6, %get3A_9, %dot_general3A {dimension_numbers = #tpu.dot_dimension_numbers<[1], [0], [0], [1], [0, 0, 1, 1], [], []>, transpose_lhs_hint = false} : vector<640x256xf32>, vector<256x256xf32>, vector<640x256xf32> -> vector<640x256xf32>
    %mul3A = vector.broadcast %rsqrt3A : vector<640x1xf32> to vector<640x256xf32>
    %mul3A_11 = arith.mulf %dot_general3A_10, %mul3A : vector<640x256xf32>
    %slice3A = vector.extract_strided_slice %mul3A_11 {offsets = [0, 0], sizes = [640, 128], strides = [1, 1]} : vector<640x256xf32> to vector<640x128xf32>
    %swap3A = arith.constant 0 : index
    %swap3A_12 = arith.constant 0 : index
    %swap3A_13 = arith.constant 0 : index
    %swap3A_14 = vector.load %arg4[%swap3A, %swap3A_12, %swap3A_13] : memref<2x640x128xf32, #tpu.memory_space<vmem>>, vector<1x640x128xf32>
    %swap3A_15 = vector.shape_cast %swap3A_14 : vector<1x640x128xf32> to vector<640x128xf32>
    %swap3A_16 = vector.shape_cast %slice3A : vector<640x128xf32> to vector<1x640x128xf32>
    tpu.vector_store %arg4[%swap3A, %swap3A_12, %swap3A_13], %swap3A_16 {strides = array<i32>} : memref<2x640x128xf32, #tpu.memory_space<vmem>>, vector<1x640x128xf32>,
    %slice3A_17 = vector.extract_strided_slice %mul3A_11 {offsets = [0, 128], sizes = [640, 128], strides = [1, 1]} : vector<640x256xf32> to vector<640x128xf32>
    %swap3A_18 = arith.constant 1 : index
    %swap3A_19 = arith.constant 0 : index
    %swap3A_20 = arith.constant 0 : index
    %swap3A_21 = vector.load %arg4[%swap3A_18, %swap3A_19, %swap3A_20] : memref<2x640x128xf32, #tpu.memory_space<vmem>>, vector<1x640x128xf32>
    %swap3A_22 = vector.shape_cast %swap3A_21 : vector<1x640x128xf32> to vector<640x128xf32>
    %swap3A_23 = vector.shape_cast %slice3A_17 : vector<640x128xf32> to vector<1x640x128xf32>
    tpu.vector_store %arg4[%swap3A_18, %swap3A_19, %swap3A_20], %swap3A_23 {strides = array<i32>} : memref<2x640x128xf32, #tpu.memory_space<vmem>>, vector<1x640x128xf32>,
    return
  }
  func.func @transform_0(%arg0: i32) -> (i32, i32) {
    %c0_i32 = arith.constant 0 : i32
    %c0_i32_0 = arith.constant 0 : i32
    return %arg0, %c0_i32 : i32, i32
  }
  func.func @transform_1(%arg0: i32) -> (i32, i32) {
    %c0_i32 = arith.constant 0 : i32
    %c0_i32_0 = arith.constant 0 : i32
    return %arg0, %c0_i32 : i32, i32
  }
  func.func @transform_2(%arg0: i32) -> (i32, i32) {
    %c0_i32 = arith.constant 0 : i32
    %c0_i32_0 = arith.constant 0 : i32
    %c0_i32_1 = arith.constant 0 : i32
    return %c0_i32, %c0_i32_0 : i32, i32
  }
  func.func @transform_3(%arg0: i32) -> (i32, i32, i32) {
    %c0_i32 = arith.constant 0 : i32
    %c0_i32_0 = arith.constant 0 : i32
    %c0_i32_1 = arith.constant 0 : i32
    return %c0_i32, %arg0, %c0_i32_0 : i32, i32, i32
  }
}

module attributes {stable_mosaic.version = 14 : i64} {
  func.func @_tck2_body(%arg0: i32, %arg1: memref<640x16xf32, #tpu.memory_space<vmem>>, %arg2: memref<2x640x128xf32, #tpu.memory_space<vmem>>, %arg3: memref<1x256xf32, #tpu.memory_space<vmem>>, %arg4: memref<256x256xf32, #tpu.memory_space<vmem>>, %arg5: memref<2x640x128xf32, #tpu.memory_space<vmem>>) attributes {dimension_semantics = [#tpu.dimension_semantics<arbitrary>], iteration_bounds = array<i64: 16>, scalar_prefetch = 0 : i64, scratch_operands = 0 : i64, tpu.core_type = #tpu.core_type<tc>, window_params = [{transform_indices = @transform_0, window_bounds = array<i64: 640, 16>}, {transform_indices = @transform_1, window_bounds = array<i64: 2, 640, 128>}, {pipeline_mode = #tpu.pipeline_mode<synchronous>, transform_indices = @transform_2, window_bounds = array<i64: 1, 256>}, {pipeline_mode = #tpu.pipeline_mode<synchronous>, transform_indices = @transform_3, window_bounds = array<i64: 256, 256>}, {transform_indices = @transform_4, window_bounds = array<i64: 2, 640, 128>}]} {
    %get3A = arith.constant 0 : index
    %get3A_0 = arith.constant 0 : index
    %get3A_1 = vector.load %arg1[%get3A, %get3A_0] : memref<640x16xf32, #tpu.memory_space<vmem>>, vector<640x1xf32>
    %add3A = arith.constant 1.000000e+00 : f32
    %add3A_2 = vector.broadcast %add3A : f32 to vector<640x1xf32>
    %add3A_3 = arith.addf %add3A_2, %get3A_1 : vector<640x1xf32>
    %rsqrt3A = math.rsqrt %add3A_3 : vector<640x1xf32>
    %get3A_4 = arith.constant 0 : index
    %get3A_5 = arith.constant 0 : index
    %get3A_6 = arith.constant 0 : index
    %get3A_7 = vector.load %arg2[%get3A_4, %get3A_5, %get3A_6] : memref<2x640x128xf32, #tpu.memory_space<vmem>>, vector<1x640x128xf32>
    %get3A_8 = vector.shape_cast %get3A_7 : vector<1x640x128xf32> to vector<640x128xf32>
    %get3A_9 = arith.constant 1 : index
    %get3A_10 = arith.constant 0 : index
    %get3A_11 = arith.constant 0 : index
    %get3A_12 = vector.load %arg2[%get3A_9, %get3A_10, %get3A_11] : memref<2x640x128xf32, #tpu.memory_space<vmem>>, vector<1x640x128xf32>
    %get3A_13 = vector.shape_cast %get3A_12 : vector<1x640x128xf32> to vector<640x128xf32>
    %concatenate3A = tpu.concatenate %get3A_8, %get3A_13 in 1 : vector<640x128xf32>, vector<640x128xf32> -> vector<640x256xf32>
    %mul3A = vector.broadcast %rsqrt3A : vector<640x1xf32> to vector<640x256xf32>
    %mul3A_14 = arith.mulf %concatenate3A, %mul3A : vector<640x256xf32>
    %get3A_15 = arith.constant 0 : index
    %get3A_16 = arith.constant 0 : index
    %get3A_17 = vector.load %arg3[%get3A_15, %get3A_16] : memref<1x256xf32, #tpu.memory_space<vmem>>, vector<1x256xf32>
    %add3A_18 = vector.broadcast %get3A_17 : vector<1x256xf32> to vector<640x256xf32>
    %add3A_19 = arith.addf %mul3A_14, %add3A_18 : vector<640x256xf32>
    %max3A = arith.constant 0.000000e+00 : f32
    %max3A_20 = vector.broadcast %max3A : f32 to vector<640x256xf32>
    %max3A_21 = arith.maximumf %add3A_19, %max3A_20 : vector<640x256xf32>
    %get3A_22 = arith.constant 0 : index
    %get3A_23 = arith.constant 0 : index
    %get3A_24 = vector.load %arg4[%get3A_22, %get3A_23] : memref<256x256xf32, #tpu.memory_space<vmem>>, vector<256x256xf32>
    %dot_general3A = arith.constant dense<0.000000e+00> : vector<640x256xf32>
    %dot_general3A_25 = tpu.matmul %max3A_21, %get3A_24, %dot_general3A {dimension_numbers = #tpu.dot_dimension_numbers<[1], [0], [0], [1], [0, 0, 1, 1], [], []>, transpose_lhs_hint = false} : vector<640x256xf32>, vector<256x256xf32>, vector<640x256xf32> -> vector<640x256xf32>
    %mul3A_26 = vector.broadcast %rsqrt3A : vector<640x1xf32> to vector<640x256xf32>
    %mul3A_27 = arith.mulf %dot_general3A_25, %mul3A_26 : vector<640x256xf32>
    %slice3A = vector.extract_strided_slice %mul3A_27 {offsets = [0, 0], sizes = [640, 128], strides = [1, 1]} : vector<640x256xf32> to vector<640x128xf32>
    %swap3A = arith.constant 0 : index
    %swap3A_28 = arith.constant 0 : index
    %swap3A_29 = arith.constant 0 : index
    %swap3A_30 = vector.load %arg5[%swap3A, %swap3A_28, %swap3A_29] : memref<2x640x128xf32, #tpu.memory_space<vmem>>, vector<1x640x128xf32>
    %swap3A_31 = vector.shape_cast %swap3A_30 : vector<1x640x128xf32> to vector<640x128xf32>
    %swap3A_32 = vector.shape_cast %slice3A : vector<640x128xf32> to vector<1x640x128xf32>
    tpu.vector_store %arg5[%swap3A, %swap3A_28, %swap3A_29], %swap3A_32 {strides = array<i32>} : memref<2x640x128xf32, #tpu.memory_space<vmem>>, vector<1x640x128xf32>,
    %slice3A_33 = vector.extract_strided_slice %mul3A_27 {offsets = [0, 128], sizes = [640, 128], strides = [1, 1]} : vector<640x256xf32> to vector<640x128xf32>
    %swap3A_34 = arith.constant 1 : index
    %swap3A_35 = arith.constant 0 : index
    %swap3A_36 = arith.constant 0 : index
    %swap3A_37 = vector.load %arg5[%swap3A_34, %swap3A_35, %swap3A_36] : memref<2x640x128xf32, #tpu.memory_space<vmem>>, vector<1x640x128xf32>
    %swap3A_38 = vector.shape_cast %swap3A_37 : vector<1x640x128xf32> to vector<640x128xf32>
    %swap3A_39 = vector.shape_cast %slice3A_33 : vector<640x128xf32> to vector<1x640x128xf32>
    tpu.vector_store %arg5[%swap3A_34, %swap3A_35, %swap3A_36], %swap3A_39 {strides = array<i32>} : memref<2x640x128xf32, #tpu.memory_space<vmem>>, vector<1x640x128xf32>,
    return
  }
  func.func @transform_0(%arg0: i32) -> (i32, i32) {
    %c0_i32 = arith.constant 0 : i32
    %c0_i32_0 = arith.constant 0 : i32
    return %arg0, %c0_i32 : i32, i32
  }
  func.func @transform_1(%arg0: i32) -> (i32, i32, i32) {
    %c0_i32 = arith.constant 0 : i32
    %c0_i32_0 = arith.constant 0 : i32
    %c0_i32_1 = arith.constant 0 : i32
    return %c0_i32, %arg0, %c0_i32_0 : i32, i32, i32
  }
  func.func @transform_2(%arg0: i32) -> (i32, i32) {
    %c0_i32 = arith.constant 0 : i32
    %c0_i32_0 = arith.constant 0 : i32
    %c0_i32_1 = arith.constant 0 : i32
    return %c0_i32, %c0_i32_0 : i32, i32
  }
  func.func @transform_3(%arg0: i32) -> (i32, i32) {
    %c0_i32 = arith.constant 0 : i32
    %c0_i32_0 = arith.constant 0 : i32
    %c0_i32_1 = arith.constant 0 : i32
    return %c0_i32, %c0_i32_0 : i32, i32
  }
  func.func @transform_4(%arg0: i32) -> (i32, i32, i32) {
    %c0_i32 = arith.constant 0 : i32
    %c0_i32_0 = arith.constant 0 : i32
    %c0_i32_1 = arith.constant 0 : i32
    return %c0_i32, %arg0, %c0_i32_0 : i32, i32, i32
  }
}

module attributes {stable_mosaic.version = 14 : i64} {
  func.func @_tck3_body(%arg0: i32, %arg1: memref<640x16xf32, #tpu.memory_space<vmem>>, %arg2: memref<2x640x128xf32, #tpu.memory_space<vmem>>, %arg3: memref<1x256xf32, #tpu.memory_space<vmem>>, %arg4: memref<256x256xf32, #tpu.memory_space<vmem>>, %arg5: memref<1x256xf32, #tpu.memory_space<vmem>>, %arg6: memref<1x256xf32, #tpu.memory_space<vmem>>, %arg7: memref<1x256xf32, #tpu.memory_space<vmem>>) attributes {dimension_semantics = [#tpu.dimension_semantics<arbitrary>], iteration_bounds = array<i64: 16>, scalar_prefetch = 0 : i64, scratch_operands = 1 : i64, tpu.core_type = #tpu.core_type<tc>, window_params = [{transform_indices = @transform_0, window_bounds = array<i64: 640, 16>}, {transform_indices = @transform_1, window_bounds = array<i64: 2, 640, 128>}, {pipeline_mode = #tpu.pipeline_mode<synchronous>, transform_indices = @transform_2, window_bounds = array<i64: 1, 256>}, {pipeline_mode = #tpu.pipeline_mode<synchronous>, transform_indices = @transform_3, window_bounds = array<i64: 256, 256>}, {pipeline_mode = #tpu.pipeline_mode<synchronous>, transform_indices = @transform_4, window_bounds = array<i64: 1, 256>}, {pipeline_mode = #tpu.pipeline_mode<synchronous>, transform_indices = @transform_5, window_bounds = array<i64: 1, 256>}]} {
    %eq3A = arith.constant 0 : i32
    %eq3A_0 = arith.cmpi eq, %arg0, %eq3A : i32
    %convert_element_type3A = arith.extui %eq3A_0 : i1 to i32
    %cond3A = arith.constant 0 : i32
    %cond3A_1 = arith.cmpi ne, %convert_element_type3A, %cond3A : i32
    scf.if %cond3A_1 {
      %broadcast_in_dim3A_45 = arith.constant 0.000000e+00 : f32
      %broadcast_in_dim3A_46 = vector.broadcast %broadcast_in_dim3A_45 : f32 to vector<1x256xf32>
      %swap3A_47 = arith.constant 0 : index
      %swap3A_48 = arith.constant 0 : index
      %swap3A_49 = vector.load %arg7[%swap3A_47, %swap3A_48] : memref<1x256xf32, #tpu.memory_space<vmem>>, vector<1x256xf32>
      tpu.vector_store %arg7[%swap3A_47, %swap3A_48], %broadcast_in_dim3A_46 {strides = array<i32>} : memref<1x256xf32, #tpu.memory_space<vmem>>, vector<1x256xf32>,
    } else {
    }
    %get3A = arith.constant 0 : index
    %get3A_2 = arith.constant 0 : index
    %get3A_3 = vector.load %arg1[%get3A, %get3A_2] : memref<640x16xf32, #tpu.memory_space<vmem>>, vector<640x1xf32>
    %add3A = arith.constant 1.000000e+00 : f32
    %add3A_4 = vector.broadcast %add3A : f32 to vector<640x1xf32>
    %add3A_5 = arith.addf %add3A_4, %get3A_3 : vector<640x1xf32>
    %rsqrt3A = math.rsqrt %add3A_5 : vector<640x1xf32>
    %get3A_6 = arith.constant 0 : index
    %get3A_7 = arith.constant 0 : index
    %get3A_8 = arith.constant 0 : index
    %get3A_9 = vector.load %arg2[%get3A_6, %get3A_7, %get3A_8] : memref<2x640x128xf32, #tpu.memory_space<vmem>>, vector<1x640x128xf32>
    %get3A_10 = vector.shape_cast %get3A_9 : vector<1x640x128xf32> to vector<640x128xf32>
    %get3A_11 = arith.constant 1 : index
    %get3A_12 = arith.constant 0 : index
    %get3A_13 = arith.constant 0 : index
    %get3A_14 = vector.load %arg2[%get3A_11, %get3A_12, %get3A_13] : memref<2x640x128xf32, #tpu.memory_space<vmem>>, vector<1x640x128xf32>
    %get3A_15 = vector.shape_cast %get3A_14 : vector<1x640x128xf32> to vector<640x128xf32>
    %concatenate3A = tpu.concatenate %get3A_10, %get3A_15 in 1 : vector<640x128xf32>, vector<640x128xf32> -> vector<640x256xf32>
    %mul3A = vector.broadcast %rsqrt3A : vector<640x1xf32> to vector<640x256xf32>
    %mul3A_16 = arith.mulf %concatenate3A, %mul3A : vector<640x256xf32>
    %get3A_17 = arith.constant 0 : index
    %get3A_18 = arith.constant 0 : index
    %get3A_19 = vector.load %arg3[%get3A_17, %get3A_18] : memref<1x256xf32, #tpu.memory_space<vmem>>, vector<1x256xf32>
    %add3A_20 = vector.broadcast %get3A_19 : vector<1x256xf32> to vector<640x256xf32>
    %add3A_21 = arith.addf %mul3A_16, %add3A_20 : vector<640x256xf32>
    %max3A = arith.constant 0.000000e+00 : f32
    %max3A_22 = vector.broadcast %max3A : f32 to vector<640x256xf32>
    %max3A_23 = arith.maximumf %add3A_21, %max3A_22 : vector<640x256xf32>
    %mul3A_24 = arith.constant 640 : i32
    %mul3A_25 = arith.muli %arg0, %mul3A_24 : i32
    %iota3A = tpu.iota {dimensions = array<i32: 0>} : vector<640x1xi32>
    %add3A_26 = vector.broadcast %mul3A_25 : i32 to vector<640x1xi32>
    %add3A_27 = arith.addi %add3A_26, %iota3A : vector<640x1xi32>
    %lt3A = arith.constant 10000 : i32
    %lt3A_28 = vector.broadcast %lt3A : i32 to vector<640x1xi32>
    %lt3A_29 = arith.cmpi slt, %add3A_27, %lt3A_28 : vector<640x1xi32>
    %jit3A = arith.constant 0.000000e+00 : f32
    %broadcast_in_dim3A = vector.shape_cast %lt3A_29 : vector<640x1xi1> to vector<640x1xi1>
    %broadcast_in_dim3A_30 = vector.broadcast %broadcast_in_dim3A : vector<640x1xi1> to vector<640x256xi1>
    %broadcast_in_dim3A_31 = vector.broadcast %jit3A : f32 to vector<640x256xf32>
    %select_n3A = arith.select %broadcast_in_dim3A_30, %max3A_23, %broadcast_in_dim3A_31 : vector<640x256xi1>, vector<640x256xf32>
    %get3A_32 = arith.constant 0 : index
    %get3A_33 = arith.constant 0 : index
    %get3A_34 = vector.load %arg7[%get3A_32, %get3A_33] : memref<1x256xf32, #tpu.memory_space<vmem>>, vector<1x256xf32>
    %reduce_sum3A = arith.constant dense<0.000000e+00> : vector<256xf32>
    %reduce_sum3A_35 = vector.multi_reduction <add>, %select_n3A, %reduce_sum3A [0] : vector<640x256xf32> to vector<256xf32>
    %broadcast_in_dim3A_36 = vector.shape_cast %reduce_sum3A_35 : vector<256xf32> to vector<1x256xf32>
    %add3A_37 = arith.addf %get3A_34, %broadcast_in_dim3A_36 : vector<1x256xf32>
    %swap3A = arith.constant 0 : index
    %swap3A_38 = arith.constant 0 : index
    %swap3A_39 = vector.load %arg7[%swap3A, %swap3A_38] : memref<1x256xf32, #tpu.memory_space<vmem>>, vector<1x256xf32>
    tpu.vector_store %arg7[%swap3A, %swap3A_38], %add3A_37 {strides = array<i32>} : memref<1x256xf32, #tpu.memory_space<vmem>>, vector<1x256xf32>,
    %eq3A_40 = arith.constant 15 : i32
    %eq3A_41 = arith.cmpi eq, %arg0, %eq3A_40 : i32
    %convert_element_type3A_42 = arith.extui %eq3A_41 : i1 to i32
    %cond3A_43 = arith.constant 0 : i32
    %cond3A_44 = arith.cmpi ne, %convert_element_type3A_42, %cond3A_43 : i32
    scf.if %cond3A_44 {
      %get3A_45 = arith.constant 0 : index
      %get3A_46 = arith.constant 0 : index
      %get3A_47 = vector.load %arg7[%get3A_45, %get3A_46] : memref<1x256xf32, #tpu.memory_space<vmem>>, vector<1x256xf32>
      %mul3A_48 = arith.constant 9.99999974E-5 : f32
      %mul3A_49 = vector.broadcast %mul3A_48 : f32 to vector<1x256xf32>
      %mul3A_50 = arith.mulf %get3A_47, %mul3A_49 : vector<1x256xf32>
      %get3A_51 = arith.constant 0 : index
      %get3A_52 = arith.constant 0 : index
      %get3A_53 = vector.load %arg4[%get3A_51, %get3A_52] : memref<256x256xf32, #tpu.memory_space<vmem>>, vector<256x256xf32>
      %dot_general3A = arith.constant dense<0.000000e+00> : vector<1x256xf32>
      %dot_general3A_54 = tpu.matmul %mul3A_50, %get3A_53, %dot_general3A {dimension_numbers = #tpu.dot_dimension_numbers<[1], [0], [0], [1], [0, 0, 1, 1], [], []>, transpose_lhs_hint = false} : vector<1x256xf32>, vector<256x256xf32>, vector<1x256xf32> -> vector<1x256xf32>
      %get3A_55 = arith.constant 0 : index
      %get3A_56 = arith.constant 0 : index
      %get3A_57 = vector.load %arg5[%get3A_55, %get3A_56] : memref<1x256xf32, #tpu.memory_space<vmem>>, vector<1x256xf32>
      %add3A_58 = arith.addf %dot_general3A_54, %get3A_57 : vector<1x256xf32>
      %swap3A_59 = arith.constant 0 : index
      %swap3A_60 = arith.constant 0 : index
      %swap3A_61 = vector.load %arg6[%swap3A_59, %swap3A_60] : memref<1x256xf32, #tpu.memory_space<vmem>>, vector<1x256xf32>
      tpu.vector_store %arg6[%swap3A_59, %swap3A_60], %add3A_58 {strides = array<i32>} : memref<1x256xf32, #tpu.memory_space<vmem>>, vector<1x256xf32>,
    } else {
    }
    return
  }
  func.func @transform_0(%arg0: i32) -> (i32, i32) {
    %c0_i32 = arith.constant 0 : i32
    %c0_i32_0 = arith.constant 0 : i32
    return %arg0, %c0_i32 : i32, i32
  }
  func.func @transform_1(%arg0: i32) -> (i32, i32, i32) {
    %c0_i32 = arith.constant 0 : i32
    %c0_i32_0 = arith.constant 0 : i32
    %c0_i32_1 = arith.constant 0 : i32
    return %c0_i32, %arg0, %c0_i32_0 : i32, i32, i32
  }
  func.func @transform_2(%arg0: i32) -> (i32, i32) {
    %c0_i32 = arith.constant 0 : i32
    %c0_i32_0 = arith.constant 0 : i32
    %c0_i32_1 = arith.constant 0 : i32
    return %c0_i32, %c0_i32_0 : i32, i32
  }
  func.func @transform_3(%arg0: i32) -> (i32, i32) {
    %c0_i32 = arith.constant 0 : i32
    %c0_i32_0 = arith.constant 0 : i32
    %c0_i32_1 = arith.constant 0 : i32
    return %c0_i32, %c0_i32_0 : i32, i32
  }
  func.func @transform_4(%arg0: i32) -> (i32, i32) {
    %c0_i32 = arith.constant 0 : i32
    %c0_i32_0 = arith.constant 0 : i32
    %c0_i32_1 = arith.constant 0 : i32
    return %c0_i32, %c0_i32_0 : i32, i32
  }
  func.func @transform_5(%arg0: i32) -> (i32, i32) {
    %c0_i32 = arith.constant 0 : i32
    %c0_i32_0 = arith.constant 0 : i32
    %c0_i32_1 = arith.constant 0 : i32
    return %c0_i32, %c0_i32_0 : i32, i32
  }
}

</mosaic_0001>

<sc_bundles>
// kernel: kernel.11.cloned.1.call-start
scs
__scs_entry_jumppad:
0x0: {  	(pc) =	sbr.rel $0x88, $3  }
0x1: {  	(tag) =	ssettag $0x0;
	lr =	simm.s32 $0x1  }
0x2: {  	[smem:$0x3F99] =	sst lr;
	_ =	strace $0xD0000000  }
0x3: {  	_ = 	snop  }
0x4: {  	_ = 	snop  }
0x5: {  	_ = 	snop  }
0x6: {  	_ = 	snop  }
0x7: {  	_ = 	snop  }
__scs_overlays_trampoline_lowered:
0x8: {  	[smem:$0x3FA8] =	sst s0  }
0x9: {  	[smem:$0x3FA9] =	sst s1  }
0xa: {  	[smem:$0x3FAA] =	sst s2  }
0xb: {  	[smem:$0x3FAB] =	sst s3  }
0xc: {  	[smem:$0x3FAC] =	sst s4  }
0xd: {  	[smem:$0x3FAD] =	sst s5  }
0xe: {  	[smem:$0x3FAE] =	sst s6  }
0xf: {  	[smem:$0x3FAF] =	sst s7  }
0x10: {  	[smem:$0x3FB0] =	sst s8  }
0x11: {  	[smem:$0x3FB1] =	sst s9;
	s0 =	simm.s32 @!p0 $0x0  }
0x12: {  	s1 =	sld [smem:$0x3F97];
	s0 =	simm.s32 @p0 $0x1  }
0x13: {  	[smem:$0x3FB2] =	sst s0;
	s0 =	simm.s32 @!p1 $0x0  }
0x14: {  	s2 =	sld [smem:$0x3F96];
	s0 =	simm.s32 @p1 $0x1  }
0x15: {  	[smem:$0x3FB3] =	sst s0;
	s0 =	simm.s32 @!p2 $0x0  }
0x16: {  	s3 =	sld [smem:$0x3FDB];
	s0 =	simm.s32 @p2 $0x1  }
0x17: {  	s4 =	simm.s32 $0x1BF5;
	[smem:$0x3FB5] =	sst s0  }
0x18: {  	s0 =	sld [smem:$0x3F98];
	_ =	swait.ge [sflag:s4], $0x0  }
0x19: {  	s7 =	sld [smem:$0x3F99]  }
0x1a: {  	s8 =	sadd.s32 $0xFFFFE003, lr  }
0x1b: {  	s9 =	sadd.s32 $0xFFFFFEF7, lr;
	s5 =	simm.s32 $0xFFFFFFFF;
	p2 =	slt.u32 s8, $0xFFFFF086  }
0x1c: {  	p1 =	slt.u32 s9, $0xF7A;
	s5 =	simm.s32 @!p2 $0x0  }
0x1d: {  	s5 =	simm.s32 @p1 $0x1;
	p0 =	seq.s32 s7, s2  }
0x1e: {  	s7 =	smul.u32 @!p0 $0xF7A, s2;
	p2 =	seq.s32 @!p0 s5, $0x0  }
0x1f: {  	s9 =	smul.u32 $0xF7A, s1;
	s8 =	simm.s32 @!p0 $0x1BF5;
	p2 =	por !p2, p0  }
0x20: {  	[sflag:s8] =	ssyncset.s32 @!p0 $0xFFFFF086;
	s6 =	sadd.s32 @!p0 s3, s7;
	s7 =	simm.s32 @!p0 $0x108  }
0x21: {  	s3 =	sadd.s32 s3, s9;
	s6 =	sadd.s32 @!p0 $0x88, s6;
	s7 =	simm.s32 @p2 $0x1082  }
0x22: {  	[simem:s7], [sflag:s8] =	dma.local @!p0 [hbm:s6], $0xF7A  }
0x23: {  	s9 =	sor.u32 $0xD0000000, s2;
	s6 =	simm.s32 $0x108;
	_ =	swait.ge @!p0 [sflag:s8], $0x0  }
0x24: {  	s3 =	sadd.s32 $0x88, s3;
	s6 =	simm.s32 @!p1 $0x1082;
	[sflag:s4] =	ssyncset.s32 $0xFFFFF086  }
0x25: {  	[simem:s6], [sflag:s4] =	dma.local [hbm:s3], $0xF7A  }
0x26: {  	[smem:$0x3F99] =	sst s1;
	(tag) =	ssettag s2;
	_ =	strace s9  }
0x27: {  	s1 =	sld [smem:$0x3FA9]  }
0x28: {  	s2 =	sld [smem:$0x3FAA]  }
0x29: {  	s4 =	sld [smem:$0x3FAC]  }
0x2a: {  	p0 =	seq.s32 s5, $0x0;
	s5 =	sld [smem:$0x3FAD]  }
0x2b: {  	s6 =	sld [smem:$0x3FAE]  }
0x2c: {  	s7 =	sld [smem:$0x3FAF]  }
0x2d: {  	s3 =	simm.s32 $0x108;
	s8 =	sld [smem:$0x3FB0]  }
0x2e: {  	s3 =	simm.s32 @!p0 $0x1082;
	s9 =	sld [smem:$0x3FB1]  }
0x2f: {  	lr =	sadd.s32 s0, s3;
	s0 =	sld [smem:$0x3FA8]  }
0x30: {  	s3 =	sld [smem:$0x3FAB]  }
0x31: {  	[smem:$0x3FB4] =	sst s10  }
0x32: {  	s10 =	sld [smem:$0x3FB2];
	_ =	sdelay $0x3  }
0x33: {  	p0 =	seq.s32 s10, $0x1;
	s10 =	sld [smem:$0x3FB4];
	_ =	sdelay $0x3  }
0x34: {  	[smem:$0x3FB4] =	sst s10  }
0x35: {  	s10 =	sld [smem:$0x3FB3];
	_ =	sdelay $0x3  }
0x36: {  	p1 =	seq.s32 s10, $0x1;
	s10 =	sld [smem:$0x3FB4];
	_ =	sdelay $0x3  }
0x37: {  	[smem:$0x3FB4] =	sst s10  }
0x38: {  	s10 =	sld [smem:$0x3FB5]  }
0x39: {  	_ = 	snop;
	(pc) =	sbr.ind lr, $3  }
0x3a: {  	_ = 	snop  }
0x3b: {  	_ = 	snop  }
0x3c: {  	p2 =	seq.s32 s10, $0x1;
	s10 =	sld [smem:$0x3FB4]  }
0x3d: {  	_ =	shalt  }
0x3e: {  	_ =	shalt  }
0x3f: {  	_ =	shalt  }
0x40: {  	_ =	shalt  }
0x41: {  	_ =	shalt  }
0x42: {  	_ =	shalt  }
0x43: {  	_ =	shalt  }
0x44: {  	_ =	shalt  }
0x45: {  	_ =	shalt  }
0x46: {  	_ =	shalt  }
0x47: {  	_ =	shalt  }
0x48: {  	_ =	shalt  }
0x49: {  	_ =	shalt  }
0x4a: {  	_ =	shalt  }
0x4b: {  	_ =	shalt  }
0x4c: {  	_ =	shalt  }
0x4d: {  	_ =	shalt  }
0x4e: {  	_ =	shalt  }
0x4f: {  	_ =	shalt  }
0x50: {  	_ =	shalt  }
0x51: {  	_ =	shalt  }
0x52: {  	_ =	shalt  }
0x53: {  	_ =	shalt  }
0x54: {  	_ =	shalt  }
0x55: {  	_ =	shalt  }
0x56: {  	_ =	shalt  }
0x57: {  	_ =	shalt  }
0x58: {  	_ =	shalt  }
0x59: {  	_ =	shalt  }
0x5a: {  	_ =	shalt  }
0x5b: {  	_ =	shalt  }
0x5c: {  	_ =	shalt  }
0x5d: {  	_ =	shalt  }
0x5e: {  	_ =	shalt  }
0x5f: {  	_ =	shalt  }
0x60: {  	_ =	shalt  }
0x61: {  	_ =	shalt  }
0x62: {  	_ =	shalt  }
0x63: {  	_ =	shalt  }
0x64: {  	_ =	shalt  }
0x65: {  	_ =	shalt  }
0x66: {  	_ =	shalt  }
0x67: {  	_ =	shalt  }
0x68: {  	_ =	shalt  }
0x69: {  	_ =	shalt  }
0x6a: {  	_ =	shalt  }
0x6b: {  	_ =	shalt  }
0x6c: {  	_ =	shalt  }
0x6d: {  	_ =	shalt  }
0x6e: {  	_ =	shalt  }
0x6f: {  	_ =	shalt  }
0x70: {  	_ =	shalt  }
0x71: {  	_ =	shalt  }
0x72: {  	_ =	shalt  }
0x73: {  	_ =	shalt  }
0x74: {  	_ =	shalt  }
0x75: {  	_ =	shalt  }
0x76: {  	_ =	shalt  }
0x77: {  	_ =	shalt  }
0x78: {  	_ =	shalt  }
0x79: {  	_ =	shalt  }
0x7a: {  	_ =	shalt  }
0x7b: {  	_ =	shalt  }
0x7c: {  	_ =	shalt  }
0x7d: {  	_ =	shalt  }
0x7e: {  	_ =	shalt  }
0x7f: {  	_ =	shalt  }
0x80: {  	_ =	shalt  }
0x81: {  	_ =	shalt  }
0x82: {  	_ =	shalt  }
0x83: {  	_ =	shalt  }
0x84: {  	_ =	shalt  }
0x85: {  	_ =	shalt  }
0x86: {  	_ =	shalt  }
0x87: {  	_ =	shalt  }
.Lfunc_end0:
.L_simem_size_0:
called_computation.1_lowered:
.L_overlay_start_0:
0x88: {  	s2 =	sld [smem:$0x3FD9]  }
0x89: {  	s3 =	sld [smem:$0x3FFE];
	_ =	sdelay $0x1  }
0x8a: {  	s1 =	srdreg.scid  }
0x8b: {  	s0 =	sand.u32 $0x1, s1  }
0x8c: {  	s16 =	sshll.u32 s0, $0xA;
	s2 =	sadd.s32 s3, s2  }
0x8d: {  	s2 =	sadd.s32 s2, s16  }
0x8e: {  	[smem:$0x3FC0] =	sst s2  }
0x8f: {  	_ = 	snop  }
0x90: {  	(tm) =	ssettm $0x1  }
0x91: {  	s17 =	sld [smem:$0x3FFB];
	_ =	sdelay $0x3  }
0x92: {  	_ =	strace s17  }
0x93: {  	s2 =	sld [smem:$0x3FFC];
	_ =	sdelay $0x3  }
0x94: {  	_ =	strace s2  }
0x95: {  	s2 =	sld [smem:$0x3FFD];
	_ =	sdelay $0x3  }
0x96: {  	_ =	strace s2  }
0x97: {  	_ =	strace $0x8FFFFFFF  }
0x98: {  	s18 =	sld [smem:$0x3FDB];
	_ =	sdelay $0x1  }
0x99: {  	s19 =	simm.s32 $_scs_section_size  }
0x9a: {  	s4 =	simm.s32 $_size__tile_overlayer_lowered;
	s5 =	simm.s32 $_tile_overlayer_lowered  }
0x9b: {  	s22 =	simm.s32 $0x1BFF;
	s21 =	sshll.u32 s5, $0x1;
	s2 =	sadd.s32 s19, s18  }
0x9c: {  	s6 =	simm.s32 $0x0;
	s20 =	sshll.u32 s4, $0x1;
	s4 =	sadd.s32 s21, s2  }
0x9d: {  	[timem:s6], [sflag:s22] =	dma.local [hbm:s4], s20  }
0x9e: {  	_ =	swait.ge [sflag:s22], s20  }
0x9f: {  	s3 =	ssub.s32 $0x0, s20;
	[sflag:s22] =	ssyncset.done $0x0  }
0xa0: {  	[sflag:s22] =	ssyncadd.s32 s3;
	_ =	sdelay $0x1  }
0xa1: {  	s23 =	simm.s32 $0x1B8B  }
0xa2: {  	_ =	swait.ge [sflag:s23], $0x1  }
0xa3: {  	[sflag:s23] =	ssyncset.done $0x0  }
0xa4: {  	s25 =	simm.s32 $0x1B8E;
	s24 =	sld [smem:$0x3FFE];
	[sflag:s23] =	ssyncadd.s32 $0xFFFFFFFF  }
0xa5: {  	s26 =	simm.s32 $execute0_lowered;
	[smem:$0x3FD2] =	sst s25  }
0xa6: {  	s4 =	sshll.u32 s26, $0x1;
	_ =	strace $0x80000049;
	[dreg:$0x1] =	wrdreg $0xFFFFFFFF  }
0xa7: {  	s28 =	simm.s32 $_size_execute0_lowered;
	s2 =	sadd.s32 s2, s4;
	[dreg:$0x0] =	wrdreg $0x0  }
0xa8: {  	s4 =	sshll.u32 s28, $0x1;
	[dreg:$0x2] =	wrdreg s2  }
0xa9: {  	[dreg:$0x3] =	wrdreg s4  }
0xaa: {  	[dreg:$0x4] =	wrdreg $0xC0  }
0xab: {  	_ =	task [dreg:s6], $0x5FFFF  }
0xac: {  	[dreg:$0x1] =	wrdreg $0xFFFFFFFF  }
0xad: {  	[dreg:$0x0] =	wrdreg $0x60  }
0xae: {  	[dreg:$0x2] =	wrdreg s24  }
0xaf: {  	[dreg:$0x3] =	wrdreg $0xA8000  }
0xb0: {  	[dreg:$0x4] =	wrdreg $0x9  }
0xb1: {  	_ =	task.clear_ibuf [dreg:s6], $0x5FFFF;
	_ =	strace $0x90000049  }
0xb2: {  	s29 =	simm.s32 $0x9;
	_ =	strace $0x8000004B  }
0xb3: {  	_ =	swait.ge [sflag:s29], $0x1  }
0xb4: {  	[sflag:s29] =	ssyncadd.s32 $0xFFFFFFFF  }
0xb5: {  	_ =	strace $0x9000004B  }
0xb6: {  	_ =	sfence  }
0xb7: {  	s30 =	sld [smem:$0x0];
	_ =	sdelay $0x2  }
0xb8: {  	s31 =	sshll.u32 s1, $0xD;
	s1 =	sshrl.u32 s1, $0x2  }
0xb9: {  	s3 =	sand.u32 $0x4000, s31;
	s1 =	sadd.s32 s1, s30  }
0xba: {  	s0 =	sor.u32 s3, s0;
	s1 =	sshll.u32 s1, $0x11  }
0xbb: {  	s0 =	sor.u32 s1, s0  }
0xbc: {  	s0 =	sadd.s32 $0x8F2B, s0  }
0xbd: {  	[sflag:s0] =	ssyncadd.remote.s32 $0x1  }
0xbe: {  	_ =	sfence.sel $0xFFFF  }
0xbf: {  	[dreg:$0x0] =	wrdreg $0xFFFFFFFF;
	(pc) =	sbr.abs _section_cstart, $3  }
0xc0: {  	[dreg:$0x1] =	wrdreg $0xFFFFFFFF  }
0xc1: {  	_ =	task.clear_ibuf [dreg:s6], $0x2FFFF;
	_ =	strace $0x9FFFFFFF  }
0xc2: {  	(tm) =	ssettm $0x7FFFFFFF  }
0xc3: {  	_ =	shalt  }
tec
execute0_lowered:
.L_overlay_start_1:
0x0: {  	(tag) =	ssettag $0x1  }
0x1: {  	s0 =	srdreg.scid;
	s1 =	rddreg [dreg:$0x0]  }
0x2: {  	s10 =	stileid.u32;
	s2 =	rddreg [dreg:$0x1]  }
0x3: {  	s3 =	simm.s32 $0x0;
	s18 =	simm.s32 $0x5;
	s5 =	smul.u32 $0x5000, s10  }
0x4: {  	s28 =	simm.s32 $0x8800;
	s29 =	simm.s32 $0x1;
	s8 =	smul.u32 $0x278, s10  }
0x5: {  	s30 =	simm.s32 $0x2;
	s0 =	sand.u32 $0x1, s0;
	s19 =	smul.u32 $0x4F000, s10  }
0x6: {  	s31 =	simm.s32 $0x3;
	[smem:$0x7FF] =	sst s3;
	s4 =	smul.u32 $0x50000, s0  }
0x7: {  	s20 =	sshll.u32 s10, $0x6;
	s6 =	smul.u32 $0x2800, s0;
	s0 =	ssub.s32 $0x2, s0  }
0x8: {  	_ =	strace $0x8000004A;
	s9 =	sshrl.u32 s0, $0x1;
	s7 =	sadd.s32 s5, s4  }
0x9: {  	s4 =	sadd.s32 $0x89600, s1;
	s5 =	sshrl.u32 s5, $0x3;
	s6 =	sadd.s32 s8, s6  }
0xa: {  	s0 =	ssub.s32 s0, s9;
	s8 =	sshrl.u32 s19, $0x2;
	s19 =	simm.s32 $0x1400  }
0xb: {  	s9 =	simm.s32 $0x0;
	s7 =	sshrl.u32 s7, $0x3;
	s6 =	sshll.u32 s6, $0x4  }
0xc: {  	s5 =	sadd.s32 s5, s1;
	s8 =	sadd.s32 s8, s2;
	s16 =	smax.u32 s0, $0x1  }
0xd: {  	s0 =	simm.s32 $0x2600;
	s7 =	sadd.s32 s7, s1;
	s1 =	sadd.s32 s6, s1  }
0xe: {  	s6 =	sadd.s32 s4, s6;
	s22 =	sadd.s32 $0x7F600, s5;
	s24 =	sadd.s32 $0x7F880, s5  }
0xf: {  	s26 =	sadd.s32 $0x7FB00, s5;
	s14 =	sadd.s32 $0x7FD80, s5;
	s17 =	sshrl.u32 s8, $0x3  }
0x10: {  	s5 =	simm.s32 $0x2680;
	s8 =	simm.s32 $0x2780;
	[dreg:$0x3] =	wrdreg s6  }
0x11: {  	s6 =	sor.u32 $0x1C05, s20;
	s21 =	sadd.s32 $0xD9600, s7;
	[dreg:$0x5] =	wrdreg s22  }
0x12: {  	s23 =	sadd.s32 $0xD9880, s7;
	[dreg:$0x7] =	wrdreg s24;
	s25 =	sadd.s32 $0xD9B00, s7  }
0x13: {  	[dreg:$0x9] =	wrdreg s26;
	s13 =	sadd.s32 $0xD9D80, s7;
	s15 =	sadd.s32 $0x2600, s1  }
0x14: {  	s20 =	simm.s32 $0x40;
	s22 =	simm.s32 $0x80;
	[dreg:$0x4] =	wrdreg s21  }
0x15: {  	s24 =	simm.s32 $0x100;
	s26 =	simm.s32 $0x180;
	[dreg:$0x6] =	wrdreg s23  }
0x16: {  	s1 =	simm.s32 $0x4;
	s7 =	simm.s32 $0x2700;
	[dreg:$0x8] =	wrdreg s25  }
0x17: {  	s21 =	simm.s32 $0x2800;
	s23 =	simm.s32 $0x4800;
	s25 =	simm.s32 $0x6800  }
.LBB2_1:
0x18: {  	s10 =	rddreg [dreg:$0x3]  }
0x19: {  	[spmem:s17], [sflag:s6] =	dma.local [hbm:s10], $0x2780  }
0x1a: {  	_ =	swait.ge [sflag:s18], $0x2780  }
0x1b: {  	[sflag:s18] =	ssyncset.done $0x0  }
0x1c: {  	[sflag:s18] =	ssyncadd.s32 $0xFFFFD880  }
0x1d: {  	[bflag:$0x0] =	sbarrier.arrive $0xFFFF  }
0x1e: {  	s12 =	rddreg [dreg:$0x4]  }
0x1f: {  	[tilespmem:s3], [sflag:$0x5] =	stream.linear.gather [hbm4b:s12+s3], $0x1400, $0x38;
	[tilespmem:$0x1E400] =	vst v63  }
0x20: {  	_ =	swait.ge [sflag:s18], $0x1400  }
0x21: {  	[sflag:s18] =	ssyncset.done $0x0  }
0x22: {  	s11 =	rddreg [dreg:$0x5];
	[sflag:s18] =	ssyncadd.s32 $0xFFFFEC00  }
0x23: {  	[tilespmem:s19], [sflag:$0x5] =	stream.linear.gather [hbm4b:s11+s3], $0x1400, $0x38;
	[tilespmem:$0x1E400] =	vst v63  }
0x24: {  	_ =	swait.ge [sflag:s18], $0x1400  }
0x25: {  	[sflag:s18] =	ssyncset.done $0x0  }
0x26: {  	[sflag:s18] =	ssyncadd.s32 $0xFFFFEC00  }
0x27: {  	[tilespmem:s21], [sflag:$0x1] =	stream.indirect.gather [hbm4b:s4+s20], $0x80, s3, s20, $0xb8;
	[tilespmem:$0x1E400] =	vst v63  }
0x28: {  	_ = 	snop  }
0x29: {  	[tilespmem:s23], [sflag:$0x2] =	stream.indirect.gather [hbm4b:s4+s20], $0x80, s22, s20, $0xb8;
	[tilespmem:$0x1E400] =	vst v63  }
0x2a: {  	_ = 	snop  }
0x2b: {  	[tilespmem:s25], [sflag:$0x3] =	stream.indirect.gather [hbm4b:s4+s20], $0x80, s24, s20, $0xb8;
	[tilespmem:$0x1E400] =	vst v63  }
0x2c: {  	_ = 	snop  }
0x2d: {  	[tilespmem:s28], [sflag:$0x4] =	stream.indirect.gather [hbm4b:s4+s20], $0x80, s26, s20, $0xb8;
	[tilespmem:$0x1E400] =	vst v63  }
0x2e: {  	_ =	swait.ge [sflag:s29], $0x2000  }
0x2f: {  	[sflag:s29] =	ssyncset.done $0x0  }
0x30: {  	s12 =	simm.s32 $0x1400;
	[sflag:s29] =	ssyncadd.s32 $0xFFFFE000  }
0x31: {  	[spmem:s2] =	stream.indirect.scatter.add.f32 [tilespmem:s21], [sflag:$0x5], $0x80, s12, s20, $0xb8;
	[tilespmem:$0x1E400] =	vst v63  }
0x32: {  	_ =	swait.ge [sflag:s18], $0x2000  }
0x33: {  	[sflag:s18] =	ssyncset.done $0x0  }
0x34: {  	s11 =	simm.s32 $0x200;
	[sflag:s18] =	ssyncadd.s32 $0xFFFFE000  }
0x35: {  	[tilespmem:s21], [sflag:$0x1] =	stream.indirect.gather [hbm4b:s4+s20], $0x80, s11, s20, $0xb8;
	[tilespmem:$0x1E400] =	vst v63  }
0x36: {  	_ =	swait.ge [sflag:s30], $0x2000  }
0x37: {  	[sflag:s30] =	ssyncset.done $0x0  }
0x38: {  	s12 =	simm.s32 $0x1480;
	[sflag:s30] =	ssyncadd.s32 $0xFFFFE000  }
0x39: {  	[spmem:s2] =	stream.indirect.scatter.add.f32 [tilespmem:s23], [sflag:$0x5], $0x80, s12, s20, $0xb8;
	[tilespmem:$0x1E400] =	vst v63  }
0x3a: {  	_ =	swait.ge [sflag:s18], $0x2000  }
0x3b: {  	[sflag:s18] =	ssyncset.done $0x0  }
0x3c: {  	s11 =	simm.s32 $0x280;
	[sflag:s18] =	ssyncadd.s32 $0xFFFFE000  }
0x3d: {  	[tilespmem:s23], [sflag:$0x2] =	stream.indirect.gather [hbm4b:s4+s20], $0x80, s11, s20, $0xb8;
	[tilespmem:$0x1E400] =	vst v63  }
0x3e: {  	_ =	swait.ge [sflag:s31], $0x2000  }
0x3f: {  	[sflag:s31] =	ssyncset.done $0x0  }
0x40: {  	s12 =	simm.s32 $0x1500;
	[sflag:s31] =	ssyncadd.s32 $0xFFFFE000  }
0x41: {  	[spmem:s2] =	stream.indirect.scatter.add.f32 [tilespmem:s25], [sflag:$0x5], $0x80, s12, s20, $0xb8;
	[tilespmem:$0x1E400] =	vst v63  }
0x42: {  	_ =	swait.ge [sflag:s18], $0x2000  }
0x43: {  	[sflag:s18] =	ssyncset.done $0x0  }
0x44: {  	s11 =	simm.s32 $0x300;
	[sflag:s18] =	ssyncadd.s32 $0xFFFFE000  }
0x45: {  	[tilespmem:s25], [sflag:$0x3] =	stream.indirect.gather [hbm4b:s4+s20], $0x80, s11, s20, $0xb8;
	[tilespmem:$0x1E400] =	vst v63  }
0x46: {  	_ =	swait.ge [sflag:s1], $0x2000  }
0x47: {  	[sflag:s1] =	ssyncset.done $0x0  }
0x48: {  	s12 =	simm.s32 $0x1580;
	[sflag:s1] =	ssyncadd.s32 $0xFFFFE000  }
0x49: {  	[spmem:s2] =	stream.indirect.scatter.add.f32 [tilespmem:s28], [sflag:$0x5], $0x80, s12, s20, $0xb8;
	[tilespmem:$0x1E400] =	vst v63  }
0x4a: {  	_ =	swait.ge [sflag:s18], $0x2000  }
0x4b: {  	[sflag:s18] =	ssyncset.done $0x0  }
0x4c: {  	s10 =	simm.s32 $0x800;
	s11 =	simm.s32 $0x380;
	[sflag:s18] =	ssyncadd.s32 $0xFFFFE000  }
.LBB2_2:
0x4d: {  	[tilespmem:s28], [sflag:$0x4] =	stream.indirect.gather [hbm4b:s4+s20], $0x80, s11, s20, $0xb8;
	[tilespmem:$0x1E400] =	vst v63  }
0x4e: {  	s11 =	smov.u32 s10  }
0x4f: {  	p0 =	sne.s32 s10, $0x4000;
	s10 =	sadd.s32 $0x800, s10;
	_ =	swait.ge [sflag:s29], $0x2000  }
0x50: {  	s11 =	sshra.s32 s11, $0x2;
	[sflag:s29] =	ssyncset.done $0x0  }
0x51: {  	s12 =	sadd.s32 $0x1400, s11;
	[sflag:s29] =	ssyncadd.s32 $0xFFFFE000  }
0x52: {  	[spmem:s2] =	stream.indirect.scatter.add.f32 [tilespmem:s21], [sflag:$0x5], $0x80, s12, s20, $0xb8;
	[tilespmem:$0x1E400] =	vst v63  }
0x53: {  	_ =	swait.ge [sflag:s18], $0x2000  }
0x54: {  	[sflag:s18] =	ssyncset.done $0x0  }
0x55: {  	s12 =	sadd.s32 $0x200, s11;
	[sflag:s18] =	ssyncadd.s32 $0xFFFFE000  }
0x56: {  	[tilespmem:s21], [sflag:$0x1] =	stream.indirect.gather [hbm4b:s4+s20], $0x80, s12, s20, $0xb8;
	[tilespmem:$0x1E400] =	vst v63  }
0x57: {  	_ =	swait.ge [sflag:s30], $0x2000  }
0x58: {  	[sflag:s30] =	ssyncset.done $0x0  }
0x59: {  	s12 =	sadd.s32 $0x1480, s11;
	[sflag:s30] =	ssyncadd.s32 $0xFFFFE000  }
0x5a: {  	[spmem:s2] =	stream.indirect.scatter.add.f32 [tilespmem:s23], [sflag:$0x5], $0x80, s12, s20, $0xb8;
	[tilespmem:$0x1E400] =	vst v63  }
0x5b: {  	_ =	swait.ge [sflag:s18], $0x2000  }
0x5c: {  	[sflag:s18] =	ssyncset.done $0x0  }
0x5d: {  	s12 =	sadd.s32 $0x280, s11;
	[sflag:s18] =	ssyncadd.s32 $0xFFFFE000  }
0x5e: {  	[tilespmem:s23], [sflag:$0x2] =	stream.indirect.gather [hbm4b:s4+s20], $0x80, s12, s20, $0xb8;
	[tilespmem:$0x1E400] =	vst v63  }
0x5f: {  	_ =	swait.ge [sflag:s31], $0x2000  }
0x60: {  	[sflag:s31] =	ssyncset.done $0x0  }
0x61: {  	s12 =	sadd.s32 $0x1500, s11;
	[sflag:s31] =	ssyncadd.s32 $0xFFFFE000  }
0x62: {  	[spmem:s2] =	stream.indirect.scatter.add.f32 [tilespmem:s25], [sflag:$0x5], $0x80, s12, s20, $0xb8;
	[tilespmem:$0x1E400] =	vst v63  }
0x63: {  	_ =	swait.ge [sflag:s18], $0x2000  }
0x64: {  	[sflag:s18] =	ssyncset.done $0x0  }
0x65: {  	s12 =	sadd.s32 $0x300, s11;
	[sflag:s18] =	ssyncadd.s32 $0xFFFFE000  }
0x66: {  	[tilespmem:s25], [sflag:$0x3] =	stream.indirect.gather [hbm4b:s4+s20], $0x80, s12, s20, $0xb8;
	[tilespmem:$0x1E400] =	vst v63  }
0x67: {  	_ =	swait.ge [sflag:s1], $0x2000  }
0x68: {  	[sflag:s1] =	ssyncset.done $0x0  }
.Ltmp0:
0x69: {  	s12 =	sadd.s32 $0x1580, s11;
	[sflag:s1] =	ssyncadd.s32 $0xFFFFE000;
	(pc) =	sbr.rel @p0 .LBB2_2-.Ltmp0, $4  }
0x6a: {  	[spmem:s2] =	stream.indirect.scatter.add.f32 [tilespmem:s28], [sflag:$0x5], $0x80, s12, s20, $0xb8;
	[tilespmem:$0x1E400] =	vst v63  }
0x6b: {  	_ =	swait.ge [sflag:s18], $0x2000  }
0x6c: {  	[sflag:s18] =	ssyncset.done $0x0  }
0x6d: {  	s11 =	sadd.s32 $0x380, s11;
	[sflag:s18] =	ssyncadd.s32 $0xFFFFE000  }
0x6e: {  	[tilespmem:s28], [sflag:$0x4] =	stream.indirect.gather [hbm4b:s4+s20], $0x80, s11, s20, $0xb8;
	[tilespmem:$0x1E400] =	vst v63  }
0x6f: {  	_ =	swait.ge [sflag:s29], $0x2000  }
0x70: {  	[sflag:s29] =	ssyncset.done $0x0  }
0x71: {  	[sflag:s29] =	ssyncadd.s32 $0xFFFFE000  }
0x72: {  	[spmem:s2] =	stream.indirect.scatter.add.f32 [tilespmem:s21], [sflag:$0x5], $0x80, s0, s20, $0xb8;
	[tilespmem:$0x1E400] =	vst v63  }
0x73: {  	_ =	swait.ge [sflag:s18], $0x2000  }
0x74: {  	[sflag:s18] =	ssyncset.done $0x0  }
0x75: {  	[sflag:s18] =	ssyncadd.s32 $0xFFFFE000  }
0x76: {  	_ =	swait.ge [sflag:s30], $0x2000  }
0x77: {  	[sflag:s30] =	ssyncset.done $0x0  }
0x78: {  	[sflag:s30] =	ssyncadd.s32 $0xFFFFE000  }
0x79: {  	[spmem:s2] =	stream.indirect.scatter.add.f32 [tilespmem:s23], [sflag:$0x5], $0x80, s5, s20, $0xb8;
	[tilespmem:$0x1E400] =	vst v63  }
0x7a: {  	_ =	swait.ge [sflag:s18], $0x2000  }
0x7b: {  	[sflag:s18] =	ssyncset.done $0x0  }
0x7c: {  	[sflag:s18] =	ssyncadd.s32 $0xFFFFE000  }
0x7d: {  	_ =	swait.ge [sflag:s31], $0x2000  }
0x7e: {  	[sflag:s31] =	ssyncset.done $0x0  }
0x7f: {  	[sflag:s31] =	ssyncadd.s32 $0xFFFFE000  }
0x80: {  	[spmem:s2] =	stream.indirect.scatter.add.f32 [tilespmem:s25], [sflag:$0x5], $0x80, s7, s20, $0xb8;
	[tilespmem:$0x1E400] =	vst v63  }
0x81: {  	_ =	swait.ge [sflag:s18], $0x2000  }
0x82: {  	[sflag:s18] =	ssyncset.done $0x0  }
0x83: {  	[sflag:s18] =	ssyncadd.s32 $0xFFFFE000  }
0x84: {  	_ =	swait.ge [sflag:s1], $0x2000  }
0x85: {  	[sflag:s1] =	ssyncset.done $0x0  }
0x86: {  	[sflag:s1] =	ssyncadd.s32 $0xFFFFE000  }
0x87: {  	[spmem:s2] =	stream.indirect.scatter.add.f32 [tilespmem:s28], [sflag:$0x5], $0x80, s8, s20, $0xb8;
	[tilespmem:$0x1E400] =	vst v63  }
0x88: {  	_ =	swait.ge [sflag:s18], $0x2000  }
0x89: {  	[sflag:s18] =	ssyncset.done $0x0  }
0x8a: {  	s10 =	simm.s32 $0x0;
	s12 =	rddreg [dreg:$0x6];
	[sflag:s18] =	ssyncadd.s32 $0xFFFFE000  }
0x8b: {  	[tilespmem:s10], [sflag:$0x5] =	stream.linear.gather [hbm4b:s12+s10], $0x1400, $0x38;
	[tilespmem:$0x1E400] =	vst v63  }
0x8c: {  	_ =	swait.ge [sflag:s18], $0x1400  }
0x8d: {  	[sflag:s18] =	ssyncset.done $0x0  }
0x8e: {  	s12 =	rddreg [dreg:$0x7];
	[sflag:s18] =	ssyncadd.s32 $0xFFFFEC00  }
0x8f: {  	[tilespmem:s19], [sflag:$0x5] =	stream.linear.gather [hbm4b:s12+s10], $0x1400, $0x38;
	[tilespmem:$0x1E400] =	vst v63  }
0x90: {  	_ =	swait.ge [sflag:s18], $0x1400  }
0x91: {  	[sflag:s18] =	ssyncset.done $0x0  }
0x92: {  	[sflag:s18] =	ssyncadd.s32 $0xFFFFEC00  }
0x93: {  	[tilespmem:s21], [sflag:$0x1] =	stream.indirect.gather [hbm4b:s4+s20], $0x80, s10, s20, $0xb8;
	[tilespmem:$0x1E400] =	vst v63  }
0x94: {  	_ = 	snop  }
0x95: {  	[tilespmem:s23], [sflag:$0x2] =	stream.indirect.gather [hbm4b:s4+s20], $0x80, s22, s20, $0xb8;
	[tilespmem:$0x1E400] =	vst v63  }
0x96: {  	_ = 	snop  }
0x97: {  	[tilespmem:s25], [sflag:$0x3] =	stream.indirect.gather [hbm4b:s4+s20], $0x80, s24, s20, $0xb8;
	[tilespmem:$0x1E400] =	vst v63  }
0x98: {  	_ = 	snop  }
0x99: {  	[tilespmem:s28], [sflag:$0x4] =	stream.indirect.gather [hbm4b:s4+s20], $0x80, s26, s20, $0xb8;
	[tilespmem:$0x1E400] =	vst v63  }
0x9a: {  	_ =	swait.ge [sflag:s29], $0x2000  }
0x9b: {  	[sflag:s29] =	ssyncset.done $0x0  }
0x9c: {  	s12 =	simm.s32 $0x1400;
	[sflag:s29] =	ssyncadd.s32 $0xFFFFE000  }
0x9d: {  	[spmem:s2] =	stream.indirect.scatter.add.f32 [tilespmem:s21], [sflag:$0x5], $0x80, s12, s20, $0xb8;
	[tilespmem:$0x1E400] =	vst v63  }
0x9e: {  	_ =	swait.ge [sflag:s18], $0x2000  }
0x9f: {  	[sflag:s18] =	ssyncset.done $0x0  }
0xa0: {  	s11 =	simm.s32 $0x200;
	[sflag:s18] =	ssyncadd.s32 $0xFFFFE000  }
0xa1: {  	[tilespmem:s21], [sflag:$0x1] =	stream.indirect.gather [hbm4b:s4+s20], $0x80, s11, s20, $0xb8;
	[tilespmem:$0x1E400] =	vst v63  }
0xa2: {  	_ =	swait.ge [sflag:s30], $0x2000  }
0xa3: {  	[sflag:s30] =	ssyncset.done $0x0  }
0xa4: {  	s12 =	simm.s32 $0x1480;
	[sflag:s30] =	ssyncadd.s32 $0xFFFFE000  }
0xa5: {  	[spmem:s2] =	stream.indirect.scatter.add.f32 [tilespmem:s23], [sflag:$0x5], $0x80, s12, s20, $0xb8;
	[tilespmem:$0x1E400] =	vst v63  }
0xa6: {  	_ =	swait.ge [sflag:s18], $0x2000  }
0xa7: {  	[sflag:s18] =	ssyncset.done $0x0  }
0xa8: {  	s11 =	simm.s32 $0x280;
	[sflag:s18] =	ssyncadd.s32 $0xFFFFE000  }
0xa9: {  	[tilespmem:s23], [sflag:$0x2] =	stream.indirect.gather [hbm4b:s4+s20], $0x80, s11, s20, $0xb8;
	[tilespmem:$0x1E400] =	vst v63  }
0xaa: {  	_ =	swait.ge [sflag:s31], $0x2000  }
0xab: {  	[sflag:s31] =	ssyncset.done $0x0  }
0xac: {  	s12 =	simm.s32 $0x1500;
	[sflag:s31] =	ssyncadd.s32 $0xFFFFE000  }
0xad: {  	[spmem:s2] =	stream.indirect.scatter.add.f32 [tilespmem:s25], [sflag:$0x5], $0x80, s12, s20, $0xb8;
	[tilespmem:$0x1E400] =	vst v63  }
0xae: {  	_ =	swait.ge [sflag:s18], $0x2000  }
0xaf: {  	[sflag:s18] =	ssyncset.done $0x0  }
0xb0: {  	s11 =	simm.s32 $0x300;
	[sflag:s18] =	ssyncadd.s32 $0xFFFFE000  }
0xb1: {  	[tilespmem:s25], [sflag:$0x3] =	stream.indirect.gather [hbm4b:s4+s20], $0x80, s11, s20, $0xb8;
	[tilespmem:$0x1E400] =	vst v63  }
0xb2: {  	_ =	swait.ge [sflag:s1], $0x2000  }
0xb3: {  	[sflag:s1] =	ssyncset.done $0x0  }
0xb4: {  	s12 =	simm.s32 $0x1580;
	[sflag:s1] =	ssyncadd.s32 $0xFFFFE000  }
0xb5: {  	[spmem:s2] =	stream.indirect.scatter.add.f32 [tilespmem:s28], [sflag:$0x5], $0x80, s12, s20, $0xb8;
	[tilespmem:$0x1E400] =	vst v63  }
0xb6: {  	_ =	swait.ge [sflag:s18], $0x2000  }
0xb7: {  	[sflag:s18] =	ssyncset.done $0x0  }
0xb8: {  	s10 =	simm.s32 $0x800;
	s11 =	simm.s32 $0x380;
	[sflag:s18] =	ssyncadd.s32 $0xFFFFE000  }
.LBB2_4:
0xb9: {  	[tilespmem:s28], [sflag:$0x4] =	stream.indirect.gather [hbm4b:s4+s20], $0x80, s11, s20, $0xb8;
	[tilespmem:$0x1E400] =	vst v63  }
0xba: {  	s11 =	smov.u32 s10  }
0xbb: {  	p0 =	sne.s32 s10, $0x4000;
	s10 =	sadd.s32 $0x800, s10;
	_ =	swait.ge [sflag:s29], $0x2000  }
0xbc: {  	s11 =	sshra.s32 s11, $0x2;
	[sflag:s29] =	ssyncset.done $0x0  }
0xbd: {  	s12 =	sadd.s32 $0x1400, s11;
	[sflag:s29] =	ssyncadd.s32 $0xFFFFE000  }
0xbe: {  	[spmem:s2] =	stream.indirect.scatter.add.f32 [tilespmem:s21], [sflag:$0x5], $0x80, s12, s20, $0xb8;
	[tilespmem:$0x1E400] =	vst v63  }
0xbf: {  	_ =	swait.ge [sflag:s18], $0x2000  }
0xc0: {  	[sflag:s18] =	ssyncset.done $0x0  }
0xc1: {  	s12 =	sadd.s32 $0x200, s11;
	[sflag:s18] =	ssyncadd.s32 $0xFFFFE000  }
0xc2: {  	[tilespmem:s21], [sflag:$0x1] =	stream.indirect.gather [hbm4b:s4+s20], $0x80, s12, s20, $0xb8;
	[tilespmem:$0x1E400] =	vst v63  }
0xc3: {  	_ =	swait.ge [sflag:s30], $0x2000  }
0xc4: {  	[sflag:s30] =	ssyncset.done $0x0  }
0xc5: {  	s12 =	sadd.s32 $0x1480, s11;
	[sflag:s30] =	ssyncadd.s32 $0xFFFFE000  }
0xc6: {  	[spmem:s2] =	stream.indirect.scatter.add.f32 [tilespmem:s23], [sflag:$0x5], $0x80, s12, s20, $0xb8;
	[tilespmem:$0x1E400] =	vst v63  }
0xc7: {  	_ =	swait.ge [sflag:s18], $0x2000  }
0xc8: {  	[sflag:s18] =	ssyncset.done $0x0  }
0xc9: {  	s12 =	sadd.s32 $0x280, s11;
	[sflag:s18] =	ssyncadd.s32 $0xFFFFE000  }
0xca: {  	[tilespmem:s23], [sflag:$0x2] =	stream.indirect.gather [hbm4b:s4+s20], $0x80, s12, s20, $0xb8;
	[tilespmem:$0x1E400] =	vst v63  }
0xcb: {  	_ =	swait.ge [sflag:s31], $0x2000  }
0xcc: {  	[sflag:s31] =	ssyncset.done $0x0  }
0xcd: {  	s12 =	sadd.s32 $0x1500, s11;
	[sflag:s31] =	ssyncadd.s32 $0xFFFFE000  }
0xce: {  	[spmem:s2] =	stream.indirect.scatter.add.f32 [tilespmem:s25], [sflag:$0x5], $0x80, s12, s20, $0xb8;
	[tilespmem:$0x1E400] =	vst v63  }
0xcf: {  	_ =	swait.ge [sflag:s18], $0x2000  }
0xd0: {  	[sflag:s18] =	ssyncset.done $0x0  }
0xd1: {  	s12 =	sadd.s32 $0x300, s11;
	[sflag:s18] =	ssyncadd.s32 $0xFFFFE000  }
0xd2: {  	[tilespmem:s25], [sflag:$0x3] =	stream.indirect.gather [hbm4b:s4+s20], $0x80, s12, s20, $0xb8;
	[tilespmem:$0x1E400] =	vst v63  }
0xd3: {  	_ =	swait.ge [sflag:s1], $0x2000  }
0xd4: {  	[sflag:s1] =	ssyncset.done $0x0  }
.Ltmp1:
0xd5: {  	s12 =	sadd.s32 $0x1580, s11;
	[sflag:s1] =	ssyncadd.s32 $0xFFFFE000;
	(pc) =	sbr.rel @p0 .LBB2_4-.Ltmp1, $4  }
0xd6: {  	[spmem:s2] =	stream.indirect.scatter.add.f32 [tilespmem:s28], [sflag:$0x5], $0x80, s12, s20, $0xb8;
	[tilespmem:$0x1E400] =	vst v63  }
0xd7: {  	_ =	swait.ge [sflag:s18], $0x2000  }
0xd8: {  	[sflag:s18] =	ssyncset.done $0x0  }
0xd9: {  	s11 =	sadd.s32 $0x380, s11;
	[sflag:s18] =	ssyncadd.s32 $0xFFFFE000  }
0xda: {  	[tilespmem:s28], [sflag:$0x4] =	stream.indirect.gather [hbm4b:s4+s20], $0x80, s11, s20, $0xb8;
	[tilespmem:$0x1E400] =	vst v63  }
0xdb: {  	_ =	swait.ge [sflag:s29], $0x2000  }
0xdc: {  	[sflag:s29] =	ssyncset.done $0x0  }
0xdd: {  	[sflag:s29] =	ssyncadd.s32 $0xFFFFE000  }
0xde: {  	[spmem:s2] =	stream.indirect.scatter.add.f32 [tilespmem:s21], [sflag:$0x5], $0x80, s0, s20, $0xb8;
	[tilespmem:$0x1E400] =	vst v63  }
0xdf: {  	_ =	swait.ge [sflag:s18], $0x2000  }
0xe0: {  	[sflag:s18] =	ssyncset.done $0x0  }
0xe1: {  	[sflag:s18] =	ssyncadd.s32 $0xFFFFE000  }
0xe2: {  	_ =	swait.ge [sflag:s30], $0x2000  }
0xe3: {  	[sflag:s30] =	ssyncset.done $0x0  }
0xe4: {  	[sflag:s30] =	ssyncadd.s32 $0xFFFFE000  }
0xe5: {  	[spmem:s2] =	stream.indirect.scatter.add.f32 [tilespmem:s23], [sflag:$0x5], $0x80, s5, s20, $0xb8;
	[tilespmem:$0x1E400] =	vst v63  }
0xe6: {  	_ =	swait.ge [sflag:s18], $0x2000  }
0xe7: {  	[sflag:s18] =	ssyncset.done $0x0  }
0xe8: {  	[sflag:s18] =	ssyncadd.s32 $0xFFFFE000  }
0xe9: {  	_ =	swait.ge [sflag:s31], $0x2000  }
0xea: {  	[sflag:s31] =	ssyncset.done $0x0  }
0xeb: {  	[sflag:s31] =	ssyncadd.s32 $0xFFFFE000  }
0xec: {  	[spmem:s2] =	stream.indirect.scatter.add.f32 [tilespmem:s25], [sflag:$0x5], $0x80, s7, s20, $0xb8;
	[tilespmem:$0x1E400] =	vst v63  }
0xed: {  	_ =	swait.ge [sflag:s18], $0x2000  }
0xee: {  	[sflag:s18] =	ssyncset.done $0x0  }
0xef: {  	[sflag:s18] =	ssyncadd.s32 $0xFFFFE000  }
0xf0: {  	_ =	swait.ge [sflag:s1], $0x2000  }
0xf1: {  	[sflag:s1] =	ssyncset.done $0x0  }
0xf2: {  	[sflag:s1] =	ssyncadd.s32 $0xFFFFE000  }
0xf3: {  	[spmem:s2] =	stream.indirect.scatter.add.f32 [tilespmem:s28], [sflag:$0x5], $0x80, s8, s20, $0xb8;
	[tilespmem:$0x1E400] =	vst v63  }
0xf4: {  	_ =	swait.ge [sflag:s18], $0x2000  }
0xf5: {  	[sflag:s18] =	ssyncset.done $0x0  }
0xf6: {  	s10 =	simm.s32 $0x0;
	s12 =	rddreg [dreg:$0x8];
	[sflag:s18] =	ssyncadd.s32 $0xFFFFE000  }
0xf7: {  	[tilespmem:s10], [sflag:$0x5] =	stream.linear.gather [hbm4b:s12+s10], $0x1400, $0x38;
	[tilespmem:$0x1E400] =	vst v63  }
0xf8: {  	_ =	swait.ge [sflag:s18], $0x1400  }
0xf9: {  	[sflag:s18] =	ssyncset.done $0x0  }
0xfa: {  	s12 =	rddreg [dreg:$0x9];
	[sflag:s18] =	ssyncadd.s32 $0xFFFFEC00  }
0xfb: {  	[tilespmem:s19], [sflag:$0x5] =	stream.linear.gather [hbm4b:s12+s10], $0x1400, $0x38;
	[tilespmem:$0x1E400] =	vst v63  }
0xfc: {  	_ =	swait.ge [sflag:s18], $0x1400  }
0xfd: {  	[sflag:s18] =	ssyncset.done $0x0  }
0xfe: {  	[sflag:s18] =	ssyncadd.s32 $0xFFFFEC00  }
0xff: {  	[tilespmem:s21], [sflag:$0x1] =	stream.indirect.gather [hbm4b:s4+s20], $0x80, s10, s20, $0xb8;
	[tilespmem:$0x1E400] =	vst v63  }
0x100: {  	_ = 	snop  }
0x101: {  	[tilespmem:s23], [sflag:$0x2] =	stream.indirect.gather [hbm4b:s4+s20], $0x80, s22, s20, $0xb8;
	[tilespmem:$0x1E400] =	vst v63  }
0x102: {  	_ = 	snop  }
0x103: {  	[tilespmem:s25], [sflag:$0x3] =	stream.indirect.gather [hbm4b:s4+s20], $0x80, s24, s20, $0xb8;
	[tilespmem:$0x1E400] =	vst v63  }
0x104: {  	_ = 	snop  }
0x105: {  	[tilespmem:s28], [sflag:$0x4] =	stream.indirect.gather [hbm4b:s4+s20], $0x80, s26, s20, $0xb8;
	[tilespmem:$0x1E400] =	vst v63  }
0x106: {  	_ =	swait.ge [sflag:s29], $0x2000  }
0x107: {  	[sflag:s29] =	ssyncset.done $0x0  }
0x108: {  	s12 =	simm.s32 $0x1400;
	[sflag:s29] =	ssyncadd.s32 $0xFFFFE000  }
0x109: {  	[spmem:s2] =	stream.indirect.scatter.add.f32 [tilespmem:s21], [sflag:$0x5], $0x80, s12, s20, $0xb8;
	[tilespmem:$0x1E400] =	vst v63  }
0x10a: {  	_ =	swait.ge [sflag:s18], $0x2000  }
0x10b: {  	[sflag:s18] =	ssyncset.done $0x0  }
0x10c: {  	s11 =	simm.s32 $0x200;
	[sflag:s18] =	ssyncadd.s32 $0xFFFFE000  }
0x10d: {  	[tilespmem:s21], [sflag:$0x1] =	stream.indirect.gather [hbm4b:s4+s20], $0x80, s11, s20, $0xb8;
	[tilespmem:$0x1E400] =	vst v63  }
0x10e: {  	_ =	swait.ge [sflag:s30], $0x2000  }
0x10f: {  	[sflag:s30] =	ssyncset.done $0x0  }
0x110: {  	s12 =	simm.s32 $0x1480;
	[sflag:s30] =	ssyncadd.s32 $0xFFFFE000  }
0x111: {  	[spmem:s2] =	stream.indirect.scatter.add.f32 [tilespmem:s23], [sflag:$0x5], $0x80, s12, s20, $0xb8;
	[tilespmem:$0x1E400] =	vst v63  }
0x112: {  	_ =	swait.ge [sflag:s18], $0x2000  }
0x113: {  	[sflag:s18] =	ssyncset.done $0x0  }
0x114: {  	s11 =	simm.s32 $0x280;
	[sflag:s18] =	ssyncadd.s32 $0xFFFFE000  }
0x115: {  	[tilespmem:s23], [sflag:$0x2] =	stream.indirect.gather [hbm4b:s4+s20], $0x80, s11, s20, $0xb8;
	[tilespmem:$0x1E400] =	vst v63  }
0x116: {  	_ =	swait.ge [sflag:s31], $0x2000  }
0x117: {  	[sflag:s31] =	ssyncset.done $0x0  }
0x118: {  	s12 =	simm.s32 $0x1500;
	[sflag:s31] =	ssyncadd.s32 $0xFFFFE000  }
0x119: {  	[spmem:s2] =	stream.indirect.scatter.add.f32 [tilespmem:s25], [sflag:$0x5], $0x80, s12, s20, $0xb8;
	[tilespmem:$0x1E400] =	vst v63  }
0x11a: {  	_ =	swait.ge [sflag:s18], $0x2000  }
0x11b: {  	[sflag:s18] =	ssyncset.done $0x0  }
0x11c: {  	s11 =	simm.s32 $0x300;
	[sflag:s18] =	ssyncadd.s32 $0xFFFFE000  }
0x11d: {  	[tilespmem:s25], [sflag:$0x3] =	stream.indirect.gather [hbm4b:s4+s20], $0x80, s11, s20, $0xb8;
	[tilespmem:$0x1E400] =	vst v63  }
0x11e: {  	_ =	swait.ge [sflag:s1], $0x2000  }
0x11f: {  	[sflag:s1] =	ssyncset.done $0x0  }
0x120: {  	s12 =	simm.s32 $0x1580;
	[sflag:s1] =	ssyncadd.s32 $0xFFFFE000  }
0x121: {  	[spmem:s2] =	stream.indirect.scatter.add.f32 [tilespmem:s28], [sflag:$0x5], $0x80, s12, s20, $0xb8;
	[tilespmem:$0x1E400] =	vst v63  }
0x122: {  	_ =	swait.ge [sflag:s18], $0x2000  }
0x123: {  	[sflag:s18] =	ssyncset.done $0x0  }
0x124: {  	s10 =	simm.s32 $0x800;
	s11 =	simm.s32 $0x380;
	[sflag:s18] =	ssyncadd.s32 $0xFFFFE000  }
.LBB2_6:
0x125: {  	[tilespmem:s28], [sflag:$0x4] =	stream.indirect.gather [hbm4b:s4+s20], $0x80, s11, s20, $0xb8;
	[tilespmem:$0x1E400] =	vst v63  }
0x126: {  	s11 =	smov.u32 s10  }
0x127: {  	p0 =	sne.s32 s10, $0x4000;
	s10 =	sadd.s32 $0x800, s10;
	_ =	swait.ge [sflag:s29], $0x2000  }
0x128: {  	s11 =	sshra.s32 s11, $0x2;
	[sflag:s29] =	ssyncset.done $0x0  }
0x129: {  	s12 =	sadd.s32 $0x1400, s11;
	[sflag:s29] =	ssyncadd.s32 $0xFFFFE000  }
0x12a: {  	[spmem:s2] =	stream.indirect.scatter.add.f32 [tilespmem:s21], [sflag:$0x5], $0x80, s12, s20, $0xb8;
	[tilespmem:$0x1E400] =	vst v63  }
0x12b: {  	_ =	swait.ge [sflag:s18], $0x2000  }
0x12c: {  	[sflag:s18] =	ssyncset.done $0x0  }
0x12d: {  	s12 =	sadd.s32 $0x200, s11;
	[sflag:s18] =	ssyncadd.s32 $0xFFFFE000  }
0x12e: {  	[tilespmem:s21], [sflag:$0x1] =	stream.indirect.gather [hbm4b:s4+s20], $0x80, s12, s20, $0xb8;
	[tilespmem:$0x1E400] =	vst v63  }
0x12f: {  	_ =	swait.ge [sflag:s30], $0x2000  }
0x130: {  	[sflag:s30] =	ssyncset.done $0x0  }
0x131: {  	s12 =	sadd.s32 $0x1480, s11;
	[sflag:s30] =	ssyncadd.s32 $0xFFFFE000  }
0x132: {  	[spmem:s2] =	stream.indirect.scatter.add.f32 [tilespmem:s23], [sflag:$0x5], $0x80, s12, s20, $0xb8;
	[tilespmem:$0x1E400] =	vst v63  }
0x133: {  	_ =	swait.ge [sflag:s18], $0x2000  }
0x134: {  	[sflag:s18] =	ssyncset.done $0x0  }
0x135: {  	s12 =	sadd.s32 $0x280, s11;
	[sflag:s18] =	ssyncadd.s32 $0xFFFFE000  }
0x136: {  	[tilespmem:s23], [sflag:$0x2] =	stream.indirect.gather [hbm4b:s4+s20], $0x80, s12, s20, $0xb8;
	[tilespmem:$0x1E400] =	vst v63  }
0x137: {  	_ =	swait.ge [sflag:s31], $0x2000  }
0x138: {  	[sflag:s31] =	ssyncset.done $0x0  }
0x139: {  	s12 =	sadd.s32 $0x1500, s11;
	[sflag:s31] =	ssyncadd.s32 $0xFFFFE000  }
0x13a: {  	[spmem:s2] =	stream.indirect.scatter.add.f32 [tilespmem:s25], [sflag:$0x5], $0x80, s12, s20, $0xb8;
	[tilespmem:$0x1E400] =	vst v63  }
0x13b: {  	_ =	swait.ge [sflag:s18], $0x2000  }
0x13c: {  	[sflag:s18] =	ssyncset.done $0x0  }
0x13d: {  	s12 =	sadd.s32 $0x300, s11;
	[sflag:s18] =	ssyncadd.s32 $0xFFFFE000  }
0x13e: {  	[tilespmem:s25], [sflag:$0x3] =	stream.indirect.gather [hbm4b:s4+s20], $0x80, s12, s20, $0xb8;
	[tilespmem:$0x1E400] =	vst v63  }
0x13f: {  	_ =	swait.ge [sflag:s1], $0x2000  }
0x140: {  	[sflag:s1] =	ssyncset.done $0x0  }
.Ltmp2:
0x141: {  	s12 =	sadd.s32 $0x1580, s11;
	[sflag:s1] =	ssyncadd.s32 $0xFFFFE000;
	(pc) =	sbr.rel @p0 .LBB2_6-.Ltmp2, $4  }
0x142: {  	[spmem:s2] =	stream.indirect.scatter.add.f32 [tilespmem:s28], [sflag:$0x5], $0x80, s12, s20, $0xb8;
	[tilespmem:$0x1E400] =	vst v63  }
0x143: {  	_ =	swait.ge [sflag:s18], $0x2000  }
0x144: {  	[sflag:s18] =	ssyncset.done $0x0  }
0x145: {  	s11 =	sadd.s32 $0x380, s11;
	[sflag:s18] =	ssyncadd.s32 $0xFFFFE000  }
0x146: {  	[tilespmem:s28], [sflag:$0x4] =	stream.indirect.gather [hbm4b:s4+s20], $0x80, s11, s20, $0xb8;
	[tilespmem:$0x1E400] =	vst v63  }
0x147: {  	_ =	swait.ge [sflag:s29], $0x2000  }
0x148: {  	[sflag:s29] =	ssyncset.done $0x0  }
0x149: {  	[sflag:s29] =	ssyncadd.s32 $0xFFFFE000  }
0x14a: {  	[spmem:s2] =	stream.indirect.scatter.add.f32 [tilespmem:s21], [sflag:$0x5], $0x80, s0, s20, $0xb8;
	[tilespmem:$0x1E400] =	vst v63  }
0x14b: {  	_ =	swait.ge [sflag:s18], $0x2000  }
0x14c: {  	[sflag:s18] =	ssyncset.done $0x0  }
0x14d: {  	[sflag:s18] =	ssyncadd.s32 $0xFFFFE000  }
0x14e: {  	_ =	swait.ge [sflag:s30], $0x2000  }
0x14f: {  	[sflag:s30] =	ssyncset.done $0x0  }
0x150: {  	[sflag:s30] =	ssyncadd.s32 $0xFFFFE000  }
0x151: {  	[spmem:s2] =	stream.indirect.scatter.add.f32 [tilespmem:s23], [sflag:$0x5], $0x80, s5, s20, $0xb8;
	[tilespmem:$0x1E400] =	vst v63  }
0x152: {  	_ =	swait.ge [sflag:s18], $0x2000  }
0x153: {  	[sflag:s18] =	ssyncset.done $0x0  }
0x154: {  	[sflag:s18] =	ssyncadd.s32 $0xFFFFE000  }
0x155: {  	_ =	swait.ge [sflag:s31], $0x2000  }
0x156: {  	[sflag:s31] =	ssyncset.done $0x0  }
0x157: {  	[sflag:s31] =	ssyncadd.s32 $0xFFFFE000  }
0x158: {  	[spmem:s2] =	stream.indirect.scatter.add.f32 [tilespmem:s25], [sflag:$0x5], $0x80, s7, s20, $0xb8;
	[tilespmem:$0x1E400] =	vst v63  }
0x159: {  	_ =	swait.ge [sflag:s18], $0x2000  }
0x15a: {  	[sflag:s18] =	ssyncset.done $0x0  }
0x15b: {  	[sflag:s18] =	ssyncadd.s32 $0xFFFFE000  }
0x15c: {  	_ =	swait.ge [sflag:s1], $0x2000  }
0x15d: {  	[sflag:s1] =	ssyncset.done $0x0  }
0x15e: {  	[sflag:s1] =	ssyncadd.s32 $0xFFFFE000  }
0x15f: {  	[spmem:s2] =	stream.indirect.scatter.add.f32 [tilespmem:s28], [sflag:$0x5], $0x80, s8, s20, $0xb8;
	[tilespmem:$0x1E400] =	vst v63  }
0x160: {  	_ =	swait.ge [sflag:s18], $0x2000  }
0x161: {  	[sflag:s18] =	ssyncset.done $0x0  }
0x162: {  	s10 =	simm.s32 $0x0;
	[sflag:s18] =	ssyncadd.s32 $0xFFFFE000  }
0x163: {  	[tilespmem:s10], [sflag:$0x5] =	stream.linear.gather [hbm4b:s13+s10], $0x1400, $0x38;
	[tilespmem:$0x1E400] =	vst v63  }
0x164: {  	_ =	swait.ge [sflag:s18], $0x1400  }
0x165: {  	[sflag:s18] =	ssyncset.done $0x0  }
0x166: {  	[sflag:s18] =	ssyncadd.s32 $0xFFFFEC00  }
0x167: {  	[tilespmem:s19], [sflag:$0x5] =	stream.linear.gather [hbm4b:s14+s10], $0x1400, $0x38;
	[tilespmem:$0x1E400] =	vst v63  }
0x168: {  	_ =	swait.ge [sflag:s18], $0x1400  }
0x169: {  	[sflag:s18] =	ssyncset.done $0x0  }
0x16a: {  	[sflag:s18] =	ssyncadd.s32 $0xFFFFEC00  }
0x16b: {  	[tilespmem:s21], [sflag:$0x1] =	stream.indirect.gather [hbm4b:s4+s20], $0x80, s10, s20, $0xb8;
	[tilespmem:$0x1E400] =	vst v63  }
0x16c: {  	_ = 	snop  }
0x16d: {  	[tilespmem:s23], [sflag:$0x2] =	stream.indirect.gather [hbm4b:s4+s20], $0x80, s22, s20, $0xb8;
	[tilespmem:$0x1E400] =	vst v63  }
0x16e: {  	_ = 	snop  }
0x16f: {  	[tilespmem:s25], [sflag:$0x3] =	stream.indirect.gather [hbm4b:s4+s20], $0x80, s24, s20, $0xb8;
	[tilespmem:$0x1E400] =	vst v63  }
0x170: {  	_ = 	snop  }
0x171: {  	[tilespmem:s28], [sflag:$0x4] =	stream.indirect.gather [hbm4b:s4+s20], $0x80, s26, s20, $0xb8;
	[tilespmem:$0x1E400] =	vst v63  }
0x172: {  	_ =	swait.ge [sflag:s29], $0x2000  }
0x173: {  	[sflag:s29] =	ssyncset.done $0x0  }
0x174: {  	s12 =	simm.s32 $0x1400;
	[sflag:s29] =	ssyncadd.s32 $0xFFFFE000  }
0x175: {  	[spmem:s2] =	stream.indirect.scatter.add.f32 [tilespmem:s21], [sflag:$0x5], $0x80, s12, s20, $0xb8;
	[tilespmem:$0x1E400] =	vst v63  }
0x176: {  	_ =	swait.ge [sflag:s18], $0x2000  }
0x177: {  	[sflag:s18] =	ssyncset.done $0x0  }
0x178: {  	s11 =	simm.s32 $0x200;
	[sflag:s18] =	ssyncadd.s32 $0xFFFFE000  }
0x179: {  	[tilespmem:s21], [sflag:$0x1] =	stream.indirect.gather [hbm4b:s4+s20], $0x80, s11, s20, $0xb8;
	[tilespmem:$0x1E400] =	vst v63  }
0x17a: {  	_ =	swait.ge [sflag:s30], $0x2000  }
0x17b: {  	[sflag:s30] =	ssyncset.done $0x0  }
0x17c: {  	s12 =	simm.s32 $0x1480;
	[sflag:s30] =	ssyncadd.s32 $0xFFFFE000  }
0x17d: {  	[spmem:s2] =	stream.indirect.scatter.add.f32 [tilespmem:s23], [sflag:$0x5], $0x80, s12, s20, $0xb8;
	[tilespmem:$0x1E400] =	vst v63  }
0x17e: {  	_ =	swait.ge [sflag:s18], $0x2000  }
0x17f: {  	[sflag:s18] =	ssyncset.done $0x0  }
0x180: {  	s11 =	simm.s32 $0x280;
	[sflag:s18] =	ssyncadd.s32 $0xFFFFE000  }
0x181: {  	[tilespmem:s23], [sflag:$0x2] =	stream.indirect.gather [hbm4b:s4+s20], $0x80, s11, s20, $0xb8;
	[tilespmem:$0x1E400] =	vst v63  }
0x182: {  	_ =	swait.ge [sflag:s31], $0x2000  }
0x183: {  	[sflag:s31] =	ssyncset.done $0x0  }
0x184: {  	s12 =	simm.s32 $0x1500;
	[sflag:s31] =	ssyncadd.s32 $0xFFFFE000  }
0x185: {  	[spmem:s2] =	stream.indirect.scatter.add.f32 [tilespmem:s25], [sflag:$0x5], $0x80, s12, s20, $0xb8;
	[tilespmem:$0x1E400] =	vst v63  }
0x186: {  	_ =	swait.ge [sflag:s18], $0x2000  }
0x187: {  	[sflag:s18] =	ssyncset.done $0x0  }
0x188: {  	s11 =	simm.s32 $0x300;
	[sflag:s18] =	ssyncadd.s32 $0xFFFFE000  }
0x189: {  	[tilespmem:s25], [sflag:$0x3] =	stream.indirect.gather [hbm4b:s4+s20], $0x80, s11, s20, $0xb8;
	[tilespmem:$0x1E400] =	vst v63  }
0x18a: {  	_ =	swait.ge [sflag:s1], $0x2000  }
0x18b: {  	[sflag:s1] =	ssyncset.done $0x0  }
0x18c: {  	s12 =	simm.s32 $0x1580;
	[sflag:s1] =	ssyncadd.s32 $0xFFFFE000  }
0x18d: {  	[spmem:s2] =	stream.indirect.scatter.add.f32 [tilespmem:s28], [sflag:$0x5], $0x80, s12, s20, $0xb8;
	[tilespmem:$0x1E400] =	vst v63  }
0x18e: {  	_ =	swait.ge [sflag:s18], $0x2000  }
0x18f: {  	[sflag:s18] =	ssyncset.done $0x0  }
0x190: {  	s10 =	simm.s32 $0x800;
	s11 =	simm.s32 $0x380;
	[sflag:s18] =	ssyncadd.s32 $0xFFFFE000  }
.LBB2_8:
0x191: {  	[tilespmem:s28], [sflag:$0x4] =	stream.indirect.gather [hbm4b:s4+s20], $0x80, s11, s20, $0xb8;
	[tilespmem:$0x1E400] =	vst v63  }
0x192: {  	s11 =	smov.u32 s10  }
0x193: {  	p0 =	sne.s32 s10, $0x4000;
	s10 =	sadd.s32 $0x800, s10;
	_ =	swait.ge [sflag:s29], $0x2000  }
0x194: {  	s11 =	sshra.s32 s11, $0x2;
	[sflag:s29] =	ssyncset.done $0x0  }
0x195: {  	s12 =	sadd.s32 $0x1400, s11;
	[sflag:s29] =	ssyncadd.s32 $0xFFFFE000  }
0x196: {  	[spmem:s2] =	stream.indirect.scatter.add.f32 [tilespmem:s21], [sflag:$0x5], $0x80, s12, s20, $0xb8;
	[tilespmem:$0x1E400] =	vst v63  }
0x197: {  	_ =	swait.ge [sflag:s18], $0x2000  }
0x198: {  	[sflag:s18] =	ssyncset.done $0x0  }
0x199: {  	s12 =	sadd.s32 $0x200, s11;
	[sflag:s18] =	ssyncadd.s32 $0xFFFFE000  }
0x19a: {  	[tilespmem:s21], [sflag:$0x1] =	stream.indirect.gather [hbm4b:s4+s20], $0x80, s12, s20, $0xb8;
	[tilespmem:$0x1E400] =	vst v63  }
0x19b: {  	_ =	swait.ge [sflag:s30], $0x2000  }
0x19c: {  	[sflag:s30] =	ssyncset.done $0x0  }
0x19d: {  	s12 =	sadd.s32 $0x1480, s11;
	[sflag:s30] =	ssyncadd.s32 $0xFFFFE000  }
0x19e: {  	[spmem:s2] =	stream.indirect.scatter.add.f32 [tilespmem:s23], [sflag:$0x5], $0x80, s12, s20, $0xb8;
	[tilespmem:$0x1E400] =	vst v63  }
0x19f: {  	_ =	swait.ge [sflag:s18], $0x2000  }
0x1a0: {  	[sflag:s18] =	ssyncset.done $0x0  }
0x1a1: {  	s12 =	sadd.s32 $0x280, s11;
	[sflag:s18] =	ssyncadd.s32 $0xFFFFE000  }
0x1a2: {  	[tilespmem:s23], [sflag:$0x2] =	stream.indirect.gather [hbm4b:s4+s20], $0x80, s12, s20, $0xb8;
	[tilespmem:$0x1E400] =	vst v63  }
0x1a3: {  	_ =	swait.ge [sflag:s31], $0x2000  }
0x1a4: {  	[sflag:s31] =	ssyncset.done $0x0  }
0x1a5: {  	s12 =	sadd.s32 $0x1500, s11;
	[sflag:s31] =	ssyncadd.s32 $0xFFFFE000  }
0x1a6: {  	[spmem:s2] =	stream.indirect.scatter.add.f32 [tilespmem:s25], [sflag:$0x5], $0x80, s12, s20, $0xb8;
	[tilespmem:$0x1E400] =	vst v63  }
0x1a7: {  	_ =	swait.ge [sflag:s18], $0x2000  }
0x1a8: {  	[sflag:s18] =	ssyncset.done $0x0  }
0x1a9: {  	s12 =	sadd.s32 $0x300, s11;
	[sflag:s18] =	ssyncadd.s32 $0xFFFFE000  }
0x1aa: {  	[tilespmem:s25], [sflag:$0x3] =	stream.indirect.gather [hbm4b:s4+s20], $0x80, s12, s20, $0xb8;
	[tilespmem:$0x1E400] =	vst v63  }
0x1ab: {  	_ =	swait.ge [sflag:s1], $0x2000  }
0x1ac: {  	[sflag:s1] =	ssyncset.done $0x0  }
.Ltmp3:
0x1ad: {  	s12 =	sadd.s32 $0x1580, s11;
	[sflag:s1] =	ssyncadd.s32 $0xFFFFE000;
	(pc) =	sbr.rel @p0 .LBB2_8-.Ltmp3, $4  }
0x1ae: {  	[spmem:s2] =	stream.indirect.scatter.add.f32 [tilespmem:s28], [sflag:$0x5], $0x80, s12, s20, $0xb8;
	[tilespmem:$0x1E400] =	vst v63  }
0x1af: {  	_ =	swait.ge [sflag:s18], $0x2000  }
0x1b0: {  	[sflag:s18] =	ssyncset.done $0x0  }
0x1b1: {  	s11 =	sadd.s32 $0x380, s11;
	[sflag:s18] =	ssyncadd.s32 $0xFFFFE000  }
0x1b2: {  	[tilespmem:s28], [sflag:$0x4] =	stream.indirect.gather [hbm4b:s4+s20], $0x80, s11, s20, $0xb8;
	[tilespmem:$0x1E400] =	vst v63  }
0x1b3: {  	_ =	swait.ge [sflag:s29], $0x2000  }
0x1b4: {  	[sflag:s29] =	ssyncset.done $0x0  }
0x1b5: {  	[sflag:s29] =	ssyncadd.s32 $0xFFFFE000  }
0x1b6: {  	[spmem:s2] =	stream.indirect.scatter.add.f32 [tilespmem:s21], [sflag:$0x5], $0x80, s0, s20, $0xb8;
	[tilespmem:$0x1E400] =	vst v63  }
0x1b7: {  	_ =	swait.ge [sflag:s18], $0x2000  }
0x1b8: {  	[sflag:s18] =	ssyncset.done $0x0  }
0x1b9: {  	[sflag:s18] =	ssyncadd.s32 $0xFFFFE000  }
0x1ba: {  	_ =	swait.ge [sflag:s30], $0x2000  }
0x1bb: {  	[sflag:s30] =	ssyncset.done $0x0  }
0x1bc: {  	[sflag:s30] =	ssyncadd.s32 $0xFFFFE000  }
0x1bd: {  	[spmem:s2] =	stream.indirect.scatter.add.f32 [tilespmem:s23], [sflag:$0x5], $0x80, s5, s20, $0xb8;
	[tilespmem:$0x1E400] =	vst v63  }
0x1be: {  	_ =	swait.ge [sflag:s18], $0x2000  }
0x1bf: {  	[sflag:s18] =	ssyncset.done $0x0  }
0x1c0: {  	[sflag:s18] =	ssyncadd.s32 $0xFFFFE000  }
0x1c1: {  	_ =	swait.ge [sflag:s31], $0x2000  }
0x1c2: {  	[sflag:s31] =	ssyncset.done $0x0  }
0x1c3: {  	[sflag:s31] =	ssyncadd.s32 $0xFFFFE000  }
0x1c4: {  	[spmem:s2] =	stream.indirect.scatter.add.f32 [tilespmem:s25], [sflag:$0x5], $0x80, s7, s20, $0xb8;
	[tilespmem:$0x1E400] =	vst v63  }
0x1c5: {  	_ =	swait.ge [sflag:s18], $0x2000  }
0x1c6: {  	[sflag:s18] =	ssyncset.done $0x0  }
0x1c7: {  	[sflag:s18] =	ssyncadd.s32 $0xFFFFE000  }
0x1c8: {  	_ =	swait.ge [sflag:s1], $0x2000  }
0x1c9: {  	[sflag:s1] =	ssyncset.done $0x0  }
0x1ca: {  	[sflag:s1] =	ssyncadd.s32 $0xFFFFE000  }
0x1cb: {  	[spmem:s2] =	stream.indirect.scatter.add.f32 [tilespmem:s28], [sflag:$0x5], $0x80, s8, s20, $0xb8;
	[tilespmem:$0x1E400] =	vst v63  }
0x1cc: {  	_ =	swait.ge [sflag:s18], $0x2000  }
0x1cd: {  	s9 =	sadd.s32 $0x1, s9;
	[sflag:s18] =	ssyncset.done $0x0  }
0x1ce: {  	p0 =	sne.s32 s9, s16;
	[sflag:s18] =	ssyncadd.s32 $0xFFFFE000  }
.Ltmp4:
0x1cf: {  	[bflag:$0x0] =	sbarrier.arrive $0xFFFF;
	(pc) =	sbr.rel @p0 .LBB2_1-.Ltmp4, $4  }
0x1d0: {  	[hbm:s15], [sflag:s6] =	dma.local [spmem:s17], $0x2780  }
0x1d1: {  	_ =	swait.ge [sflag:s18], $0x2780  }
0x1d2: {  	[sflag:s18] =	ssyncset.done $0x0  }
0x1d3: {  	[sflag:s18] =	ssyncadd.s32 $0xFFFFD880  }
0x1d4: {  	_ =	sfence.sel $0x180000  }
0x1d5: {  	[bflag:$0x0] =	sbarrier.arrive $0xFFFF  }
0x1d6: {  	_ =	strace $0x9000004A  }
0x1d7: {  	s0 =	stileid.u32;
	[bflag:$0x2] =	sbarrier.arrive $0xFFFF  }
0x1d8: {  	p0 =	sne.s32 s0, $0x0;
	s0 =	rddreg [dreg:$0x2]  }
0x1d9: {  	s0 =	sadd.s32 @!p0 $0x100000, s0  }
0x1da: {  	[sflag:s0] =	ssyncadd.tile.s32 @!p0 $0x1;
	_ =	shalt  }
.Lfunc_end2:
_tile_overlayer_lowered:
.L_overlay_start_2:
0x1db: {  	(tag) =	ssettag $0x2  }
0x1dc: {  	s0 =	rddreg [dreg:$0x0];
	s2 =	stileid.u32  }
0x1dd: {  	s1 =	rddreg [dreg:$0x1];
	p0 =	sne.s32 s2, $0x0  }
0x1de: {  	s3 =	rddreg [dreg:$0x2];
	[bflag:$0x3] =	sbarrier.arrive $0xFFFF;
	s2 =	simm.s32 @!p0 $0x1C05  }
0x1df: {  	[timem:s3], [sflag:s2] =	dma.local @!p0 [hbm:s0], s1  }
0x1e0: {  	s0 =	simm.s32 @!p0 $0x5  }
0x1e1: {  	_ =	swait.ge @!p0 [sflag:s0], s1  }
0x1e2: {  	s1 =	ssub.s32 @!p0 $0x0, s1;
	[sflag:s0] =	ssyncset.done @!p0 $0x0  }
0x1e3: {  	[sflag:s0] =	ssyncadd.s32 @!p0 s1  }
0x1e4: {  	[bflag:$0x3] =	sbarrier.arrive $0xFFFF  }
0x1e5: {  	_ =	shalt  }

// kernel: kernel.14.cloned.1.call-start
scs
__scs_entry_jumppad:
0x0: {  	(pc) =	sbr.rel $0x88, $3  }
0x1: {  	(tag) =	ssettag $0x0;
	lr =	simm.s32 $0x1  }
0x2: {  	[smem:$0x3F99] =	sst lr;
	_ =	strace $0xD0000000  }
0x3: {  	_ = 	snop  }
0x4: {  	_ = 	snop  }
0x5: {  	_ = 	snop  }
0x6: {  	_ = 	snop  }
0x7: {  	_ = 	snop  }
__scs_overlays_trampoline_lowered:
0x8: {  	[smem:$0x3FA8] =	sst s0  }
0x9: {  	[smem:$0x3FA9] =	sst s1  }
0xa: {  	[smem:$0x3FAA] =	sst s2  }
0xb: {  	[smem:$0x3FAB] =	sst s3  }
0xc: {  	[smem:$0x3FAC] =	sst s4  }
0xd: {  	[smem:$0x3FAD] =	sst s5  }
0xe: {  	[smem:$0x3FAE] =	sst s6  }
0xf: {  	[smem:$0x3FAF] =	sst s7  }
0x10: {  	[smem:$0x3FB0] =	sst s8  }
0x11: {  	[smem:$0x3FB1] =	sst s9;
	s0 =	simm.s32 @!p0 $0x0  }
0x12: {  	s1 =	sld [smem:$0x3F97];
	s0 =	simm.s32 @p0 $0x1  }
0x13: {  	[smem:$0x3FB2] =	sst s0;
	s0 =	simm.s32 @!p1 $0x0  }
0x14: {  	s2 =	sld [smem:$0x3F96];
	s0 =	simm.s32 @p1 $0x1  }
0x15: {  	[smem:$0x3FB3] =	sst s0;
	s0 =	simm.s32 @!p2 $0x0  }
0x16: {  	s3 =	sld [smem:$0x3FDB];
	s0 =	simm.s32 @p2 $0x1  }
0x17: {  	s4 =	simm.s32 $0x1BF5;
	[smem:$0x3FB5] =	sst s0  }
0x18: {  	s0 =	sld [smem:$0x3F98];
	_ =	swait.ge [sflag:s4], $0x0  }
0x19: {  	s7 =	sld [smem:$0x3F99]  }
0x1a: {  	s8 =	sadd.s32 $0xFFFFE003, lr  }
0x1b: {  	s9 =	sadd.s32 $0xFFFFFEF7, lr;
	s5 =	simm.s32 $0xFFFFFFFF;
	p2 =	slt.u32 s8, $0xFFFFF086  }
0x1c: {  	p1 =	slt.u32 s9, $0xF7A;
	s5 =	simm.s32 @!p2 $0x0  }
0x1d: {  	s5 =	simm.s32 @p1 $0x1;
	p0 =	seq.s32 s7, s2  }
0x1e: {  	s7 =	smul.u32 @!p0 $0xF7A, s2;
	p2 =	seq.s32 @!p0 s5, $0x0  }
0x1f: {  	s9 =	smul.u32 $0xF7A, s1;
	s8 =	simm.s32 @!p0 $0x1BF5;
	p2 =	por !p2, p0  }
0x20: {  	[sflag:s8] =	ssyncset.s32 @!p0 $0xFFFFF086;
	s6 =	sadd.s32 @!p0 s3, s7;
	s7 =	simm.s32 @!p0 $0x108  }
0x21: {  	s3 =	sadd.s32 s3, s9;
	s6 =	sadd.s32 @!p0 $0x88, s6;
	s7 =	simm.s32 @p2 $0x1082  }
0x22: {  	[simem:s7], [sflag:s8] =	dma.local @!p0 [hbm:s6], $0xF7A  }
0x23: {  	s9 =	sor.u32 $0xD0000000, s2;
	s6 =	simm.s32 $0x108;
	_ =	swait.ge @!p0 [sflag:s8], $0x0  }
0x24: {  	s3 =	sadd.s32 $0x88, s3;
	s6 =	simm.s32 @!p1 $0x1082;
	[sflag:s4] =	ssyncset.s32 $0xFFFFF086  }
0x25: {  	[simem:s6], [sflag:s4] =	dma.local [hbm:s3], $0xF7A  }
0x26: {  	[smem:$0x3F99] =	sst s1;
	(tag) =	ssettag s2;
	_ =	strace s9  }
0x27: {  	s1 =	sld [smem:$0x3FA9]  }
0x28: {  	s2 =	sld [smem:$0x3FAA]  }
0x29: {  	s4 =	sld [smem:$0x3FAC]  }
0x2a: {  	p0 =	seq.s32 s5, $0x0;
	s5 =	sld [smem:$0x3FAD]  }
0x2b: {  	s6 =	sld [smem:$0x3FAE]  }
0x2c: {  	s7 =	sld [smem:$0x3FAF]  }
0x2d: {  	s3 =	simm.s32 $0x108;
	s8 =	sld [smem:$0x3FB0]  }
0x2e: {  	s3 =	simm.s32 @!p0 $0x1082;
	s9 =	sld [smem:$0x3FB1]  }
0x2f: {  	lr =	sadd.s32 s0, s3;
	s0 =	sld [smem:$0x3FA8]  }
0x30: {  	s3 =	sld [smem:$0x3FAB]  }
0x31: {  	[smem:$0x3FB4] =	sst s10  }
0x32: {  	s10 =	sld [smem:$0x3FB2];
	_ =	sdelay $0x3  }
0x33: {  	p0 =	seq.s32 s10, $0x1;
	s10 =	sld [smem:$0x3FB4];
	_ =	sdelay $0x3  }
0x34: {  	[smem:$0x3FB4] =	sst s10  }
0x35: {  	s10 =	sld [smem:$0x3FB3];
	_ =	sdelay $0x3  }
0x36: {  	p1 =	seq.s32 s10, $0x1;
	s10 =	sld [smem:$0x3FB4];
	_ =	sdelay $0x3  }
0x37: {  	[smem:$0x3FB4] =	sst s10  }
0x38: {  	s10 =	sld [smem:$0x3FB5]  }
0x39: {  	_ = 	snop;
	(pc) =	sbr.ind lr, $3  }
0x3a: {  	_ = 	snop  }
0x3b: {  	_ = 	snop  }
0x3c: {  	p2 =	seq.s32 s10, $0x1;
	s10 =	sld [smem:$0x3FB4]  }
0x3d: {  	_ =	shalt  }
0x3e: {  	_ =	shalt  }
0x3f: {  	_ =	shalt  }
0x40: {  	_ =	shalt  }
0x41: {  	_ =	shalt  }
0x42: {  	_ =	shalt  }
0x43: {  	_ =	shalt  }
0x44: {  	_ =	shalt  }
0x45: {  	_ =	shalt  }
0x46: {  	_ =	shalt  }
0x47: {  	_ =	shalt  }
0x48: {  	_ =	shalt  }
0x49: {  	_ =	shalt  }
0x4a: {  	_ =	shalt  }
0x4b: {  	_ =	shalt  }
0x4c: {  	_ =	shalt  }
0x4d: {  	_ =	shalt  }
0x4e: {  	_ =	shalt  }
0x4f: {  	_ =	shalt  }
0x50: {  	_ =	shalt  }
0x51: {  	_ =	shalt  }
0x52: {  	_ =	shalt  }
0x53: {  	_ =	shalt  }
0x54: {  	_ =	shalt  }
0x55: {  	_ =	shalt  }
0x56: {  	_ =	shalt  }
0x57: {  	_ =	shalt  }
0x58: {  	_ =	shalt  }
0x59: {  	_ =	shalt  }
0x5a: {  	_ =	shalt  }
0x5b: {  	_ =	shalt  }
0x5c: {  	_ =	shalt  }
0x5d: {  	_ =	shalt  }
0x5e: {  	_ =	shalt  }
0x5f: {  	_ =	shalt  }
0x60: {  	_ =	shalt  }
0x61: {  	_ =	shalt  }
0x62: {  	_ =	shalt  }
0x63: {  	_ =	shalt  }
0x64: {  	_ =	shalt  }
0x65: {  	_ =	shalt  }
0x66: {  	_ =	shalt  }
0x67: {  	_ =	shalt  }
0x68: {  	_ =	shalt  }
0x69: {  	_ =	shalt  }
0x6a: {  	_ =	shalt  }
0x6b: {  	_ =	shalt  }
0x6c: {  	_ =	shalt  }
0x6d: {  	_ =	shalt  }
0x6e: {  	_ =	shalt  }
0x6f: {  	_ =	shalt  }
0x70: {  	_ =	shalt  }
0x71: {  	_ =	shalt  }
0x72: {  	_ =	shalt  }
0x73: {  	_ =	shalt  }
0x74: {  	_ =	shalt  }
0x75: {  	_ =	shalt  }
0x76: {  	_ =	shalt  }
0x77: {  	_ =	shalt  }
0x78: {  	_ =	shalt  }
0x79: {  	_ =	shalt  }
0x7a: {  	_ =	shalt  }
0x7b: {  	_ =	shalt  }
0x7c: {  	_ =	shalt  }
0x7d: {  	_ =	shalt  }
0x7e: {  	_ =	shalt  }
0x7f: {  	_ =	shalt  }
0x80: {  	_ =	shalt  }
0x81: {  	_ =	shalt  }
0x82: {  	_ =	shalt  }
0x83: {  	_ =	shalt  }
0x84: {  	_ =	shalt  }
0x85: {  	_ =	shalt  }
0x86: {  	_ =	shalt  }
0x87: {  	_ =	shalt  }
.Lfunc_end0:
.L_simem_size_0:
called_computation.2_lowered:
.L_overlay_start_0:
0x88: {  	s2 =	sld [smem:$0x3FD9]  }
0x89: {  	s3 =	sld [smem:$0x3FFE];
	_ =	sdelay $0x1  }
0x8a: {  	s1 =	srdreg.scid  }
0x8b: {  	s0 =	sand.u32 $0x1, s1  }
0x8c: {  	s16 =	sshll.u32 s0, $0xA;
	s2 =	sadd.s32 s3, s2  }
0x8d: {  	s2 =	sadd.s32 s2, s16  }
0x8e: {  	[smem:$0x3FC0] =	sst s2  }
0x8f: {  	_ = 	snop  }
0x90: {  	(tm) =	ssettm $0x1  }
0x91: {  	s17 =	sld [smem:$0x3FFB];
	_ =	sdelay $0x3  }
0x92: {  	_ =	strace s17  }
0x93: {  	s2 =	sld [smem:$0x3FFC];
	_ =	sdelay $0x3  }
0x94: {  	_ =	strace s2  }
0x95: {  	s2 =	sld [smem:$0x3FFD];
	_ =	sdelay $0x3  }
0x96: {  	_ =	strace s2  }
0x97: {  	_ =	strace $0x8FFFFFFF  }
0x98: {  	s18 =	sld [smem:$0x3FDB];
	_ =	sdelay $0x1  }
0x99: {  	s19 =	simm.s32 $_scs_section_size  }
0x9a: {  	s4 =	simm.s32 $_size__tile_overlayer_lowered;
	s5 =	simm.s32 $_tile_overlayer_lowered  }
0x9b: {  	s22 =	simm.s32 $0x1BFF;
	s21 =	sshll.u32 s5, $0x1;
	s2 =	sadd.s32 s19, s18  }
0x9c: {  	s6 =	simm.s32 $0x0;
	s20 =	sshll.u32 s4, $0x1;
	s4 =	sadd.s32 s21, s2  }
0x9d: {  	[timem:s6], [sflag:s22] =	dma.local [hbm:s4], s20  }
0x9e: {  	_ =	swait.ge [sflag:s22], s20  }
0x9f: {  	s3 =	ssub.s32 $0x0, s20;
	[sflag:s22] =	ssyncset.done $0x0  }
0xa0: {  	[sflag:s22] =	ssyncadd.s32 s3;
	_ =	sdelay $0x1  }
0xa1: {  	s23 =	simm.s32 $0x1B8B  }
0xa2: {  	_ =	swait.ge [sflag:s23], $0x1  }
0xa3: {  	[sflag:s23] =	ssyncset.done $0x0  }
0xa4: {  	s25 =	simm.s32 $0x1B8E;
	s24 =	sld [smem:$0x3FFE];
	[sflag:s23] =	ssyncadd.s32 $0xFFFFFFFF  }
0xa5: {  	s26 =	simm.s32 $execute0_lowered;
	[smem:$0x3FD2] =	sst s25  }
0xa6: {  	s4 =	sshll.u32 s26, $0x1;
	_ =	strace $0x8000004C;
	[dreg:$0x1] =	wrdreg $0xFFFFFFFF  }
0xa7: {  	s28 =	simm.s32 $_size_execute0_lowered;
	s2 =	sadd.s32 s2, s4;
	[dreg:$0x0] =	wrdreg $0x0  }
0xa8: {  	s4 =	sshll.u32 s28, $0x1;
	[dreg:$0x2] =	wrdreg s2  }
0xa9: {  	[dreg:$0x3] =	wrdreg s4  }
0xaa: {  	[dreg:$0x4] =	wrdreg $0xC0  }
0xab: {  	_ =	task [dreg:s6], $0x5FFFF  }
0xac: {  	[dreg:$0x1] =	wrdreg $0xFFFFFFFF  }
0xad: {  	[dreg:$0x0] =	wrdreg $0x60  }
0xae: {  	[dreg:$0x2] =	wrdreg s24  }
0xaf: {  	[dreg:$0x3] =	wrdreg $0xA8000  }
0xb0: {  	[dreg:$0x4] =	wrdreg $0x9  }
0xb1: {  	_ =	task.clear_ibuf [dreg:s6], $0x5FFFF;
	_ =	strace $0x9000004C  }
0xb2: {  	s29 =	simm.s32 $0x9;
	_ =	strace $0x8000004E  }
0xb3: {  	_ =	swait.ge [sflag:s29], $0x1  }
0xb4: {  	[sflag:s29] =	ssyncadd.s32 $0xFFFFFFFF  }
0xb5: {  	_ =	strace $0x9000004E  }
0xb6: {  	_ =	sfence  }
0xb7: {  	s30 =	sld [smem:$0x0];
	_ =	sdelay $0x2  }
0xb8: {  	s31 =	sshll.u32 s1, $0xD;
	s1 =	sshrl.u32 s1, $0x2  }
0xb9: {  	s3 =	sand.u32 $0x4000, s31;
	s1 =	sadd.s32 s1, s30  }
0xba: {  	s0 =	sor.u32 s3, s0;
	s1 =	sshll.u32 s1, $0x11  }
0xbb: {  	s0 =	sor.u32 s1, s0  }
0xbc: {  	s0 =	sadd.s32 $0x8F2B, s0  }
0xbd: {  	[sflag:s0] =	ssyncadd.remote.s32 $0x1  }
0xbe: {  	_ =	sfence.sel $0xFFFF  }
0xbf: {  	[dreg:$0x0] =	wrdreg $0xFFFFFFFF;
	(pc) =	sbr.abs _section_cstart, $3  }
0xc0: {  	[dreg:$0x1] =	wrdreg $0xFFFFFFFF  }
0xc1: {  	_ =	task.clear_ibuf [dreg:s6], $0x2FFFF;
	_ =	strace $0x9FFFFFFF  }
0xc2: {  	(tm) =	ssettm $0x7FFFFFFF  }
0xc3: {  	_ =	shalt  }
tec
execute0_lowered:
.L_overlay_start_1:
0x0: {  	(tag) =	ssettag $0x1  }
0x1: {  	s0 =	srdreg.scid;
	s1 =	rddreg [dreg:$0x0]  }
0x2: {  	s10 =	stileid.u32;
	s2 =	rddreg [dreg:$0x1]  }
0x3: {  	s3 =	simm.s32 $0x0;
	s18 =	simm.s32 $0x5;
	s5 =	smul.u32 $0x5000, s10  }
0x4: {  	s28 =	simm.s32 $0x8800;
	s29 =	simm.s32 $0x1;
	s8 =	smul.u32 $0x278, s10  }
0x5: {  	s30 =	simm.s32 $0x2;
	s0 =	sand.u32 $0x1, s0;
	s19 =	smul.u32 $0x4F000, s10  }
0x6: {  	s31 =	simm.s32 $0x3;
	[smem:$0x7FF] =	sst s3;
	s4 =	smul.u32 $0x50000, s0  }
0x7: {  	s20 =	sshll.u32 s10, $0x6;
	s6 =	smul.u32 $0x2800, s0;
	s0 =	ssub.s32 $0x2, s0  }
0x8: {  	_ =	strace $0x8000004D;
	s9 =	sshrl.u32 s0, $0x1;
	s7 =	sadd.s32 s5, s4  }
0x9: {  	s4 =	sadd.s32 $0x89600, s1;
	s5 =	sshrl.u32 s5, $0x3;
	s6 =	sadd.s32 s8, s6  }
0xa: {  	s0 =	ssub.s32 s0, s9;
	s8 =	sshrl.u32 s19, $0x2;
	s19 =	simm.s32 $0x1400  }
0xb: {  	s9 =	simm.s32 $0x0;
	s7 =	sshrl.u32 s7, $0x3;
	s6 =	sshll.u32 s6, $0x4  }
0xc: {  	s5 =	sadd.s32 s5, s1;
	s8 =	sadd.s32 s8, s2;
	s16 =	smax.u32 s0, $0x1  }
0xd: {  	s0 =	simm.s32 $0x2600;
	s7 =	sadd.s32 s7, s1;
	s1 =	sadd.s32 s6, s1  }
0xe: {  	s6 =	sadd.s32 s4, s6;
	s22 =	sadd.s32 $0x7F600, s5;
	s24 =	sadd.s32 $0x7F880, s5  }
0xf: {  	s26 =	sadd.s32 $0x7FB00, s5;
	s14 =	sadd.s32 $0x7FD80, s5;
	s17 =	sshrl.u32 s8, $0x3  }
0x10: {  	s5 =	simm.s32 $0x2680;
	s8 =	simm.s32 $0x2780;
	[dreg:$0x3] =	wrdreg s6  }
0x11: {  	s6 =	sor.u32 $0x1C05, s20;
	s21 =	sadd.s32 $0xD9600, s7;
	[dreg:$0x5] =	wrdreg s22  }
0x12: {  	s23 =	sadd.s32 $0xD9880, s7;
	[dreg:$0x7] =	wrdreg s24;
	s25 =	sadd.s32 $0xD9B00, s7  }
0x13: {  	[dreg:$0x9] =	wrdreg s26;
	s13 =	sadd.s32 $0xD9D80, s7;
	s15 =	sadd.s32 $0x2600, s1  }
0x14: {  	s20 =	simm.s32 $0x40;
	s22 =	simm.s32 $0x80;
	[dreg:$0x4] =	wrdreg s21  }
0x15: {  	s24 =	simm.s32 $0x100;
	s26 =	simm.s32 $0x180;
	[dreg:$0x6] =	wrdreg s23  }
0x16: {  	s1 =	simm.s32 $0x4;
	s7 =	simm.s32 $0x2700;
	[dreg:$0x8] =	wrdreg s25  }
0x17: {  	s21 =	simm.s32 $0x2800;
	s23 =	simm.s32 $0x4800;
	s25 =	simm.s32 $0x6800  }
.LBB2_1:
0x18: {  	s10 =	rddreg [dreg:$0x3]  }
0x19: {  	[spmem:s17], [sflag:s6] =	dma.local [hbm:s10], $0x2780  }
0x1a: {  	_ =	swait.ge [sflag:s18], $0x2780  }
0x1b: {  	[sflag:s18] =	ssyncset.done $0x0  }
0x1c: {  	[sflag:s18] =	ssyncadd.s32 $0xFFFFD880  }
0x1d: {  	[bflag:$0x0] =	sbarrier.arrive $0xFFFF  }
0x1e: {  	s12 =	rddreg [dreg:$0x4]  }
0x1f: {  	[tilespmem:s3], [sflag:$0x5] =	stream.linear.gather [hbm4b:s12+s3], $0x1400, $0x38;
	[tilespmem:$0x1E400] =	vst v63  }
0x20: {  	_ =	swait.ge [sflag:s18], $0x1400  }
0x21: {  	[sflag:s18] =	ssyncset.done $0x0  }
0x22: {  	s11 =	rddreg [dreg:$0x5];
	[sflag:s18] =	ssyncadd.s32 $0xFFFFEC00  }
0x23: {  	[tilespmem:s19], [sflag:$0x5] =	stream.linear.gather [hbm4b:s11+s3], $0x1400, $0x38;
	[tilespmem:$0x1E400] =	vst v63  }
0x24: {  	_ =	swait.ge [sflag:s18], $0x1400  }
0x25: {  	[sflag:s18] =	ssyncset.done $0x0  }
0x26: {  	[sflag:s18] =	ssyncadd.s32 $0xFFFFEC00  }
0x27: {  	[tilespmem:s21], [sflag:$0x1] =	stream.indirect.gather [hbm4b:s4+s20], $0x80, s3, s20, $0xb8;
	[tilespmem:$0x1E400] =	vst v63  }
0x28: {  	_ = 	snop  }
0x29: {  	[tilespmem:s23], [sflag:$0x2] =	stream.indirect.gather [hbm4b:s4+s20], $0x80, s22, s20, $0xb8;
	[tilespmem:$0x1E400] =	vst v63  }
0x2a: {  	_ = 	snop  }
0x2b: {  	[tilespmem:s25], [sflag:$0x3] =	stream.indirect.gather [hbm4b:s4+s20], $0x80, s24, s20, $0xb8;
	[tilespmem:$0x1E400] =	vst v63  }
0x2c: {  	_ = 	snop  }
0x2d: {  	[tilespmem:s28], [sflag:$0x4] =	stream.indirect.gather [hbm4b:s4+s20], $0x80, s26, s20, $0xb8;
	[tilespmem:$0x1E400] =	vst v63  }
0x2e: {  	_ =	swait.ge [sflag:s29], $0x2000  }
0x2f: {  	[sflag:s29] =	ssyncset.done $0x0  }
0x30: {  	s12 =	simm.s32 $0x1400;
	[sflag:s29] =	ssyncadd.s32 $0xFFFFE000  }
0x31: {  	[spmem:s2] =	stream.indirect.scatter.add.f32 [tilespmem:s21], [sflag:$0x5], $0x80, s12, s20, $0xb8;
	[tilespmem:$0x1E400] =	vst v63  }
0x32: {  	_ =	swait.ge [sflag:s18], $0x2000  }
0x33: {  	[sflag:s18] =	ssyncset.done $0x0  }
0x34: {  	s11 =	simm.s32 $0x200;
	[sflag:s18] =	ssyncadd.s32 $0xFFFFE000  }
0x35: {  	[tilespmem:s21], [sflag:$0x1] =	stream.indirect.gather [hbm4b:s4+s20], $0x80, s11, s20, $0xb8;
	[tilespmem:$0x1E400] =	vst v63  }
0x36: {  	_ =	swait.ge [sflag:s30], $0x2000  }
0x37: {  	[sflag:s30] =	ssyncset.done $0x0  }
0x38: {  	s12 =	simm.s32 $0x1480;
	[sflag:s30] =	ssyncadd.s32 $0xFFFFE000  }
0x39: {  	[spmem:s2] =	stream.indirect.scatter.add.f32 [tilespmem:s23], [sflag:$0x5], $0x80, s12, s20, $0xb8;
	[tilespmem:$0x1E400] =	vst v63  }
0x3a: {  	_ =	swait.ge [sflag:s18], $0x2000  }
0x3b: {  	[sflag:s18] =	ssyncset.done $0x0  }
0x3c: {  	s11 =	simm.s32 $0x280;
	[sflag:s18] =	ssyncadd.s32 $0xFFFFE000  }
0x3d: {  	[tilespmem:s23], [sflag:$0x2] =	stream.indirect.gather [hbm4b:s4+s20], $0x80, s11, s20, $0xb8;
	[tilespmem:$0x1E400] =	vst v63  }
0x3e: {  	_ =	swait.ge [sflag:s31], $0x2000  }
0x3f: {  	[sflag:s31] =	ssyncset.done $0x0  }
0x40: {  	s12 =	simm.s32 $0x1500;
	[sflag:s31] =	ssyncadd.s32 $0xFFFFE000  }
0x41: {  	[spmem:s2] =	stream.indirect.scatter.add.f32 [tilespmem:s25], [sflag:$0x5], $0x80, s12, s20, $0xb8;
	[tilespmem:$0x1E400] =	vst v63  }
0x42: {  	_ =	swait.ge [sflag:s18], $0x2000  }
0x43: {  	[sflag:s18] =	ssyncset.done $0x0  }
0x44: {  	s11 =	simm.s32 $0x300;
	[sflag:s18] =	ssyncadd.s32 $0xFFFFE000  }
0x45: {  	[tilespmem:s25], [sflag:$0x3] =	stream.indirect.gather [hbm4b:s4+s20], $0x80, s11, s20, $0xb8;
	[tilespmem:$0x1E400] =	vst v63  }
0x46: {  	_ =	swait.ge [sflag:s1], $0x2000  }
0x47: {  	[sflag:s1] =	ssyncset.done $0x0  }
0x48: {  	s12 =	simm.s32 $0x1580;
	[sflag:s1] =	ssyncadd.s32 $0xFFFFE000  }
0x49: {  	[spmem:s2] =	stream.indirect.scatter.add.f32 [tilespmem:s28], [sflag:$0x5], $0x80, s12, s20, $0xb8;
	[tilespmem:$0x1E400] =	vst v63  }
0x4a: {  	_ =	swait.ge [sflag:s18], $0x2000  }
0x4b: {  	[sflag:s18] =	ssyncset.done $0x0  }
0x4c: {  	s10 =	simm.s32 $0x800;
	s11 =	simm.s32 $0x380;
	[sflag:s18] =	ssyncadd.s32 $0xFFFFE000  }
.LBB2_2:
0x4d: {  	[tilespmem:s28], [sflag:$0x4] =	stream.indirect.gather [hbm4b:s4+s20], $0x80, s11, s20, $0xb8;
	[tilespmem:$0x1E400] =	vst v63  }
0x4e: {  	s11 =	smov.u32 s10  }
0x4f: {  	p0 =	sne.s32 s10, $0x4000;
	s10 =	sadd.s32 $0x800, s10;
	_ =	swait.ge [sflag:s29], $0x2000  }
0x50: {  	s11 =	sshra.s32 s11, $0x2;
	[sflag:s29] =	ssyncset.done $0x0  }
0x51: {  	s12 =	sadd.s32 $0x1400, s11;
	[sflag:s29] =	ssyncadd.s32 $0xFFFFE000  }
0x52: {  	[spmem:s2] =	stream.indirect.scatter.add.f32 [tilespmem:s21], [sflag:$0x5], $0x80, s12, s20, $0xb8;
	[tilespmem:$0x1E400] =	vst v63  }
0x53: {  	_ =	swait.ge [sflag:s18], $0x2000  }
0x54: {  	[sflag:s18] =	ssyncset.done $0x0  }
0x55: {  	s12 =	sadd.s32 $0x200, s11;
	[sflag:s18] =	ssyncadd.s32 $0xFFFFE000  }
0x56: {  	[tilespmem:s21], [sflag:$0x1] =	stream.indirect.gather [hbm4b:s4+s20], $0x80, s12, s20, $0xb8;
	[tilespmem:$0x1E400] =	vst v63  }
0x57: {  	_ =	swait.ge [sflag:s30], $0x2000  }
0x58: {  	[sflag:s30] =	ssyncset.done $0x0  }
0x59: {  	s12 =	sadd.s32 $0x1480, s11;
	[sflag:s30] =	ssyncadd.s32 $0xFFFFE000  }
0x5a: {  	[spmem:s2] =	stream.indirect.scatter.add.f32 [tilespmem:s23], [sflag:$0x5], $0x80, s12, s20, $0xb8;
	[tilespmem:$0x1E400] =	vst v63  }
0x5b: {  	_ =	swait.ge [sflag:s18], $0x2000  }
0x5c: {  	[sflag:s18] =	ssyncset.done $0x0  }
0x5d: {  	s12 =	sadd.s32 $0x280, s11;
	[sflag:s18] =	ssyncadd.s32 $0xFFFFE000  }
0x5e: {  	[tilespmem:s23], [sflag:$0x2] =	stream.indirect.gather [hbm4b:s4+s20], $0x80, s12, s20, $0xb8;
	[tilespmem:$0x1E400] =	vst v63  }
0x5f: {  	_ =	swait.ge [sflag:s31], $0x2000  }
0x60: {  	[sflag:s31] =	ssyncset.done $0x0  }
0x61: {  	s12 =	sadd.s32 $0x1500, s11;
	[sflag:s31] =	ssyncadd.s32 $0xFFFFE000  }
0x62: {  	[spmem:s2] =	stream.indirect.scatter.add.f32 [tilespmem:s25], [sflag:$0x5], $0x80, s12, s20, $0xb8;
	[tilespmem:$0x1E400] =	vst v63  }
0x63: {  	_ =	swait.ge [sflag:s18], $0x2000  }
0x64: {  	[sflag:s18] =	ssyncset.done $0x0  }
0x65: {  	s12 =	sadd.s32 $0x300, s11;
	[sflag:s18] =	ssyncadd.s32 $0xFFFFE000  }
0x66: {  	[tilespmem:s25], [sflag:$0x3] =	stream.indirect.gather [hbm4b:s4+s20], $0x80, s12, s20, $0xb8;
	[tilespmem:$0x1E400] =	vst v63  }
0x67: {  	_ =	swait.ge [sflag:s1], $0x2000  }
0x68: {  	[sflag:s1] =	ssyncset.done $0x0  }
.Ltmp0:
0x69: {  	s12 =	sadd.s32 $0x1580, s11;
	[sflag:s1] =	ssyncadd.s32 $0xFFFFE000;
	(pc) =	sbr.rel @p0 .LBB2_2-.Ltmp0, $4  }
0x6a: {  	[spmem:s2] =	stream.indirect.scatter.add.f32 [tilespmem:s28], [sflag:$0x5], $0x80, s12, s20, $0xb8;
	[tilespmem:$0x1E400] =	vst v63  }
0x6b: {  	_ =	swait.ge [sflag:s18], $0x2000  }
0x6c: {  	[sflag:s18] =	ssyncset.done $0x0  }
0x6d: {  	s11 =	sadd.s32 $0x380, s11;
	[sflag:s18] =	ssyncadd.s32 $0xFFFFE000  }
0x6e: {  	[tilespmem:s28], [sflag:$0x4] =	stream.indirect.gather [hbm4b:s4+s20], $0x80, s11, s20, $0xb8;
	[tilespmem:$0x1E400] =	vst v63  }
0x6f: {  	_ =	swait.ge [sflag:s29], $0x2000  }
0x70: {  	[sflag:s29] =	ssyncset.done $0x0  }
0x71: {  	[sflag:s29] =	ssyncadd.s32 $0xFFFFE000  }
0x72: {  	[spmem:s2] =	stream.indirect.scatter.add.f32 [tilespmem:s21], [sflag:$0x5], $0x80, s0, s20, $0xb8;
	[tilespmem:$0x1E400] =	vst v63  }
0x73: {  	_ =	swait.ge [sflag:s18], $0x2000  }
0x74: {  	[sflag:s18] =	ssyncset.done $0x0  }
0x75: {  	[sflag:s18] =	ssyncadd.s32 $0xFFFFE000  }
0x76: {  	_ =	swait.ge [sflag:s30], $0x2000  }
0x77: {  	[sflag:s30] =	ssyncset.done $0x0  }
0x78: {  	[sflag:s30] =	ssyncadd.s32 $0xFFFFE000  }
0x79: {  	[spmem:s2] =	stream.indirect.scatter.add.f32 [tilespmem:s23], [sflag:$0x5], $0x80, s5, s20, $0xb8;
	[tilespmem:$0x1E400] =	vst v63  }
0x7a: {  	_ =	swait.ge [sflag:s18], $0x2000  }
0x7b: {  	[sflag:s18] =	ssyncset.done $0x0  }
0x7c: {  	[sflag:s18] =	ssyncadd.s32 $0xFFFFE000  }
0x7d: {  	_ =	swait.ge [sflag:s31], $0x2000  }
0x7e: {  	[sflag:s31] =	ssyncset.done $0x0  }
0x7f: {  	[sflag:s31] =	ssyncadd.s32 $0xFFFFE000  }
0x80: {  	[spmem:s2] =	stream.indirect.scatter.add.f32 [tilespmem:s25], [sflag:$0x5], $0x80, s7, s20, $0xb8;
	[tilespmem:$0x1E400] =	vst v63  }
0x81: {  	_ =	swait.ge [sflag:s18], $0x2000  }
0x82: {  	[sflag:s18] =	ssyncset.done $0x0  }
0x83: {  	[sflag:s18] =	ssyncadd.s32 $0xFFFFE000  }
0x84: {  	_ =	swait.ge [sflag:s1], $0x2000  }
0x85: {  	[sflag:s1] =	ssyncset.done $0x0  }
0x86: {  	[sflag:s1] =	ssyncadd.s32 $0xFFFFE000  }
0x87: {  	[spmem:s2] =	stream.indirect.scatter.add.f32 [tilespmem:s28], [sflag:$0x5], $0x80, s8, s20, $0xb8;
	[tilespmem:$0x1E400] =	vst v63  }
0x88: {  	_ =	swait.ge [sflag:s18], $0x2000  }
0x89: {  	[sflag:s18] =	ssyncset.done $0x0  }
0x8a: {  	s10 =	simm.s32 $0x0;
	s12 =	rddreg [dreg:$0x6];
	[sflag:s18] =	ssyncadd.s32 $0xFFFFE000  }
0x8b: {  	[tilespmem:s10], [sflag:$0x5] =	stream.linear.gather [hbm4b:s12+s10], $0x1400, $0x38;
	[tilespmem:$0x1E400] =	vst v63  }
0x8c: {  	_ =	swait.ge [sflag:s18], $0x1400  }
0x8d: {  	[sflag:s18] =	ssyncset.done $0x0  }
0x8e: {  	s12 =	rddreg [dreg:$0x7];
	[sflag:s18] =	ssyncadd.s32 $0xFFFFEC00  }
0x8f: {  	[tilespmem:s19], [sflag:$0x5] =	stream.linear.gather [hbm4b:s12+s10], $0x1400, $0x38;
	[tilespmem:$0x1E400] =	vst v63  }
0x90: {  	_ =	swait.ge [sflag:s18], $0x1400  }
0x91: {  	[sflag:s18] =	ssyncset.done $0x0  }
0x92: {  	[sflag:s18] =	ssyncadd.s32 $0xFFFFEC00  }
0x93: {  	[tilespmem:s21], [sflag:$0x1] =	stream.indirect.gather [hbm4b:s4+s20], $0x80, s10, s20, $0xb8;
	[tilespmem:$0x1E400] =	vst v63  }
0x94: {  	_ = 	snop  }
0x95: {  	[tilespmem:s23], [sflag:$0x2] =	stream.indirect.gather [hbm4b:s4+s20], $0x80, s22, s20, $0xb8;
	[tilespmem:$0x1E400] =	vst v63  }
0x96: {  	_ = 	snop  }
0x97: {  	[tilespmem:s25], [sflag:$0x3] =	stream.indirect.gather [hbm4b:s4+s20], $0x80, s24, s20, $0xb8;
	[tilespmem:$0x1E400] =	vst v63  }
0x98: {  	_ = 	snop  }
0x99: {  	[tilespmem:s28], [sflag:$0x4] =	stream.indirect.gather [hbm4b:s4+s20], $0x80, s26, s20, $0xb8;
	[tilespmem:$0x1E400] =	vst v63  }
0x9a: {  	_ =	swait.ge [sflag:s29], $0x2000  }
0x9b: {  	[sflag:s29] =	ssyncset.done $0x0  }
0x9c: {  	s12 =	simm.s32 $0x1400;
	[sflag:s29] =	ssyncadd.s32 $0xFFFFE000  }
0x9d: {  	[spmem:s2] =	stream.indirect.scatter.add.f32 [tilespmem:s21], [sflag:$0x5], $0x80, s12, s20, $0xb8;
	[tilespmem:$0x1E400] =	vst v63  }
0x9e: {  	_ =	swait.ge [sflag:s18], $0x2000  }
0x9f: {  	[sflag:s18] =	ssyncset.done $0x0  }
0xa0: {  	s11 =	simm.s32 $0x200;
	[sflag:s18] =	ssyncadd.s32 $0xFFFFE000  }
0xa1: {  	[tilespmem:s21], [sflag:$0x1] =	stream.indirect.gather [hbm4b:s4+s20], $0x80, s11, s20, $0xb8;
	[tilespmem:$0x1E400] =	vst v63  }
0xa2: {  	_ =	swait.ge [sflag:s30], $0x2000  }
0xa3: {  	[sflag:s30] =	ssyncset.done $0x0  }
0xa4: {  	s12 =	simm.s32 $0x1480;
	[sflag:s30] =	ssyncadd.s32 $0xFFFFE000  }
0xa5: {  	[spmem:s2] =	stream.indirect.scatter.add.f32 [tilespmem:s23], [sflag:$0x5], $0x80, s12, s20, $0xb8;
	[tilespmem:$0x1E400] =	vst v63  }
0xa6: {  	_ =	swait.ge [sflag:s18], $0x2000  }
0xa7: {  	[sflag:s18] =	ssyncset.done $0x0  }
0xa8: {  	s11 =	simm.s32 $0x280;
	[sflag:s18] =	ssyncadd.s32 $0xFFFFE000  }
0xa9: {  	[tilespmem:s23], [sflag:$0x2] =	stream.indirect.gather [hbm4b:s4+s20], $0x80, s11, s20, $0xb8;
	[tilespmem:$0x1E400] =	vst v63  }
0xaa: {  	_ =	swait.ge [sflag:s31], $0x2000  }
0xab: {  	[sflag:s31] =	ssyncset.done $0x0  }
0xac: {  	s12 =	simm.s32 $0x1500;
	[sflag:s31] =	ssyncadd.s32 $0xFFFFE000  }
0xad: {  	[spmem:s2] =	stream.indirect.scatter.add.f32 [tilespmem:s25], [sflag:$0x5], $0x80, s12, s20, $0xb8;
	[tilespmem:$0x1E400] =	vst v63  }
0xae: {  	_ =	swait.ge [sflag:s18], $0x2000  }
0xaf: {  	[sflag:s18] =	ssyncset.done $0x0  }
0xb0: {  	s11 =	simm.s32 $0x300;
	[sflag:s18] =	ssyncadd.s32 $0xFFFFE000  }
0xb1: {  	[tilespmem:s25], [sflag:$0x3] =	stream.indirect.gather [hbm4b:s4+s20], $0x80, s11, s20, $0xb8;
	[tilespmem:$0x1E400] =	vst v63  }
0xb2: {  	_ =	swait.ge [sflag:s1], $0x2000  }
0xb3: {  	[sflag:s1] =	ssyncset.done $0x0  }
0xb4: {  	s12 =	simm.s32 $0x1580;
	[sflag:s1] =	ssyncadd.s32 $0xFFFFE000  }
0xb5: {  	[spmem:s2] =	stream.indirect.scatter.add.f32 [tilespmem:s28], [sflag:$0x5], $0x80, s12, s20, $0xb8;
	[tilespmem:$0x1E400] =	vst v63  }
0xb6: {  	_ =	swait.ge [sflag:s18], $0x2000  }
0xb7: {  	[sflag:s18] =	ssyncset.done $0x0  }
0xb8: {  	s10 =	simm.s32 $0x800;
	s11 =	simm.s32 $0x380;
	[sflag:s18] =	ssyncadd.s32 $0xFFFFE000  }
.LBB2_4:
0xb9: {  	[tilespmem:s28], [sflag:$0x4] =	stream.indirect.gather [hbm4b:s4+s20], $0x80, s11, s20, $0xb8;
	[tilespmem:$0x1E400] =	vst v63  }
0xba: {  	s11 =	smov.u32 s10  }
0xbb: {  	p0 =	sne.s32 s10, $0x4000;
	s10 =	sadd.s32 $0x800, s10;
	_ =	swait.ge [sflag:s29], $0x2000  }
0xbc: {  	s11 =	sshra.s32 s11, $0x2;
	[sflag:s29] =	ssyncset.done $0x0  }
0xbd: {  	s12 =	sadd.s32 $0x1400, s11;
	[sflag:s29] =	ssyncadd.s32 $0xFFFFE000  }
0xbe: {  	[spmem:s2] =	stream.indirect.scatter.add.f32 [tilespmem:s21], [sflag:$0x5], $0x80, s12, s20, $0xb8;
	[tilespmem:$0x1E400] =	vst v63  }
0xbf: {  	_ =	swait.ge [sflag:s18], $0x2000  }
0xc0: {  	[sflag:s18] =	ssyncset.done $0x0  }
0xc1: {  	s12 =	sadd.s32 $0x200, s11;
	[sflag:s18] =	ssyncadd.s32 $0xFFFFE000  }
0xc2: {  	[tilespmem:s21], [sflag:$0x1] =	stream.indirect.gather [hbm4b:s4+s20], $0x80, s12, s20, $0xb8;
	[tilespmem:$0x1E400] =	vst v63  }
0xc3: {  	_ =	swait.ge [sflag:s30], $0x2000  }
0xc4: {  	[sflag:s30] =	ssyncset.done $0x0  }
0xc5: {  	s12 =	sadd.s32 $0x1480, s11;
	[sflag:s30] =	ssyncadd.s32 $0xFFFFE000  }
0xc6: {  	[spmem:s2] =	stream.indirect.scatter.add.f32 [tilespmem:s23], [sflag:$0x5], $0x80, s12, s20, $0xb8;
	[tilespmem:$0x1E400] =	vst v63  }
0xc7: {  	_ =	swait.ge [sflag:s18], $0x2000  }
0xc8: {  	[sflag:s18] =	ssyncset.done $0x0  }
0xc9: {  	s12 =	sadd.s32 $0x280, s11;
	[sflag:s18] =	ssyncadd.s32 $0xFFFFE000  }
0xca: {  	[tilespmem:s23], [sflag:$0x2] =	stream.indirect.gather [hbm4b:s4+s20], $0x80, s12, s20, $0xb8;
	[tilespmem:$0x1E400] =	vst v63  }
0xcb: {  	_ =	swait.ge [sflag:s31], $0x2000  }
0xcc: {  	[sflag:s31] =	ssyncset.done $0x0  }
0xcd: {  	s12 =	sadd.s32 $0x1500, s11;
	[sflag:s31] =	ssyncadd.s32 $0xFFFFE000  }
0xce: {  	[spmem:s2] =	stream.indirect.scatter.add.f32 [tilespmem:s25], [sflag:$0x5], $0x80, s12, s20, $0xb8;
	[tilespmem:$0x1E400] =	vst v63  }
0xcf: {  	_ =	swait.ge [sflag:s18], $0x2000  }
0xd0: {  	[sflag:s18] =	ssyncset.done $0x0  }
0xd1: {  	s12 =	sadd.s32 $0x300, s11;
	[sflag:s18] =	ssyncadd.s32 $0xFFFFE000  }
0xd2: {  	[tilespmem:s25], [sflag:$0x3] =	stream.indirect.gather [hbm4b:s4+s20], $0x80, s12, s20, $0xb8;
	[tilespmem:$0x1E400] =	vst v63  }
0xd3: {  	_ =	swait.ge [sflag:s1], $0x2000  }
0xd4: {  	[sflag:s1] =	ssyncset.done $0x0  }
.Ltmp1:
0xd5: {  	s12 =	sadd.s32 $0x1580, s11;
	[sflag:s1] =	ssyncadd.s32 $0xFFFFE000;
	(pc) =	sbr.rel @p0 .LBB2_4-.Ltmp1, $4  }
0xd6: {  	[spmem:s2] =	stream.indirect.scatter.add.f32 [tilespmem:s28], [sflag:$0x5], $0x80, s12, s20, $0xb8;
	[tilespmem:$0x1E400] =	vst v63  }
0xd7: {  	_ =	swait.ge [sflag:s18], $0x2000  }
0xd8: {  	[sflag:s18] =	ssyncset.done $0x0  }
0xd9: {  	s11 =	sadd.s32 $0x380, s11;
	[sflag:s18] =	ssyncadd.s32 $0xFFFFE000  }
0xda: {  	[tilespmem:s28], [sflag:$0x4] =	stream.indirect.gather [hbm4b:s4+s20], $0x80, s11, s20, $0xb8;
	[tilespmem:$0x1E400] =	vst v63  }
0xdb: {  	_ =	swait.ge [sflag:s29], $0x2000  }
0xdc: {  	[sflag:s29] =	ssyncset.done $0x0  }
0xdd: {  	[sflag:s29] =	ssyncadd.s32 $0xFFFFE000  }
0xde: {  	[spmem:s2] =	stream.indirect.scatter.add.f32 [tilespmem:s21], [sflag:$0x5], $0x80, s0, s20, $0xb8;
	[tilespmem:$0x1E400] =	vst v63  }
0xdf: {  	_ =	swait.ge [sflag:s18], $0x2000  }
0xe0: {  	[sflag:s18] =	ssyncset.done $0x0  }
0xe1: {  	[sflag:s18] =	ssyncadd.s32 $0xFFFFE000  }
0xe2: {  	_ =	swait.ge [sflag:s30], $0x2000  }
0xe3: {  	[sflag:s30] =	ssyncset.done $0x0  }
0xe4: {  	[sflag:s30] =	ssyncadd.s32 $0xFFFFE000  }
0xe5: {  	[spmem:s2] =	stream.indirect.scatter.add.f32 [tilespmem:s23], [sflag:$0x5], $0x80, s5, s20, $0xb8;
	[tilespmem:$0x1E400] =	vst v63  }
0xe6: {  	_ =	swait.ge [sflag:s18], $0x2000  }
0xe7: {  	[sflag:s18] =	ssyncset.done $0x0  }
0xe8: {  	[sflag:s18] =	ssyncadd.s32 $0xFFFFE000  }
0xe9: {  	_ =	swait.ge [sflag:s31], $0x2000  }
0xea: {  	[sflag:s31] =	ssyncset.done $0x0  }
0xeb: {  	[sflag:s31] =	ssyncadd.s32 $0xFFFFE000  }
0xec: {  	[spmem:s2] =	stream.indirect.scatter.add.f32 [tilespmem:s25], [sflag:$0x5], $0x80, s7, s20, $0xb8;
	[tilespmem:$0x1E400] =	vst v63  }
0xed: {  	_ =	swait.ge [sflag:s18], $0x2000  }
0xee: {  	[sflag:s18] =	ssyncset.done $0x0  }
0xef: {  	[sflag:s18] =	ssyncadd.s32 $0xFFFFE000  }
0xf0: {  	_ =	swait.ge [sflag:s1], $0x2000  }
0xf1: {  	[sflag:s1] =	ssyncset.done $0x0  }
0xf2: {  	[sflag:s1] =	ssyncadd.s32 $0xFFFFE000  }
0xf3: {  	[spmem:s2] =	stream.indirect.scatter.add.f32 [tilespmem:s28], [sflag:$0x5], $0x80, s8, s20, $0xb8;
	[tilespmem:$0x1E400] =	vst v63  }
0xf4: {  	_ =	swait.ge [sflag:s18], $0x2000  }
0xf5: {  	[sflag:s18] =	ssyncset.done $0x0  }
0xf6: {  	s10 =	simm.s32 $0x0;
	s12 =	rddreg [dreg:$0x8];
	[sflag:s18] =	ssyncadd.s32 $0xFFFFE000  }
0xf7: {  	[tilespmem:s10], [sflag:$0x5] =	stream.linear.gather [hbm4b:s12+s10], $0x1400, $0x38;
	[tilespmem:$0x1E400] =	vst v63  }
0xf8: {  	_ =	swait.ge [sflag:s18], $0x1400  }
0xf9: {  	[sflag:s18] =	ssyncset.done $0x0  }
0xfa: {  	s12 =	rddreg [dreg:$0x9];
	[sflag:s18] =	ssyncadd.s32 $0xFFFFEC00  }
0xfb: {  	[tilespmem:s19], [sflag:$0x5] =	stream.linear.gather [hbm4b:s12+s10], $0x1400, $0x38;
	[tilespmem:$0x1E400] =	vst v63  }
0xfc: {  	_ =	swait.ge [sflag:s18], $0x1400  }
0xfd: {  	[sflag:s18] =	ssyncset.done $0x0  }
0xfe: {  	[sflag:s18] =	ssyncadd.s32 $0xFFFFEC00  }
0xff: {  	[tilespmem:s21], [sflag:$0x1] =	stream.indirect.gather [hbm4b:s4+s20], $0x80, s10, s20, $0xb8;
	[tilespmem:$0x1E400] =	vst v63  }
0x100: {  	_ = 	snop  }
0x101: {  	[tilespmem:s23], [sflag:$0x2] =	stream.indirect.gather [hbm4b:s4+s20], $0x80, s22, s20, $0xb8;
	[tilespmem:$0x1E400] =	vst v63  }
0x102: {  	_ = 	snop  }
0x103: {  	[tilespmem:s25], [sflag:$0x3] =	stream.indirect.gather [hbm4b:s4+s20], $0x80, s24, s20, $0xb8;
	[tilespmem:$0x1E400] =	vst v63  }
0x104: {  	_ = 	snop  }
0x105: {  	[tilespmem:s28], [sflag:$0x4] =	stream.indirect.gather [hbm4b:s4+s20], $0x80, s26, s20, $0xb8;
	[tilespmem:$0x1E400] =	vst v63  }
0x106: {  	_ =	swait.ge [sflag:s29], $0x2000  }
0x107: {  	[sflag:s29] =	ssyncset.done $0x0  }
0x108: {  	s12 =	simm.s32 $0x1400;
	[sflag:s29] =	ssyncadd.s32 $0xFFFFE000  }
0x109: {  	[spmem:s2] =	stream.indirect.scatter.add.f32 [tilespmem:s21], [sflag:$0x5], $0x80, s12, s20, $0xb8;
	[tilespmem:$0x1E400] =	vst v63  }
0x10a: {  	_ =	swait.ge [sflag:s18], $0x2000  }
0x10b: {  	[sflag:s18] =	ssyncset.done $0x0  }
0x10c: {  	s11 =	simm.s32 $0x200;
	[sflag:s18] =	ssyncadd.s32 $0xFFFFE000  }
0x10d: {  	[tilespmem:s21], [sflag:$0x1] =	stream.indirect.gather [hbm4b:s4+s20], $0x80, s11, s20, $0xb8;
	[tilespmem:$0x1E400] =	vst v63  }
0x10e: {  	_ =	swait.ge [sflag:s30], $0x2000  }
0x10f: {  	[sflag:s30] =	ssyncset.done $0x0  }
0x110: {  	s12 =	simm.s32 $0x1480;
	[sflag:s30] =	ssyncadd.s32 $0xFFFFE000  }
0x111: {  	[spmem:s2] =	stream.indirect.scatter.add.f32 [tilespmem:s23], [sflag:$0x5], $0x80, s12, s20, $0xb8;
	[tilespmem:$0x1E400] =	vst v63  }
0x112: {  	_ =	swait.ge [sflag:s18], $0x2000  }
0x113: {  	[sflag:s18] =	ssyncset.done $0x0  }
0x114: {  	s11 =	simm.s32 $0x280;
	[sflag:s18] =	ssyncadd.s32 $0xFFFFE000  }
0x115: {  	[tilespmem:s23], [sflag:$0x2] =	stream.indirect.gather [hbm4b:s4+s20], $0x80, s11, s20, $0xb8;
	[tilespmem:$0x1E400] =	vst v63  }
0x116: {  	_ =	swait.ge [sflag:s31], $0x2000  }
0x117: {  	[sflag:s31] =	ssyncset.done $0x0  }
0x118: {  	s12 =	simm.s32 $0x1500;
	[sflag:s31] =	ssyncadd.s32 $0xFFFFE000  }
0x119: {  	[spmem:s2] =	stream.indirect.scatter.add.f32 [tilespmem:s25], [sflag:$0x5], $0x80, s12, s20, $0xb8;
	[tilespmem:$0x1E400] =	vst v63  }
0x11a: {  	_ =	swait.ge [sflag:s18], $0x2000  }
0x11b: {  	[sflag:s18] =	ssyncset.done $0x0  }
0x11c: {  	s11 =	simm.s32 $0x300;
	[sflag:s18] =	ssyncadd.s32 $0xFFFFE000  }
0x11d: {  	[tilespmem:s25], [sflag:$0x3] =	stream.indirect.gather [hbm4b:s4+s20], $0x80, s11, s20, $0xb8;
	[tilespmem:$0x1E400] =	vst v63  }
0x11e: {  	_ =	swait.ge [sflag:s1], $0x2000  }
0x11f: {  	[sflag:s1] =	ssyncset.done $0x0  }
0x120: {  	s12 =	simm.s32 $0x1580;
	[sflag:s1] =	ssyncadd.s32 $0xFFFFE000  }
0x121: {  	[spmem:s2] =	stream.indirect.scatter.add.f32 [tilespmem:s28], [sflag:$0x5], $0x80, s12, s20, $0xb8;
	[tilespmem:$0x1E400] =	vst v63  }
0x122: {  	_ =	swait.ge [sflag:s18], $0x2000  }
0x123: {  	[sflag:s18] =	ssyncset.done $0x0  }
0x124: {  	s10 =	simm.s32 $0x800;
	s11 =	simm.s32 $0x380;
	[sflag:s18] =	ssyncadd.s32 $0xFFFFE000  }
.LBB2_6:
0x125: {  	[tilespmem:s28], [sflag:$0x4] =	stream.indirect.gather [hbm4b:s4+s20], $0x80, s11, s20, $0xb8;
	[tilespmem:$0x1E400] =	vst v63  }
0x126: {  	s11 =	smov.u32 s10  }
0x127: {  	p0 =	sne.s32 s10, $0x4000;
	s10 =	sadd.s32 $0x800, s10;
	_ =	swait.ge [sflag:s29], $0x2000  }
0x128: {  	s11 =	sshra.s32 s11, $0x2;
	[sflag:s29] =	ssyncset.done $0x0  }
0x129: {  	s12 =	sadd.s32 $0x1400, s11;
	[sflag:s29] =	ssyncadd.s32 $0xFFFFE000  }
0x12a: {  	[spmem:s2] =	stream.indirect.scatter.add.f32 [tilespmem:s21], [sflag:$0x5], $0x80, s12, s20, $0xb8;
	[tilespmem:$0x1E400] =	vst v63  }
0x12b: {  	_ =	swait.ge [sflag:s18], $0x2000  }
0x12c: {  	[sflag:s18] =	ssyncset.done $0x0  }
0x12d: {  	s12 =	sadd.s32 $0x200, s11;
	[sflag:s18] =	ssyncadd.s32 $0xFFFFE000  }
0x12e: {  	[tilespmem:s21], [sflag:$0x1] =	stream.indirect.gather [hbm4b:s4+s20], $0x80, s12, s20, $0xb8;
	[tilespmem:$0x1E400] =	vst v63  }
0x12f: {  	_ =	swait.ge [sflag:s30], $0x2000  }
0x130: {  	[sflag:s30] =	ssyncset.done $0x0  }
0x131: {  	s12 =	sadd.s32 $0x1480, s11;
	[sflag:s30] =	ssyncadd.s32 $0xFFFFE000  }
0x132: {  	[spmem:s2] =	stream.indirect.scatter.add.f32 [tilespmem:s23], [sflag:$0x5], $0x80, s12, s20, $0xb8;
	[tilespmem:$0x1E400] =	vst v63  }
0x133: {  	_ =	swait.ge [sflag:s18], $0x2000  }
0x134: {  	[sflag:s18] =	ssyncset.done $0x0  }
0x135: {  	s12 =	sadd.s32 $0x280, s11;
	[sflag:s18] =	ssyncadd.s32 $0xFFFFE000  }
0x136: {  	[tilespmem:s23], [sflag:$0x2] =	stream.indirect.gather [hbm4b:s4+s20], $0x80, s12, s20, $0xb8;
	[tilespmem:$0x1E400] =	vst v63  }
0x137: {  	_ =	swait.ge [sflag:s31], $0x2000  }
0x138: {  	[sflag:s31] =	ssyncset.done $0x0  }
0x139: {  	s12 =	sadd.s32 $0x1500, s11;
	[sflag:s31] =	ssyncadd.s32 $0xFFFFE000  }
0x13a: {  	[spmem:s2] =	stream.indirect.scatter.add.f32 [tilespmem:s25], [sflag:$0x5], $0x80, s12, s20, $0xb8;
	[tilespmem:$0x1E400] =	vst v63  }
0x13b: {  	_ =	swait.ge [sflag:s18], $0x2000  }
0x13c: {  	[sflag:s18] =	ssyncset.done $0x0  }
0x13d: {  	s12 =	sadd.s32 $0x300, s11;
	[sflag:s18] =	ssyncadd.s32 $0xFFFFE000  }
0x13e: {  	[tilespmem:s25], [sflag:$0x3] =	stream.indirect.gather [hbm4b:s4+s20], $0x80, s12, s20, $0xb8;
	[tilespmem:$0x1E400] =	vst v63  }
0x13f: {  	_ =	swait.ge [sflag:s1], $0x2000  }
0x140: {  	[sflag:s1] =	ssyncset.done $0x0  }
.Ltmp2:
0x141: {  	s12 =	sadd.s32 $0x1580, s11;
	[sflag:s1] =	ssyncadd.s32 $0xFFFFE000;
	(pc) =	sbr.rel @p0 .LBB2_6-.Ltmp2, $4  }
0x142: {  	[spmem:s2] =	stream.indirect.scatter.add.f32 [tilespmem:s28], [sflag:$0x5], $0x80, s12, s20, $0xb8;
	[tilespmem:$0x1E400] =	vst v63  }
0x143: {  	_ =	swait.ge [sflag:s18], $0x2000  }
0x144: {  	[sflag:s18] =	ssyncset.done $0x0  }
0x145: {  	s11 =	sadd.s32 $0x380, s11;
	[sflag:s18] =	ssyncadd.s32 $0xFFFFE000  }
0x146: {  	[tilespmem:s28], [sflag:$0x4] =	stream.indirect.gather [hbm4b:s4+s20], $0x80, s11, s20, $0xb8;
	[tilespmem:$0x1E400] =	vst v63  }
0x147: {  	_ =	swait.ge [sflag:s29], $0x2000  }
0x148: {  	[sflag:s29] =	ssyncset.done $0x0  }
0x149: {  	[sflag:s29] =	ssyncadd.s32 $0xFFFFE000  }
0x14a: {  	[spmem:s2] =	stream.indirect.scatter.add.f32 [tilespmem:s21], [sflag:$0x5], $0x80, s0, s20, $0xb8;
	[tilespmem:$0x1E400] =	vst v63  }
0x14b: {  	_ =	swait.ge [sflag:s18], $0x2000  }
0x14c: {  	[sflag:s18] =	ssyncset.done $0x0  }
0x14d: {  	[sflag:s18] =	ssyncadd.s32 $0xFFFFE000  }
0x14e: {  	_ =	swait.ge [sflag:s30], $0x2000  }
0x14f: {  	[sflag:s30] =	ssyncset.done $0x0  }
0x150: {  	[sflag:s30] =	ssyncadd.s32 $0xFFFFE000  }
0x151: {  	[spmem:s2] =	stream.indirect.scatter.add.f32 [tilespmem:s23], [sflag:$0x5], $0x80, s5, s20, $0xb8;
	[tilespmem:$0x1E400] =	vst v63  }
0x152: {  	_ =	swait.ge [sflag:s18], $0x2000  }
0x153: {  	[sflag:s18] =	ssyncset.done $0x0  }
0x154: {  	[sflag:s18] =	ssyncadd.s32 $0xFFFFE000  }
0x155: {  	_ =	swait.ge [sflag:s31], $0x2000  }
0x156: {  	[sflag:s31] =	ssyncset.done $0x0  }
0x157: {  	[sflag:s31] =	ssyncadd.s32 $0xFFFFE000  }
0x158: {  	[spmem:s2] =	stream.indirect.scatter.add.f32 [tilespmem:s25], [sflag:$0x5], $0x80, s7, s20, $0xb8;
	[tilespmem:$0x1E400] =	vst v63  }
0x159: {  	_ =	swait.ge [sflag:s18], $0x2000  }
0x15a: {  	[sflag:s18] =	ssyncset.done $0x0  }
0x15b: {  	[sflag:s18] =	ssyncadd.s32 $0xFFFFE000  }
0x15c: {  	_ =	swait.ge [sflag:s1], $0x2000  }
0x15d: {  	[sflag:s1] =	ssyncset.done $0x0  }
0x15e: {  	[sflag:s1] =	ssyncadd.s32 $0xFFFFE000  }
0x15f: {  	[spmem:s2] =	stream.indirect.scatter.add.f32 [tilespmem:s28], [sflag:$0x5], $0x80, s8, s20, $0xb8;
	[tilespmem:$0x1E400] =	vst v63  }
0x160: {  	_ =	swait.ge [sflag:s18], $0x2000  }
0x161: {  	[sflag:s18] =	ssyncset.done $0x0  }
0x162: {  	s10 =	simm.s32 $0x0;
	[sflag:s18] =	ssyncadd.s32 $0xFFFFE000  }
0x163: {  	[tilespmem:s10], [sflag:$0x5] =	stream.linear.gather [hbm4b:s13+s10], $0x1400, $0x38;
	[tilespmem:$0x1E400] =	vst v63  }
0x164: {  	_ =	swait.ge [sflag:s18], $0x1400  }
0x165: {  	[sflag:s18] =	ssyncset.done $0x0  }
0x166: {  	[sflag:s18] =	ssyncadd.s32 $0xFFFFEC00  }
0x167: {  	[tilespmem:s19], [sflag:$0x5] =	stream.linear.gather [hbm4b:s14+s10], $0x1400, $0x38;
	[tilespmem:$0x1E400] =	vst v63  }
0x168: {  	_ =	swait.ge [sflag:s18], $0x1400  }
0x169: {  	[sflag:s18] =	ssyncset.done $0x0  }
0x16a: {  	[sflag:s18] =	ssyncadd.s32 $0xFFFFEC00  }
0x16b: {  	[tilespmem:s21], [sflag:$0x1] =	stream.indirect.gather [hbm4b:s4+s20], $0x80, s10, s20, $0xb8;
	[tilespmem:$0x1E400] =	vst v63  }
0x16c: {  	_ = 	snop  }
0x16d: {  	[tilespmem:s23], [sflag:$0x2] =	stream.indirect.gather [hbm4b:s4+s20], $0x80, s22, s20, $0xb8;
	[tilespmem:$0x1E400] =	vst v63  }
0x16e: {  	_ = 	snop  }
0x16f: {  	[tilespmem:s25], [sflag:$0x3] =	stream.indirect.gather [hbm4b:s4+s20], $0x80, s24, s20, $0xb8;
	[tilespmem:$0x1E400] =	vst v63  }
0x170: {  	_ = 	snop  }
0x171: {  	[tilespmem:s28], [sflag:$0x4] =	stream.indirect.gather [hbm4b:s4+s20], $0x80, s26, s20, $0xb8;
	[tilespmem:$0x1E400] =	vst v63  }
0x172: {  	_ =	swait.ge [sflag:s29], $0x2000  }
0x173: {  	[sflag:s29] =	ssyncset.done $0x0  }
0x174: {  	s12 =	simm.s32 $0x1400;
	[sflag:s29] =	ssyncadd.s32 $0xFFFFE000  }
0x175: {  	[spmem:s2] =	stream.indirect.scatter.add.f32 [tilespmem:s21], [sflag:$0x5], $0x80, s12, s20, $0xb8;
	[tilespmem:$0x1E400] =	vst v63  }
0x176: {  	_ =	swait.ge [sflag:s18], $0x2000  }
0x177: {  	[sflag:s18] =	ssyncset.done $0x0  }
0x178: {  	s11 =	simm.s32 $0x200;
	[sflag:s18] =	ssyncadd.s32 $0xFFFFE000  }
0x179: {  	[tilespmem:s21], [sflag:$0x1] =	stream.indirect.gather [hbm4b:s4+s20], $0x80, s11, s20, $0xb8;
	[tilespmem:$0x1E400] =	vst v63  }
0x17a: {  	_ =	swait.ge [sflag:s30], $0x2000  }
0x17b: {  	[sflag:s30] =	ssyncset.done $0x0  }
0x17c: {  	s12 =	simm.s32 $0x1480;
	[sflag:s30] =	ssyncadd.s32 $0xFFFFE000  }
0x17d: {  	[spmem:s2] =	stream.indirect.scatter.add.f32 [tilespmem:s23], [sflag:$0x5], $0x80, s12, s20, $0xb8;
	[tilespmem:$0x1E400] =	vst v63  }
0x17e: {  	_ =	swait.ge [sflag:s18], $0x2000  }
0x17f: {  	[sflag:s18] =	ssyncset.done $0x0  }
0x180: {  	s11 =	simm.s32 $0x280;
	[sflag:s18] =	ssyncadd.s32 $0xFFFFE000  }
0x181: {  	[tilespmem:s23], [sflag:$0x2] =	stream.indirect.gather [hbm4b:s4+s20], $0x80, s11, s20, $0xb8;
	[tilespmem:$0x1E400] =	vst v63  }
0x182: {  	_ =	swait.ge [sflag:s31], $0x2000  }
0x183: {  	[sflag:s31] =	ssyncset.done $0x0  }
0x184: {  	s12 =	simm.s32 $0x1500;
	[sflag:s31] =	ssyncadd.s32 $0xFFFFE000  }
0x185: {  	[spmem:s2] =	stream.indirect.scatter.add.f32 [tilespmem:s25], [sflag:$0x5], $0x80, s12, s20, $0xb8;
	[tilespmem:$0x1E400] =	vst v63  }
0x186: {  	_ =	swait.ge [sflag:s18], $0x2000  }
0x187: {  	[sflag:s18] =	ssyncset.done $0x0  }
0x188: {  	s11 =	simm.s32 $0x300;
	[sflag:s18] =	ssyncadd.s32 $0xFFFFE000  }
0x189: {  	[tilespmem:s25], [sflag:$0x3] =	stream.indirect.gather [hbm4b:s4+s20], $0x80, s11, s20, $0xb8;
	[tilespmem:$0x1E400] =	vst v63  }
0x18a: {  	_ =	swait.ge [sflag:s1], $0x2000  }
0x18b: {  	[sflag:s1] =	ssyncset.done $0x0  }
0x18c: {  	s12 =	simm.s32 $0x1580;
	[sflag:s1] =	ssyncadd.s32 $0xFFFFE000  }
0x18d: {  	[spmem:s2] =	stream.indirect.scatter.add.f32 [tilespmem:s28], [sflag:$0x5], $0x80, s12, s20, $0xb8;
	[tilespmem:$0x1E400] =	vst v63  }
0x18e: {  	_ =	swait.ge [sflag:s18], $0x2000  }
0x18f: {  	[sflag:s18] =	ssyncset.done $0x0  }
0x190: {  	s10 =	simm.s32 $0x800;
	s11 =	simm.s32 $0x380;
	[sflag:s18] =	ssyncadd.s32 $0xFFFFE000  }
.LBB2_8:
0x191: {  	[tilespmem:s28], [sflag:$0x4] =	stream.indirect.gather [hbm4b:s4+s20], $0x80, s11, s20, $0xb8;
	[tilespmem:$0x1E400] =	vst v63  }
0x192: {  	s11 =	smov.u32 s10  }
0x193: {  	p0 =	sne.s32 s10, $0x4000;
	s10 =	sadd.s32 $0x800, s10;
	_ =	swait.ge [sflag:s29], $0x2000  }
0x194: {  	s11 =	sshra.s32 s11, $0x2;
	[sflag:s29] =	ssyncset.done $0x0  }
0x195: {  	s12 =	sadd.s32 $0x1400, s11;
	[sflag:s29] =	ssyncadd.s32 $0xFFFFE000  }
0x196: {  	[spmem:s2] =	stream.indirect.scatter.add.f32 [tilespmem:s21], [sflag:$0x5], $0x80, s12, s20, $0xb8;
	[tilespmem:$0x1E400] =	vst v63  }
0x197: {  	_ =	swait.ge [sflag:s18], $0x2000  }
0x198: {  	[sflag:s18] =	ssyncset.done $0x0  }
0x199: {  	s12 =	sadd.s32 $0x200, s11;
	[sflag:s18] =	ssyncadd.s32 $0xFFFFE000  }
0x19a: {  	[tilespmem:s21], [sflag:$0x1] =	stream.indirect.gather [hbm4b:s4+s20], $0x80, s12, s20, $0xb8;
	[tilespmem:$0x1E400] =	vst v63  }
0x19b: {  	_ =	swait.ge [sflag:s30], $0x2000  }
0x19c: {  	[sflag:s30] =	ssyncset.done $0x0  }
0x19d: {  	s12 =	sadd.s32 $0x1480, s11;
	[sflag:s30] =	ssyncadd.s32 $0xFFFFE000  }
0x19e: {  	[spmem:s2] =	stream.indirect.scatter.add.f32 [tilespmem:s23], [sflag:$0x5], $0x80, s12, s20, $0xb8;
	[tilespmem:$0x1E400] =	vst v63  }
0x19f: {  	_ =	swait.ge [sflag:s18], $0x2000  }
0x1a0: {  	[sflag:s18] =	ssyncset.done $0x0  }
0x1a1: {  	s12 =	sadd.s32 $0x280, s11;
	[sflag:s18] =	ssyncadd.s32 $0xFFFFE000  }
0x1a2: {  	[tilespmem:s23], [sflag:$0x2] =	stream.indirect.gather [hbm4b:s4+s20], $0x80, s12, s20, $0xb8;
	[tilespmem:$0x1E400] =	vst v63  }
0x1a3: {  	_ =	swait.ge [sflag:s31], $0x2000  }
0x1a4: {  	[sflag:s31] =	ssyncset.done $0x0  }
0x1a5: {  	s12 =	sadd.s32 $0x1500, s11;
	[sflag:s31] =	ssyncadd.s32 $0xFFFFE000  }
0x1a6: {  	[spmem:s2] =	stream.indirect.scatter.add.f32 [tilespmem:s25], [sflag:$0x5], $0x80, s12, s20, $0xb8;
	[tilespmem:$0x1E400] =	vst v63  }
0x1a7: {  	_ =	swait.ge [sflag:s18], $0x2000  }
0x1a8: {  	[sflag:s18] =	ssyncset.done $0x0  }
0x1a9: {  	s12 =	sadd.s32 $0x300, s11;
	[sflag:s18] =	ssyncadd.s32 $0xFFFFE000  }
0x1aa: {  	[tilespmem:s25], [sflag:$0x3] =	stream.indirect.gather [hbm4b:s4+s20], $0x80, s12, s20, $0xb8;
	[tilespmem:$0x1E400] =	vst v63  }
0x1ab: {  	_ =	swait.ge [sflag:s1], $0x2000  }
0x1ac: {  	[sflag:s1] =	ssyncset.done $0x0  }
.Ltmp3:
0x1ad: {  	s12 =	sadd.s32 $0x1580, s11;
	[sflag:s1] =	ssyncadd.s32 $0xFFFFE000;
	(pc) =	sbr.rel @p0 .LBB2_8-.Ltmp3, $4  }
0x1ae: {  	[spmem:s2] =	stream.indirect.scatter.add.f32 [tilespmem:s28], [sflag:$0x5], $0x80, s12, s20, $0xb8;
	[tilespmem:$0x1E400] =	vst v63  }
0x1af: {  	_ =	swait.ge [sflag:s18], $0x2000  }
0x1b0: {  	[sflag:s18] =	ssyncset.done $0x0  }
0x1b1: {  	s11 =	sadd.s32 $0x380, s11;
	[sflag:s18] =	ssyncadd.s32 $0xFFFFE000  }
0x1b2: {  	[tilespmem:s28], [sflag:$0x4] =	stream.indirect.gather [hbm4b:s4+s20], $0x80, s11, s20, $0xb8;
	[tilespmem:$0x1E400] =	vst v63  }
0x1b3: {  	_ =	swait.ge [sflag:s29], $0x2000  }
0x1b4: {  	[sflag:s29] =	ssyncset.done $0x0  }
0x1b5: {  	[sflag:s29] =	ssyncadd.s32 $0xFFFFE000  }
0x1b6: {  	[spmem:s2] =	stream.indirect.scatter.add.f32 [tilespmem:s21], [sflag:$0x5], $0x80, s0, s20, $0xb8;
	[tilespmem:$0x1E400] =	vst v63  }
0x1b7: {  	_ =	swait.ge [sflag:s18], $0x2000  }
0x1b8: {  	[sflag:s18] =	ssyncset.done $0x0  }
0x1b9: {  	[sflag:s18] =	ssyncadd.s32 $0xFFFFE000  }
0x1ba: {  	_ =	swait.ge [sflag:s30], $0x2000  }
0x1bb: {  	[sflag:s30] =	ssyncset.done $0x0  }
0x1bc: {  	[sflag:s30] =	ssyncadd.s32 $0xFFFFE000  }
0x1bd: {  	[spmem:s2] =	stream.indirect.scatter.add.f32 [tilespmem:s23], [sflag:$0x5], $0x80, s5, s20, $0xb8;
	[tilespmem:$0x1E400] =	vst v63  }
0x1be: {  	_ =	swait.ge [sflag:s18], $0x2000  }
0x1bf: {  	[sflag:s18] =	ssyncset.done $0x0  }
0x1c0: {  	[sflag:s18] =	ssyncadd.s32 $0xFFFFE000  }
0x1c1: {  	_ =	swait.ge [sflag:s31], $0x2000  }
0x1c2: {  	[sflag:s31] =	ssyncset.done $0x0  }
0x1c3: {  	[sflag:s31] =	ssyncadd.s32 $0xFFFFE000  }
0x1c4: {  	[spmem:s2] =	stream.indirect.scatter.add.f32 [tilespmem:s25], [sflag:$0x5], $0x80, s7, s20, $0xb8;
	[tilespmem:$0x1E400] =	vst v63  }
0x1c5: {  	_ =	swait.ge [sflag:s18], $0x2000  }
0x1c6: {  	[sflag:s18] =	ssyncset.done $0x0  }
0x1c7: {  	[sflag:s18] =	ssyncadd.s32 $0xFFFFE000  }
0x1c8: {  	_ =	swait.ge [sflag:s1], $0x2000  }
0x1c9: {  	[sflag:s1] =	ssyncset.done $0x0  }
0x1ca: {  	[sflag:s1] =	ssyncadd.s32 $0xFFFFE000  }
0x1cb: {  	[spmem:s2] =	stream.indirect.scatter.add.f32 [tilespmem:s28], [sflag:$0x5], $0x80, s8, s20, $0xb8;
	[tilespmem:$0x1E400] =	vst v63  }
0x1cc: {  	_ =	swait.ge [sflag:s18], $0x2000  }
0x1cd: {  	s9 =	sadd.s32 $0x1, s9;
	[sflag:s18] =	ssyncset.done $0x0  }
0x1ce: {  	p0 =	sne.s32 s9, s16;
	[sflag:s18] =	ssyncadd.s32 $0xFFFFE000  }
.Ltmp4:
0x1cf: {  	[bflag:$0x0] =	sbarrier.arrive $0xFFFF;
	(pc) =	sbr.rel @p0 .LBB2_1-.Ltmp4, $4  }
0x1d0: {  	[hbm:s15], [sflag:s6] =	dma.local [spmem:s17], $0x2780  }
0x1d1: {  	_ =	swait.ge [sflag:s18], $0x2780  }
0x1d2: {  	[sflag:s18] =	ssyncset.done $0x0  }
0x1d3: {  	[sflag:s18] =	ssyncadd.s32 $0xFFFFD880  }
0x1d4: {  	_ =	sfence.sel $0x180000  }
0x1d5: {  	[bflag:$0x0] =	sbarrier.arrive $0xFFFF  }
0x1d6: {  	_ =	strace $0x9000004D  }
0x1d7: {  	s0 =	stileid.u32;
	[bflag:$0x2] =	sbarrier.arrive $0xFFFF  }
0x1d8: {  	p0 =	sne.s32 s0, $0x0;
	s0 =	rddreg [dreg:$0x2]  }
0x1d9: {  	s0 =	sadd.s32 @!p0 $0x100000, s0  }
0x1da: {  	[sflag:s0] =	ssyncadd.tile.s32 @!p0 $0x1;
	_ =	shalt  }
.Lfunc_end2:
_tile_overlayer_lowered:
.L_overlay_start_2:
0x1db: {  	(tag) =	ssettag $0x2  }
0x1dc: {  	s0 =	rddreg [dreg:$0x0];
	s2 =	stileid.u32  }
0x1dd: {  	s1 =	rddreg [dreg:$0x1];
	p0 =	sne.s32 s2, $0x0  }
0x1de: {  	s3 =	rddreg [dreg:$0x2];
	[bflag:$0x3] =	sbarrier.arrive $0xFFFF;
	s2 =	simm.s32 @!p0 $0x1C05  }
0x1df: {  	[timem:s3], [sflag:s2] =	dma.local @!p0 [hbm:s0], s1  }
0x1e0: {  	s0 =	simm.s32 @!p0 $0x5  }
0x1e1: {  	_ =	swait.ge @!p0 [sflag:s0], s1  }
0x1e2: {  	s1 =	ssub.s32 @!p0 $0x0, s1;
	[sflag:s0] =	ssyncset.done @!p0 $0x0  }
0x1e3: {  	[sflag:s0] =	ssyncadd.s32 @!p0 s1  }
0x1e4: {  	[bflag:$0x3] =	sbarrier.arrive $0xFFFF  }
0x1e5: {  	_ =	shalt  }

// kernel: kernel.8.cloned.1.call-start
scs
__scs_entry_jumppad:
0x0: {  	(pc) =	sbr.rel $0x88, $3  }
0x1: {  	(tag) =	ssettag $0x0;
	lr =	simm.s32 $0x1  }
0x2: {  	[smem:$0x3F99] =	sst lr;
	_ =	strace $0xD0000000  }
0x3: {  	_ = 	snop  }
0x4: {  	_ = 	snop  }
0x5: {  	_ = 	snop  }
0x6: {  	_ = 	snop  }
0x7: {  	_ = 	snop  }
__scs_overlays_trampoline_lowered:
0x8: {  	[smem:$0x3FA8] =	sst s0  }
0x9: {  	[smem:$0x3FA9] =	sst s1  }
0xa: {  	[smem:$0x3FAA] =	sst s2  }
0xb: {  	[smem:$0x3FAB] =	sst s3  }
0xc: {  	[smem:$0x3FAC] =	sst s4  }
0xd: {  	[smem:$0x3FAD] =	sst s5  }
0xe: {  	[smem:$0x3FAE] =	sst s6  }
0xf: {  	[smem:$0x3FAF] =	sst s7  }
0x10: {  	[smem:$0x3FB0] =	sst s8  }
0x11: {  	[smem:$0x3FB1] =	sst s9;
	s0 =	simm.s32 @!p0 $0x0  }
0x12: {  	s1 =	sld [smem:$0x3F97];
	s0 =	simm.s32 @p0 $0x1  }
0x13: {  	[smem:$0x3FB2] =	sst s0;
	s0 =	simm.s32 @!p1 $0x0  }
0x14: {  	s2 =	sld [smem:$0x3F96];
	s0 =	simm.s32 @p1 $0x1  }
0x15: {  	[smem:$0x3FB3] =	sst s0;
	s0 =	simm.s32 @!p2 $0x0  }
0x16: {  	s3 =	sld [smem:$0x3FDB];
	s0 =	simm.s32 @p2 $0x1  }
0x17: {  	s4 =	simm.s32 $0x1BF5;
	[smem:$0x3FB5] =	sst s0  }
0x18: {  	s0 =	sld [smem:$0x3F98];
	_ =	swait.ge [sflag:s4], $0x0  }
0x19: {  	s7 =	sld [smem:$0x3F99]  }
0x1a: {  	s8 =	sadd.s32 $0xFFFFE003, lr  }
0x1b: {  	s9 =	sadd.s32 $0xFFFFFEF7, lr;
	s5 =	simm.s32 $0xFFFFFFFF;
	p2 =	slt.u32 s8, $0xFFFFF086  }
0x1c: {  	p1 =	slt.u32 s9, $0xF7A;
	s5 =	simm.s32 @!p2 $0x0  }
0x1d: {  	s5 =	simm.s32 @p1 $0x1;
	p0 =	seq.s32 s7, s2  }
0x1e: {  	s7 =	smul.u32 @!p0 $0xF7A, s2;
	p2 =	seq.s32 @!p0 s5, $0x0  }
0x1f: {  	s9 =	smul.u32 $0xF7A, s1;
	s8 =	simm.s32 @!p0 $0x1BF5;
	p2 =	por !p2, p0  }
0x20: {  	[sflag:s8] =	ssyncset.s32 @!p0 $0xFFFFF086;
	s6 =	sadd.s32 @!p0 s3, s7;
	s7 =	simm.s32 @!p0 $0x108  }
0x21: {  	s3 =	sadd.s32 s3, s9;
	s6 =	sadd.s32 @!p0 $0x88, s6;
	s7 =	simm.s32 @p2 $0x1082  }
0x22: {  	[simem:s7], [sflag:s8] =	dma.local @!p0 [hbm:s6], $0xF7A  }
0x23: {  	s9 =	sor.u32 $0xD0000000, s2;
	s6 =	simm.s32 $0x108;
	_ =	swait.ge @!p0 [sflag:s8], $0x0  }
0x24: {  	s3 =	sadd.s32 $0x88, s3;
	s6 =	simm.s32 @!p1 $0x1082;
	[sflag:s4] =	ssyncset.s32 $0xFFFFF086  }
0x25: {  	[simem:s6], [sflag:s4] =	dma.local [hbm:s3], $0xF7A  }
0x26: {  	[smem:$0x3F99] =	sst s1;
	(tag) =	ssettag s2;
	_ =	strace s9  }
0x27: {  	s1 =	sld [smem:$0x3FA9]  }
0x28: {  	s2 =	sld [smem:$0x3FAA]  }
0x29: {  	s4 =	sld [smem:$0x3FAC]  }
0x2a: {  	p0 =	seq.s32 s5, $0x0;
	s5 =	sld [smem:$0x3FAD]  }
0x2b: {  	s6 =	sld [smem:$0x3FAE]  }
0x2c: {  	s7 =	sld [smem:$0x3FAF]  }
0x2d: {  	s3 =	simm.s32 $0x108;
	s8 =	sld [smem:$0x3FB0]  }
0x2e: {  	s3 =	simm.s32 @!p0 $0x1082;
	s9 =	sld [smem:$0x3FB1]  }
0x2f: {  	lr =	sadd.s32 s0, s3;
	s0 =	sld [smem:$0x3FA8]  }
0x30: {  	s3 =	sld [smem:$0x3FAB]  }
0x31: {  	[smem:$0x3FB4] =	sst s10  }
0x32: {  	s10 =	sld [smem:$0x3FB2];
	_ =	sdelay $0x3  }
0x33: {  	p0 =	seq.s32 s10, $0x1;
	s10 =	sld [smem:$0x3FB4];
	_ =	sdelay $0x3  }
0x34: {  	[smem:$0x3FB4] =	sst s10  }
0x35: {  	s10 =	sld [smem:$0x3FB3];
	_ =	sdelay $0x3  }
0x36: {  	p1 =	seq.s32 s10, $0x1;
	s10 =	sld [smem:$0x3FB4];
	_ =	sdelay $0x3  }
0x37: {  	[smem:$0x3FB4] =	sst s10  }
0x38: {  	s10 =	sld [smem:$0x3FB5]  }
0x39: {  	_ = 	snop;
	(pc) =	sbr.ind lr, $3  }
0x3a: {  	_ = 	snop  }
0x3b: {  	_ = 	snop  }
0x3c: {  	p2 =	seq.s32 s10, $0x1;
	s10 =	sld [smem:$0x3FB4]  }
0x3d: {  	_ =	shalt  }
0x3e: {  	_ =	shalt  }
0x3f: {  	_ =	shalt  }
0x40: {  	_ =	shalt  }
0x41: {  	_ =	shalt  }
0x42: {  	_ =	shalt  }
0x43: {  	_ =	shalt  }
0x44: {  	_ =	shalt  }
0x45: {  	_ =	shalt  }
0x46: {  	_ =	shalt  }
0x47: {  	_ =	shalt  }
0x48: {  	_ =	shalt  }
0x49: {  	_ =	shalt  }
0x4a: {  	_ =	shalt  }
0x4b: {  	_ =	shalt  }
0x4c: {  	_ =	shalt  }
0x4d: {  	_ =	shalt  }
0x4e: {  	_ =	shalt  }
0x4f: {  	_ =	shalt  }
0x50: {  	_ =	shalt  }
0x51: {  	_ =	shalt  }
0x52: {  	_ =	shalt  }
0x53: {  	_ =	shalt  }
0x54: {  	_ =	shalt  }
0x55: {  	_ =	shalt  }
0x56: {  	_ =	shalt  }
0x57: {  	_ =	shalt  }
0x58: {  	_ =	shalt  }
0x59: {  	_ =	shalt  }
0x5a: {  	_ =	shalt  }
0x5b: {  	_ =	shalt  }
0x5c: {  	_ =	shalt  }
0x5d: {  	_ =	shalt  }
0x5e: {  	_ =	shalt  }
0x5f: {  	_ =	shalt  }
0x60: {  	_ =	shalt  }
0x61: {  	_ =	shalt  }
0x62: {  	_ =	shalt  }
0x63: {  	_ =	shalt  }
0x64: {  	_ =	shalt  }
0x65: {  	_ =	shalt  }
0x66: {  	_ =	shalt  }
0x67: {  	_ =	shalt  }
0x68: {  	_ =	shalt  }
0x69: {  	_ =	shalt  }
0x6a: {  	_ =	shalt  }
0x6b: {  	_ =	shalt  }
0x6c: {  	_ =	shalt  }
0x6d: {  	_ =	shalt  }
0x6e: {  	_ =	shalt  }
0x6f: {  	_ =	shalt  }
0x70: {  	_ =	shalt  }
0x71: {  	_ =	shalt  }
0x72: {  	_ =	shalt  }
0x73: {  	_ =	shalt  }
0x74: {  	_ =	shalt  }
0x75: {  	_ =	shalt  }
0x76: {  	_ =	shalt  }
0x77: {  	_ =	shalt  }
0x78: {  	_ =	shalt  }
0x79: {  	_ =	shalt  }
0x7a: {  	_ =	shalt  }
0x7b: {  	_ =	shalt  }
0x7c: {  	_ =	shalt  }
0x7d: {  	_ =	shalt  }
0x7e: {  	_ =	shalt  }
0x7f: {  	_ =	shalt  }
0x80: {  	_ =	shalt  }
0x81: {  	_ =	shalt  }
0x82: {  	_ =	shalt  }
0x83: {  	_ =	shalt  }
0x84: {  	_ =	shalt  }
0x85: {  	_ =	shalt  }
0x86: {  	_ =	shalt  }
0x87: {  	_ =	shalt  }
.Lfunc_end0:
.L_simem_size_0:
called_computation_lowered:
.L_overlay_start_0:
0x88: {  	s2 =	sld [smem:$0x3FD9]  }
0x89: {  	s3 =	sld [smem:$0x3FFE];
	_ =	sdelay $0x1  }
0x8a: {  	s1 =	srdreg.scid  }
0x8b: {  	s0 =	sand.u32 $0x1, s1  }
0x8c: {  	s16 =	sshll.u32 s0, $0xA;
	s2 =	sadd.s32 s3, s2  }
0x8d: {  	s2 =	sadd.s32 s2, s16  }
0x8e: {  	[smem:$0x3FC0] =	sst s2  }
0x8f: {  	_ = 	snop  }
0x90: {  	(tm) =	ssettm $0x1  }
0x91: {  	s17 =	sld [smem:$0x3FFB];
	_ =	sdelay $0x3  }
0x92: {  	_ =	strace s17  }
0x93: {  	s2 =	sld [smem:$0x3FFC];
	_ =	sdelay $0x3  }
0x94: {  	_ =	strace s2  }
0x95: {  	s2 =	sld [smem:$0x3FFD];
	_ =	sdelay $0x3  }
0x96: {  	_ =	strace s2  }
0x97: {  	_ =	strace $0x8FFFFFFF  }
0x98: {  	s18 =	sld [smem:$0x3FDB];
	_ =	sdelay $0x1  }
0x99: {  	s19 =	simm.s32 $_scs_section_size  }
0x9a: {  	s4 =	simm.s32 $_size__tile_overlayer_lowered;
	s5 =	simm.s32 $_tile_overlayer_lowered  }
0x9b: {  	s22 =	simm.s32 $0x1BFF;
	s21 =	sshll.u32 s5, $0x1;
	s2 =	sadd.s32 s19, s18  }
0x9c: {  	s6 =	simm.s32 $0x0;
	s20 =	sshll.u32 s4, $0x1;
	s4 =	sadd.s32 s21, s2  }
0x9d: {  	[timem:s6], [sflag:s22] =	dma.local [hbm:s4], s20  }
0x9e: {  	_ =	swait.ge [sflag:s22], s20  }
0x9f: {  	s3 =	ssub.s32 $0x0, s20;
	[sflag:s22] =	ssyncset.done $0x0  }
0xa0: {  	[sflag:s22] =	ssyncadd.s32 s3;
	_ =	sdelay $0x1  }
0xa1: {  	s23 =	simm.s32 $0x1B8B  }
0xa2: {  	_ =	swait.ge [sflag:s23], $0x1  }
0xa3: {  	[sflag:s23] =	ssyncset.done $0x0  }
0xa4: {  	s25 =	simm.s32 $0x1B8E;
	s24 =	sld [smem:$0x3FFE];
	[sflag:s23] =	ssyncadd.s32 $0xFFFFFFFF  }
0xa5: {  	s26 =	simm.s32 $execute0_lowered;
	[smem:$0x3FD2] =	sst s25  }
0xa6: {  	s4 =	sshll.u32 s26, $0x1;
	_ =	strace $0x80000046;
	[dreg:$0x1] =	wrdreg $0xFFFFFFFF  }
0xa7: {  	s28 =	simm.s32 $_size_execute0_lowered;
	s2 =	sadd.s32 s2, s4;
	[dreg:$0x0] =	wrdreg $0x0  }
0xa8: {  	s4 =	sshll.u32 s28, $0x1;
	[dreg:$0x2] =	wrdreg s2  }
0xa9: {  	[dreg:$0x3] =	wrdreg s4  }
0xaa: {  	[dreg:$0x4] =	wrdreg $0xC0  }
0xab: {  	_ =	task [dreg:s6], $0x5FFFF  }
0xac: {  	[dreg:$0x1] =	wrdreg $0xFFFFFFFF  }
0xad: {  	[dreg:$0x0] =	wrdreg $0x60  }
0xae: {  	[dreg:$0x2] =	wrdreg s24  }
0xaf: {  	[dreg:$0x3] =	wrdreg $0x68000  }
0xb0: {  	[dreg:$0x4] =	wrdreg $0x9  }
0xb1: {  	_ =	task.clear_ibuf [dreg:s6], $0x5FFFF;
	_ =	strace $0x90000046  }
0xb2: {  	s29 =	simm.s32 $0x9;
	_ =	strace $0x80000048  }
0xb3: {  	_ =	swait.ge [sflag:s29], $0x1  }
0xb4: {  	[sflag:s29] =	ssyncadd.s32 $0xFFFFFFFF  }
0xb5: {  	_ =	strace $0x90000048  }
0xb6: {  	_ =	sfence  }
0xb7: {  	s30 =	sld [smem:$0x0];
	_ =	sdelay $0x2  }
0xb8: {  	s31 =	sshll.u32 s1, $0xD;
	s1 =	sshrl.u32 s1, $0x2  }
0xb9: {  	s3 =	sand.u32 $0x4000, s31;
	s1 =	sadd.s32 s1, s30  }
0xba: {  	s0 =	sor.u32 s3, s0;
	s1 =	sshll.u32 s1, $0x11  }
0xbb: {  	s0 =	sor.u32 s1, s0  }
0xbc: {  	s0 =	sadd.s32 $0x8F2B, s0  }
0xbd: {  	[sflag:s0] =	ssyncadd.remote.s32 $0x1  }
0xbe: {  	_ =	sfence.sel $0xFFFF  }
0xbf: {  	[dreg:$0x0] =	wrdreg $0xFFFFFFFF;
	(pc) =	sbr.abs _section_cstart, $3  }
0xc0: {  	[dreg:$0x1] =	wrdreg $0xFFFFFFFF  }
0xc1: {  	_ =	task.clear_ibuf [dreg:s6], $0x2FFFF;
	_ =	strace $0x9FFFFFFF  }
0xc2: {  	(tm) =	ssettm $0x7FFFFFFF  }
0xc3: {  	_ =	shalt  }
tec
execute0_lowered:
.L_overlay_start_1:
0x0: {  	(tag) =	ssettag $0x1  }
0x1: {  	s4 =	rddreg [dreg:$0x0]  }
0x2: {  	s2 =	rddreg [dreg:$0x1]  }
0x3: {  	s0 =	rddreg [dreg:$0x2];
	s1 =	stileid.u32  }
0x4: {  	s6 =	srdreg.scid;
	s3 =	simm.s32 $0x0;
	s5 =	smul.u32 $0x500, s1  }
0x5: {  	s12 =	simm.s32 $0x2800;
	s7 =	smul.u32 $0x14000, s1;
	s6 =	sand.u32 $0x1, s6  }
0x6: {  	[smem:$0x7FF] =	sst s3;
	s29 =	smul.u32 $0x50000, s1;
	s31 =	sshll.u32 s1, $0x6  }
0x7: {  	s8 =	smul.u32 $0x140000, s6;
	_ =	strace $0x80000047;
	s6 =	ssub.s32 $0x2, s6  }
0x8: {  	s9 =	sadd.s32 s5, s4;
	s28 =	sshrl.u32 s7, $0x3;
	s30 =	sshrl.u32 s6, $0x1  }
0x9: {  	s7 =	sadd.s32 s7, s8;
	s5 =	sadd.s32 s28, s4;
	s8 =	sshrl.u32 s29, $0x2  }
0xa: {  	s10 =	ssub.s32 s6, s30;
	s6 =	sadd.s32 $0x2600, s9;
	s7 =	sshrl.u32 s7, $0x3  }
0xb: {  	s11 =	sadd.s32 s8, s2;
	s8 =	smax.u32 s10, $0x1;
	s10 =	simm.s32 $0x1  }
0xc: {  	s7 =	sadd.s32 s7, s4;
	s4 =	sadd.s32 $0x7600, s5;
	s5 =	sor.u32 $0x1C01, s31  }
0xd: {  	v0 =	vimm.f32 $1.000000000e+00;
	s9 =	sshrl.u32 s11, $0x3;
	s11 =	simm.s32 $0x80;
	s7 =	sadd.s32 $0x2F600, s7  }
.LBB2_1:
0xe: {  	s13 =	simm.s32 $0x200;
	s14 =	simm.s32 $0x0  }
.LBB2_2:
0xf: {  	p0 =	sne.s32 s13, $0xFE00;
	[tilespmem:s14+$0x2800] =	vst v0;
	s14 =	smov.u32 s13;
	s13 =	sadd.s32 $0x200, s13  }
.Ltmp0:
0x10: {  	(pc) =	sbr.rel @p0 .LBB2_2-.Ltmp0, $2  }
0x11: {  	_ =	sdelay $0x2  }
0x12: {  	s14 =	sshra.s32 s14, $0x2  }
0x13: {  	[tilespmem:s14+$0x2800] =	vst v0  }
0x14: {  	[spmem:s9], [sflag:s5] =	dma.local [hbm:s4], $0x2800  }
0x15: {  	_ =	swait.ge [sflag:s10], $0x2800  }
0x16: {  	[sflag:s10] =	ssyncset.done $0x0  }
0x17: {  	[sflag:s10] =	ssyncadd.s32 $0xFFFFD800  }
0x18: {  	s13 =	simm.s32 $0x0;
	[bflag:$0x0] =	sbarrier.arrive $0xFFFF  }
0x19: {  	[tilespmem:s13], [sflag:$0x1] =	stream.linear.gather [hbm4b:s6+s13], $0x2800, $0x38;
	[tilespmem:$0x9000] =	vst v63  }
0x1a: {  	_ =	swait.ge [sflag:s10], $0x2800  }
0x1b: {  	[sflag:s10] =	ssyncset.done $0x0  }
0x1c: {  	s31 =	simm.s32 $0x0;
	[sflag:s10] =	ssyncadd.s32 $0xFFFFD800  }
0x1d: {  	[spmem:s2] =	stream.indirect.scatter.add.f32 [tilespmem:s12], [sflag:$0x1], $0x10, s31, s11, $0xb8;
	[tilespmem:$0x9000] =	vst v63  }
0x1e: {  	_ =	swait.ge [sflag:s10], $0x800  }
0x1f: {  	s13 =	simm.s32 $0x200;
	[sflag:s10] =	ssyncset.done $0x0  }
.LBB2_4:
0x20: {  	s14 =	sshra.s32 s13, $0x2;
	[sflag:s10] =	ssyncadd.s32 $0xFFFFF800;
	p0 =	sne.s32 s13, $0x9E00  }
0x21: {  	[spmem:s2] =	stream.indirect.scatter.add.f32 [tilespmem:s12], [sflag:$0x1], $0x10, s14, s11, $0xb8;
	[tilespmem:$0x9000] =	vst v63  }
.Ltmp1:
0x22: {  	_ = 	snop;
	(pc) =	sbr.rel @p0 .LBB2_4-.Ltmp1, $4  }
0x23: {  	_ = 	snop  }
0x24: {  	s13 =	sadd.s32 $0x200, s13  }
0x25: {  	_ =	swait.ge [sflag:s10], $0x800  }
0x26: {  	[sflag:s10] =	ssyncset.done $0x0  }
0x27: {  	s3 =	sadd.s32 $0x1, s3  }
0x28: {  	[sflag:s10] =	ssyncadd.s32 $0xFFFFF800;
	p0 =	sne.s32 s3, s8  }
.Ltmp2:
0x29: {  	[bflag:$0x0] =	sbarrier.arrive $0xFFFF;
	(pc) =	sbr.rel @p0 .LBB2_1-.Ltmp2, $4  }
0x2a: {  	[hbm:s7], [sflag:s5] =	dma.local [spmem:s9], $0x2800  }
0x2b: {  	_ =	swait.ge [sflag:s10], $0x2800  }
0x2c: {  	[sflag:s10] =	ssyncset.done $0x0  }
0x2d: {  	[sflag:s10] =	ssyncadd.s32 $0xFFFFD800  }
0x2e: {  	_ =	sfence.sel $0x180000  }
0x2f: {  	[bflag:$0x0] =	sbarrier.arrive $0xFFFF  }
0x30: {  	p0 =	sne.s32 s1, $0x0;
	_ =	strace $0x90000047  }
0x31: {  	s0 =	sadd.s32 @!p0 $0x100000, s0;
	[bflag:$0x2] =	sbarrier.arrive $0xFFFF  }
0x32: {  	[sflag:s0] =	ssyncadd.tile.s32 @!p0 $0x1;
	_ =	shalt  }
.Lfunc_end2:
_tile_overlayer_lowered:
.L_overlay_start_2:
0x33: {  	(tag) =	ssettag $0x2  }
0x34: {  	s0 =	rddreg [dreg:$0x0];
	s2 =	stileid.u32  }
0x35: {  	s1 =	rddreg [dreg:$0x1];
	p0 =	sne.s32 s2, $0x0  }
0x36: {  	s3 =	rddreg [dreg:$0x2];
	[bflag:$0x3] =	sbarrier.arrive $0xFFFF;
	s2 =	simm.s32 @!p0 $0x1C01  }
0x37: {  	[timem:s3], [sflag:s2] =	dma.local @!p0 [hbm:s0], s1  }
0x38: {  	s0 =	simm.s32 @!p0 $0x1  }
0x39: {  	_ =	swait.ge @!p0 [sflag:s0], s1  }
0x3a: {  	s1 =	ssub.s32 @!p0 $0x0, s1;
	[sflag:s0] =	ssyncset.done @!p0 $0x0  }
0x3b: {  	[sflag:s0] =	ssyncadd.s32 @!p0 s1  }
0x3c: {  	[bflag:$0x3] =	sbarrier.arrive $0xFFFF  }
0x3d: {  	_ =	shalt  }

</sc_bundles>
